<compile_context>
chip_gen: v7x
topology: tpu7x:2x2x1
jax: 0.10.2.dev20260603
libtpu: 0.0.44.dev20260713+nightly
codegen_flags: <defaults>
</compile_context>

<pallas_src>
import jax
import jax.numpy as jnp
from jax import lax
from jax.experimental import pallas as pl
from jax.experimental.pallas import tpu as pltpu
from jax.experimental.pallas import tpu_sc as plsc

N = 10000
N2 = 10240
E = 320000
R = 8
D = 128
NEG = 0.2

NC = 2
NS = 16
NW = NC * NS
EW = E // NW
CH = 400
NCHUNK = EW // CH
SUB = 80
NSUB = CH // SUB
NV = SUB // 16
ROWS_T = N2 // NS
ZR = 128

_HI = lax.Precision.HIGHEST



BN = 1280
NB = N2 // BN
BM = 640
NM = N2 // BM


def _txw_body(x_ref, w_ref, o_ref):
    o_ref[...] = jnp.dot(x_ref[...], w_ref[0],
                         preferred_element_type=jnp.float32, precision=_HI)


def _txw(x, W):
    return pl.pallas_call(
        _txw_body,
        grid=(R, NB),
        in_specs=[
            pl.BlockSpec((BN, D), lambda r, i: (i, 0)),
            pl.BlockSpec((1, D, D), lambda r, i: (r, 0, 0)),
        ],
        out_specs=pl.BlockSpec((BN, D), lambda r, i: (r * NB + i, 0)),
        out_shape=jax.ShapeDtypeStruct((R * N2, D), jnp.float32),
    )(x, W)


def _tqk_body(x_ref, w_ref, q_ref, k_ref, qk_ref, sh_ref, scr):
    i = pl.program_id(0)
    cols = [jnp.dot(w_ref[r], q_ref[...],
                    preferred_element_type=jnp.float32, precision=_HI)
            for r in range(R)]
    cols += [jnp.dot(w_ref[r], k_ref[...],
                     preferred_element_type=jnp.float32, precision=_HI)
             for r in range(R)]
    QK = jnp.concatenate(cols, axis=1)
    blk = jnp.dot(x_ref[...], QK,
                  preferred_element_type=jnp.float32, precision=_HI)
    qk_ref[...] = blk
    mq = jnp.max(blk[:, :R])
    mk = jnp.max(blk[:, R:])

    @pl.when(i == 0)
    def _():
        scr[0] = mq
        scr[1] = mk

    @pl.when(i > 0)
    def _():
        scr[0] = jnp.maximum(scr[0], mq)
        scr[1] = jnp.maximum(scr[1], mk)

    @pl.when(i == pl.num_programs(0) - 1)
    def _():
        m = scr[0] + scr[1]
        sh_ref[...] = jnp.where(m > 0, m, m * NEG).reshape(1, 1)


def _tqk(x, W, q, k):
    return pl.pallas_call(
        _tqk_body,
        grid=(NB,),
        in_specs=[
            pl.BlockSpec((BN, D), lambda i: (i, 0)),
            pl.BlockSpec((R, D, D), lambda i: (0, 0, 0)),
            pl.BlockSpec((D, 1), lambda i: (0, 0)),
            pl.BlockSpec((D, 1), lambda i: (0, 0)),
        ],
        out_specs=[
            pl.BlockSpec((BN, 16), lambda i: (i, 0)),
            pl.BlockSpec((1, 1), lambda i: (0, 0)),
        ],
        out_shape=[
            jax.ShapeDtypeStruct((N2, 16), jnp.float32),
            jax.ShapeDtypeStruct((1, 1), jnp.float32),
        ],
        scratch_shapes=[pltpu.SMEM((2,), jnp.float32)],
    )(x, W, q, k)


def _mid_body(a_ref, d_ref, b_ref, o_ref):
    a = a_ref[0] + a_ref[1]
    den = d_ref[0] + d_ref[1]
    o_ref[...] = jnp.maximum(a / (den + 1e-16) + b_ref[...], 0.0)


def _middle(acc, den, b):
    return pl.pallas_call(
        _mid_body,
        grid=(NM,),
        in_specs=[
            pl.BlockSpec((2, BM, D), lambda i: (0, i, 0)),
            pl.BlockSpec((2, BM, 1), lambda i: (0, i, 0)),
            pl.BlockSpec((1, D), lambda i: (0, 0)),
        ],
        out_specs=pl.BlockSpec((BM, D), lambda i: (i, 0)),
        out_shape=jax.ShapeDtypeStruct((N2, D), jnp.float32),
    )(acc, den, b)


def _fin_body(a_ref, d_ref, b_ref, w1_ref, b1_ref, w2_ref, b2_ref, o_ref, scr):
    i = pl.program_id(0)
    a = a_ref[0] + a_ref[1]
    den = d_ref[0] + d_ref[1]
    h = jnp.maximum(a / (den + 1e-16) + b_ref[...], 0.0)
    rid = lax.broadcasted_iota(jnp.int32, (BM, 1), 0) + i * BM
    h = jnp.where(rid < N, h, 0.0)
    s = jnp.sum(h, axis=0, keepdims=True)
    m = jnp.max(h, axis=0, keepdims=True)

    @pl.when(i == 0)
    def _():
        scr[0:1] = s
        scr[1:2] = m

    @pl.when(i > 0)
    def _():
        scr[0:1] = scr[0:1] + s
        scr[1:2] = jnp.maximum(scr[1:2], m)

    @pl.when(i == pl.num_programs(0) - 1)
    def _():
        avg = scr[0:1] / float(N)
        mx = scr[1:2]
        g = jnp.tanh(jnp.concatenate([avg, mx], axis=1))
        z = jnp.sum(w1_ref[...] * g, axis=1, keepdims=True)
        z = jnp.maximum(z + b1_ref[...], 0.0)
        o = jnp.sum(z * w2_ref[...], axis=0, keepdims=True) + b2_ref[...]
        o_ref[...] = jax.nn.sigmoid(o)


def _final(acc, den, b, fc1_w, fc1_b, fc2_w, fc2_b):
    return pl.pallas_call(
        _fin_body,
        grid=(NM,),
        in_specs=[
            pl.BlockSpec((2, BM, D), lambda i: (0, i, 0)),
            pl.BlockSpec((2, BM, 1), lambda i: (0, i, 0)),
            pl.BlockSpec((1, D), lambda i: (0, 0)),
            pl.BlockSpec((D, 2 * D), lambda i: (0, 0)),
            pl.BlockSpec((D, 1), lambda i: (0, 0)),
            pl.BlockSpec((D, 1), lambda i: (0, 0)),
            pl.BlockSpec((1, 1), lambda i: (0, 0)),
        ],
        out_specs=pl.BlockSpec((1, 1), lambda i: (0, 0)),
        out_shape=jax.ShapeDtypeStruct((1, 1), jnp.float32),
        scratch_shapes=[pltpu.VMEM((2, D), jnp.float32)],
    )(acc, den, b, fc1_w, fc1_b, fc2_w, fc2_b)



def _sc_body(src_h, dst_h, et_h, xw_h, xqk_h, shift_h,
             acc_o, den_o,
             srcv, dstv, etv, qidx, kidx, ridx, dsti,
             qiv, kjv, exv, rows, zv, shiftv,
             acc_sh, den_sh):
    cid = lax.axis_index("c")
    sid = lax.axis_index("s")
    wid = sid * NC + cid
    base = wid * EW
    r0 = sid * ROWS_T

    zero16 = jnp.zeros((16,), jnp.float32)

    def zfill(i, c0):
        for c in range(D // 16):
            rows[i, pl.ds(c * 16, 16)] = zero16
        return c0

    lax.fori_loop(0, SUB, zfill, 0)

    def zfill2(i, c0):
        zv[pl.ds(i * 16, 16)] = zero16
        return c0

    lax.fori_loop(0, ROWS_T // 16, zfill2, 0)

    def zcopy(c, c0):
        off = pl.multiple_of(r0 + c * SUB, 16)
        pltpu.sync_copy(rows, acc_sh.at[pl.ds(off, SUB)])
        return c0

    lax.fori_loop(0, ROWS_T // SUB, zcopy, 0)
    pltpu.sync_copy(zv, den_sh.at[pl.ds(r0, ROWS_T)])
    plsc.subcore_barrier()

    pltpu.sync_copy(shift_h, shiftv)
    sh = shiftv[...]

    def chunk(t, c0):
        cb = pl.multiple_of(base + t * CH, CH)
        pltpu.sync_copy(src_h.at[pl.ds(cb, CH)], srcv)
        pltpu.sync_copy(dst_h.at[pl.ds(cb, CH)], dstv)
        pltpu.sync_copy(et_h.at[pl.ds(cb, CH)], etv)

        def subj(j, c1):
            def vecs(l, c2):
                off = pl.multiple_of(j * SUB + l * 16, 16)
                s16 = srcv[pl.ds(off, 16)]
                d16 = dstv[pl.ds(off, 16)]
                t16 = etv[pl.ds(off, 16)]
                lo = pl.multiple_of(l * 16, 16)
                qidx[j, pl.ds(lo, 16)] = d16 * 16 + t16
                kidx[j, pl.ds(lo, 16)] = s16 * 16 + (t16 + 8)
                ridx[j, pl.ds(lo, 16)] = t16 * N2 + s16
                dsti[j, pl.ds(lo, 16)] = d16
                return c2

            lax.fori_loop(0, NV, vecs, 0)

            pltpu.sync_copy(xqk_h.at[qidx.at[j]], qiv.at[j])
            pltpu.sync_copy(xqk_h.at[kidx.at[j]], kjv.at[j])
            pltpu.sync_copy(xw_h.at[ridx.at[j]], rows)

            def vl(l, c2):
                lo = pl.multiple_of(l * 16, 16)
                q16 = qiv[j, pl.ds(lo, 16)]
                k16 = kjv[j, pl.ds(lo, 16)]
                aval = q16 + k16
                aval = jnp.where(aval > 0, aval, aval * NEG)
                e16 = jnp.exp(aval - sh)
                exv[j, pl.ds(lo, 16)] = e16
                for lane in range(16):
                    row = l * 16 + lane
                    sp = jnp.broadcast_to(
                        lax.slice(e16, (lane,), (lane + 1,)), (16,))
                    for c in range(D // 16):
                        rows[row, pl.ds(c * 16, 16)] = (
                            rows[row, pl.ds(c * 16, 16)] * sp)
                return c2

            lax.fori_loop(0, NV, vl, 0)

            pltpu.sync_copy(rows, acc_sh.at[dsti.at[j]], add=True)
            pltpu.sync_copy(exv.at[j], den_sh.at[dsti.at[j]], add=True)
            return c1

        lax.fori_loop(0, NSUB, subj, 0)
        return c0

    lax.fori_loop(0, NCHUNK, chunk, 0)
    plsc.subcore_barrier()

    pltpu.sync_copy(acc_sh.at[pl.ds(r0, ROWS_T)],
                    acc_o.at[cid, pl.ds(r0, ROWS_T)])
    off2 = pl.multiple_of(cid * N2 + r0, 128)
    pltpu.sync_copy(den_sh.at[pl.ds(r0, ROWS_T)],
                    den_o.at[pl.ds(off2, ROWS_T)])


_sc_layer = pl.kernel(
    _sc_body,
    out_type=[
        jax.ShapeDtypeStruct((NC, N2, D), jnp.float32),
        jax.ShapeDtypeStruct((NC * N2,), jnp.float32),
    ],
    mesh=plsc.VectorSubcoreMesh(core_axis_name="c", subcore_axis_name="s"),
    scratch_types=[
        pltpu.VMEM((CH,), jnp.int32),
        pltpu.VMEM((CH,), jnp.int32),
        pltpu.VMEM((CH,), jnp.int32),
        pltpu.VMEM((NSUB, SUB), jnp.int32),
        pltpu.VMEM((NSUB, SUB), jnp.int32),
        pltpu.VMEM((NSUB, SUB), jnp.int32),
        pltpu.VMEM((NSUB, SUB), jnp.int32),
        pltpu.VMEM((NSUB, SUB), jnp.float32),
        pltpu.VMEM((NSUB, SUB), jnp.float32),
        pltpu.VMEM((NSUB, SUB), jnp.float32),
        pltpu.VMEM((SUB, D), jnp.float32),
        pltpu.VMEM((ROWS_T,), jnp.float32),
        pltpu.VMEM((16,), jnp.float32),
        pltpu.VMEM_SHARED((N2, D), jnp.float32),
        pltpu.VMEM_SHARED((N2,), jnp.float32),
    ],
)



def kernel(x, edge_index, edge_type, W1, q1, k1, b1,
           W2, q2, k2, b2, fc1_w, fc1_b, fc2_w, fc2_b):
    src = edge_index[0]
    dst = edge_index[1]
    et = edge_type

    x2 = jnp.pad(x, ((0, N2 - N), (0, 0)))

    xw1 = _txw(x2, W1)
    xqk1, sh1 = _tqk(x2, W1, q1, k1)
    sh1v = jnp.broadcast_to(sh1.reshape(1), (16,))
    acc1, den1 = _sc_layer(src, dst, et, xw1, xqk1.reshape(-1), sh1v)
    h = _middle(acc1, den1.reshape(NC, N2, 1), b1.reshape(1, D))

    xw2 = _txw(h, W2)
    xqk2, sh2 = _tqk(h, W2, q2, k2)
    sh2v = jnp.broadcast_to(sh2.reshape(1), (16,))
    acc2, den2 = _sc_layer(src, dst, et, xw2, xqk2.reshape(-1), sh2v)

    out = _final(acc2, den2.reshape(NC, N2, 1), b2.reshape(1, D), fc1_w, fc1_b.reshape(D, 1),
                 fc2_w.reshape(D, 1), fc2_b.reshape(1, 1))
    return out.reshape(1)

# --- scband reference (transcript-rebuilt; emitter-appended) ---
"""Pipeline reference for scband-rgat-43258910605913 (READ-ONLY COPY).

The authoritative reference and input builder live on the scoring server;
editing this copy changes nothing except your own understanding.
"""

import jax, jax.numpy as jnp
import numpy as np

N_NODES = 10000
N_EDGES = 320000
IN_CH = 128
HID = 128
HEADS = 1
NUM_REL = 8
NEG = 0.2


def setup_inputs(seed: int = 0) -> dict:
    key = jax.random.key(seed)
    ks = jax.random.split(key, 16)
    s_in = 1.0 / np.sqrt(IN_CH)
    s_h = 1.0 / np.sqrt(HID)
    inp = {}
    inp["x"] = jax.random.normal(ks[0], (N_NODES, IN_CH), dtype=jnp.float32)
    inp["edge_index"] = jax.random.randint(ks[1], (2, N_EDGES), 0, N_NODES, dtype=jnp.int32)
    inp["edge_type"] = jax.random.randint(ks[2], (N_EDGES,), 0, NUM_REL, dtype=jnp.int32)
    inp["W1"] = jax.random.normal(ks[3], (NUM_REL, IN_CH, HEADS * HID), dtype=jnp.float32) * s_in
    inp["q1"] = jax.random.normal(ks[4], (HEADS * HID, HEADS), dtype=jnp.float32) * s_h
    inp["k1"] = jax.random.normal(ks[5], (HEADS * HID, HEADS), dtype=jnp.float32) * s_h
    inp["b1"] = jnp.zeros((HEADS * HID,), dtype=jnp.float32)
    inp["W2"] = jax.random.normal(ks[6], (NUM_REL, HID, HEADS * HID), dtype=jnp.float32) * s_h
    inp["q2"] = jax.random.normal(ks[7], (HEADS * HID, HEADS), dtype=jnp.float32) * s_h
    inp["k2"] = jax.random.normal(ks[8], (HEADS * HID, HEADS), dtype=jnp.float32) * s_h
    inp["b2"] = jnp.zeros((HEADS * HID,), dtype=jnp.float32)
    inp["fc1_w"] = jax.random.normal(ks[9], (HID, 2 * HID), dtype=jnp.float32) * (1.0 / np.sqrt(2 * HID))
    inp["fc1_b"] = jnp.zeros((HID,), dtype=jnp.float32)
    inp["fc2_w"] = jax.random.normal(ks[10], (1, HID), dtype=jnp.float32) * s_h
    inp["fc2_b"] = jnp.zeros((1,), dtype=jnp.float32)
    return inp


def _rgat_conv(x, edge_index, edge_type, W, q, k, b):
    # PyG RGATConv defaults: additive-self-attention, across-relation, concat=True, dim=1
    src = edge_index[0]
    dst = edge_index[1]
    # per-relation transform of all nodes, then gather per edge (math-equivalent to per-edge W[edge_type] bmm)
    xw = jnp.einsum('ni,rio->rno', x, W)          # [R, N, H*O]
    out_i = xw[edge_type, dst]                     # [E, H*O]
    out_j = xw[edge_type, src]                     # [E, H*O]
    qi = out_i @ q                                 # [E, H]
    kj = out_j @ k                                 # [E, H]
    alpha = jax.nn.leaky_relu(qi + kj, NEG)
    amax = jax.ops.segment_max(alpha, dst, num_segments=N_NODES)
    amax = jnp.where(jnp.isfinite(amax), amax, 0.0)
    amax = jax.lax.stop_gradient(amax)
    ex = jnp.exp(alpha - amax[dst])
    den = jax.ops.segment_sum(ex, dst, num_segments=N_NODES)
    attn = ex / (den[dst] + 1e-16)                 # softmax over incoming edges per dst
    msg = out_j.reshape(-1, HEADS, HID) * attn.reshape(-1, HEADS, 1)
    agg = jax.ops.segment_sum(msg.reshape(-1, HEADS * HID), dst, num_segments=N_NODES)
    return agg + b


def reference(x, edge_index, edge_type, W1, q1, k1, b1, W2, q2, k2, b2, fc1_w, fc1_b, fc2_w, fc2_b):
    h = jax.nn.relu(_rgat_conv(x, edge_index, edge_type, W1, q1, k1, b1))
    h = jax.nn.relu(_rgat_conv(h, edge_index, edge_type, W2, q2, k2, b2))
    avg = jnp.mean(h, axis=0)
    mx = jnp.max(h, axis=0)
    g = jnp.tanh(jnp.concatenate([avg, mx], axis=-1))
    # dropout is identity in eval mode
    g = jax.nn.relu(g @ fc1_w.T + fc1_b)
    g = g @ fc2_w.T + fc2_b
    return jax.nn.sigmoid(g)

if __name__ == "__main__":
    import jax
    _d = setup_inputs()
    print(jax.jit(kernel)(*tuple(_d.values())))

</pallas_src>

<mosaic_0001>
#map = affine_map<(d0, d1) -> (0)>
#map1 = affine_map<(d0, d1) -> (0, 0)>
#map2 = affine_map<(d0, d1) -> (0, 0, 0)>
module attributes {stable_mosaic.version = 14 : i64} {
  func.func @_sc_body(%arg0: i32, %arg1: i32, %arg2: memref<320000xi32, #tpu.memory_space<hbm>>, %arg3: memref<320000xi32, #tpu.memory_space<hbm>>, %arg4: memref<320000xi32, #tpu.memory_space<hbm>>, %arg5: memref<81920x128xf32, #tpu.memory_space<hbm>>, %arg6: memref<163840xf32, #tpu.memory_space<hbm>>, %arg7: memref<16xf32, #tpu.memory_space<hbm>>, %arg8: memref<2x10240x128xf32, #tpu.memory_space<hbm>>, %arg9: memref<20480xf32, #tpu.memory_space<hbm>>, %arg10: memref<400xi32, #tpu.memory_space<vmem>>, %arg11: memref<400xi32, #tpu.memory_space<vmem>>, %arg12: memref<400xi32, #tpu.memory_space<vmem>>, %arg13: memref<5x80xi32, #tpu.memory_space<vmem>>, %arg14: memref<5x80xi32, #tpu.memory_space<vmem>>, %arg15: memref<5x80xi32, #tpu.memory_space<vmem>>, %arg16: memref<5x80xi32, #tpu.memory_space<vmem>>, %arg17: memref<5x80xf32, #tpu.memory_space<vmem>>, %arg18: memref<5x80xf32, #tpu.memory_space<vmem>>, %arg19: memref<5x80xf32, #tpu.memory_space<vmem>>, %arg20: memref<80x128xf32, #tpu.memory_space<vmem>>, %arg21: memref<640xf32, #tpu.memory_space<vmem>>, %arg22: memref<16xf32, #tpu.memory_space<vmem>>, %arg23: memref<10240x128xf32, #tpu.memory_space<vmem_shared>>, %arg24: memref<10240xf32, #tpu.memory_space<vmem_shared>>) attributes {dimension_semantics = [#tpu.dimension_semantics<core_parallel>, #tpu.dimension_semantics<subcore_parallel>], iteration_bounds = array<i64: 2, 16>, scalar_prefetch = 0 : i64, scratch_operands = 15 : i64, tpu.core_type = #tpu.core_type<sc_vector_subcore>, window_params = [{transform_indices = #map}, {transform_indices = #map}, {transform_indices = #map}, {transform_indices = #map1}, {transform_indices = #map}, {transform_indices = #map}, {transform_indices = #map2}, {transform_indices = #map}]} {
    %mul3A = arith.constant 2 : i32
    %mul3A_0 = arith.muli %arg1, %mul3A : i32
    %add3A = arith.addi %mul3A_0, %arg0 : i32
    %mul3A_1 = arith.constant 10000 : i32
    %mul3A_2 = arith.muli %add3A, %mul3A_1 : i32
    %mul3A_3 = arith.constant 640 : i32
    %mul3A_4 = arith.muli %arg1, %mul3A_3 : i32
    %broadcast_in_dim3A = arith.constant 0.000000e+00 : f32
    %broadcast_in_dim3A_5 = vector.broadcast %broadcast_in_dim3A : f32 to vector<16xf32>
    %scan3A = arith.constant 0 : i32
    %scan3A_6 = arith.constant 0 : i32
    %scan3A_7 = arith.constant 80 : i32
    %scan3A_8 = arith.addi %scan3A_6, %scan3A_7 : i32
    %scan3A_9 = arith.constant 1 : i32
    scf.for %scan3A_35 = %scan3A_6 to %scan3A_8 step %scan3A_9  : i32 {
      %swap3A = arith.index_cast %scan3A_35 : i32 to index
      %swap3A_36 = arith.constant 0 : index
      %swap3A_37 = tpu.vector_load %arg20[%swap3A, %swap3A_36] {strides = array<i32>} : memref<80x128xf32, #tpu.memory_space<vmem>>, vector<1x16xf32>,
      %swap3A_38 = vector.shape_cast %swap3A_37 : vector<1x16xf32> to vector<16xf32>
      %swap3A_39 = vector.shape_cast %broadcast_in_dim3A_5 : vector<16xf32> to vector<1x16xf32>
      tpu.vector_store %arg20[%swap3A, %swap3A_36], %swap3A_39 {strides = array<i32>} : memref<80x128xf32, #tpu.memory_space<vmem>>, vector<1x16xf32>,
      %swap3A_40 = arith.index_cast %scan3A_35 : i32 to index
      %swap3A_41 = arith.constant 16 : index
      %swap3A_42 = tpu.vector_load %arg20[%swap3A_40, %swap3A_41] {strides = array<i32>} : memref<80x128xf32, #tpu.memory_space<vmem>>, vector<1x16xf32>,
      %swap3A_43 = vector.shape_cast %swap3A_42 : vector<1x16xf32> to vector<16xf32>
      %swap3A_44 = vector.shape_cast %broadcast_in_dim3A_5 : vector<16xf32> to vector<1x16xf32>
      tpu.vector_store %arg20[%swap3A_40, %swap3A_41], %swap3A_44 {strides = array<i32>} : memref<80x128xf32, #tpu.memory_space<vmem>>, vector<1x16xf32>,
      %swap3A_45 = arith.index_cast %scan3A_35 : i32 to index
      %swap3A_46 = arith.constant 32 : index
      %swap3A_47 = tpu.vector_load %arg20[%swap3A_45, %swap3A_46] {strides = array<i32>} : memref<80x128xf32, #tpu.memory_space<vmem>>, vector<1x16xf32>,
      %swap3A_48 = vector.shape_cast %swap3A_47 : vector<1x16xf32> to vector<16xf32>
      %swap3A_49 = vector.shape_cast %broadcast_in_dim3A_5 : vector<16xf32> to vector<1x16xf32>
      tpu.vector_store %arg20[%swap3A_45, %swap3A_46], %swap3A_49 {strides = array<i32>} : memref<80x128xf32, #tpu.memory_space<vmem>>, vector<1x16xf32>,
      %swap3A_50 = arith.index_cast %scan3A_35 : i32 to index
      %swap3A_51 = arith.constant 48 : index
      %swap3A_52 = tpu.vector_load %arg20[%swap3A_50, %swap3A_51] {strides = array<i32>} : memref<80x128xf32, #tpu.memory_space<vmem>>, vector<1x16xf32>,
      %swap3A_53 = vector.shape_cast %swap3A_52 : vector<1x16xf32> to vector<16xf32>
      %swap3A_54 = vector.shape_cast %broadcast_in_dim3A_5 : vector<16xf32> to vector<1x16xf32>
      tpu.vector_store %arg20[%swap3A_50, %swap3A_51], %swap3A_54 {strides = array<i32>} : memref<80x128xf32, #tpu.memory_space<vmem>>, vector<1x16xf32>,
      %swap3A_55 = arith.index_cast %scan3A_35 : i32 to index
      %swap3A_56 = arith.constant 64 : index
      %swap3A_57 = tpu.vector_load %arg20[%swap3A_55, %swap3A_56] {strides = array<i32>} : memref<80x128xf32, #tpu.memory_space<vmem>>, vector<1x16xf32>,
      %swap3A_58 = vector.shape_cast %swap3A_57 : vector<1x16xf32> to vector<16xf32>
      %swap3A_59 = vector.shape_cast %broadcast_in_dim3A_5 : vector<16xf32> to vector<1x16xf32>
      tpu.vector_store %arg20[%swap3A_55, %swap3A_56], %swap3A_59 {strides = array<i32>} : memref<80x128xf32, #tpu.memory_space<vmem>>, vector<1x16xf32>,
      %swap3A_60 = arith.index_cast %scan3A_35 : i32 to index
      %swap3A_61 = arith.constant 80 : index
      %swap3A_62 = tpu.vector_load %arg20[%swap3A_60, %swap3A_61] {strides = array<i32>} : memref<80x128xf32, #tpu.memory_space<vmem>>, vector<1x16xf32>,
      %swap3A_63 = vector.shape_cast %swap3A_62 : vector<1x16xf32> to vector<16xf32>
      %swap3A_64 = vector.shape_cast %broadcast_in_dim3A_5 : vector<16xf32> to vector<1x16xf32>
      tpu.vector_store %arg20[%swap3A_60, %swap3A_61], %swap3A_64 {strides = array<i32>} : memref<80x128xf32, #tpu.memory_space<vmem>>, vector<1x16xf32>,
      %swap3A_65 = arith.index_cast %scan3A_35 : i32 to index
      %swap3A_66 = arith.constant 96 : index
      %swap3A_67 = tpu.vector_load %arg20[%swap3A_65, %swap3A_66] {strides = array<i32>} : memref<80x128xf32, #tpu.memory_space<vmem>>, vector<1x16xf32>,
      %swap3A_68 = vector.shape_cast %swap3A_67 : vector<1x16xf32> to vector<16xf32>
      %swap3A_69 = vector.shape_cast %broadcast_in_dim3A_5 : vector<16xf32> to vector<1x16xf32>
      tpu.vector_store %arg20[%swap3A_65, %swap3A_66], %swap3A_69 {strides = array<i32>} : memref<80x128xf32, #tpu.memory_space<vmem>>, vector<1x16xf32>,
      %swap3A_70 = arith.index_cast %scan3A_35 : i32 to index
      %swap3A_71 = arith.constant 112 : index
      %swap3A_72 = tpu.vector_load %arg20[%swap3A_70, %swap3A_71] {strides = array<i32>} : memref<80x128xf32, #tpu.memory_space<vmem>>, vector<1x16xf32>,
      %swap3A_73 = vector.shape_cast %swap3A_72 : vector<1x16xf32> to vector<16xf32>
      %swap3A_74 = vector.shape_cast %broadcast_in_dim3A_5 : vector<16xf32> to vector<1x16xf32>
      tpu.vector_store %arg20[%swap3A_70, %swap3A_71], %swap3A_74 {strides = array<i32>} : memref<80x128xf32, #tpu.memory_space<vmem>>, vector<1x16xf32>,
    }
    %scan3A_10 = arith.constant 80 : i32
    %scan3A_11 = arith.constant 0 : i32
    %scan3A_12 = arith.constant 0 : i32
    %scan3A_13 = arith.constant 40 : i32
    %scan3A_14 = arith.addi %scan3A_12, %scan3A_13 : i32
    %scan3A_15 = arith.constant 1 : i32
    scf.for %scan3A_35 = %scan3A_12 to %scan3A_14 step %scan3A_15  : i32 {
      %mul3A_36 = arith.constant 16 : i32
      %mul3A_37 = arith.muli %scan3A_35, %mul3A_36 : i32
      %swap3A = arith.index_cast %mul3A_37 : i32 to index
      %swap3A_38 = tpu.vector_load %arg21[%swap3A] {strides = array<i32>} : memref<640xf32, #tpu.memory_space<vmem>>, vector<16xf32>,
      %swap3A_39 = vector.shape_cast %swap3A_38 : vector<16xf32> to vector<16xf32>
      %swap3A_40 = vector.shape_cast %broadcast_in_dim3A_5 : vector<16xf32> to vector<16xf32>
      tpu.vector_store %arg21[%swap3A], %swap3A_40 {strides = array<i32>} : memref<640xf32, #tpu.memory_space<vmem>>, vector<16xf32>,
    }
    %scan3A_16 = arith.constant 40 : i32
    %scan3A_17 = arith.constant 0 : i32
    %scan3A_18 = arith.constant 0 : i32
    %scan3A_19 = arith.constant 8 : i32
    %scan3A_20 = arith.addi %scan3A_18, %scan3A_19 : i32
    %scan3A_21 = arith.constant 1 : i32
    scf.for %scan3A_35 = %scan3A_18 to %scan3A_20 step %scan3A_21  : i32 {
      %mul3A_36 = arith.constant 80 : i32
      %mul3A_37 = arith.muli %scan3A_35, %mul3A_36 : i32
      %add3A_38 = arith.addi %mul3A_4, %mul3A_37 : i32
      %multiple_of3A_39 = tpu.assume_multiple %add3A_38, 16 : i32
      "tpu.region"() ({
        %run_scoped3A = tpu.sem_alloc : memref<!tpu.dma_semaphore, #tpu.memory_space<semaphore_mem>>
        %dma_start3A = arith.constant 0 : i32
        %dma_start3A_40 = tpu.memref_slice %arg23[%multiple_of3A_39, %dma_start3A] : memref<10240x128xf32, #tpu.memory_space<vmem_shared>> -> memref<80x128xf32, #tpu.memory_space<vmem_shared>>
        %dma_start3A_41 = arith.constant 0 : i32
        %dma_start3A_42 = tpu.memref_slice %arg23[%multiple_of3A_39, %dma_start3A_41] : memref<10240x128xf32, #tpu.memory_space<vmem_shared>> -> memref<80x128xf32, #tpu.memory_space<vmem_shared>>
        tpu.enqueue_dma source(%arg20 : memref<80x128xf32, #tpu.memory_space<vmem>>) target(%dma_start3A_42 : memref<80x128xf32, #tpu.memory_space<vmem_shared>>) target_semaphore(%run_scoped3A : memref<!tpu.dma_semaphore, #tpu.memory_space<semaphore_mem>>)
        %dma_wait3A = arith.constant 0 : i32
        %dma_wait3A_43 = tpu.memref_slice %arg23[%multiple_of3A_39, %dma_wait3A] : memref<10240x128xf32, #tpu.memory_space<vmem_shared>> -> memref<80x128xf32, #tpu.memory_space<vmem_shared>>
        %dma_wait3A_44 = arith.constant 0 : i32
        %dma_wait3A_45 = tpu.memref_slice %arg23[%multiple_of3A_39, %dma_wait3A_44] : memref<10240x128xf32, #tpu.memory_space<vmem_shared>> -> memref<80x128xf32, #tpu.memory_space<vmem_shared>>
        tpu.wait_dma2 semaphore(%run_scoped3A : memref<!tpu.dma_semaphore, #tpu.memory_space<semaphore_mem>>) src(%arg20 : memref<80x128xf32, #tpu.memory_space<vmem>>) dst(%dma_wait3A_45 : memref<80x128xf32, #tpu.memory_space<vmem_shared>>)
        tpu.yield
      }) : () -> ()
    }
    %scan3A_22 = arith.constant 8 : i32
    "tpu.region"() ({
      %run_scoped3A = tpu.sem_alloc : memref<!tpu.dma_semaphore, #tpu.memory_space<semaphore_mem>>
      %dma_start3A = tpu.memref_slice %arg24[%mul3A_4] : memref<10240xf32, #tpu.memory_space<vmem_shared>> -> memref<640xf32, #tpu.memory_space<vmem_shared>>
      %dma_start3A_35 = tpu.memref_slice %arg24[%mul3A_4] : memref<10240xf32, #tpu.memory_space<vmem_shared>> -> memref<640xf32, #tpu.memory_space<vmem_shared>>
      tpu.enqueue_dma source(%arg21 : memref<640xf32, #tpu.memory_space<vmem>>) target(%dma_start3A_35 : memref<640xf32, #tpu.memory_space<vmem_shared>>) target_semaphore(%run_scoped3A : memref<!tpu.dma_semaphore, #tpu.memory_space<semaphore_mem>>)
      %dma_wait3A = tpu.memref_slice %arg24[%mul3A_4] : memref<10240xf32, #tpu.memory_space<vmem_shared>> -> memref<640xf32, #tpu.memory_space<vmem_shared>>
      %dma_wait3A_36 = tpu.memref_slice %arg24[%mul3A_4] : memref<10240xf32, #tpu.memory_space<vmem_shared>> -> memref<640xf32, #tpu.memory_space<vmem_shared>>
      tpu.wait_dma2 semaphore(%run_scoped3A : memref<!tpu.dma_semaphore, #tpu.memory_space<semaphore_mem>>) src(%arg21 : memref<640xf32, #tpu.memory_space<vmem>>) dst(%dma_wait3A_36 : memref<640xf32, #tpu.memory_space<vmem_shared>>)
      tpu.yield
    }) : () -> ()
    %barrier3A = arith.constant 0 : index
    tpu.barrier barrier_id(%barrier3A)
    "tpu.region"() ({
      %run_scoped3A = tpu.sem_alloc : memref<!tpu.dma_semaphore, #tpu.memory_space<semaphore_mem>>
      tpu.enqueue_dma source(%arg7 : memref<16xf32, #tpu.memory_space<hbm>>) target(%arg22 : memref<16xf32, #tpu.memory_space<vmem>>) target_semaphore(%run_scoped3A : memref<!tpu.dma_semaphore, #tpu.memory_space<semaphore_mem>>)
      tpu.wait_dma2 semaphore(%run_scoped3A : memref<!tpu.dma_semaphore, #tpu.memory_space<semaphore_mem>>) src(%arg7 : memref<16xf32, #tpu.memory_space<hbm>>) dst(%arg22 : memref<16xf32, #tpu.memory_space<vmem>>)
      tpu.yield
    }) : () -> ()
    %get3A = arith.constant 0 : index
    %get3A_23 = tpu.vector_load %arg22[%get3A] {strides = array<i32>} : memref<16xf32, #tpu.memory_space<vmem>>, vector<16xf32>,
    %get3A_24 = vector.shape_cast %get3A_23 : vector<16xf32> to vector<16xf32>
    %scan3A_25 = arith.constant 0 : i32
    %scan3A_26 = arith.constant 0 : i32
    %scan3A_27 = arith.constant 25 : i32
    %scan3A_28 = arith.addi %scan3A_26, %scan3A_27 : i32
    %scan3A_29 = arith.constant 1 : i32
    scf.for %scan3A_35 = %scan3A_26 to %scan3A_28 step %scan3A_29  : i32 {
      %mul3A_36 = arith.constant 400 : i32
      %mul3A_37 = arith.muli %scan3A_35, %mul3A_36 : i32
      %add3A_38 = arith.addi %mul3A_2, %mul3A_37 : i32
      %multiple_of3A_39 = tpu.assume_multiple %add3A_38, 400 : i32
      "tpu.region"() ({
        %run_scoped3A = tpu.sem_alloc : memref<!tpu.dma_semaphore, #tpu.memory_space<semaphore_mem>>
        %dma_start3A = tpu.memref_slice %arg2[%multiple_of3A_39] : memref<320000xi32, #tpu.memory_space<hbm>> -> memref<400xi32, #tpu.memory_space<hbm>>
        %dma_start3A_46 = tpu.memref_slice %arg2[%multiple_of3A_39] : memref<320000xi32, #tpu.memory_space<hbm>> -> memref<400xi32, #tpu.memory_space<hbm>>
        tpu.enqueue_dma source(%dma_start3A_46 : memref<400xi32, #tpu.memory_space<hbm>>) target(%arg10 : memref<400xi32, #tpu.memory_space<vmem>>) target_semaphore(%run_scoped3A : memref<!tpu.dma_semaphore, #tpu.memory_space<semaphore_mem>>)
        %dma_wait3A = tpu.memref_slice %arg2[%multiple_of3A_39] : memref<320000xi32, #tpu.memory_space<hbm>> -> memref<400xi32, #tpu.memory_space<hbm>>
        %dma_wait3A_47 = tpu.memref_slice %arg2[%multiple_of3A_39] : memref<320000xi32, #tpu.memory_space<hbm>> -> memref<400xi32, #tpu.memory_space<hbm>>
        tpu.wait_dma2 semaphore(%run_scoped3A : memref<!tpu.dma_semaphore, #tpu.memory_space<semaphore_mem>>) src(%dma_wait3A_47 : memref<400xi32, #tpu.memory_space<hbm>>) dst(%arg10 : memref<400xi32, #tpu.memory_space<vmem>>)
        tpu.yield
      }) : () -> ()
      "tpu.region"() ({
        %run_scoped3A = tpu.sem_alloc : memref<!tpu.dma_semaphore, #tpu.memory_space<semaphore_mem>>
        %dma_start3A = tpu.memref_slice %arg3[%multiple_of3A_39] : memref<320000xi32, #tpu.memory_space<hbm>> -> memref<400xi32, #tpu.memory_space<hbm>>
        %dma_start3A_46 = tpu.memref_slice %arg3[%multiple_of3A_39] : memref<320000xi32, #tpu.memory_space<hbm>> -> memref<400xi32, #tpu.memory_space<hbm>>
        tpu.enqueue_dma source(%dma_start3A_46 : memref<400xi32, #tpu.memory_space<hbm>>) target(%arg11 : memref<400xi32, #tpu.memory_space<vmem>>) target_semaphore(%run_scoped3A : memref<!tpu.dma_semaphore, #tpu.memory_space<semaphore_mem>>)
        %dma_wait3A = tpu.memref_slice %arg3[%multiple_of3A_39] : memref<320000xi32, #tpu.memory_space<hbm>> -> memref<400xi32, #tpu.memory_space<hbm>>
        %dma_wait3A_47 = tpu.memref_slice %arg3[%multiple_of3A_39] : memref<320000xi32, #tpu.memory_space<hbm>> -> memref<400xi32, #tpu.memory_space<hbm>>
        tpu.wait_dma2 semaphore(%run_scoped3A : memref<!tpu.dma_semaphore, #tpu.memory_space<semaphore_mem>>) src(%dma_wait3A_47 : memref<400xi32, #tpu.memory_space<hbm>>) dst(%arg11 : memref<400xi32, #tpu.memory_space<vmem>>)
        tpu.yield
      }) : () -> ()
      "tpu.region"() ({
        %run_scoped3A = tpu.sem_alloc : memref<!tpu.dma_semaphore, #tpu.memory_space<semaphore_mem>>
        %dma_start3A = tpu.memref_slice %arg4[%multiple_of3A_39] : memref<320000xi32, #tpu.memory_space<hbm>> -> memref<400xi32, #tpu.memory_space<hbm>>
        %dma_start3A_46 = tpu.memref_slice %arg4[%multiple_of3A_39] : memref<320000xi32, #tpu.memory_space<hbm>> -> memref<400xi32, #tpu.memory_space<hbm>>
        tpu.enqueue_dma source(%dma_start3A_46 : memref<400xi32, #tpu.memory_space<hbm>>) target(%arg12 : memref<400xi32, #tpu.memory_space<vmem>>) target_semaphore(%run_scoped3A : memref<!tpu.dma_semaphore, #tpu.memory_space<semaphore_mem>>)
        %dma_wait3A = tpu.memref_slice %arg4[%multiple_of3A_39] : memref<320000xi32, #tpu.memory_space<hbm>> -> memref<400xi32, #tpu.memory_space<hbm>>
        %dma_wait3A_47 = tpu.memref_slice %arg4[%multiple_of3A_39] : memref<320000xi32, #tpu.memory_space<hbm>> -> memref<400xi32, #tpu.memory_space<hbm>>
        tpu.wait_dma2 semaphore(%run_scoped3A : memref<!tpu.dma_semaphore, #tpu.memory_space<semaphore_mem>>) src(%dma_wait3A_47 : memref<400xi32, #tpu.memory_space<hbm>>) dst(%arg12 : memref<400xi32, #tpu.memory_space<vmem>>)
        tpu.yield
      }) : () -> ()
      %scan3A_40 = arith.constant 0 : i32
      %scan3A_41 = arith.constant 0 : i32
      %scan3A_42 = arith.constant 5 : i32
      %scan3A_43 = arith.addi %scan3A_41, %scan3A_42 : i32
      %scan3A_44 = arith.constant 1 : i32
      scf.for %scan3A_46 = %scan3A_41 to %scan3A_43 step %scan3A_44  : i32 {
        %scan3A_47 = arith.constant 0 : i32
        %scan3A_48 = arith.constant 0 : i32
        %scan3A_49 = arith.constant 5 : i32
        %scan3A_50 = arith.addi %scan3A_48, %scan3A_49 : i32
        %scan3A_51 = arith.constant 1 : i32
        scf.for %scan3A_59 = %scan3A_48 to %scan3A_50 step %scan3A_51  : i32 {
          %mul3A_60 = arith.constant 80 : i32
          %mul3A_61 = arith.muli %scan3A_46, %mul3A_60 : i32
          %mul3A_62 = arith.constant 16 : i32
          %mul3A_63 = arith.muli %scan3A_59, %mul3A_62 : i32
          %add3A_64 = arith.addi %mul3A_61, %mul3A_63 : i32
          %multiple_of3A_65 = tpu.assume_multiple %add3A_64, 16 : i32
          %get3A_66 = arith.index_cast %multiple_of3A_65 : i32 to index
          %get3A_67 = tpu.vector_load %arg10[%get3A_66] {strides = array<i32>} : memref<400xi32, #tpu.memory_space<vmem>>, vector<16xi32>,
          %get3A_68 = vector.shape_cast %get3A_67 : vector<16xi32> to vector<16xi32>
          %get3A_69 = arith.index_cast %multiple_of3A_65 : i32 to index
          %get3A_70 = tpu.vector_load %arg11[%get3A_69] {strides = array<i32>} : memref<400xi32, #tpu.memory_space<vmem>>, vector<16xi32>,
          %get3A_71 = vector.shape_cast %get3A_70 : vector<16xi32> to vector<16xi32>
          %get3A_72 = arith.index_cast %multiple_of3A_65 : i32 to index
          %get3A_73 = tpu.vector_load %arg12[%get3A_72] {strides = array<i32>} : memref<400xi32, #tpu.memory_space<vmem>>, vector<16xi32>,
          %get3A_74 = vector.shape_cast %get3A_73 : vector<16xi32> to vector<16xi32>
          %mul3A_75 = arith.constant 16 : i32
          %mul3A_76 = arith.muli %scan3A_59, %mul3A_75 : i32
          %multiple_of3A_77 = tpu.assume_multiple %mul3A_76, 16 : i32
          %mul3A_78 = arith.constant 16 : i32
          %mul3A_79 = vector.broadcast %mul3A_78 : i32 to vector<16xi32>
          %mul3A_80 = arith.muli %get3A_71, %mul3A_79 : vector<16xi32>
          %add3A_81 = arith.addi %mul3A_80, %get3A_74 : vector<16xi32>
          %swap3A = arith.index_cast %scan3A_46 : i32 to index
          %swap3A_82 = arith.index_cast %multiple_of3A_77 : i32 to index
          %swap3A_83 = tpu.vector_load %arg13[%swap3A, %swap3A_82] {strides = array<i32>} : memref<5x80xi32, #tpu.memory_space<vmem>>, vector<1x16xi32>,
          %swap3A_84 = vector.shape_cast %swap3A_83 : vector<1x16xi32> to vector<16xi32>
          %swap3A_85 = vector.shape_cast %add3A_81 : vector<16xi32> to vector<1x16xi32>
          tpu.vector_store %arg13[%swap3A, %swap3A_82], %swap3A_85 {strides = array<i32>} : memref<5x80xi32, #tpu.memory_space<vmem>>, vector<1x16xi32>,
          %mul3A_86 = arith.constant 16 : i32
          %mul3A_87 = vector.broadcast %mul3A_86 : i32 to vector<16xi32>
          %mul3A_88 = arith.muli %get3A_68, %mul3A_87 : vector<16xi32>
          %add3A_89 = arith.constant 8 : i32
          %add3A_90 = vector.broadcast %add3A_89 : i32 to vector<16xi32>
          %add3A_91 = arith.addi %get3A_74, %add3A_90 : vector<16xi32>
          %add3A_92 = arith.addi %mul3A_88, %add3A_91 : vector<16xi32>
          %swap3A_93 = arith.index_cast %scan3A_46 : i32 to index
          %swap3A_94 = arith.index_cast %multiple_of3A_77 : i32 to index
          %swap3A_95 = tpu.vector_load %arg14[%swap3A_93, %swap3A_94] {strides = array<i32>} : memref<5x80xi32, #tpu.memory_space<vmem>>, vector<1x16xi32>,
          %swap3A_96 = vector.shape_cast %swap3A_95 : vector<1x16xi32> to vector<16xi32>
          %swap3A_97 = vector.shape_cast %add3A_92 : vector<16xi32> to vector<1x16xi32>
          tpu.vector_store %arg14[%swap3A_93, %swap3A_94], %swap3A_97 {strides = array<i32>} : memref<5x80xi32, #tpu.memory_space<vmem>>, vector<1x16xi32>,
          %mul3A_98 = arith.constant 10240 : i32
          %mul3A_99 = vector.broadcast %mul3A_98 : i32 to vector<16xi32>
          %mul3A_100 = arith.muli %get3A_74, %mul3A_99 : vector<16xi32>
          %add3A_101 = arith.addi %mul3A_100, %get3A_68 : vector<16xi32>
          %swap3A_102 = arith.index_cast %scan3A_46 : i32 to index
          %swap3A_103 = arith.index_cast %multiple_of3A_77 : i32 to index
          %swap3A_104 = tpu.vector_load %arg15[%swap3A_102, %swap3A_103] {strides = array<i32>} : memref<5x80xi32, #tpu.memory_space<vmem>>, vector<1x16xi32>,
          %swap3A_105 = vector.shape_cast %swap3A_104 : vector<1x16xi32> to vector<16xi32>
          %swap3A_106 = vector.shape_cast %add3A_101 : vector<16xi32> to vector<1x16xi32>
          tpu.vector_store %arg15[%swap3A_102, %swap3A_103], %swap3A_106 {strides = array<i32>} : memref<5x80xi32, #tpu.memory_space<vmem>>, vector<1x16xi32>,
          %swap3A_107 = arith.index_cast %scan3A_46 : i32 to index
          %swap3A_108 = arith.index_cast %multiple_of3A_77 : i32 to index
          %swap3A_109 = tpu.vector_load %arg16[%swap3A_107, %swap3A_108] {strides = array<i32>} : memref<5x80xi32, #tpu.memory_space<vmem>>, vector<1x16xi32>,
          %swap3A_110 = vector.shape_cast %swap3A_109 : vector<1x16xi32> to vector<16xi32>
          %swap3A_111 = vector.shape_cast %get3A_71 : vector<16xi32> to vector<1x16xi32>
          tpu.vector_store %arg16[%swap3A_107, %swap3A_108], %swap3A_111 {strides = array<i32>} : memref<5x80xi32, #tpu.memory_space<vmem>>, vector<1x16xi32>,
        }
        %scan3A_52 = arith.constant 5 : i32
        "tpu.region"() ({
          %run_scoped3A = tpu.sem_alloc : memref<!tpu.dma_semaphore, #tpu.memory_space<semaphore_mem>>
          %dma_start3A = arith.constant 0 : i32
          %dma_start3A_59 = tpu.memref_slice %arg17[%scan3A_46, %dma_start3A] : memref<5x80xf32, #tpu.memory_space<vmem>> -> memref<1x80xf32, #tpu.memory_space<vmem>>
          %dma_start3A_60 = tpu.memref_squeeze %dma_start3A_59 : memref<1x80xf32, #tpu.memory_space<vmem>> -> memref<80xf32, #tpu.memory_space<vmem>>
          %dma_start3A_61 = arith.constant 0 : i32
          %dma_start3A_62 = tpu.memref_slice %arg13[%scan3A_46, %dma_start3A_61] : memref<5x80xi32, #tpu.memory_space<vmem>> -> memref<1x80xi32, #tpu.memory_space<vmem>>
          %dma_start3A_63 = tpu.memref_squeeze %dma_start3A_62 : memref<1x80xi32, #tpu.memory_space<vmem>> -> memref<80xi32, #tpu.memory_space<vmem>>
          %dma_start3A_64 = arith.constant 0 : i32
          %dma_start3A_65 = tpu.memref_slice %arg6[%dma_start3A_64] : memref<163840xf32, #tpu.memory_space<hbm>> -> memref<163840xf32, #tpu.memory_space<hbm>>
          tpu.enqueue_indirect_dma source(%dma_start3A_65 : memref<163840xf32, #tpu.memory_space<hbm>>) target(%dma_start3A_60 : memref<80xf32, #tpu.memory_space<vmem>>) offsets(%dma_start3A_63 : memref<80xi32, #tpu.memory_space<vmem>>) semaphore(%run_scoped3A : memref<!tpu.dma_semaphore, #tpu.memory_space<semaphore_mem>>)
          %dma_wait3A = arith.constant 0 : i32
          %dma_wait3A_66 = tpu.memref_slice %arg17[%scan3A_46, %dma_wait3A] : memref<5x80xf32, #tpu.memory_space<vmem>> -> memref<1x80xf32, #tpu.memory_space<vmem>>
          %dma_wait3A_67 = tpu.memref_squeeze %dma_wait3A_66 : memref<1x80xf32, #tpu.memory_space<vmem>> -> memref<80xf32, #tpu.memory_space<vmem>>
          %dma_wait3A_68 = arith.constant 0 : i32
          %dma_wait3A_69 = tpu.memref_slice %arg13[%scan3A_46, %dma_wait3A_68] : memref<5x80xi32, #tpu.memory_space<vmem>> -> memref<1x80xi32, #tpu.memory_space<vmem>>
          %dma_wait3A_70 = tpu.memref_squeeze %dma_wait3A_69 : memref<1x80xi32, #tpu.memory_space<vmem>> -> memref<80xi32, #tpu.memory_space<vmem>>
          %dma_wait3A_71 = arith.constant 0 : i32
          %dma_wait3A_72 = tpu.memref_slice %arg6[%dma_wait3A_71] : memref<163840xf32, #tpu.memory_space<hbm>> -> memref<163840xf32, #tpu.memory_space<hbm>>
          tpu.wait_indirect_dma semaphore(%run_scoped3A : memref<!tpu.dma_semaphore, #tpu.memory_space<semaphore_mem>>) src(%dma_wait3A_72 : memref<163840xf32, #tpu.memory_space<hbm>>) dst(%dma_wait3A_67 : memref<80xf32, #tpu.memory_space<vmem>>)
          tpu.yield
        }) : () -> ()
        "tpu.region"() ({
          %run_scoped3A = tpu.sem_alloc : memref<!tpu.dma_semaphore, #tpu.memory_space<semaphore_mem>>
          %dma_start3A = arith.constant 0 : i32
          %dma_start3A_59 = tpu.memref_slice %arg18[%scan3A_46, %dma_start3A] : memref<5x80xf32, #tpu.memory_space<vmem>> -> memref<1x80xf32, #tpu.memory_space<vmem>>
          %dma_start3A_60 = tpu.memref_squeeze %dma_start3A_59 : memref<1x80xf32, #tpu.memory_space<vmem>> -> memref<80xf32, #tpu.memory_space<vmem>>
          %dma_start3A_61 = arith.constant 0 : i32
          %dma_start3A_62 = tpu.memref_slice %arg14[%scan3A_46, %dma_start3A_61] : memref<5x80xi32, #tpu.memory_space<vmem>> -> memref<1x80xi32, #tpu.memory_space<vmem>>
          %dma_start3A_63 = tpu.memref_squeeze %dma_start3A_62 : memref<1x80xi32, #tpu.memory_space<vmem>> -> memref<80xi32, #tpu.memory_space<vmem>>
          %dma_start3A_64 = arith.constant 0 : i32
          %dma_start3A_65 = tpu.memref_slice %arg6[%dma_start3A_64] : memref<163840xf32, #tpu.memory_space<hbm>> -> memref<163840xf32, #tpu.memory_space<hbm>>
          tpu.enqueue_indirect_dma source(%dma_start3A_65 : memref<163840xf32, #tpu.memory_space<hbm>>) target(%dma_start3A_60 : memref<80xf32, #tpu.memory_space<vmem>>) offsets(%dma_start3A_63 : memref<80xi32, #tpu.memory_space<vmem>>) semaphore(%run_scoped3A : memref<!tpu.dma_semaphore, #tpu.memory_space<semaphore_mem>>)
          %dma_wait3A = arith.constant 0 : i32
          %dma_wait3A_66 = tpu.memref_slice %arg18[%scan3A_46, %dma_wait3A] : memref<5x80xf32, #tpu.memory_space<vmem>> -> memref<1x80xf32, #tpu.memory_space<vmem>>
          %dma_wait3A_67 = tpu.memref_squeeze %dma_wait3A_66 : memref<1x80xf32, #tpu.memory_space<vmem>> -> memref<80xf32, #tpu.memory_space<vmem>>
          %dma_wait3A_68 = arith.constant 0 : i32
          %dma_wait3A_69 = tpu.memref_slice %arg14[%scan3A_46, %dma_wait3A_68] : memref<5x80xi32, #tpu.memory_space<vmem>> -> memref<1x80xi32, #tpu.memory_space<vmem>>
          %dma_wait3A_70 = tpu.memref_squeeze %dma_wait3A_69 : memref<1x80xi32, #tpu.memory_space<vmem>> -> memref<80xi32, #tpu.memory_space<vmem>>
          %dma_wait3A_71 = arith.constant 0 : i32
          %dma_wait3A_72 = tpu.memref_slice %arg6[%dma_wait3A_71] : memref<163840xf32, #tpu.memory_space<hbm>> -> memref<163840xf32, #tpu.memory_space<hbm>>
          tpu.wait_indirect_dma semaphore(%run_scoped3A : memref<!tpu.dma_semaphore, #tpu.memory_space<semaphore_mem>>) src(%dma_wait3A_72 : memref<163840xf32, #tpu.memory_space<hbm>>) dst(%dma_wait3A_67 : memref<80xf32, #tpu.memory_space<vmem>>)
          tpu.yield
        }) : () -> ()
        "tpu.region"() ({
          %run_scoped3A = tpu.sem_alloc : memref<!tpu.dma_semaphore, #tpu.memory_space<semaphore_mem>>
          %dma_start3A = arith.constant 0 : i32
          %dma_start3A_59 = tpu.memref_slice %arg15[%scan3A_46, %dma_start3A] : memref<5x80xi32, #tpu.memory_space<vmem>> -> memref<1x80xi32, #tpu.memory_space<vmem>>
          %dma_start3A_60 = tpu.memref_squeeze %dma_start3A_59 : memref<1x80xi32, #tpu.memory_space<vmem>> -> memref<80xi32, #tpu.memory_space<vmem>>
          %dma_start3A_61 = arith.constant 0 : i32
          %dma_start3A_62 = arith.constant 0 : i32
          %dma_start3A_63 = tpu.memref_slice %arg5[%dma_start3A_61, %dma_start3A_62] : memref<81920x128xf32, #tpu.memory_space<hbm>> -> memref<81920x128xf32, #tpu.memory_space<hbm>>
          tpu.enqueue_indirect_dma source(%dma_start3A_63 : memref<81920x128xf32, #tpu.memory_space<hbm>>) target(%arg20 : memref<80x128xf32, #tpu.memory_space<vmem>>) offsets(%dma_start3A_60 : memref<80xi32, #tpu.memory_space<vmem>>) semaphore(%run_scoped3A : memref<!tpu.dma_semaphore, #tpu.memory_space<semaphore_mem>>)
          %dma_wait3A = arith.constant 0 : i32
          %dma_wait3A_64 = tpu.memref_slice %arg15[%scan3A_46, %dma_wait3A] : memref<5x80xi32, #tpu.memory_space<vmem>> -> memref<1x80xi32, #tpu.memory_space<vmem>>
          %dma_wait3A_65 = tpu.memref_squeeze %dma_wait3A_64 : memref<1x80xi32, #tpu.memory_space<vmem>> -> memref<80xi32, #tpu.memory_space<vmem>>
          %dma_wait3A_66 = arith.constant 0 : i32
          %dma_wait3A_67 = arith.constant 0 : i32
          %dma_wait3A_68 = tpu.memref_slice %arg5[%dma_wait3A_66, %dma_wait3A_67] : memref<81920x128xf32, #tpu.memory_space<hbm>> -> memref<81920x128xf32, #tpu.memory_space<hbm>>
          tpu.wait_indirect_dma semaphore(%run_scoped3A : memref<!tpu.dma_semaphore, #tpu.memory_space<semaphore_mem>>) src(%dma_wait3A_68 : memref<81920x128xf32, #tpu.memory_space<hbm>>) dst(%arg20 : memref<80x128xf32, #tpu.memory_space<vmem>>)
          tpu.yield
        }) : () -> ()
        %scan3A_53 = arith.constant 0 : i32
        %scan3A_54 = arith.constant 0 : i32
        %scan3A_55 = arith.constant 5 : i32
        %scan3A_56 = arith.addi %scan3A_54, %scan3A_55 : i32
        %scan3A_57 = arith.constant 1 : i32
        scf.for %scan3A_59 = %scan3A_54 to %scan3A_56 step %scan3A_57  : i32 {
          %mul3A_60 = arith.constant 16 : i32
          %mul3A_61 = arith.muli %scan3A_59, %mul3A_60 : i32
          %multiple_of3A_62 = tpu.assume_multiple %mul3A_61, 16 : i32
          %get3A_63 = arith.index_cast %scan3A_46 : i32 to index
          %get3A_64 = arith.index_cast %multiple_of3A_62 : i32 to index
          %get3A_65 = tpu.vector_load %arg17[%get3A_63, %get3A_64] {strides = array<i32>} : memref<5x80xf32, #tpu.memory_space<vmem>>, vector<1x16xf32>,
          %get3A_66 = vector.shape_cast %get3A_65 : vector<1x16xf32> to vector<16xf32>
          %get3A_67 = arith.index_cast %scan3A_46 : i32 to index
          %get3A_68 = arith.index_cast %multiple_of3A_62 : i32 to index
          %get3A_69 = tpu.vector_load %arg18[%get3A_67, %get3A_68] {strides = array<i32>} : memref<5x80xf32, #tpu.memory_space<vmem>>, vector<1x16xf32>,
          %get3A_70 = vector.shape_cast %get3A_69 : vector<1x16xf32> to vector<16xf32>
          %add3A_71 = arith.addf %get3A_66, %get3A_70 : vector<16xf32>
          %gt3A = arith.constant 0.000000e+00 : f32
          %gt3A_72 = vector.broadcast %gt3A : f32 to vector<16xf32>
          %gt3A_73 = arith.cmpf ogt, %add3A_71, %gt3A_72 : vector<16xf32>
          %mul3A_74 = arith.constant 2.000000e-01 : f32
          %mul3A_75 = vector.broadcast %mul3A_74 : f32 to vector<16xf32>
          %mul3A_76 = arith.mulf %add3A_71, %mul3A_75 : vector<16xf32>
          %select_n3A = arith.select %gt3A_73, %add3A_71, %mul3A_76 : vector<16xi1>, vector<16xf32>
          %sub3A = arith.subf %select_n3A, %get3A_24 : vector<16xf32>
          %exp3A = math.exp %sub3A : vector<16xf32>
          %swap3A = arith.index_cast %scan3A_46 : i32 to index
          %swap3A_77 = arith.index_cast %multiple_of3A_62 : i32 to index
          %swap3A_78 = tpu.vector_load %arg19[%swap3A, %swap3A_77] {strides = array<i32>} : memref<5x80xf32, #tpu.memory_space<vmem>>, vector<1x16xf32>,
          %swap3A_79 = vector.shape_cast %swap3A_78 : vector<1x16xf32> to vector<16xf32>
          %swap3A_80 = vector.shape_cast %exp3A : vector<16xf32> to vector<1x16xf32>
          tpu.vector_store %arg19[%swap3A, %swap3A_77], %swap3A_80 {strides = array<i32>} : memref<5x80xf32, #tpu.memory_space<vmem>>, vector<1x16xf32>,
          %mul3A_81 = arith.constant 16 : i32
          %mul3A_82 = arith.muli %scan3A_59, %mul3A_81 : i32
          %add3A_83 = arith.constant 0 : i32
          %add3A_84 = arith.addi %mul3A_82, %add3A_83 : i32
          %slice3A = vector.extract_strided_slice %exp3A {offsets = [0], sizes = [1], strides = [1]} : vector<16xf32> to vector<1xf32>
          %broadcast_in_dim3A_85 = vector.shape_cast %slice3A : vector<1xf32> to vector<1xf32>
          %broadcast_in_dim3A_86 = vector.broadcast %broadcast_in_dim3A_85 : vector<1xf32> to vector<16xf32>
          %get3A_87 = arith.index_cast %add3A_84 : i32 to index
          %get3A_88 = arith.constant 0 : index
          %get3A_89 = tpu.vector_load %arg20[%get3A_87, %get3A_88] {strides = array<i32>} : memref<80x128xf32, #tpu.memory_space<vmem>>, vector<1x16xf32>,
          %get3A_90 = vector.shape_cast %get3A_89 : vector<1x16xf32> to vector<16xf32>
          %mul3A_91 = arith.mulf %get3A_90, %broadcast_in_dim3A_86 : vector<16xf32>
          %swap3A_92 = arith.index_cast %add3A_84 : i32 to index
          %swap3A_93 = arith.constant 0 : index
          %swap3A_94 = tpu.vector_load %arg20[%swap3A_92, %swap3A_93] {strides = array<i32>} : memref<80x128xf32, #tpu.memory_space<vmem>>, vector<1x16xf32>,
          %swap3A_95 = vector.shape_cast %swap3A_94 : vector<1x16xf32> to vector<16xf32>
          %swap3A_96 = vector.shape_cast %mul3A_91 : vector<16xf32> to vector<1x16xf32>
          tpu.vector_store %arg20[%swap3A_92, %swap3A_93], %swap3A_96 {strides = array<i32>} : memref<80x128xf32, #tpu.memory_space<vmem>>, vector<1x16xf32>,
          %get3A_97 = arith.index_cast %add3A_84 : i32 to index
          %get3A_98 = arith.constant 16 : index
          %get3A_99 = tpu.vector_load %arg20[%get3A_97, %get3A_98] {strides = array<i32>} : memref<80x128xf32, #tpu.memory_space<vmem>>, vector<1x16xf32>,
          %get3A_100 = vector.shape_cast %get3A_99 : vector<1x16xf32> to vector<16xf32>
          %mul3A_101 = arith.mulf %get3A_100, %broadcast_in_dim3A_86 : vector<16xf32>
          %swap3A_102 = arith.index_cast %add3A_84 : i32 to index
          %swap3A_103 = arith.constant 16 : index
          %swap3A_104 = tpu.vector_load %arg20[%swap3A_102, %swap3A_103] {strides = array<i32>} : memref<80x128xf32, #tpu.memory_space<vmem>>, vector<1x16xf32>,
          %swap3A_105 = vector.shape_cast %swap3A_104 : vector<1x16xf32> to vector<16xf32>
          %swap3A_106 = vector.shape_cast %mul3A_101 : vector<16xf32> to vector<1x16xf32>
          tpu.vector_store %arg20[%swap3A_102, %swap3A_103], %swap3A_106 {strides = array<i32>} : memref<80x128xf32, #tpu.memory_space<vmem>>, vector<1x16xf32>,
          %get3A_107 = arith.index_cast %add3A_84 : i32 to index
          %get3A_108 = arith.constant 32 : index
          %get3A_109 = tpu.vector_load %arg20[%get3A_107, %get3A_108] {strides = array<i32>} : memref<80x128xf32, #tpu.memory_space<vmem>>, vector<1x16xf32>,
          %get3A_110 = vector.shape_cast %get3A_109 : vector<1x16xf32> to vector<16xf32>
          %mul3A_111 = arith.mulf %get3A_110, %broadcast_in_dim3A_86 : vector<16xf32>
          %swap3A_112 = arith.index_cast %add3A_84 : i32 to index
          %swap3A_113 = arith.constant 32 : index
          %swap3A_114 = tpu.vector_load %arg20[%swap3A_112, %swap3A_113] {strides = array<i32>} : memref<80x128xf32, #tpu.memory_space<vmem>>, vector<1x16xf32>,
          %swap3A_115 = vector.shape_cast %swap3A_114 : vector<1x16xf32> to vector<16xf32>
          %swap3A_116 = vector.shape_cast %mul3A_111 : vector<16xf32> to vector<1x16xf32>
          tpu.vector_store %arg20[%swap3A_112, %swap3A_113], %swap3A_116 {strides = array<i32>} : memref<80x128xf32, #tpu.memory_space<vmem>>, vector<1x16xf32>,
          %get3A_117 = arith.index_cast %add3A_84 : i32 to index
          %get3A_118 = arith.constant 48 : index
          %get3A_119 = tpu.vector_load %arg20[%get3A_117, %get3A_118] {strides = array<i32>} : memref<80x128xf32, #tpu.memory_space<vmem>>, vector<1x16xf32>,
          %get3A_120 = vector.shape_cast %get3A_119 : vector<1x16xf32> to vector<16xf32>
          %mul3A_121 = arith.mulf %get3A_120, %broadcast_in_dim3A_86 : vector<16xf32>
          %swap3A_122 = arith.index_cast %add3A_84 : i32 to index
          %swap3A_123 = arith.constant 48 : index
          %swap3A_124 = tpu.vector_load %arg20[%swap3A_122, %swap3A_123] {strides = array<i32>} : memref<80x128xf32, #tpu.memory_space<vmem>>, vector<1x16xf32>,
          %swap3A_125 = vector.shape_cast %swap3A_124 : vector<1x16xf32> to vector<16xf32>
          %swap3A_126 = vector.shape_cast %mul3A_121 : vector<16xf32> to vector<1x16xf32>
          tpu.vector_store %arg20[%swap3A_122, %swap3A_123], %swap3A_126 {strides = array<i32>} : memref<80x128xf32, #tpu.memory_space<vmem>>, vector<1x16xf32>,
          %get3A_127 = arith.index_cast %add3A_84 : i32 to index
          %get3A_128 = arith.constant 64 : index
          %get3A_129 = tpu.vector_load %arg20[%get3A_127, %get3A_128] {strides = array<i32>} : memref<80x128xf32, #tpu.memory_space<vmem>>, vector<1x16xf32>,
          %get3A_130 = vector.shape_cast %get3A_129 : vector<1x16xf32> to vector<16xf32>
          %mul3A_131 = arith.mulf %get3A_130, %broadcast_in_dim3A_86 : vector<16xf32>
          %swap3A_132 = arith.index_cast %add3A_84 : i32 to index
          %swap3A_133 = arith.constant 64 : index
          %swap3A_134 = tpu.vector_load %arg20[%swap3A_132, %swap3A_133] {strides = array<i32>} : memref<80x128xf32, #tpu.memory_space<vmem>>, vector<1x16xf32>,
          %swap3A_135 = vector.shape_cast %swap3A_134 : vector<1x16xf32> to vector<16xf32>
          %swap3A_136 = vector.shape_cast %mul3A_131 : vector<16xf32> to vector<1x16xf32>
          tpu.vector_store %arg20[%swap3A_132, %swap3A_133], %swap3A_136 {strides = array<i32>} : memref<80x128xf32, #tpu.memory_space<vmem>>, vector<1x16xf32>,
          %get3A_137 = arith.index_cast %add3A_84 : i32 to index
          %get3A_138 = arith.constant 80 : index
          %get3A_139 = tpu.vector_load %arg20[%get3A_137, %get3A_138] {strides = array<i32>} : memref<80x128xf32, #tpu.memory_space<vmem>>, vector<1x16xf32>,
          %get3A_140 = vector.shape_cast %get3A_139 : vector<1x16xf32> to vector<16xf32>
          %mul3A_141 = arith.mulf %get3A_140, %broadcast_in_dim3A_86 : vector<16xf32>
          %swap3A_142 = arith.index_cast %add3A_84 : i32 to index
          %swap3A_143 = arith.constant 80 : index
          %swap3A_144 = tpu.vector_load %arg20[%swap3A_142, %swap3A_143] {strides = array<i32>} : memref<80x128xf32, #tpu.memory_space<vmem>>, vector<1x16xf32>,
          %swap3A_145 = vector.shape_cast %swap3A_144 : vector<1x16xf32> to vector<16xf32>
          %swap3A_146 = vector.shape_cast %mul3A_141 : vector<16xf32> to vector<1x16xf32>
          tpu.vector_store %arg20[%swap3A_142, %swap3A_143], %swap3A_146 {strides = array<i32>} : memref<80x128xf32, #tpu.memory_space<vmem>>, vector<1x16xf32>,
          %get3A_147 = arith.index_cast %add3A_84 : i32 to index
          %get3A_148 = arith.constant 96 : index
          %get3A_149 = tpu.vector_load %arg20[%get3A_147, %get3A_148] {strides = array<i32>} : memref<80x128xf32, #tpu.memory_space<vmem>>, vector<1x16xf32>,
          %get3A_150 = vector.shape_cast %get3A_149 : vector<1x16xf32> to vector<16xf32>
          %mul3A_151 = arith.mulf %get3A_150, %broadcast_in_dim3A_86 : vector<16xf32>
          %swap3A_152 = arith.index_cast %add3A_84 : i32 to index
          %swap3A_153 = arith.constant 96 : index
          %swap3A_154 = tpu.vector_load %arg20[%swap3A_152, %swap3A_153] {strides = array<i32>} : memref<80x128xf32, #tpu.memory_space<vmem>>, vector<1x16xf32>,
          %swap3A_155 = vector.shape_cast %swap3A_154 : vector<1x16xf32> to vector<16xf32>
          %swap3A_156 = vector.shape_cast %mul3A_151 : vector<16xf32> to vector<1x16xf32>
          tpu.vector_store %arg20[%swap3A_152, %swap3A_153], %swap3A_156 {strides = array<i32>} : memref<80x128xf32, #tpu.memory_space<vmem>>, vector<1x16xf32>,
          %get3A_157 = arith.index_cast %add3A_84 : i32 to index
          %get3A_158 = arith.constant 112 : index
          %get3A_159 = tpu.vector_load %arg20[%get3A_157, %get3A_158] {strides = array<i32>} : memref<80x128xf32, #tpu.memory_space<vmem>>, vector<1x16xf32>,
          %get3A_160 = vector.shape_cast %get3A_159 : vector<1x16xf32> to vector<16xf32>
          %mul3A_161 = arith.mulf %get3A_160, %broadcast_in_dim3A_86 : vector<16xf32>
          %swap3A_162 = arith.index_cast %add3A_84 : i32 to index
          %swap3A_163 = arith.constant 112 : index
          %swap3A_164 = tpu.vector_load %arg20[%swap3A_162, %swap3A_163] {strides = array<i32>} : memref<80x128xf32, #tpu.memory_space<vmem>>, vector<1x16xf32>,
          %swap3A_165 = vector.shape_cast %swap3A_164 : vector<1x16xf32> to vector<16xf32>
          %swap3A_166 = vector.shape_cast %mul3A_161 : vector<16xf32> to vector<1x16xf32>
          tpu.vector_store %arg20[%swap3A_162, %swap3A_163], %swap3A_166 {strides = array<i32>} : memref<80x128xf32, #tpu.memory_space<vmem>>, vector<1x16xf32>,
          %mul3A_167 = arith.constant 16 : i32
          %mul3A_168 = arith.muli %scan3A_59, %mul3A_167 : i32
          %add3A_169 = arith.constant 1 : i32
          %add3A_170 = arith.addi %mul3A_168, %add3A_169 : i32
          %slice3A_171 = vector.extract_strided_slice %exp3A {offsets = [1], sizes = [1], strides = [1]} : vector<16xf32> to vector<1xf32>
          %broadcast_in_dim3A_172 = vector.shape_cast %slice3A_171 : vector<1xf32> to vector<1xf32>
          %broadcast_in_dim3A_173 = vector.broadcast %broadcast_in_dim3A_172 : vector<1xf32> to vector<16xf32>
          %get3A_174 = arith.index_cast %add3A_170 : i32 to index
          %get3A_175 = arith.constant 0 : index
          %get3A_176 = tpu.vector_load %arg20[%get3A_174, %get3A_175] {strides = array<i32>} : memref<80x128xf32, #tpu.memory_space<vmem>>, vector<1x16xf32>,
          %get3A_177 = vector.shape_cast %get3A_176 : vector<1x16xf32> to vector<16xf32>
          %mul3A_178 = arith.mulf %get3A_177, %broadcast_in_dim3A_173 : vector<16xf32>
          %swap3A_179 = arith.index_cast %add3A_170 : i32 to index
          %swap3A_180 = arith.constant 0 : index
          %swap3A_181 = tpu.vector_load %arg20[%swap3A_179, %swap3A_180] {strides = array<i32>} : memref<80x128xf32, #tpu.memory_space<vmem>>, vector<1x16xf32>,
          %swap3A_182 = vector.shape_cast %swap3A_181 : vector<1x16xf32> to vector<16xf32>
          %swap3A_183 = vector.shape_cast %mul3A_178 : vector<16xf32> to vector<1x16xf32>
          tpu.vector_store %arg20[%swap3A_179, %swap3A_180], %swap3A_183 {strides = array<i32>} : memref<80x128xf32, #tpu.memory_space<vmem>>, vector<1x16xf32>,
          %get3A_184 = arith.index_cast %add3A_170 : i32 to index
          %get3A_185 = arith.constant 16 : index
          %get3A_186 = tpu.vector_load %arg20[%get3A_184, %get3A_185] {strides = array<i32>} : memref<80x128xf32, #tpu.memory_space<vmem>>, vector<1x16xf32>,
          %get3A_187 = vector.shape_cast %get3A_186 : vector<1x16xf32> to vector<16xf32>
          %mul3A_188 = arith.mulf %get3A_187, %broadcast_in_dim3A_173 : vector<16xf32>
          %swap3A_189 = arith.index_cast %add3A_170 : i32 to index
          %swap3A_190 = arith.constant 16 : index
          %swap3A_191 = tpu.vector_load %arg20[%swap3A_189, %swap3A_190] {strides = array<i32>} : memref<80x128xf32, #tpu.memory_space<vmem>>, vector<1x16xf32>,
          %swap3A_192 = vector.shape_cast %swap3A_191 : vector<1x16xf32> to vector<16xf32>
          %swap3A_193 = vector.shape_cast %mul3A_188 : vector<16xf32> to vector<1x16xf32>
          tpu.vector_store %arg20[%swap3A_189, %swap3A_190], %swap3A_193 {strides = array<i32>} : memref<80x128xf32, #tpu.memory_space<vmem>>, vector<1x16xf32>,
          %get3A_194 = arith.index_cast %add3A_170 : i32 to index
          %get3A_195 = arith.constant 32 : index
          %get3A_196 = tpu.vector_load %arg20[%get3A_194, %get3A_195] {strides = array<i32>} : memref<80x128xf32, #tpu.memory_space<vmem>>, vector<1x16xf32>,
          %get3A_197 = vector.shape_cast %get3A_196 : vector<1x16xf32> to vector<16xf32>
          %mul3A_198 = arith.mulf %get3A_197, %broadcast_in_dim3A_173 : vector<16xf32>
          %swap3A_199 = arith.index_cast %add3A_170 : i32 to index
          %swap3A_200 = arith.constant 32 : index
          %swap3A_201 = tpu.vector_load %arg20[%swap3A_199, %swap3A_200] {strides = array<i32>} : memref<80x128xf32, #tpu.memory_space<vmem>>, vector<1x16xf32>,
          %swap3A_202 = vector.shape_cast %swap3A_201 : vector<1x16xf32> to vector<16xf32>
          %swap3A_203 = vector.shape_cast %mul3A_198 : vector<16xf32> to vector<1x16xf32>
          tpu.vector_store %arg20[%swap3A_199, %swap3A_200], %swap3A_203 {strides = array<i32>} : memref<80x128xf32, #tpu.memory_space<vmem>>, vector<1x16xf32>,
          %get3A_204 = arith.index_cast %add3A_170 : i32 to index
          %get3A_205 = arith.constant 48 : index
          %get3A_206 = tpu.vector_load %arg20[%get3A_204, %get3A_205] {strides = array<i32>} : memref<80x128xf32, #tpu.memory_space<vmem>>, vector<1x16xf32>,
          %get3A_207 = vector.shape_cast %get3A_206 : vector<1x16xf32> to vector<16xf32>
          %mul3A_208 = arith.mulf %get3A_207, %broadcast_in_dim3A_173 : vector<16xf32>
          %swap3A_209 = arith.index_cast %add3A_170 : i32 to index
          %swap3A_210 = arith.constant 48 : index
          %swap3A_211 = tpu.vector_load %arg20[%swap3A_209, %swap3A_210] {strides = array<i32>} : memref<80x128xf32, #tpu.memory_space<vmem>>, vector<1x16xf32>,
          %swap3A_212 = vector.shape_cast %swap3A_211 : vector<1x16xf32> to vector<16xf32>
          %swap3A_213 = vector.shape_cast %mul3A_208 : vector<16xf32> to vector<1x16xf32>
          tpu.vector_store %arg20[%swap3A_209, %swap3A_210], %swap3A_213 {strides = array<i32>} : memref<80x128xf32, #tpu.memory_space<vmem>>, vector<1x16xf32>,
          %get3A_214 = arith.index_cast %add3A_170 : i32 to index
          %get3A_215 = arith.constant 64 : index
          %get3A_216 = tpu.vector_load %arg20[%get3A_214, %get3A_215] {strides = array<i32>} : memref<80x128xf32, #tpu.memory_space<vmem>>, vector<1x16xf32>,
          %get3A_217 = vector.shape_cast %get3A_216 : vector<1x16xf32> to vector<16xf32>
          %mul3A_218 = arith.mulf %get3A_217, %broadcast_in_dim3A_173 : vector<16xf32>
          %swap3A_219 = arith.index_cast %add3A_170 : i32 to index
          %swap3A_220 = arith.constant 64 : index
          %swap3A_221 = tpu.vector_load %arg20[%swap3A_219, %swap3A_220] {strides = array<i32>} : memref<80x128xf32, #tpu.memory_space<vmem>>, vector<1x16xf32>,
          %swap3A_222 = vector.shape_cast %swap3A_221 : vector<1x16xf32> to vector<16xf32>
          %swap3A_223 = vector.shape_cast %mul3A_218 : vector<16xf32> to vector<1x16xf32>
          tpu.vector_store %arg20[%swap3A_219, %swap3A_220], %swap3A_223 {strides = array<i32>} : memref<80x128xf32, #tpu.memory_space<vmem>>, vector<1x16xf32>,
          %get3A_224 = arith.index_cast %add3A_170 : i32 to index
          %get3A_225 = arith.constant 80 : index
          %get3A_226 = tpu.vector_load %arg20[%get3A_224, %get3A_225] {strides = array<i32>} : memref<80x128xf32, #tpu.memory_space<vmem>>, vector<1x16xf32>,
          %get3A_227 = vector.shape_cast %get3A_226 : vector<1x16xf32> to vector<16xf32>
          %mul3A_228 = arith.mulf %get3A_227, %broadcast_in_dim3A_173 : vector<16xf32>
          %swap3A_229 = arith.index_cast %add3A_170 : i32 to index
          %swap3A_230 = arith.constant 80 : index
          %swap3A_231 = tpu.vector_load %arg20[%swap3A_229, %swap3A_230] {strides = array<i32>} : memref<80x128xf32, #tpu.memory_space<vmem>>, vector<1x16xf32>,
          %swap3A_232 = vector.shape_cast %swap3A_231 : vector<1x16xf32> to vector<16xf32>
          %swap3A_233 = vector.shape_cast %mul3A_228 : vector<16xf32> to vector<1x16xf32>
          tpu.vector_store %arg20[%swap3A_229, %swap3A_230], %swap3A_233 {strides = array<i32>} : memref<80x128xf32, #tpu.memory_space<vmem>>, vector<1x16xf32>,
          %get3A_234 = arith.index_cast %add3A_170 : i32 to index
          %get3A_235 = arith.constant 96 : index
          %get3A_236 = tpu.vector_load %arg20[%get3A_234, %get3A_235] {strides = array<i32>} : memref<80x128xf32, #tpu.memory_space<vmem>>, vector<1x16xf32>,
          %get3A_237 = vector.shape_cast %get3A_236 : vector<1x16xf32> to vector<16xf32>
          %mul3A_238 = arith.mulf %get3A_237, %broadcast_in_dim3A_173 : vector<16xf32>
          %swap3A_239 = arith.index_cast %add3A_170 : i32 to index
          %swap3A_240 = arith.constant 96 : index
          %swap3A_241 = tpu.vector_load %arg20[%swap3A_239, %swap3A_240] {strides = array<i32>} : memref<80x128xf32, #tpu.memory_space<vmem>>, vector<1x16xf32>,
          %swap3A_242 = vector.shape_cast %swap3A_241 : vector<1x16xf32> to vector<16xf32>
          %swap3A_243 = vector.shape_cast %mul3A_238 : vector<16xf32> to vector<1x16xf32>
          tpu.vector_store %arg20[%swap3A_239, %swap3A_240], %swap3A_243 {strides = array<i32>} : memref<80x128xf32, #tpu.memory_space<vmem>>, vector<1x16xf32>,
          %get3A_244 = arith.index_cast %add3A_170 : i32 to index
          %get3A_245 = arith.constant 112 : index
          %get3A_246 = tpu.vector_load %arg20[%get3A_244, %get3A_245] {strides = array<i32>} : memref<80x128xf32, #tpu.memory_space<vmem>>, vector<1x16xf32>,
          %get3A_247 = vector.shape_cast %get3A_246 : vector<1x16xf32> to vector<16xf32>
          %mul3A_248 = arith.mulf %get3A_247, %broadcast_in_dim3A_173 : vector<16xf32>
          %swap3A_249 = arith.index_cast %add3A_170 : i32 to index
          %swap3A_250 = arith.constant 112 : index
          %swap3A_251 = tpu.vector_load %arg20[%swap3A_249, %swap3A_250] {strides = array<i32>} : memref<80x128xf32, #tpu.memory_space<vmem>>, vector<1x16xf32>,
          %swap3A_252 = vector.shape_cast %swap3A_251 : vector<1x16xf32> to vector<16xf32>
          %swap3A_253 = vector.shape_cast %mul3A_248 : vector<16xf32> to vector<1x16xf32>
          tpu.vector_store %arg20[%swap3A_249, %swap3A_250], %swap3A_253 {strides = array<i32>} : memref<80x128xf32, #tpu.memory_space<vmem>>, vector<1x16xf32>,
          %mul3A_254 = arith.constant 16 : i32
          %mul3A_255 = arith.muli %scan3A_59, %mul3A_254 : i32
          %add3A_256 = arith.constant 2 : i32
          %add3A_257 = arith.addi %mul3A_255, %add3A_256 : i32
          %slice3A_258 = vector.extract_strided_slice %exp3A {offsets = [2], sizes = [1], strides = [1]} : vector<16xf32> to vector<1xf32>
          %broadcast_in_dim3A_259 = vector.shape_cast %slice3A_258 : vector<1xf32> to vector<1xf32>
          %broadcast_in_dim3A_260 = vector.broadcast %broadcast_in_dim3A_259 : vector<1xf32> to vector<16xf32>
          %get3A_261 = arith.index_cast %add3A_257 : i32 to index
          %get3A_262 = arith.constant 0 : index
          %get3A_263 = tpu.vector_load %arg20[%get3A_261, %get3A_262] {strides = array<i32>} : memref<80x128xf32, #tpu.memory_space<vmem>>, vector<1x16xf32>,
          %get3A_264 = vector.shape_cast %get3A_263 : vector<1x16xf32> to vector<16xf32>
          %mul3A_265 = arith.mulf %get3A_264, %broadcast_in_dim3A_260 : vector<16xf32>
          %swap3A_266 = arith.index_cast %add3A_257 : i32 to index
          %swap3A_267 = arith.constant 0 : index
          %swap3A_268 = tpu.vector_load %arg20[%swap3A_266, %swap3A_267] {strides = array<i32>} : memref<80x128xf32, #tpu.memory_space<vmem>>, vector<1x16xf32>,
          %swap3A_269 = vector.shape_cast %swap3A_268 : vector<1x16xf32> to vector<16xf32>
          %swap3A_270 = vector.shape_cast %mul3A_265 : vector<16xf32> to vector<1x16xf32>
          tpu.vector_store %arg20[%swap3A_266, %swap3A_267], %swap3A_270 {strides = array<i32>} : memref<80x128xf32, #tpu.memory_space<vmem>>, vector<1x16xf32>,
          %get3A_271 = arith.index_cast %add3A_257 : i32 to index
          %get3A_272 = arith.constant 16 : index
          %get3A_273 = tpu.vector_load %arg20[%get3A_271, %get3A_272] {strides = array<i32>} : memref<80x128xf32, #tpu.memory_space<vmem>>, vector<1x16xf32>,
          %get3A_274 = vector.shape_cast %get3A_273 : vector<1x16xf32> to vector<16xf32>
          %mul3A_275 = arith.mulf %get3A_274, %broadcast_in_dim3A_260 : vector<16xf32>
          %swap3A_276 = arith.index_cast %add3A_257 : i32 to index
          %swap3A_277 = arith.constant 16 : index
          %swap3A_278 = tpu.vector_load %arg20[%swap3A_276, %swap3A_277] {strides = array<i32>} : memref<80x128xf32, #tpu.memory_space<vmem>>, vector<1x16xf32>,
          %swap3A_279 = vector.shape_cast %swap3A_278 : vector<1x16xf32> to vector<16xf32>
          %swap3A_280 = vector.shape_cast %mul3A_275 : vector<16xf32> to vector<1x16xf32>
          tpu.vector_store %arg20[%swap3A_276, %swap3A_277], %swap3A_280 {strides = array<i32>} : memref<80x128xf32, #tpu.memory_space<vmem>>, vector<1x16xf32>,
          %get3A_281 = arith.index_cast %add3A_257 : i32 to index
          %get3A_282 = arith.constant 32 : index
          %get3A_283 = tpu.vector_load %arg20[%get3A_281, %get3A_282] {strides = array<i32>} : memref<80x128xf32, #tpu.memory_space<vmem>>, vector<1x16xf32>,
          %get3A_284 = vector.shape_cast %get3A_283 : vector<1x16xf32> to vector<16xf32>
          %mul3A_285 = arith.mulf %get3A_284, %broadcast_in_dim3A_260 : vector<16xf32>
          %swap3A_286 = arith.index_cast %add3A_257 : i32 to index
          %swap3A_287 = arith.constant 32 : index
          %swap3A_288 = tpu.vector_load %arg20[%swap3A_286, %swap3A_287] {strides = array<i32>} : memref<80x128xf32, #tpu.memory_space<vmem>>, vector<1x16xf32>,
          %swap3A_289 = vector.shape_cast %swap3A_288 : vector<1x16xf32> to vector<16xf32>
          %swap3A_290 = vector.shape_cast %mul3A_285 : vector<16xf32> to vector<1x16xf32>
          tpu.vector_store %arg20[%swap3A_286, %swap3A_287], %swap3A_290 {strides = array<i32>} : memref<80x128xf32, #tpu.memory_space<vmem>>, vector<1x16xf32>,
          %get3A_291 = arith.index_cast %add3A_257 : i32 to index
          %get3A_292 = arith.constant 48 : index
          %get3A_293 = tpu.vector_load %arg20[%get3A_291, %get3A_292] {strides = array<i32>} : memref<80x128xf32, #tpu.memory_space<vmem>>, vector<1x16xf32>,
          %get3A_294 = vector.shape_cast %get3A_293 : vector<1x16xf32> to vector<16xf32>
          %mul3A_295 = arith.mulf %get3A_294, %broadcast_in_dim3A_260 : vector<16xf32>
          %swap3A_296 = arith.index_cast %add3A_257 : i32 to index
          %swap3A_297 = arith.constant 48 : index
          %swap3A_298 = tpu.vector_load %arg20[%swap3A_296, %swap3A_297] {strides = array<i32>} : memref<80x128xf32, #tpu.memory_space<vmem>>, vector<1x16xf32>,
          %swap3A_299 = vector.shape_cast %swap3A_298 : vector<1x16xf32> to vector<16xf32>
          %swap3A_300 = vector.shape_cast %mul3A_295 : vector<16xf32> to vector<1x16xf32>
          tpu.vector_store %arg20[%swap3A_296, %swap3A_297], %swap3A_300 {strides = array<i32>} : memref<80x128xf32, #tpu.memory_space<vmem>>, vector<1x16xf32>,
          %get3A_301 = arith.index_cast %add3A_257 : i32 to index
          %get3A_302 = arith.constant 64 : index
          %get3A_303 = tpu.vector_load %arg20[%get3A_301, %get3A_302] {strides = array<i32>} : memref<80x128xf32, #tpu.memory_space<vmem>>, vector<1x16xf32>,
          %get3A_304 = vector.shape_cast %get3A_303 : vector<1x16xf32> to vector<16xf32>
          %mul3A_305 = arith.mulf %get3A_304, %broadcast_in_dim3A_260 : vector<16xf32>
          %swap3A_306 = arith.index_cast %add3A_257 : i32 to index
          %swap3A_307 = arith.constant 64 : index
          %swap3A_308 = tpu.vector_load %arg20[%swap3A_306, %swap3A_307] {strides = array<i32>} : memref<80x128xf32, #tpu.memory_space<vmem>>, vector<1x16xf32>,
          %swap3A_309 = vector.shape_cast %swap3A_308 : vector<1x16xf32> to vector<16xf32>
          %swap3A_310 = vector.shape_cast %mul3A_305 : vector<16xf32> to vector<1x16xf32>
          tpu.vector_store %arg20[%swap3A_306, %swap3A_307], %swap3A_310 {strides = array<i32>} : memref<80x128xf32, #tpu.memory_space<vmem>>, vector<1x16xf32>,
          %get3A_311 = arith.index_cast %add3A_257 : i32 to index
          %get3A_312 = arith.constant 80 : index
          %get3A_313 = tpu.vector_load %arg20[%get3A_311, %get3A_312] {strides = array<i32>} : memref<80x128xf32, #tpu.memory_space<vmem>>, vector<1x16xf32>,
          %get3A_314 = vector.shape_cast %get3A_313 : vector<1x16xf32> to vector<16xf32>
          %mul3A_315 = arith.mulf %get3A_314, %broadcast_in_dim3A_260 : vector<16xf32>
          %swap3A_316 = arith.index_cast %add3A_257 : i32 to index
          %swap3A_317 = arith.constant 80 : index
          %swap3A_318 = tpu.vector_load %arg20[%swap3A_316, %swap3A_317] {strides = array<i32>} : memref<80x128xf32, #tpu.memory_space<vmem>>, vector<1x16xf32>,
          %swap3A_319 = vector.shape_cast %swap3A_318 : vector<1x16xf32> to vector<16xf32>
          %swap3A_320 = vector.shape_cast %mul3A_315 : vector<16xf32> to vector<1x16xf32>
          tpu.vector_store %arg20[%swap3A_316, %swap3A_317], %swap3A_320 {strides = array<i32>} : memref<80x128xf32, #tpu.memory_space<vmem>>, vector<1x16xf32>,
          %get3A_321 = arith.index_cast %add3A_257 : i32 to index
          %get3A_322 = arith.constant 96 : index
          %get3A_323 = tpu.vector_load %arg20[%get3A_321, %get3A_322] {strides = array<i32>} : memref<80x128xf32, #tpu.memory_space<vmem>>, vector<1x16xf32>,
          %get3A_324 = vector.shape_cast %get3A_323 : vector<1x16xf32> to vector<16xf32>
          %mul3A_325 = arith.mulf %get3A_324, %broadcast_in_dim3A_260 : vector<16xf32>
          %swap3A_326 = arith.index_cast %add3A_257 : i32 to index
          %swap3A_327 = arith.constant 96 : index
          %swap3A_328 = tpu.vector_load %arg20[%swap3A_326, %swap3A_327] {strides = array<i32>} : memref<80x128xf32, #tpu.memory_space<vmem>>, vector<1x16xf32>,
          %swap3A_329 = vector.shape_cast %swap3A_328 : vector<1x16xf32> to vector<16xf32>
          %swap3A_330 = vector.shape_cast %mul3A_325 : vector<16xf32> to vector<1x16xf32>
          tpu.vector_store %arg20[%swap3A_326, %swap3A_327], %swap3A_330 {strides = array<i32>} : memref<80x128xf32, #tpu.memory_space<vmem>>, vector<1x16xf32>,
          %get3A_331 = arith.index_cast %add3A_257 : i32 to index
          %get3A_332 = arith.constant 112 : index
          %get3A_333 = tpu.vector_load %arg20[%get3A_331, %get3A_332] {strides = array<i32>} : memref<80x128xf32, #tpu.memory_space<vmem>>, vector<1x16xf32>,
          %get3A_334 = vector.shape_cast %get3A_333 : vector<1x16xf32> to vector<16xf32>
          %mul3A_335 = arith.mulf %get3A_334, %broadcast_in_dim3A_260 : vector<16xf32>
          %swap3A_336 = arith.index_cast %add3A_257 : i32 to index
          %swap3A_337 = arith.constant 112 : index
          %swap3A_338 = tpu.vector_load %arg20[%swap3A_336, %swap3A_337] {strides = array<i32>} : memref<80x128xf32, #tpu.memory_space<vmem>>, vector<1x16xf32>,
          %swap3A_339 = vector.shape_cast %swap3A_338 : vector<1x16xf32> to vector<16xf32>
          %swap3A_340 = vector.shape_cast %mul3A_335 : vector<16xf32> to vector<1x16xf32>
          tpu.vector_store %arg20[%swap3A_336, %swap3A_337], %swap3A_340 {strides = array<i32>} : memref<80x128xf32, #tpu.memory_space<vmem>>, vector<1x16xf32>,
          %mul3A_341 = arith.constant 16 : i32
          %mul3A_342 = arith.muli %scan3A_59, %mul3A_341 : i32
          %add3A_343 = arith.constant 3 : i32
          %add3A_344 = arith.addi %mul3A_342, %add3A_343 : i32
          %slice3A_345 = vector.extract_strided_slice %exp3A {offsets = [3], sizes = [1], strides = [1]} : vector<16xf32> to vector<1xf32>
          %broadcast_in_dim3A_346 = vector.shape_cast %slice3A_345 : vector<1xf32> to vector<1xf32>
          %broadcast_in_dim3A_347 = vector.broadcast %broadcast_in_dim3A_346 : vector<1xf32> to vector<16xf32>
          %get3A_348 = arith.index_cast %add3A_344 : i32 to index
          %get3A_349 = arith.constant 0 : index
          %get3A_350 = tpu.vector_load %arg20[%get3A_348, %get3A_349] {strides = array<i32>} : memref<80x128xf32, #tpu.memory_space<vmem>>, vector<1x16xf32>,
          %get3A_351 = vector.shape_cast %get3A_350 : vector<1x16xf32> to vector<16xf32>
          %mul3A_352 = arith.mulf %get3A_351, %broadcast_in_dim3A_347 : vector<16xf32>
          %swap3A_353 = arith.index_cast %add3A_344 : i32 to index
          %swap3A_354 = arith.constant 0 : index
          %swap3A_355 = tpu.vector_load %arg20[%swap3A_353, %swap3A_354] {strides = array<i32>} : memref<80x128xf32, #tpu.memory_space<vmem>>, vector<1x16xf32>,
          %swap3A_356 = vector.shape_cast %swap3A_355 : vector<1x16xf32> to vector<16xf32>
          %swap3A_357 = vector.shape_cast %mul3A_352 : vector<16xf32> to vector<1x16xf32>
          tpu.vector_store %arg20[%swap3A_353, %swap3A_354], %swap3A_357 {strides = array<i32>} : memref<80x128xf32, #tpu.memory_space<vmem>>, vector<1x16xf32>,
          %get3A_358 = arith.index_cast %add3A_344 : i32 to index
          %get3A_359 = arith.constant 16 : index
          %get3A_360 = tpu.vector_load %arg20[%get3A_358, %get3A_359] {strides = array<i32>} : memref<80x128xf32, #tpu.memory_space<vmem>>, vector<1x16xf32>,
          %get3A_361 = vector.shape_cast %get3A_360 : vector<1x16xf32> to vector<16xf32>
          %mul3A_362 = arith.mulf %get3A_361, %broadcast_in_dim3A_347 : vector<16xf32>
          %swap3A_363 = arith.index_cast %add3A_344 : i32 to index
          %swap3A_364 = arith.constant 16 : index
          %swap3A_365 = tpu.vector_load %arg20[%swap3A_363, %swap3A_364] {strides = array<i32>} : memref<80x128xf32, #tpu.memory_space<vmem>>, vector<1x16xf32>,
          %swap3A_366 = vector.shape_cast %swap3A_365 : vector<1x16xf32> to vector<16xf32>
          %swap3A_367 = vector.shape_cast %mul3A_362 : vector<16xf32> to vector<1x16xf32>
          tpu.vector_store %arg20[%swap3A_363, %swap3A_364], %swap3A_367 {strides = array<i32>} : memref<80x128xf32, #tpu.memory_space<vmem>>, vector<1x16xf32>,
          %get3A_368 = arith.index_cast %add3A_344 : i32 to index
          %get3A_369 = arith.constant 32 : index
          %get3A_370 = tpu.vector_load %arg20[%get3A_368, %get3A_369] {strides = array<i32>} : memref<80x128xf32, #tpu.memory_space<vmem>>, vector<1x16xf32>,
          %get3A_371 = vector.shape_cast %get3A_370 : vector<1x16xf32> to vector<16xf32>
          %mul3A_372 = arith.mulf %get3A_371, %broadcast_in_dim3A_347 : vector<16xf32>
          %swap3A_373 = arith.index_cast %add3A_344 : i32 to index
          %swap3A_374 = arith.constant 32 : index
          %swap3A_375 = tpu.vector_load %arg20[%swap3A_373, %swap3A_374] {strides = array<i32>} : memref<80x128xf32, #tpu.memory_space<vmem>>, vector<1x16xf32>,
          %swap3A_376 = vector.shape_cast %swap3A_375 : vector<1x16xf32> to vector<16xf32>
          %swap3A_377 = vector.shape_cast %mul3A_372 : vector<16xf32> to vector<1x16xf32>
          tpu.vector_store %arg20[%swap3A_373, %swap3A_374], %swap3A_377 {strides = array<i32>} : memref<80x128xf32, #tpu.memory_space<vmem>>, vector<1x16xf32>,
          %get3A_378 = arith.index_cast %add3A_344 : i32 to index
          %get3A_379 = arith.constant 48 : index
          %get3A_380 = tpu.vector_load %arg20[%get3A_378, %get3A_379] {strides = array<i32>} : memref<80x128xf32, #tpu.memory_space<vmem>>, vector<1x16xf32>,
          %get3A_381 = vector.shape_cast %get3A_380 : vector<1x16xf32> to vector<16xf32>
          %mul3A_382 = arith.mulf %get3A_381, %broadcast_in_dim3A_347 : vector<16xf32>
          %swap3A_383 = arith.index_cast %add3A_344 : i32 to index
          %swap3A_384 = arith.constant 48 : index
          %swap3A_385 = tpu.vector_load %arg20[%swap3A_383, %swap3A_384] {strides = array<i32>} : memref<80x128xf32, #tpu.memory_space<vmem>>, vector<1x16xf32>,
          %swap3A_386 = vector.shape_cast %swap3A_385 : vector<1x16xf32> to vector<16xf32>
          %swap3A_387 = vector.shape_cast %mul3A_382 : vector<16xf32> to vector<1x16xf32>
          tpu.vector_store %arg20[%swap3A_383, %swap3A_384], %swap3A_387 {strides = array<i32>} : memref<80x128xf32, #tpu.memory_space<vmem>>, vector<1x16xf32>,
          %get3A_388 = arith.index_cast %add3A_344 : i32 to index
          %get3A_389 = arith.constant 64 : index
          %get3A_390 = tpu.vector_load %arg20[%get3A_388, %get3A_389] {strides = array<i32>} : memref<80x128xf32, #tpu.memory_space<vmem>>, vector<1x16xf32>,
          %get3A_391 = vector.shape_cast %get3A_390 : vector<1x16xf32> to vector<16xf32>
          %mul3A_392 = arith.mulf %get3A_391, %broadcast_in_dim3A_347 : vector<16xf32>
          %swap3A_393 = arith.index_cast %add3A_344 : i32 to index
          %swap3A_394 = arith.constant 64 : index
          %swap3A_395 = tpu.vector_load %arg20[%swap3A_393, %swap3A_394] {strides = array<i32>} : memref<80x128xf32, #tpu.memory_space<vmem>>, vector<1x16xf32>,
          %swap3A_396 = vector.shape_cast %swap3A_395 : vector<1x16xf32> to vector<16xf32>
          %swap3A_397 = vector.shape_cast %mul3A_392 : vector<16xf32> to vector<1x16xf32>
          tpu.vector_store %arg20[%swap3A_393, %swap3A_394], %swap3A_397 {strides = array<i32>} : memref<80x128xf32, #tpu.memory_space<vmem>>, vector<1x16xf32>,
          %get3A_398 = arith.index_cast %add3A_344 : i32 to index
          %get3A_399 = arith.constant 80 : index
          %get3A_400 = tpu.vector_load %arg20[%get3A_398, %get3A_399] {strides = array<i32>} : memref<80x128xf32, #tpu.memory_space<vmem>>, vector<1x16xf32>,
          %get3A_401 = vector.shape_cast %get3A_400 : vector<1x16xf32> to vector<16xf32>
          %mul3A_402 = arith.mulf %get3A_401, %broadcast_in_dim3A_347 : vector<16xf32>
          %swap3A_403 = arith.index_cast %add3A_344 : i32 to index
          %swap3A_404 = arith.constant 80 : index
          %swap3A_405 = tpu.vector_load %arg20[%swap3A_403, %swap3A_404] {strides = array<i32>} : memref<80x128xf32, #tpu.memory_space<vmem>>, vector<1x16xf32>,
          %swap3A_406 = vector.shape_cast %swap3A_405 : vector<1x16xf32> to vector<16xf32>
          %swap3A_407 = vector.shape_cast %mul3A_402 : vector<16xf32> to vector<1x16xf32>
          tpu.vector_store %arg20[%swap3A_403, %swap3A_404], %swap3A_407 {strides = array<i32>} : memref<80x128xf32, #tpu.memory_space<vmem>>, vector<1x16xf32>,
          %get3A_408 = arith.index_cast %add3A_344 : i32 to index
          %get3A_409 = arith.constant 96 : index
          %get3A_410 = tpu.vector_load %arg20[%get3A_408, %get3A_409] {strides = array<i32>} : memref<80x128xf32, #tpu.memory_space<vmem>>, vector<1x16xf32>,
          %get3A_411 = vector.shape_cast %get3A_410 : vector<1x16xf32> to vector<16xf32>
          %mul3A_412 = arith.mulf %get3A_411, %broadcast_in_dim3A_347 : vector<16xf32>
          %swap3A_413 = arith.index_cast %add3A_344 : i32 to index
          %swap3A_414 = arith.constant 96 : index
          %swap3A_415 = tpu.vector_load %arg20[%swap3A_413, %swap3A_414] {strides = array<i32>} : memref<80x128xf32, #tpu.memory_space<vmem>>, vector<1x16xf32>,
          %swap3A_416 = vector.shape_cast %swap3A_415 : vector<1x16xf32> to vector<16xf32>
          %swap3A_417 = vector.shape_cast %mul3A_412 : vector<16xf32> to vector<1x16xf32>
          tpu.vector_store %arg20[%swap3A_413, %swap3A_414], %swap3A_417 {strides = array<i32>} : memref<80x128xf32, #tpu.memory_space<vmem>>, vector<1x16xf32>,
          %get3A_418 = arith.index_cast %add3A_344 : i32 to index
          %get3A_419 = arith.constant 112 : index
          %get3A_420 = tpu.vector_load %arg20[%get3A_418, %get3A_419] {strides = array<i32>} : memref<80x128xf32, #tpu.memory_space<vmem>>, vector<1x16xf32>,
          %get3A_421 = vector.shape_cast %get3A_420 : vector<1x16xf32> to vector<16xf32>
          %mul3A_422 = arith.mulf %get3A_421, %broadcast_in_dim3A_347 : vector<16xf32>
          %swap3A_423 = arith.index_cast %add3A_344 : i32 to index
          %swap3A_424 = arith.constant 112 : index
          %swap3A_425 = tpu.vector_load %arg20[%swap3A_423, %swap3A_424] {strides = array<i32>} : memref<80x128xf32, #tpu.memory_space<vmem>>, vector<1x16xf32>,
          %swap3A_426 = vector.shape_cast %swap3A_425 : vector<1x16xf32> to vector<16xf32>
          %swap3A_427 = vector.shape_cast %mul3A_422 : vector<16xf32> to vector<1x16xf32>
          tpu.vector_store %arg20[%swap3A_423, %swap3A_424], %swap3A_427 {strides = array<i32>} : memref<80x128xf32, #tpu.memory_space<vmem>>, vector<1x16xf32>,
          %mul3A_428 = arith.constant 16 : i32
          %mul3A_429 = arith.muli %scan3A_59, %mul3A_428 : i32
          %add3A_430 = arith.constant 4 : i32
          %add3A_431 = arith.addi %mul3A_429, %add3A_430 : i32
          %slice3A_432 = vector.extract_strided_slice %exp3A {offsets = [4], sizes = [1], strides = [1]} : vector<16xf32> to vector<1xf32>
          %broadcast_in_dim3A_433 = vector.shape_cast %slice3A_432 : vector<1xf32> to vector<1xf32>
          %broadcast_in_dim3A_434 = vector.broadcast %broadcast_in_dim3A_433 : vector<1xf32> to vector<16xf32>
          %get3A_435 = arith.index_cast %add3A_431 : i32 to index
          %get3A_436 = arith.constant 0 : index
          %get3A_437 = tpu.vector_load %arg20[%get3A_435, %get3A_436] {strides = array<i32>} : memref<80x128xf32, #tpu.memory_space<vmem>>, vector<1x16xf32>,
          %get3A_438 = vector.shape_cast %get3A_437 : vector<1x16xf32> to vector<16xf32>
          %mul3A_439 = arith.mulf %get3A_438, %broadcast_in_dim3A_434 : vector<16xf32>
          %swap3A_440 = arith.index_cast %add3A_431 : i32 to index
          %swap3A_441 = arith.constant 0 : index
          %swap3A_442 = tpu.vector_load %arg20[%swap3A_440, %swap3A_441] {strides = array<i32>} : memref<80x128xf32, #tpu.memory_space<vmem>>, vector<1x16xf32>,
          %swap3A_443 = vector.shape_cast %swap3A_442 : vector<1x16xf32> to vector<16xf32>
          %swap3A_444 = vector.shape_cast %mul3A_439 : vector<16xf32> to vector<1x16xf32>
          tpu.vector_store %arg20[%swap3A_440, %swap3A_441], %swap3A_444 {strides = array<i32>} : memref<80x128xf32, #tpu.memory_space<vmem>>, vector<1x16xf32>,
          %get3A_445 = arith.index_cast %add3A_431 : i32 to index
          %get3A_446 = arith.constant 16 : index
          %get3A_447 = tpu.vector_load %arg20[%get3A_445, %get3A_446] {strides = array<i32>} : memref<80x128xf32, #tpu.memory_space<vmem>>, vector<1x16xf32>,
          %get3A_448 = vector.shape_cast %get3A_447 : vector<1x16xf32> to vector<16xf32>
          %mul3A_449 = arith.mulf %get3A_448, %broadcast_in_dim3A_434 : vector<16xf32>
          %swap3A_450 = arith.index_cast %add3A_431 : i32 to index
          %swap3A_451 = arith.constant 16 : index
          %swap3A_452 = tpu.vector_load %arg20[%swap3A_450, %swap3A_451] {strides = array<i32>} : memref<80x128xf32, #tpu.memory_space<vmem>>, vector<1x16xf32>,
          %swap3A_453 = vector.shape_cast %swap3A_452 : vector<1x16xf32> to vector<16xf32>
          %swap3A_454 = vector.shape_cast %mul3A_449 : vector<16xf32> to vector<1x16xf32>
          tpu.vector_store %arg20[%swap3A_450, %swap3A_451], %swap3A_454 {strides = array<i32>} : memref<80x128xf32, #tpu.memory_space<vmem>>, vector<1x16xf32>,
          %get3A_455 = arith.index_cast %add3A_431 : i32 to index
          %get3A_456 = arith.constant 32 : index
          %get3A_457 = tpu.vector_load %arg20[%get3A_455, %get3A_456] {strides = array<i32>} : memref<80x128xf32, #tpu.memory_space<vmem>>, vector<1x16xf32>,
          %get3A_458 = vector.shape_cast %get3A_457 : vector<1x16xf32> to vector<16xf32>
          %mul3A_459 = arith.mulf %get3A_458, %broadcast_in_dim3A_434 : vector<16xf32>
          %swap3A_460 = arith.index_cast %add3A_431 : i32 to index
          %swap3A_461 = arith.constant 32 : index
          %swap3A_462 = tpu.vector_load %arg20[%swap3A_460, %swap3A_461] {strides = array<i32>} : memref<80x128xf32, #tpu.memory_space<vmem>>, vector<1x16xf32>,
          %swap3A_463 = vector.shape_cast %swap3A_462 : vector<1x16xf32> to vector<16xf32>
          %swap3A_464 = vector.shape_cast %mul3A_459 : vector<16xf32> to vector<1x16xf32>
          tpu.vector_store %arg20[%swap3A_460, %swap3A_461], %swap3A_464 {strides = array<i32>} : memref<80x128xf32, #tpu.memory_space<vmem>>, vector<1x16xf32>,
          %get3A_465 = arith.index_cast %add3A_431 : i32 to index
          %get3A_466 = arith.constant 48 : index
          %get3A_467 = tpu.vector_load %arg20[%get3A_465, %get3A_466] {strides = array<i32>} : memref<80x128xf32, #tpu.memory_space<vmem>>, vector<1x16xf32>,
          %get3A_468 = vector.shape_cast %get3A_467 : vector<1x16xf32> to vector<16xf32>
          %mul3A_469 = arith.mulf %get3A_468, %broadcast_in_dim3A_434 : vector<16xf32>
          %swap3A_470 = arith.index_cast %add3A_431 : i32 to index
          %swap3A_471 = arith.constant 48 : index
          %swap3A_472 = tpu.vector_load %arg20[%swap3A_470, %swap3A_471] {strides = array<i32>} : memref<80x128xf32, #tpu.memory_space<vmem>>, vector<1x16xf32>,
          %swap3A_473 = vector.shape_cast %swap3A_472 : vector<1x16xf32> to vector<16xf32>
          %swap3A_474 = vector.shape_cast %mul3A_469 : vector<16xf32> to vector<1x16xf32>
          tpu.vector_store %arg20[%swap3A_470, %swap3A_471], %swap3A_474 {strides = array<i32>} : memref<80x128xf32, #tpu.memory_space<vmem>>, vector<1x16xf32>,
          %get3A_475 = arith.index_cast %add3A_431 : i32 to index
          %get3A_476 = arith.constant 64 : index
          %get3A_477 = tpu.vector_load %arg20[%get3A_475, %get3A_476] {strides = array<i32>} : memref<80x128xf32, #tpu.memory_space<vmem>>, vector<1x16xf32>,
          %get3A_478 = vector.shape_cast %get3A_477 : vector<1x16xf32> to vector<16xf32>
          %mul3A_479 = arith.mulf %get3A_478, %broadcast_in_dim3A_434 : vector<16xf32>
          %swap3A_480 = arith.index_cast %add3A_431 : i32 to index
          %swap3A_481 = arith.constant 64 : index
          %swap3A_482 = tpu.vector_load %arg20[%swap3A_480, %swap3A_481] {strides = array<i32>} : memref<80x128xf32, #tpu.memory_space<vmem>>, vector<1x16xf32>,
          %swap3A_483 = vector.shape_cast %swap3A_482 : vector<1x16xf32> to vector<16xf32>
          %swap3A_484 = vector.shape_cast %mul3A_479 : vector<16xf32> to vector<1x16xf32>
          tpu.vector_store %arg20[%swap3A_480, %swap3A_481], %swap3A_484 {strides = array<i32>} : memref<80x128xf32, #tpu.memory_space<vmem>>, vector<1x16xf32>,
          %get3A_485 = arith.index_cast %add3A_431 : i32 to index
          %get3A_486 = arith.constant 80 : index
          %get3A_487 = tpu.vector_load %arg20[%get3A_485, %get3A_486] {strides = array<i32>} : memref<80x128xf32, #tpu.memory_space<vmem>>, vector<1x16xf32>,
          %get3A_488 = vector.shape_cast %get3A_487 : vector<1x16xf32> to vector<16xf32>
          %mul3A_489 = arith.mulf %get3A_488, %broadcast_in_dim3A_434 : vector<16xf32>
          %swap3A_490 = arith.index_cast %add3A_431 : i32 to index
          %swap3A_491 = arith.constant 80 : index
          %swap3A_492 = tpu.vector_load %arg20[%swap3A_490, %swap3A_491] {strides = array<i32>} : memref<80x128xf32, #tpu.memory_space<vmem>>, vector<1x16xf32>,
          %swap3A_493 = vector.shape_cast %swap3A_492 : vector<1x16xf32> to vector<16xf32>
          %swap3A_494 = vector.shape_cast %mul3A_489 : vector<16xf32> to vector<1x16xf32>
          tpu.vector_store %arg20[%swap3A_490, %swap3A_491], %swap3A_494 {strides = array<i32>} : memref<80x128xf32, #tpu.memory_space<vmem>>, vector<1x16xf32>,
          %get3A_495 = arith.index_cast %add3A_431 : i32 to index
          %get3A_496 = arith.constant 96 : index
          %get3A_497 = tpu.vector_load %arg20[%get3A_495, %get3A_496] {strides = array<i32>} : memref<80x128xf32, #tpu.memory_space<vmem>>, vector<1x16xf32>,
          %get3A_498 = vector.shape_cast %get3A_497 : vector<1x16xf32> to vector<16xf32>
          %mul3A_499 = arith.mulf %get3A_498, %broadcast_in_dim3A_434 : vector<16xf32>
          %swap3A_500 = arith.index_cast %add3A_431 : i32 to index
          %swap3A_501 = arith.constant 96 : index
          %swap3A_502 = tpu.vector_load %arg20[%swap3A_500, %swap3A_501] {strides = array<i32>} : memref<80x128xf32, #tpu.memory_space<vmem>>, vector<1x16xf32>,
          %swap3A_503 = vector.shape_cast %swap3A_502 : vector<1x16xf32> to vector<16xf32>
          %swap3A_504 = vector.shape_cast %mul3A_499 : vector<16xf32> to vector<1x16xf32>
          tpu.vector_store %arg20[%swap3A_500, %swap3A_501], %swap3A_504 {strides = array<i32>} : memref<80x128xf32, #tpu.memory_space<vmem>>, vector<1x16xf32>,
          %get3A_505 = arith.index_cast %add3A_431 : i32 to index
          %get3A_506 = arith.constant 112 : index
          %get3A_507 = tpu.vector_load %arg20[%get3A_505, %get3A_506] {strides = array<i32>} : memref<80x128xf32, #tpu.memory_space<vmem>>, vector<1x16xf32>,
          %get3A_508 = vector.shape_cast %get3A_507 : vector<1x16xf32> to vector<16xf32>
          %mul3A_509 = arith.mulf %get3A_508, %broadcast_in_dim3A_434 : vector<16xf32>
          %swap3A_510 = arith.index_cast %add3A_431 : i32 to index
          %swap3A_511 = arith.constant 112 : index
          %swap3A_512 = tpu.vector_load %arg20[%swap3A_510, %swap3A_511] {strides = array<i32>} : memref<80x128xf32, #tpu.memory_space<vmem>>, vector<1x16xf32>,
          %swap3A_513 = vector.shape_cast %swap3A_512 : vector<1x16xf32> to vector<16xf32>
          %swap3A_514 = vector.shape_cast %mul3A_509 : vector<16xf32> to vector<1x16xf32>
          tpu.vector_store %arg20[%swap3A_510, %swap3A_511], %swap3A_514 {strides = array<i32>} : memref<80x128xf32, #tpu.memory_space<vmem>>, vector<1x16xf32>,
          %mul3A_515 = arith.constant 16 : i32
          %mul3A_516 = arith.muli %scan3A_59, %mul3A_515 : i32
          %add3A_517 = arith.constant 5 : i32
          %add3A_518 = arith.addi %mul3A_516, %add3A_517 : i32
          %slice3A_519 = vector.extract_strided_slice %exp3A {offsets = [5], sizes = [1], strides = [1]} : vector<16xf32> to vector<1xf32>
          %broadcast_in_dim3A_520 = vector.shape_cast %slice3A_519 : vector<1xf32> to vector<1xf32>
          %broadcast_in_dim3A_521 = vector.broadcast %broadcast_in_dim3A_520 : vector<1xf32> to vector<16xf32>
          %get3A_522 = arith.index_cast %add3A_518 : i32 to index
          %get3A_523 = arith.constant 0 : index
          %get3A_524 = tpu.vector_load %arg20[%get3A_522, %get3A_523] {strides = array<i32>} : memref<80x128xf32, #tpu.memory_space<vmem>>, vector<1x16xf32>,
          %get3A_525 = vector.shape_cast %get3A_524 : vector<1x16xf32> to vector<16xf32>
          %mul3A_526 = arith.mulf %get3A_525, %broadcast_in_dim3A_521 : vector<16xf32>
          %swap3A_527 = arith.index_cast %add3A_518 : i32 to index
          %swap3A_528 = arith.constant 0 : index
          %swap3A_529 = tpu.vector_load %arg20[%swap3A_527, %swap3A_528] {strides = array<i32>} : memref<80x128xf32, #tpu.memory_space<vmem>>, vector<1x16xf32>,
          %swap3A_530 = vector.shape_cast %swap3A_529 : vector<1x16xf32> to vector<16xf32>
          %swap3A_531 = vector.shape_cast %mul3A_526 : vector<16xf32> to vector<1x16xf32>
          tpu.vector_store %arg20[%swap3A_527, %swap3A_528], %swap3A_531 {strides = array<i32>} : memref<80x128xf32, #tpu.memory_space<vmem>>, vector<1x16xf32>,
          %get3A_532 = arith.index_cast %add3A_518 : i32 to index
          %get3A_533 = arith.constant 16 : index
          %get3A_534 = tpu.vector_load %arg20[%get3A_532, %get3A_533] {strides = array<i32>} : memref<80x128xf32, #tpu.memory_space<vmem>>, vector<1x16xf32>,
          %get3A_535 = vector.shape_cast %get3A_534 : vector<1x16xf32> to vector<16xf32>
          %mul3A_536 = arith.mulf %get3A_535, %broadcast_in_dim3A_521 : vector<16xf32>
          %swap3A_537 = arith.index_cast %add3A_518 : i32 to index
          %swap3A_538 = arith.constant 16 : index
          %swap3A_539 = tpu.vector_load %arg20[%swap3A_537, %swap3A_538] {strides = array<i32>} : memref<80x128xf32, #tpu.memory_space<vmem>>, vector<1x16xf32>,
          %swap3A_540 = vector.shape_cast %swap3A_539 : vector<1x16xf32> to vector<16xf32>
          %swap3A_541 = vector.shape_cast %mul3A_536 : vector<16xf32> to vector<1x16xf32>
          tpu.vector_store %arg20[%swap3A_537, %swap3A_538], %swap3A_541 {strides = array<i32>} : memref<80x128xf32, #tpu.memory_space<vmem>>, vector<1x16xf32>,
          %get3A_542 = arith.index_cast %add3A_518 : i32 to index
          %get3A_543 = arith.constant 32 : index
          %get3A_544 = tpu.vector_load %arg20[%get3A_542, %get3A_543] {strides = array<i32>} : memref<80x128xf32, #tpu.memory_space<vmem>>, vector<1x16xf32>,
          %get3A_545 = vector.shape_cast %get3A_544 : vector<1x16xf32> to vector<16xf32>
          %mul3A_546 = arith.mulf %get3A_545, %broadcast_in_dim3A_521 : vector<16xf32>
          %swap3A_547 = arith.index_cast %add3A_518 : i32 to index
          %swap3A_548 = arith.constant 32 : index
          %swap3A_549 = tpu.vector_load %arg20[%swap3A_547, %swap3A_548] {strides = array<i32>} : memref<80x128xf32, #tpu.memory_space<vmem>>, vector<1x16xf32>,
          %swap3A_550 = vector.shape_cast %swap3A_549 : vector<1x16xf32> to vector<16xf32>
          %swap3A_551 = vector.shape_cast %mul3A_546 : vector<16xf32> to vector<1x16xf32>
          tpu.vector_store %arg20[%swap3A_547, %swap3A_548], %swap3A_551 {strides = array<i32>} : memref<80x128xf32, #tpu.memory_space<vmem>>, vector<1x16xf32>,
          %get3A_552 = arith.index_cast %add3A_518 : i32 to index
          %get3A_553 = arith.constant 48 : index
          %get3A_554 = tpu.vector_load %arg20[%get3A_552, %get3A_553] {strides = array<i32>} : memref<80x128xf32, #tpu.memory_space<vmem>>, vector<1x16xf32>,
          %get3A_555 = vector.shape_cast %get3A_554 : vector<1x16xf32> to vector<16xf32>
          %mul3A_556 = arith.mulf %get3A_555, %broadcast_in_dim3A_521 : vector<16xf32>
          %swap3A_557 = arith.index_cast %add3A_518 : i32 to index
          %swap3A_558 = arith.constant 48 : index
          %swap3A_559 = tpu.vector_load %arg20[%swap3A_557, %swap3A_558] {strides = array<i32>} : memref<80x128xf32, #tpu.memory_space<vmem>>, vector<1x16xf32>,
          %swap3A_560 = vector.shape_cast %swap3A_559 : vector<1x16xf32> to vector<16xf32>
          %swap3A_561 = vector.shape_cast %mul3A_556 : vector<16xf32> to vector<1x16xf32>
          tpu.vector_store %arg20[%swap3A_557, %swap3A_558], %swap3A_561 {strides = array<i32>} : memref<80x128xf32, #tpu.memory_space<vmem>>, vector<1x16xf32>,
          %get3A_562 = arith.index_cast %add3A_518 : i32 to index
          %get3A_563 = arith.constant 64 : index
          %get3A_564 = tpu.vector_load %arg20[%get3A_562, %get3A_563] {strides = array<i32>} : memref<80x128xf32, #tpu.memory_space<vmem>>, vector<1x16xf32>,
          %get3A_565 = vector.shape_cast %get3A_564 : vector<1x16xf32> to vector<16xf32>
          %mul3A_566 = arith.mulf %get3A_565, %broadcast_in_dim3A_521 : vector<16xf32>
          %swap3A_567 = arith.index_cast %add3A_518 : i32 to index
          %swap3A_568 = arith.constant 64 : index
          %swap3A_569 = tpu.vector_load %arg20[%swap3A_567, %swap3A_568] {strides = array<i32>} : memref<80x128xf32, #tpu.memory_space<vmem>>, vector<1x16xf32>,
          %swap3A_570 = vector.shape_cast %swap3A_569 : vector<1x16xf32> to vector<16xf32>
          %swap3A_571 = vector.shape_cast %mul3A_566 : vector<16xf32> to vector<1x16xf32>
          tpu.vector_store %arg20[%swap3A_567, %swap3A_568], %swap3A_571 {strides = array<i32>} : memref<80x128xf32, #tpu.memory_space<vmem>>, vector<1x16xf32>,
          %get3A_572 = arith.index_cast %add3A_518 : i32 to index
          %get3A_573 = arith.constant 80 : index
          %get3A_574 = tpu.vector_load %arg20[%get3A_572, %get3A_573] {strides = array<i32>} : memref<80x128xf32, #tpu.memory_space<vmem>>, vector<1x16xf32>,
          %get3A_575 = vector.shape_cast %get3A_574 : vector<1x16xf32> to vector<16xf32>
          %mul3A_576 = arith.mulf %get3A_575, %broadcast_in_dim3A_521 : vector<16xf32>
          %swap3A_577 = arith.index_cast %add3A_518 : i32 to index
          %swap3A_578 = arith.constant 80 : index
          %swap3A_579 = tpu.vector_load %arg20[%swap3A_577, %swap3A_578] {strides = array<i32>} : memref<80x128xf32, #tpu.memory_space<vmem>>, vector<1x16xf32>,
          %swap3A_580 = vector.shape_cast %swap3A_579 : vector<1x16xf32> to vector<16xf32>
          %swap3A_581 = vector.shape_cast %mul3A_576 : vector<16xf32> to vector<1x16xf32>
          tpu.vector_store %arg20[%swap3A_577, %swap3A_578], %swap3A_581 {strides = array<i32>} : memref<80x128xf32, #tpu.memory_space<vmem>>, vector<1x16xf32>,
          %get3A_582 = arith.index_cast %add3A_518 : i32 to index
          %get3A_583 = arith.constant 96 : index
          %get3A_584 = tpu.vector_load %arg20[%get3A_582, %get3A_583] {strides = array<i32>} : memref<80x128xf32, #tpu.memory_space<vmem>>, vector<1x16xf32>,
          %get3A_585 = vector.shape_cast %get3A_584 : vector<1x16xf32> to vector<16xf32>
          %mul3A_586 = arith.mulf %get3A_585, %broadcast_in_dim3A_521 : vector<16xf32>
          %swap3A_587 = arith.index_cast %add3A_518 : i32 to index
          %swap3A_588 = arith.constant 96 : index
          %swap3A_589 = tpu.vector_load %arg20[%swap3A_587, %swap3A_588] {strides = array<i32>} : memref<80x128xf32, #tpu.memory_space<vmem>>, vector<1x16xf32>,
          %swap3A_590 = vector.shape_cast %swap3A_589 : vector<1x16xf32> to vector<16xf32>
          %swap3A_591 = vector.shape_cast %mul3A_586 : vector<16xf32> to vector<1x16xf32>
          tpu.vector_store %arg20[%swap3A_587, %swap3A_588], %swap3A_591 {strides = array<i32>} : memref<80x128xf32, #tpu.memory_space<vmem>>, vector<1x16xf32>,
          %get3A_592 = arith.index_cast %add3A_518 : i32 to index
          %get3A_593 = arith.constant 112 : index
          %get3A_594 = tpu.vector_load %arg20[%get3A_592, %get3A_593] {strides = array<i32>} : memref<80x128xf32, #tpu.memory_space<vmem>>, vector<1x16xf32>,
          %get3A_595 = vector.shape_cast %get3A_594 : vector<1x16xf32> to vector<16xf32>
          %mul3A_596 = arith.mulf %get3A_595, %broadcast_in_dim3A_521 : vector<16xf32>
          %swap3A_597 = arith.index_cast %add3A_518 : i32 to index
          %swap3A_598 = arith.constant 112 : index
          %swap3A_599 = tpu.vector_load %arg20[%swap3A_597, %swap3A_598] {strides = array<i32>} : memref<80x128xf32, #tpu.memory_space<vmem>>, vector<1x16xf32>,
          %swap3A_600 = vector.shape_cast %swap3A_599 : vector<1x16xf32> to vector<16xf32>
          %swap3A_601 = vector.shape_cast %mul3A_596 : vector<16xf32> to vector<1x16xf32>
          tpu.vector_store %arg20[%swap3A_597, %swap3A_598], %swap3A_601 {strides = array<i32>} : memref<80x128xf32, #tpu.memory_space<vmem>>, vector<1x16xf32>,
          %mul3A_602 = arith.constant 16 : i32
          %mul3A_603 = arith.muli %scan3A_59, %mul3A_602 : i32
          %add3A_604 = arith.constant 6 : i32
          %add3A_605 = arith.addi %mul3A_603, %add3A_604 : i32
          %slice3A_606 = vector.extract_strided_slice %exp3A {offsets = [6], sizes = [1], strides = [1]} : vector<16xf32> to vector<1xf32>
          %broadcast_in_dim3A_607 = vector.shape_cast %slice3A_606 : vector<1xf32> to vector<1xf32>
          %broadcast_in_dim3A_608 = vector.broadcast %broadcast_in_dim3A_607 : vector<1xf32> to vector<16xf32>
          %get3A_609 = arith.index_cast %add3A_605 : i32 to index
          %get3A_610 = arith.constant 0 : index
          %get3A_611 = tpu.vector_load %arg20[%get3A_609, %get3A_610] {strides = array<i32>} : memref<80x128xf32, #tpu.memory_space<vmem>>, vector<1x16xf32>,
          %get3A_612 = vector.shape_cast %get3A_611 : vector<1x16xf32> to vector<16xf32>
          %mul3A_613 = arith.mulf %get3A_612, %broadcast_in_dim3A_608 : vector<16xf32>
          %swap3A_614 = arith.index_cast %add3A_605 : i32 to index
          %swap3A_615 = arith.constant 0 : index
          %swap3A_616 = tpu.vector_load %arg20[%swap3A_614, %swap3A_615] {strides = array<i32>} : memref<80x128xf32, #tpu.memory_space<vmem>>, vector<1x16xf32>,
          %swap3A_617 = vector.shape_cast %swap3A_616 : vector<1x16xf32> to vector<16xf32>
          %swap3A_618 = vector.shape_cast %mul3A_613 : vector<16xf32> to vector<1x16xf32>
          tpu.vector_store %arg20[%swap3A_614, %swap3A_615], %swap3A_618 {strides = array<i32>} : memref<80x128xf32, #tpu.memory_space<vmem>>, vector<1x16xf32>,
          %get3A_619 = arith.index_cast %add3A_605 : i32 to index
          %get3A_620 = arith.constant 16 : index
          %get3A_621 = tpu.vector_load %arg20[%get3A_619, %get3A_620] {strides = array<i32>} : memref<80x128xf32, #tpu.memory_space<vmem>>, vector<1x16xf32>,
          %get3A_622 = vector.shape_cast %get3A_621 : vector<1x16xf32> to vector<16xf32>
          %mul3A_623 = arith.mulf %get3A_622, %broadcast_in_dim3A_608 : vector<16xf32>
          %swap3A_624 = arith.index_cast %add3A_605 : i32 to index
          %swap3A_625 = arith.constant 16 : index
          %swap3A_626 = tpu.vector_load %arg20[%swap3A_624, %swap3A_625] {strides = array<i32>} : memref<80x128xf32, #tpu.memory_space<vmem>>, vector<1x16xf32>,
          %swap3A_627 = vector.shape_cast %swap3A_626 : vector<1x16xf32> to vector<16xf32>
          %swap3A_628 = vector.shape_cast %mul3A_623 : vector<16xf32> to vector<1x16xf32>
          tpu.vector_store %arg20[%swap3A_624, %swap3A_625], %swap3A_628 {strides = array<i32>} : memref<80x128xf32, #tpu.memory_space<vmem>>, vector<1x16xf32>,
          %get3A_629 = arith.index_cast %add3A_605 : i32 to index
          %get3A_630 = arith.constant 32 : index
          %get3A_631 = tpu.vector_load %arg20[%get3A_629, %get3A_630] {strides = array<i32>} : memref<80x128xf32, #tpu.memory_space<vmem>>, vector<1x16xf32>,
          %get3A_632 = vector.shape_cast %get3A_631 : vector<1x16xf32> to vector<16xf32>
          %mul3A_633 = arith.mulf %get3A_632, %broadcast_in_dim3A_608 : vector<16xf32>
          %swap3A_634 = arith.index_cast %add3A_605 : i32 to index
          %swap3A_635 = arith.constant 32 : index
          %swap3A_636 = tpu.vector_load %arg20[%swap3A_634, %swap3A_635] {strides = array<i32>} : memref<80x128xf32, #tpu.memory_space<vmem>>, vector<1x16xf32>,
          %swap3A_637 = vector.shape_cast %swap3A_636 : vector<1x16xf32> to vector<16xf32>
          %swap3A_638 = vector.shape_cast %mul3A_633 : vector<16xf32> to vector<1x16xf32>
          tpu.vector_store %arg20[%swap3A_634, %swap3A_635], %swap3A_638 {strides = array<i32>} : memref<80x128xf32, #tpu.memory_space<vmem>>, vector<1x16xf32>,
          %get3A_639 = arith.index_cast %add3A_605 : i32 to index
          %get3A_640 = arith.constant 48 : index
          %get3A_641 = tpu.vector_load %arg20[%get3A_639, %get3A_640] {strides = array<i32>} : memref<80x128xf32, #tpu.memory_space<vmem>>, vector<1x16xf32>,
          %get3A_642 = vector.shape_cast %get3A_641 : vector<1x16xf32> to vector<16xf32>
          %mul3A_643 = arith.mulf %get3A_642, %broadcast_in_dim3A_608 : vector<16xf32>
          %swap3A_644 = arith.index_cast %add3A_605 : i32 to index
          %swap3A_645 = arith.constant 48 : index
          %swap3A_646 = tpu.vector_load %arg20[%swap3A_644, %swap3A_645] {strides = array<i32>} : memref<80x128xf32, #tpu.memory_space<vmem>>, vector<1x16xf32>,
          %swap3A_647 = vector.shape_cast %swap3A_646 : vector<1x16xf32> to vector<16xf32>
          %swap3A_648 = vector.shape_cast %mul3A_643 : vector<16xf32> to vector<1x16xf32>
          tpu.vector_store %arg20[%swap3A_644, %swap3A_645], %swap3A_648 {strides = array<i32>} : memref<80x128xf32, #tpu.memory_space<vmem>>, vector<1x16xf32>,
          %get3A_649 = arith.index_cast %add3A_605 : i32 to index
          %get3A_650 = arith.constant 64 : index
          %get3A_651 = tpu.vector_load %arg20[%get3A_649, %get3A_650] {strides = array<i32>} : memref<80x128xf32, #tpu.memory_space<vmem>>, vector<1x16xf32>,
          %get3A_652 = vector.shape_cast %get3A_651 : vector<1x16xf32> to vector<16xf32>
          %mul3A_653 = arith.mulf %get3A_652, %broadcast_in_dim3A_608 : vector<16xf32>
          %swap3A_654 = arith.index_cast %add3A_605 : i32 to index
          %swap3A_655 = arith.constant 64 : index
          %swap3A_656 = tpu.vector_load %arg20[%swap3A_654, %swap3A_655] {strides = array<i32>} : memref<80x128xf32, #tpu.memory_space<vmem>>, vector<1x16xf32>,
          %swap3A_657 = vector.shape_cast %swap3A_656 : vector<1x16xf32> to vector<16xf32>
          %swap3A_658 = vector.shape_cast %mul3A_653 : vector<16xf32> to vector<1x16xf32>
          tpu.vector_store %arg20[%swap3A_654, %swap3A_655], %swap3A_658 {strides = array<i32>} : memref<80x128xf32, #tpu.memory_space<vmem>>, vector<1x16xf32>,
          %get3A_659 = arith.index_cast %add3A_605 : i32 to index
          %get3A_660 = arith.constant 80 : index
          %get3A_661 = tpu.vector_load %arg20[%get3A_659, %get3A_660] {strides = array<i32>} : memref<80x128xf32, #tpu.memory_space<vmem>>, vector<1x16xf32>,
          %get3A_662 = vector.shape_cast %get3A_661 : vector<1x16xf32> to vector<16xf32>
          %mul3A_663 = arith.mulf %get3A_662, %broadcast_in_dim3A_608 : vector<16xf32>
          %swap3A_664 = arith.index_cast %add3A_605 : i32 to index
          %swap3A_665 = arith.constant 80 : index
          %swap3A_666 = tpu.vector_load %arg20[%swap3A_664, %swap3A_665] {strides = array<i32>} : memref<80x128xf32, #tpu.memory_space<vmem>>, vector<1x16xf32>,
          %swap3A_667 = vector.shape_cast %swap3A_666 : vector<1x16xf32> to vector<16xf32>
          %swap3A_668 = vector.shape_cast %mul3A_663 : vector<16xf32> to vector<1x16xf32>
          tpu.vector_store %arg20[%swap3A_664, %swap3A_665], %swap3A_668 {strides = array<i32>} : memref<80x128xf32, #tpu.memory_space<vmem>>, vector<1x16xf32>,
          %get3A_669 = arith.index_cast %add3A_605 : i32 to index
          %get3A_670 = arith.constant 96 : index
          %get3A_671 = tpu.vector_load %arg20[%get3A_669, %get3A_670] {strides = array<i32>} : memref<80x128xf32, #tpu.memory_space<vmem>>, vector<1x16xf32>,
          %get3A_672 = vector.shape_cast %get3A_671 : vector<1x16xf32> to vector<16xf32>
          %mul3A_673 = arith.mulf %get3A_672, %broadcast_in_dim3A_608 : vector<16xf32>
          %swap3A_674 = arith.index_cast %add3A_605 : i32 to index
          %swap3A_675 = arith.constant 96 : index
          %swap3A_676 = tpu.vector_load %arg20[%swap3A_674, %swap3A_675] {strides = array<i32>} : memref<80x128xf32, #tpu.memory_space<vmem>>, vector<1x16xf32>,
          %swap3A_677 = vector.shape_cast %swap3A_676 : vector<1x16xf32> to vector<16xf32>
          %swap3A_678 = vector.shape_cast %mul3A_673 : vector<16xf32> to vector<1x16xf32>
          tpu.vector_store %arg20[%swap3A_674, %swap3A_675], %swap3A_678 {strides = array<i32>} : memref<80x128xf32, #tpu.memory_space<vmem>>, vector<1x16xf32>,
          %get3A_679 = arith.index_cast %add3A_605 : i32 to index
          %get3A_680 = arith.constant 112 : index
          %get3A_681 = tpu.vector_load %arg20[%get3A_679, %get3A_680] {strides = array<i32>} : memref<80x128xf32, #tpu.memory_space<vmem>>, vector<1x16xf32>,
          %get3A_682 = vector.shape_cast %get3A_681 : vector<1x16xf32> to vector<16xf32>
          %mul3A_683 = arith.mulf %get3A_682, %broadcast_in_dim3A_608 : vector<16xf32>
          %swap3A_684 = arith.index_cast %add3A_605 : i32 to index
          %swap3A_685 = arith.constant 112 : index
          %swap3A_686 = tpu.vector_load %arg20[%swap3A_684, %swap3A_685] {strides = array<i32>} : memref<80x128xf32, #tpu.memory_space<vmem>>, vector<1x16xf32>,
          %swap3A_687 = vector.shape_cast %swap3A_686 : vector<1x16xf32> to vector<16xf32>
          %swap3A_688 = vector.shape_cast %mul3A_683 : vector<16xf32> to vector<1x16xf32>
          tpu.vector_store %arg20[%swap3A_684, %swap3A_685], %swap3A_688 {strides = array<i32>} : memref<80x128xf32, #tpu.memory_space<vmem>>, vector<1x16xf32>,
          %mul3A_689 = arith.constant 16 : i32
          %mul3A_690 = arith.muli %scan3A_59, %mul3A_689 : i32
          %add3A_691 = arith.constant 7 : i32
          %add3A_692 = arith.addi %mul3A_690, %add3A_691 : i32
          %slice3A_693 = vector.extract_strided_slice %exp3A {offsets = [7], sizes = [1], strides = [1]} : vector<16xf32> to vector<1xf32>
          %broadcast_in_dim3A_694 = vector.shape_cast %slice3A_693 : vector<1xf32> to vector<1xf32>
          %broadcast_in_dim3A_695 = vector.broadcast %broadcast_in_dim3A_694 : vector<1xf32> to vector<16xf32>
          %get3A_696 = arith.index_cast %add3A_692 : i32 to index
          %get3A_697 = arith.constant 0 : index
          %get3A_698 = tpu.vector_load %arg20[%get3A_696, %get3A_697] {strides = array<i32>} : memref<80x128xf32, #tpu.memory_space<vmem>>, vector<1x16xf32>,
          %get3A_699 = vector.shape_cast %get3A_698 : vector<1x16xf32> to vector<16xf32>
          %mul3A_700 = arith.mulf %get3A_699, %broadcast_in_dim3A_695 : vector<16xf32>
          %swap3A_701 = arith.index_cast %add3A_692 : i32 to index
          %swap3A_702 = arith.constant 0 : index
          %swap3A_703 = tpu.vector_load %arg20[%swap3A_701, %swap3A_702] {strides = array<i32>} : memref<80x128xf32, #tpu.memory_space<vmem>>, vector<1x16xf32>,
          %swap3A_704 = vector.shape_cast %swap3A_703 : vector<1x16xf32> to vector<16xf32>
          %swap3A_705 = vector.shape_cast %mul3A_700 : vector<16xf32> to vector<1x16xf32>
          tpu.vector_store %arg20[%swap3A_701, %swap3A_702], %swap3A_705 {strides = array<i32>} : memref<80x128xf32, #tpu.memory_space<vmem>>, vector<1x16xf32>,
          %get3A_706 = arith.index_cast %add3A_692 : i32 to index
          %get3A_707 = arith.constant 16 : index
          %get3A_708 = tpu.vector_load %arg20[%get3A_706, %get3A_707] {strides = array<i32>} : memref<80x128xf32, #tpu.memory_space<vmem>>, vector<1x16xf32>,
          %get3A_709 = vector.shape_cast %get3A_708 : vector<1x16xf32> to vector<16xf32>
          %mul3A_710 = arith.mulf %get3A_709, %broadcast_in_dim3A_695 : vector<16xf32>
          %swap3A_711 = arith.index_cast %add3A_692 : i32 to index
          %swap3A_712 = arith.constant 16 : index
          %swap3A_713 = tpu.vector_load %arg20[%swap3A_711, %swap3A_712] {strides = array<i32>} : memref<80x128xf32, #tpu.memory_space<vmem>>, vector<1x16xf32>,
          %swap3A_714 = vector.shape_cast %swap3A_713 : vector<1x16xf32> to vector<16xf32>
          %swap3A_715 = vector.shape_cast %mul3A_710 : vector<16xf32> to vector<1x16xf32>
          tpu.vector_store %arg20[%swap3A_711, %swap3A_712], %swap3A_715 {strides = array<i32>} : memref<80x128xf32, #tpu.memory_space<vmem>>, vector<1x16xf32>,
          %get3A_716 = arith.index_cast %add3A_692 : i32 to index
          %get3A_717 = arith.constant 32 : index
          %get3A_718 = tpu.vector_load %arg20[%get3A_716, %get3A_717] {strides = array<i32>} : memref<80x128xf32, #tpu.memory_space<vmem>>, vector<1x16xf32>,
          %get3A_719 = vector.shape_cast %get3A_718 : vector<1x16xf32> to vector<16xf32>
          %mul3A_720 = arith.mulf %get3A_719, %broadcast_in_dim3A_695 : vector<16xf32>
          %swap3A_721 = arith.index_cast %add3A_692 : i32 to index
          %swap3A_722 = arith.constant 32 : index
          %swap3A_723 = tpu.vector_load %arg20[%swap3A_721, %swap3A_722] {strides = array<i32>} : memref<80x128xf32, #tpu.memory_space<vmem>>, vector<1x16xf32>,
          %swap3A_724 = vector.shape_cast %swap3A_723 : vector<1x16xf32> to vector<16xf32>
          %swap3A_725 = vector.shape_cast %mul3A_720 : vector<16xf32> to vector<1x16xf32>
          tpu.vector_store %arg20[%swap3A_721, %swap3A_722], %swap3A_725 {strides = array<i32>} : memref<80x128xf32, #tpu.memory_space<vmem>>, vector<1x16xf32>,
          %get3A_726 = arith.index_cast %add3A_692 : i32 to index
          %get3A_727 = arith.constant 48 : index
          %get3A_728 = tpu.vector_load %arg20[%get3A_726, %get3A_727] {strides = array<i32>} : memref<80x128xf32, #tpu.memory_space<vmem>>, vector<1x16xf32>,
          %get3A_729 = vector.shape_cast %get3A_728 : vector<1x16xf32> to vector<16xf32>
          %mul3A_730 = arith.mulf %get3A_729, %broadcast_in_dim3A_695 : vector<16xf32>
          %swap3A_731 = arith.index_cast %add3A_692 : i32 to index
          %swap3A_732 = arith.constant 48 : index
          %swap3A_733 = tpu.vector_load %arg20[%swap3A_731, %swap3A_732] {strides = array<i32>} : memref<80x128xf32, #tpu.memory_space<vmem>>, vector<1x16xf32>,
          %swap3A_734 = vector.shape_cast %swap3A_733 : vector<1x16xf32> to vector<16xf32>
          %swap3A_735 = vector.shape_cast %mul3A_730 : vector<16xf32> to vector<1x16xf32>
          tpu.vector_store %arg20[%swap3A_731, %swap3A_732], %swap3A_735 {strides = array<i32>} : memref<80x128xf32, #tpu.memory_space<vmem>>, vector<1x16xf32>,
          %get3A_736 = arith.index_cast %add3A_692 : i32 to index
          %get3A_737 = arith.constant 64 : index
          %get3A_738 = tpu.vector_load %arg20[%get3A_736, %get3A_737] {strides = array<i32>} : memref<80x128xf32, #tpu.memory_space<vmem>>, vector<1x16xf32>,
          %get3A_739 = vector.shape_cast %get3A_738 : vector<1x16xf32> to vector<16xf32>
          %mul3A_740 = arith.mulf %get3A_739, %broadcast_in_dim3A_695 : vector<16xf32>
          %swap3A_741 = arith.index_cast %add3A_692 : i32 to index
          %swap3A_742 = arith.constant 64 : index
          %swap3A_743 = tpu.vector_load %arg20[%swap3A_741, %swap3A_742] {strides = array<i32>} : memref<80x128xf32, #tpu.memory_space<vmem>>, vector<1x16xf32>,
          %swap3A_744 = vector.shape_cast %swap3A_743 : vector<1x16xf32> to vector<16xf32>
          %swap3A_745 = vector.shape_cast %mul3A_740 : vector<16xf32> to vector<1x16xf32>
          tpu.vector_store %arg20[%swap3A_741, %swap3A_742], %swap3A_745 {strides = array<i32>} : memref<80x128xf32, #tpu.memory_space<vmem>>, vector<1x16xf32>,
          %get3A_746 = arith.index_cast %add3A_692 : i32 to index
          %get3A_747 = arith.constant 80 : index
          %get3A_748 = tpu.vector_load %arg20[%get3A_746, %get3A_747] {strides = array<i32>} : memref<80x128xf32, #tpu.memory_space<vmem>>, vector<1x16xf32>,
          %get3A_749 = vector.shape_cast %get3A_748 : vector<1x16xf32> to vector<16xf32>
          %mul3A_750 = arith.mulf %get3A_749, %broadcast_in_dim3A_695 : vector<16xf32>
          %swap3A_751 = arith.index_cast %add3A_692 : i32 to index
          %swap3A_752 = arith.constant 80 : index
          %swap3A_753 = tpu.vector_load %arg20[%swap3A_751, %swap3A_752] {strides = array<i32>} : memref<80x128xf32, #tpu.memory_space<vmem>>, vector<1x16xf32>,
          %swap3A_754 = vector.shape_cast %swap3A_753 : vector<1x16xf32> to vector<16xf32>
          %swap3A_755 = vector.shape_cast %mul3A_750 : vector<16xf32> to vector<1x16xf32>
          tpu.vector_store %arg20[%swap3A_751, %swap3A_752], %swap3A_755 {strides = array<i32>} : memref<80x128xf32, #tpu.memory_space<vmem>>, vector<1x16xf32>,
          %get3A_756 = arith.index_cast %add3A_692 : i32 to index
          %get3A_757 = arith.constant 96 : index
          %get3A_758 = tpu.vector_load %arg20[%get3A_756, %get3A_757] {strides = array<i32>} : memref<80x128xf32, #tpu.memory_space<vmem>>, vector<1x16xf32>,
          %get3A_759 = vector.shape_cast %get3A_758 : vector<1x16xf32> to vector<16xf32>
          %mul3A_760 = arith.mulf %get3A_759, %broadcast_in_dim3A_695 : vector<16xf32>
          %swap3A_761 = arith.index_cast %add3A_692 : i32 to index
          %swap3A_762 = arith.constant 96 : index
          %swap3A_763 = tpu.vector_load %arg20[%swap3A_761, %swap3A_762] {strides = array<i32>} : memref<80x128xf32, #tpu.memory_space<vmem>>, vector<1x16xf32>,
          %swap3A_764 = vector.shape_cast %swap3A_763 : vector<1x16xf32> to vector<16xf32>
          %swap3A_765 = vector.shape_cast %mul3A_760 : vector<16xf32> to vector<1x16xf32>
          tpu.vector_store %arg20[%swap3A_761, %swap3A_762], %swap3A_765 {strides = array<i32>} : memref<80x128xf32, #tpu.memory_space<vmem>>, vector<1x16xf32>,
          %get3A_766 = arith.index_cast %add3A_692 : i32 to index
          %get3A_767 = arith.constant 112 : index
          %get3A_768 = tpu.vector_load %arg20[%get3A_766, %get3A_767] {strides = array<i32>} : memref<80x128xf32, #tpu.memory_space<vmem>>, vector<1x16xf32>,
          %get3A_769 = vector.shape_cast %get3A_768 : vector<1x16xf32> to vector<16xf32>
          %mul3A_770 = arith.mulf %get3A_769, %broadcast_in_dim3A_695 : vector<16xf32>
          %swap3A_771 = arith.index_cast %add3A_692 : i32 to index
          %swap3A_772 = arith.constant 112 : index
          %swap3A_773 = tpu.vector_load %arg20[%swap3A_771, %swap3A_772] {strides = array<i32>} : memref<80x128xf32, #tpu.memory_space<vmem>>, vector<1x16xf32>,
          %swap3A_774 = vector.shape_cast %swap3A_773 : vector<1x16xf32> to vector<16xf32>
          %swap3A_775 = vector.shape_cast %mul3A_770 : vector<16xf32> to vector<1x16xf32>
          tpu.vector_store %arg20[%swap3A_771, %swap3A_772], %swap3A_775 {strides = array<i32>} : memref<80x128xf32, #tpu.memory_space<vmem>>, vector<1x16xf32>,
          %mul3A_776 = arith.constant 16 : i32
          %mul3A_777 = arith.muli %scan3A_59, %mul3A_776 : i32
          %add3A_778 = arith.constant 8 : i32
          %add3A_779 = arith.addi %mul3A_777, %add3A_778 : i32
          %slice3A_780 = vector.extract_strided_slice %exp3A {offsets = [8], sizes = [1], strides = [1]} : vector<16xf32> to vector<1xf32>
          %broadcast_in_dim3A_781 = vector.shape_cast %slice3A_780 : vector<1xf32> to vector<1xf32>
          %broadcast_in_dim3A_782 = vector.broadcast %broadcast_in_dim3A_781 : vector<1xf32> to vector<16xf32>
          %get3A_783 = arith.index_cast %add3A_779 : i32 to index
          %get3A_784 = arith.constant 0 : index
          %get3A_785 = tpu.vector_load %arg20[%get3A_783, %get3A_784] {strides = array<i32>} : memref<80x128xf32, #tpu.memory_space<vmem>>, vector<1x16xf32>,
          %get3A_786 = vector.shape_cast %get3A_785 : vector<1x16xf32> to vector<16xf32>
          %mul3A_787 = arith.mulf %get3A_786, %broadcast_in_dim3A_782 : vector<16xf32>
          %swap3A_788 = arith.index_cast %add3A_779 : i32 to index
          %swap3A_789 = arith.constant 0 : index
          %swap3A_790 = tpu.vector_load %arg20[%swap3A_788, %swap3A_789] {strides = array<i32>} : memref<80x128xf32, #tpu.memory_space<vmem>>, vector<1x16xf32>,
          %swap3A_791 = vector.shape_cast %swap3A_790 : vector<1x16xf32> to vector<16xf32>
          %swap3A_792 = vector.shape_cast %mul3A_787 : vector<16xf32> to vector<1x16xf32>
          tpu.vector_store %arg20[%swap3A_788, %swap3A_789], %swap3A_792 {strides = array<i32>} : memref<80x128xf32, #tpu.memory_space<vmem>>, vector<1x16xf32>,
          %get3A_793 = arith.index_cast %add3A_779 : i32 to index
          %get3A_794 = arith.constant 16 : index
          %get3A_795 = tpu.vector_load %arg20[%get3A_793, %get3A_794] {strides = array<i32>} : memref<80x128xf32, #tpu.memory_space<vmem>>, vector<1x16xf32>,
          %get3A_796 = vector.shape_cast %get3A_795 : vector<1x16xf32> to vector<16xf32>
          %mul3A_797 = arith.mulf %get3A_796, %broadcast_in_dim3A_782 : vector<16xf32>
          %swap3A_798 = arith.index_cast %add3A_779 : i32 to index
          %swap3A_799 = arith.constant 16 : index
          %swap3A_800 = tpu.vector_load %arg20[%swap3A_798, %swap3A_799] {strides = array<i32>} : memref<80x128xf32, #tpu.memory_space<vmem>>, vector<1x16xf32>,
          %swap3A_801 = vector.shape_cast %swap3A_800 : vector<1x16xf32> to vector<16xf32>
          %swap3A_802 = vector.shape_cast %mul3A_797 : vector<16xf32> to vector<1x16xf32>
          tpu.vector_store %arg20[%swap3A_798, %swap3A_799], %swap3A_802 {strides = array<i32>} : memref<80x128xf32, #tpu.memory_space<vmem>>, vector<1x16xf32>,
          %get3A_803 = arith.index_cast %add3A_779 : i32 to index
          %get3A_804 = arith.constant 32 : index
          %get3A_805 = tpu.vector_load %arg20[%get3A_803, %get3A_804] {strides = array<i32>} : memref<80x128xf32, #tpu.memory_space<vmem>>, vector<1x16xf32>,
          %get3A_806 = vector.shape_cast %get3A_805 : vector<1x16xf32> to vector<16xf32>
          %mul3A_807 = arith.mulf %get3A_806, %broadcast_in_dim3A_782 : vector<16xf32>
          %swap3A_808 = arith.index_cast %add3A_779 : i32 to index
          %swap3A_809 = arith.constant 32 : index
          %swap3A_810 = tpu.vector_load %arg20[%swap3A_808, %swap3A_809] {strides = array<i32>} : memref<80x128xf32, #tpu.memory_space<vmem>>, vector<1x16xf32>,
          %swap3A_811 = vector.shape_cast %swap3A_810 : vector<1x16xf32> to vector<16xf32>
          %swap3A_812 = vector.shape_cast %mul3A_807 : vector<16xf32> to vector<1x16xf32>
          tpu.vector_store %arg20[%swap3A_808, %swap3A_809], %swap3A_812 {strides = array<i32>} : memref<80x128xf32, #tpu.memory_space<vmem>>, vector<1x16xf32>,
          %get3A_813 = arith.index_cast %add3A_779 : i32 to index
          %get3A_814 = arith.constant 48 : index
          %get3A_815 = tpu.vector_load %arg20[%get3A_813, %get3A_814] {strides = array<i32>} : memref<80x128xf32, #tpu.memory_space<vmem>>, vector<1x16xf32>,
          %get3A_816 = vector.shape_cast %get3A_815 : vector<1x16xf32> to vector<16xf32>
          %mul3A_817 = arith.mulf %get3A_816, %broadcast_in_dim3A_782 : vector<16xf32>
          %swap3A_818 = arith.index_cast %add3A_779 : i32 to index
          %swap3A_819 = arith.constant 48 : index
          %swap3A_820 = tpu.vector_load %arg20[%swap3A_818, %swap3A_819] {strides = array<i32>} : memref<80x128xf32, #tpu.memory_space<vmem>>, vector<1x16xf32>,
          %swap3A_821 = vector.shape_cast %swap3A_820 : vector<1x16xf32> to vector<16xf32>
          %swap3A_822 = vector.shape_cast %mul3A_817 : vector<16xf32> to vector<1x16xf32>
          tpu.vector_store %arg20[%swap3A_818, %swap3A_819], %swap3A_822 {strides = array<i32>} : memref<80x128xf32, #tpu.memory_space<vmem>>, vector<1x16xf32>,
          %get3A_823 = arith.index_cast %add3A_779 : i32 to index
          %get3A_824 = arith.constant 64 : index
          %get3A_825 = tpu.vector_load %arg20[%get3A_823, %get3A_824] {strides = array<i32>} : memref<80x128xf32, #tpu.memory_space<vmem>>, vector<1x16xf32>,
          %get3A_826 = vector.shape_cast %get3A_825 : vector<1x16xf32> to vector<16xf32>
          %mul3A_827 = arith.mulf %get3A_826, %broadcast_in_dim3A_782 : vector<16xf32>
          %swap3A_828 = arith.index_cast %add3A_779 : i32 to index
          %swap3A_829 = arith.constant 64 : index
          %swap3A_830 = tpu.vector_load %arg20[%swap3A_828, %swap3A_829] {strides = array<i32>} : memref<80x128xf32, #tpu.memory_space<vmem>>, vector<1x16xf32>,
          %swap3A_831 = vector.shape_cast %swap3A_830 : vector<1x16xf32> to vector<16xf32>
          %swap3A_832 = vector.shape_cast %mul3A_827 : vector<16xf32> to vector<1x16xf32>
          tpu.vector_store %arg20[%swap3A_828, %swap3A_829], %swap3A_832 {strides = array<i32>} : memref<80x128xf32, #tpu.memory_space<vmem>>, vector<1x16xf32>,
          %get3A_833 = arith.index_cast %add3A_779 : i32 to index
          %get3A_834 = arith.constant 80 : index
          %get3A_835 = tpu.vector_load %arg20[%get3A_833, %get3A_834] {strides = array<i32>} : memref<80x128xf32, #tpu.memory_space<vmem>>, vector<1x16xf32>,
          %get3A_836 = vector.shape_cast %get3A_835 : vector<1x16xf32> to vector<16xf32>
          %mul3A_837 = arith.mulf %get3A_836, %broadcast_in_dim3A_782 : vector<16xf32>
          %swap3A_838 = arith.index_cast %add3A_779 : i32 to index
          %swap3A_839 = arith.constant 80 : index
          %swap3A_840 = tpu.vector_load %arg20[%swap3A_838, %swap3A_839] {strides = array<i32>} : memref<80x128xf32, #tpu.memory_space<vmem>>, vector<1x16xf32>,
          %swap3A_841 = vector.shape_cast %swap3A_840 : vector<1x16xf32> to vector<16xf32>
          %swap3A_842 = vector.shape_cast %mul3A_837 : vector<16xf32> to vector<1x16xf32>
          tpu.vector_store %arg20[%swap3A_838, %swap3A_839], %swap3A_842 {strides = array<i32>} : memref<80x128xf32, #tpu.memory_space<vmem>>, vector<1x16xf32>,
          %get3A_843 = arith.index_cast %add3A_779 : i32 to index
          %get3A_844 = arith.constant 96 : index
          %get3A_845 = tpu.vector_load %arg20[%get3A_843, %get3A_844] {strides = array<i32>} : memref<80x128xf32, #tpu.memory_space<vmem>>, vector<1x16xf32>,
          %get3A_846 = vector.shape_cast %get3A_845 : vector<1x16xf32> to vector<16xf32>
          %mul3A_847 = arith.mulf %get3A_846, %broadcast_in_dim3A_782 : vector<16xf32>
          %swap3A_848 = arith.index_cast %add3A_779 : i32 to index
          %swap3A_849 = arith.constant 96 : index
          %swap3A_850 = tpu.vector_load %arg20[%swap3A_848, %swap3A_849] {strides = array<i32>} : memref<80x128xf32, #tpu.memory_space<vmem>>, vector<1x16xf32>,
          %swap3A_851 = vector.shape_cast %swap3A_850 : vector<1x16xf32> to vector<16xf32>
          %swap3A_852 = vector.shape_cast %mul3A_847 : vector<16xf32> to vector<1x16xf32>
          tpu.vector_store %arg20[%swap3A_848, %swap3A_849], %swap3A_852 {strides = array<i32>} : memref<80x128xf32, #tpu.memory_space<vmem>>, vector<1x16xf32>,
          %get3A_853 = arith.index_cast %add3A_779 : i32 to index
          %get3A_854 = arith.constant 112 : index
          %get3A_855 = tpu.vector_load %arg20[%get3A_853, %get3A_854] {strides = array<i32>} : memref<80x128xf32, #tpu.memory_space<vmem>>, vector<1x16xf32>,
          %get3A_856 = vector.shape_cast %get3A_855 : vector<1x16xf32> to vector<16xf32>
          %mul3A_857 = arith.mulf %get3A_856, %broadcast_in_dim3A_782 : vector<16xf32>
          %swap3A_858 = arith.index_cast %add3A_779 : i32 to index
          %swap3A_859 = arith.constant 112 : index
          %swap3A_860 = tpu.vector_load %arg20[%swap3A_858, %swap3A_859] {strides = array<i32>} : memref<80x128xf32, #tpu.memory_space<vmem>>, vector<1x16xf32>,
          %swap3A_861 = vector.shape_cast %swap3A_860 : vector<1x16xf32> to vector<16xf32>
          %swap3A_862 = vector.shape_cast %mul3A_857 : vector<16xf32> to vector<1x16xf32>
          tpu.vector_store %arg20[%swap3A_858, %swap3A_859], %swap3A_862 {strides = array<i32>} : memref<80x128xf32, #tpu.memory_space<vmem>>, vector<1x16xf32>,
          %mul3A_863 = arith.constant 16 : i32
          %mul3A_864 = arith.muli %scan3A_59, %mul3A_863 : i32
          %add3A_865 = arith.constant 9 : i32
          %add3A_866 = arith.addi %mul3A_864, %add3A_865 : i32
          %slice3A_867 = vector.extract_strided_slice %exp3A {offsets = [9], sizes = [1], strides = [1]} : vector<16xf32> to vector<1xf32>
          %broadcast_in_dim3A_868 = vector.shape_cast %slice3A_867 : vector<1xf32> to vector<1xf32>
          %broadcast_in_dim3A_869 = vector.broadcast %broadcast_in_dim3A_868 : vector<1xf32> to vector<16xf32>
          %get3A_870 = arith.index_cast %add3A_866 : i32 to index
          %get3A_871 = arith.constant 0 : index
          %get3A_872 = tpu.vector_load %arg20[%get3A_870, %get3A_871] {strides = array<i32>} : memref<80x128xf32, #tpu.memory_space<vmem>>, vector<1x16xf32>,
          %get3A_873 = vector.shape_cast %get3A_872 : vector<1x16xf32> to vector<16xf32>
          %mul3A_874 = arith.mulf %get3A_873, %broadcast_in_dim3A_869 : vector<16xf32>
          %swap3A_875 = arith.index_cast %add3A_866 : i32 to index
          %swap3A_876 = arith.constant 0 : index
          %swap3A_877 = tpu.vector_load %arg20[%swap3A_875, %swap3A_876] {strides = array<i32>} : memref<80x128xf32, #tpu.memory_space<vmem>>, vector<1x16xf32>,
          %swap3A_878 = vector.shape_cast %swap3A_877 : vector<1x16xf32> to vector<16xf32>
          %swap3A_879 = vector.shape_cast %mul3A_874 : vector<16xf32> to vector<1x16xf32>
          tpu.vector_store %arg20[%swap3A_875, %swap3A_876], %swap3A_879 {strides = array<i32>} : memref<80x128xf32, #tpu.memory_space<vmem>>, vector<1x16xf32>,
          %get3A_880 = arith.index_cast %add3A_866 : i32 to index
          %get3A_881 = arith.constant 16 : index
          %get3A_882 = tpu.vector_load %arg20[%get3A_880, %get3A_881] {strides = array<i32>} : memref<80x128xf32, #tpu.memory_space<vmem>>, vector<1x16xf32>,
          %get3A_883 = vector.shape_cast %get3A_882 : vector<1x16xf32> to vector<16xf32>
          %mul3A_884 = arith.mulf %get3A_883, %broadcast_in_dim3A_869 : vector<16xf32>
          %swap3A_885 = arith.index_cast %add3A_866 : i32 to index
          %swap3A_886 = arith.constant 16 : index
          %swap3A_887 = tpu.vector_load %arg20[%swap3A_885, %swap3A_886] {strides = array<i32>} : memref<80x128xf32, #tpu.memory_space<vmem>>, vector<1x16xf32>,
          %swap3A_888 = vector.shape_cast %swap3A_887 : vector<1x16xf32> to vector<16xf32>
          %swap3A_889 = vector.shape_cast %mul3A_884 : vector<16xf32> to vector<1x16xf32>
          tpu.vector_store %arg20[%swap3A_885, %swap3A_886], %swap3A_889 {strides = array<i32>} : memref<80x128xf32, #tpu.memory_space<vmem>>, vector<1x16xf32>,
          %get3A_890 = arith.index_cast %add3A_866 : i32 to index
          %get3A_891 = arith.constant 32 : index
          %get3A_892 = tpu.vector_load %arg20[%get3A_890, %get3A_891] {strides = array<i32>} : memref<80x128xf32, #tpu.memory_space<vmem>>, vector<1x16xf32>,
          %get3A_893 = vector.shape_cast %get3A_892 : vector<1x16xf32> to vector<16xf32>
          %mul3A_894 = arith.mulf %get3A_893, %broadcast_in_dim3A_869 : vector<16xf32>
          %swap3A_895 = arith.index_cast %add3A_866 : i32 to index
          %swap3A_896 = arith.constant 32 : index
          %swap3A_897 = tpu.vector_load %arg20[%swap3A_895, %swap3A_896] {strides = array<i32>} : memref<80x128xf32, #tpu.memory_space<vmem>>, vector<1x16xf32>,
          %swap3A_898 = vector.shape_cast %swap3A_897 : vector<1x16xf32> to vector<16xf32>
          %swap3A_899 = vector.shape_cast %mul3A_894 : vector<16xf32> to vector<1x16xf32>
          tpu.vector_store %arg20[%swap3A_895, %swap3A_896], %swap3A_899 {strides = array<i32>} : memref<80x128xf32, #tpu.memory_space<vmem>>, vector<1x16xf32>,
          %get3A_900 = arith.index_cast %add3A_866 : i32 to index
          %get3A_901 = arith.constant 48 : index
          %get3A_902 = tpu.vector_load %arg20[%get3A_900, %get3A_901] {strides = array<i32>} : memref<80x128xf32, #tpu.memory_space<vmem>>, vector<1x16xf32>,
          %get3A_903 = vector.shape_cast %get3A_902 : vector<1x16xf32> to vector<16xf32>
          %mul3A_904 = arith.mulf %get3A_903, %broadcast_in_dim3A_869 : vector<16xf32>
          %swap3A_905 = arith.index_cast %add3A_866 : i32 to index
          %swap3A_906 = arith.constant 48 : index
          %swap3A_907 = tpu.vector_load %arg20[%swap3A_905, %swap3A_906] {strides = array<i32>} : memref<80x128xf32, #tpu.memory_space<vmem>>, vector<1x16xf32>,
          %swap3A_908 = vector.shape_cast %swap3A_907 : vector<1x16xf32> to vector<16xf32>
          %swap3A_909 = vector.shape_cast %mul3A_904 : vector<16xf32> to vector<1x16xf32>
          tpu.vector_store %arg20[%swap3A_905, %swap3A_906], %swap3A_909 {strides = array<i32>} : memref<80x128xf32, #tpu.memory_space<vmem>>, vector<1x16xf32>,
          %get3A_910 = arith.index_cast %add3A_866 : i32 to index
          %get3A_911 = arith.constant 64 : index
          %get3A_912 = tpu.vector_load %arg20[%get3A_910, %get3A_911] {strides = array<i32>} : memref<80x128xf32, #tpu.memory_space<vmem>>, vector<1x16xf32>,
          %get3A_913 = vector.shape_cast %get3A_912 : vector<1x16xf32> to vector<16xf32>
          %mul3A_914 = arith.mulf %get3A_913, %broadcast_in_dim3A_869 : vector<16xf32>
          %swap3A_915 = arith.index_cast %add3A_866 : i32 to index
          %swap3A_916 = arith.constant 64 : index
          %swap3A_917 = tpu.vector_load %arg20[%swap3A_915, %swap3A_916] {strides = array<i32>} : memref<80x128xf32, #tpu.memory_space<vmem>>, vector<1x16xf32>,
          %swap3A_918 = vector.shape_cast %swap3A_917 : vector<1x16xf32> to vector<16xf32>
          %swap3A_919 = vector.shape_cast %mul3A_914 : vector<16xf32> to vector<1x16xf32>
          tpu.vector_store %arg20[%swap3A_915, %swap3A_916], %swap3A_919 {strides = array<i32>} : memref<80x128xf32, #tpu.memory_space<vmem>>, vector<1x16xf32>,
          %get3A_920 = arith.index_cast %add3A_866 : i32 to index
          %get3A_921 = arith.constant 80 : index
          %get3A_922 = tpu.vector_load %arg20[%get3A_920, %get3A_921] {strides = array<i32>} : memref<80x128xf32, #tpu.memory_space<vmem>>, vector<1x16xf32>,
          %get3A_923 = vector.shape_cast %get3A_922 : vector<1x16xf32> to vector<16xf32>
          %mul3A_924 = arith.mulf %get3A_923, %broadcast_in_dim3A_869 : vector<16xf32>
          %swap3A_925 = arith.index_cast %add3A_866 : i32 to index
          %swap3A_926 = arith.constant 80 : index
          %swap3A_927 = tpu.vector_load %arg20[%swap3A_925, %swap3A_926] {strides = array<i32>} : memref<80x128xf32, #tpu.memory_space<vmem>>, vector<1x16xf32>,
          %swap3A_928 = vector.shape_cast %swap3A_927 : vector<1x16xf32> to vector<16xf32>
          %swap3A_929 = vector.shape_cast %mul3A_924 : vector<16xf32> to vector<1x16xf32>
          tpu.vector_store %arg20[%swap3A_925, %swap3A_926], %swap3A_929 {strides = array<i32>} : memref<80x128xf32, #tpu.memory_space<vmem>>, vector<1x16xf32>,
          %get3A_930 = arith.index_cast %add3A_866 : i32 to index
          %get3A_931 = arith.constant 96 : index
          %get3A_932 = tpu.vector_load %arg20[%get3A_930, %get3A_931] {strides = array<i32>} : memref<80x128xf32, #tpu.memory_space<vmem>>, vector<1x16xf32>,
          %get3A_933 = vector.shape_cast %get3A_932 : vector<1x16xf32> to vector<16xf32>
          %mul3A_934 = arith.mulf %get3A_933, %broadcast_in_dim3A_869 : vector<16xf32>
          %swap3A_935 = arith.index_cast %add3A_866 : i32 to index
          %swap3A_936 = arith.constant 96 : index
          %swap3A_937 = tpu.vector_load %arg20[%swap3A_935, %swap3A_936] {strides = array<i32>} : memref<80x128xf32, #tpu.memory_space<vmem>>, vector<1x16xf32>,
          %swap3A_938 = vector.shape_cast %swap3A_937 : vector<1x16xf32> to vector<16xf32>
          %swap3A_939 = vector.shape_cast %mul3A_934 : vector<16xf32> to vector<1x16xf32>
          tpu.vector_store %arg20[%swap3A_935, %swap3A_936], %swap3A_939 {strides = array<i32>} : memref<80x128xf32, #tpu.memory_space<vmem>>, vector<1x16xf32>,
          %get3A_940 = arith.index_cast %add3A_866 : i32 to index
          %get3A_941 = arith.constant 112 : index
          %get3A_942 = tpu.vector_load %arg20[%get3A_940, %get3A_941] {strides = array<i32>} : memref<80x128xf32, #tpu.memory_space<vmem>>, vector<1x16xf32>,
          %get3A_943 = vector.shape_cast %get3A_942 : vector<1x16xf32> to vector<16xf32>
          %mul3A_944 = arith.mulf %get3A_943, %broadcast_in_dim3A_869 : vector<16xf32>
          %swap3A_945 = arith.index_cast %add3A_866 : i32 to index
          %swap3A_946 = arith.constant 112 : index
          %swap3A_947 = tpu.vector_load %arg20[%swap3A_945, %swap3A_946] {strides = array<i32>} : memref<80x128xf32, #tpu.memory_space<vmem>>, vector<1x16xf32>,
          %swap3A_948 = vector.shape_cast %swap3A_947 : vector<1x16xf32> to vector<16xf32>
          %swap3A_949 = vector.shape_cast %mul3A_944 : vector<16xf32> to vector<1x16xf32>
          tpu.vector_store %arg20[%swap3A_945, %swap3A_946], %swap3A_949 {strides = array<i32>} : memref<80x128xf32, #tpu.memory_space<vmem>>, vector<1x16xf32>,
          %mul3A_950 = arith.constant 16 : i32
          %mul3A_951 = arith.muli %scan3A_59, %mul3A_950 : i32
          %add3A_952 = arith.constant 10 : i32
          %add3A_953 = arith.addi %mul3A_951, %add3A_952 : i32
          %slice3A_954 = vector.extract_strided_slice %exp3A {offsets = [10], sizes = [1], strides = [1]} : vector<16xf32> to vector<1xf32>
          %broadcast_in_dim3A_955 = vector.shape_cast %slice3A_954 : vector<1xf32> to vector<1xf32>
          %broadcast_in_dim3A_956 = vector.broadcast %broadcast_in_dim3A_955 : vector<1xf32> to vector<16xf32>
          %get3A_957 = arith.index_cast %add3A_953 : i32 to index
          %get3A_958 = arith.constant 0 : index
          %get3A_959 = tpu.vector_load %arg20[%get3A_957, %get3A_958] {strides = array<i32>} : memref<80x128xf32, #tpu.memory_space<vmem>>, vector<1x16xf32>,
          %get3A_960 = vector.shape_cast %get3A_959 : vector<1x16xf32> to vector<16xf32>
          %mul3A_961 = arith.mulf %get3A_960, %broadcast_in_dim3A_956 : vector<16xf32>
          %swap3A_962 = arith.index_cast %add3A_953 : i32 to index
          %swap3A_963 = arith.constant 0 : index
          %swap3A_964 = tpu.vector_load %arg20[%swap3A_962, %swap3A_963] {strides = array<i32>} : memref<80x128xf32, #tpu.memory_space<vmem>>, vector<1x16xf32>,
          %swap3A_965 = vector.shape_cast %swap3A_964 : vector<1x16xf32> to vector<16xf32>
          %swap3A_966 = vector.shape_cast %mul3A_961 : vector<16xf32> to vector<1x16xf32>
          tpu.vector_store %arg20[%swap3A_962, %swap3A_963], %swap3A_966 {strides = array<i32>} : memref<80x128xf32, #tpu.memory_space<vmem>>, vector<1x16xf32>,
          %get3A_967 = arith.index_cast %add3A_953 : i32 to index
          %get3A_968 = arith.constant 16 : index
          %get3A_969 = tpu.vector_load %arg20[%get3A_967, %get3A_968] {strides = array<i32>} : memref<80x128xf32, #tpu.memory_space<vmem>>, vector<1x16xf32>,
          %get3A_970 = vector.shape_cast %get3A_969 : vector<1x16xf32> to vector<16xf32>
          %mul3A_971 = arith.mulf %get3A_970, %broadcast_in_dim3A_956 : vector<16xf32>
          %swap3A_972 = arith.index_cast %add3A_953 : i32 to index
          %swap3A_973 = arith.constant 16 : index
          %swap3A_974 = tpu.vector_load %arg20[%swap3A_972, %swap3A_973] {strides = array<i32>} : memref<80x128xf32, #tpu.memory_space<vmem>>, vector<1x16xf32>,
          %swap3A_975 = vector.shape_cast %swap3A_974 : vector<1x16xf32> to vector<16xf32>
          %swap3A_976 = vector.shape_cast %mul3A_971 : vector<16xf32> to vector<1x16xf32>
          tpu.vector_store %arg20[%swap3A_972, %swap3A_973], %swap3A_976 {strides = array<i32>} : memref<80x128xf32, #tpu.memory_space<vmem>>, vector<1x16xf32>,
          %get3A_977 = arith.index_cast %add3A_953 : i32 to index
          %get3A_978 = arith.constant 32 : index
          %get3A_979 = tpu.vector_load %arg20[%get3A_977, %get3A_978] {strides = array<i32>} : memref<80x128xf32, #tpu.memory_space<vmem>>, vector<1x16xf32>,
          %get3A_980 = vector.shape_cast %get3A_979 : vector<1x16xf32> to vector<16xf32>
          %mul3A_981 = arith.mulf %get3A_980, %broadcast_in_dim3A_956 : vector<16xf32>
          %swap3A_982 = arith.index_cast %add3A_953 : i32 to index
          %swap3A_983 = arith.constant 32 : index
          %swap3A_984 = tpu.vector_load %arg20[%swap3A_982, %swap3A_983] {strides = array<i32>} : memref<80x128xf32, #tpu.memory_space<vmem>>, vector<1x16xf32>,
          %swap3A_985 = vector.shape_cast %swap3A_984 : vector<1x16xf32> to vector<16xf32>
          %swap3A_986 = vector.shape_cast %mul3A_981 : vector<16xf32> to vector<1x16xf32>
          tpu.vector_store %arg20[%swap3A_982, %swap3A_983], %swap3A_986 {strides = array<i32>} : memref<80x128xf32, #tpu.memory_space<vmem>>, vector<1x16xf32>,
          %get3A_987 = arith.index_cast %add3A_953 : i32 to index
          %get3A_988 = arith.constant 48 : index
          %get3A_989 = tpu.vector_load %arg20[%get3A_987, %get3A_988] {strides = array<i32>} : memref<80x128xf32, #tpu.memory_space<vmem>>, vector<1x16xf32>,
          %get3A_990 = vector.shape_cast %get3A_989 : vector<1x16xf32> to vector<16xf32>
          %mul3A_991 = arith.mulf %get3A_990, %broadcast_in_dim3A_956 : vector<16xf32>
          %swap3A_992 = arith.index_cast %add3A_953 : i32 to index
          %swap3A_993 = arith.constant 48 : index
          %swap3A_994 = tpu.vector_load %arg20[%swap3A_992, %swap3A_993] {strides = array<i32>} : memref<80x128xf32, #tpu.memory_space<vmem>>, vector<1x16xf32>,
          %swap3A_995 = vector.shape_cast %swap3A_994 : vector<1x16xf32> to vector<16xf32>
          %swap3A_996 = vector.shape_cast %mul3A_991 : vector<16xf32> to vector<1x16xf32>
          tpu.vector_store %arg20[%swap3A_992, %swap3A_993], %swap3A_996 {strides = array<i32>} : memref<80x128xf32, #tpu.memory_space<vmem>>, vector<1x16xf32>,
          %get3A_997 = arith.index_cast %add3A_953 : i32 to index
          %get3A_998 = arith.constant 64 : index
          %get3A_999 = tpu.vector_load %arg20[%get3A_997, %get3A_998] {strides = array<i32>} : memref<80x128xf32, #tpu.memory_space<vmem>>, vector<1x16xf32>,
          %get3A_1000 = vector.shape_cast %get3A_999 : vector<1x16xf32> to vector<16xf32>
          %mul3A_1001 = arith.mulf %get3A_1000, %broadcast_in_dim3A_956 : vector<16xf32>
          %swap3A_1002 = arith.index_cast %add3A_953 : i32 to index
          %swap3A_1003 = arith.constant 64 : index
          %swap3A_1004 = tpu.vector_load %arg20[%swap3A_1002, %swap3A_1003] {strides = array<i32>} : memref<80x128xf32, #tpu.memory_space<vmem>>, vector<1x16xf32>,
          %swap3A_1005 = vector.shape_cast %swap3A_1004 : vector<1x16xf32> to vector<16xf32>
          %swap3A_1006 = vector.shape_cast %mul3A_1001 : vector<16xf32> to vector<1x16xf32>
          tpu.vector_store %arg20[%swap3A_1002, %swap3A_1003], %swap3A_1006 {strides = array<i32>} : memref<80x128xf32, #tpu.memory_space<vmem>>, vector<1x16xf32>,
          %get3A_1007 = arith.index_cast %add3A_953 : i32 to index
          %get3A_1008 = arith.constant 80 : index
          %get3A_1009 = tpu.vector_load %arg20[%get3A_1007, %get3A_1008] {strides = array<i32>} : memref<80x128xf32, #tpu.memory_space<vmem>>, vector<1x16xf32>,
          %get3A_1010 = vector.shape_cast %get3A_1009 : vector<1x16xf32> to vector<16xf32>
          %mul3A_1011 = arith.mulf %get3A_1010, %broadcast_in_dim3A_956 : vector<16xf32>
          %swap3A_1012 = arith.index_cast %add3A_953 : i32 to index
          %swap3A_1013 = arith.constant 80 : index
          %swap3A_1014 = tpu.vector_load %arg20[%swap3A_1012, %swap3A_1013] {strides = array<i32>} : memref<80x128xf32, #tpu.memory_space<vmem>>, vector<1x16xf32>,
          %swap3A_1015 = vector.shape_cast %swap3A_1014 : vector<1x16xf32> to vector<16xf32>
          %swap3A_1016 = vector.shape_cast %mul3A_1011 : vector<16xf32> to vector<1x16xf32>
          tpu.vector_store %arg20[%swap3A_1012, %swap3A_1013], %swap3A_1016 {strides = array<i32>} : memref<80x128xf32, #tpu.memory_space<vmem>>, vector<1x16xf32>,
          %get3A_1017 = arith.index_cast %add3A_953 : i32 to index
          %get3A_1018 = arith.constant 96 : index
          %get3A_1019 = tpu.vector_load %arg20[%get3A_1017, %get3A_1018] {strides = array<i32>} : memref<80x128xf32, #tpu.memory_space<vmem>>, vector<1x16xf32>,
          %get3A_1020 = vector.shape_cast %get3A_1019 : vector<1x16xf32> to vector<16xf32>
          %mul3A_1021 = arith.mulf %get3A_1020, %broadcast_in_dim3A_956 : vector<16xf32>
          %swap3A_1022 = arith.index_cast %add3A_953 : i32 to index
          %swap3A_1023 = arith.constant 96 : index
          %swap3A_1024 = tpu.vector_load %arg20[%swap3A_1022, %swap3A_1023] {strides = array<i32>} : memref<80x128xf32, #tpu.memory_space<vmem>>, vector<1x16xf32>,
          %swap3A_1025 = vector.shape_cast %swap3A_1024 : vector<1x16xf32> to vector<16xf32>
          %swap3A_1026 = vector.shape_cast %mul3A_1021 : vector<16xf32> to vector<1x16xf32>
          tpu.vector_store %arg20[%swap3A_1022, %swap3A_1023], %swap3A_1026 {strides = array<i32>} : memref<80x128xf32, #tpu.memory_space<vmem>>, vector<1x16xf32>,
          %get3A_1027 = arith.index_cast %add3A_953 : i32 to index
          %get3A_1028 = arith.constant 112 : index
          %get3A_1029 = tpu.vector_load %arg20[%get3A_1027, %get3A_1028] {strides = array<i32>} : memref<80x128xf32, #tpu.memory_space<vmem>>, vector<1x16xf32>,
          %get3A_1030 = vector.shape_cast %get3A_1029 : vector<1x16xf32> to vector<16xf32>
          %mul3A_1031 = arith.mulf %get3A_1030, %broadcast_in_dim3A_956 : vector<16xf32>
          %swap3A_1032 = arith.index_cast %add3A_953 : i32 to index
          %swap3A_1033 = arith.constant 112 : index
          %swap3A_1034 = tpu.vector_load %arg20[%swap3A_1032, %swap3A_1033] {strides = array<i32>} : memref<80x128xf32, #tpu.memory_space<vmem>>, vector<1x16xf32>,
          %swap3A_1035 = vector.shape_cast %swap3A_1034 : vector<1x16xf32> to vector<16xf32>
          %swap3A_1036 = vector.shape_cast %mul3A_1031 : vector<16xf32> to vector<1x16xf32>
          tpu.vector_store %arg20[%swap3A_1032, %swap3A_1033], %swap3A_1036 {strides = array<i32>} : memref<80x128xf32, #tpu.memory_space<vmem>>, vector<1x16xf32>,
          %mul3A_1037 = arith.constant 16 : i32
          %mul3A_1038 = arith.muli %scan3A_59, %mul3A_1037 : i32
          %add3A_1039 = arith.constant 11 : i32
          %add3A_1040 = arith.addi %mul3A_1038, %add3A_1039 : i32
          %slice3A_1041 = vector.extract_strided_slice %exp3A {offsets = [11], sizes = [1], strides = [1]} : vector<16xf32> to vector<1xf32>
          %broadcast_in_dim3A_1042 = vector.shape_cast %slice3A_1041 : vector<1xf32> to vector<1xf32>
          %broadcast_in_dim3A_1043 = vector.broadcast %broadcast_in_dim3A_1042 : vector<1xf32> to vector<16xf32>
          %get3A_1044 = arith.index_cast %add3A_1040 : i32 to index
          %get3A_1045 = arith.constant 0 : index
          %get3A_1046 = tpu.vector_load %arg20[%get3A_1044, %get3A_1045] {strides = array<i32>} : memref<80x128xf32, #tpu.memory_space<vmem>>, vector<1x16xf32>,
          %get3A_1047 = vector.shape_cast %get3A_1046 : vector<1x16xf32> to vector<16xf32>
          %mul3A_1048 = arith.mulf %get3A_1047, %broadcast_in_dim3A_1043 : vector<16xf32>
          %swap3A_1049 = arith.index_cast %add3A_1040 : i32 to index
          %swap3A_1050 = arith.constant 0 : index
          %swap3A_1051 = tpu.vector_load %arg20[%swap3A_1049, %swap3A_1050] {strides = array<i32>} : memref<80x128xf32, #tpu.memory_space<vmem>>, vector<1x16xf32>,
          %swap3A_1052 = vector.shape_cast %swap3A_1051 : vector<1x16xf32> to vector<16xf32>
          %swap3A_1053 = vector.shape_cast %mul3A_1048 : vector<16xf32> to vector<1x16xf32>
          tpu.vector_store %arg20[%swap3A_1049, %swap3A_1050], %swap3A_1053 {strides = array<i32>} : memref<80x128xf32, #tpu.memory_space<vmem>>, vector<1x16xf32>,
          %get3A_1054 = arith.index_cast %add3A_1040 : i32 to index
          %get3A_1055 = arith.constant 16 : index
          %get3A_1056 = tpu.vector_load %arg20[%get3A_1054, %get3A_1055] {strides = array<i32>} : memref<80x128xf32, #tpu.memory_space<vmem>>, vector<1x16xf32>,
          %get3A_1057 = vector.shape_cast %get3A_1056 : vector<1x16xf32> to vector<16xf32>
          %mul3A_1058 = arith.mulf %get3A_1057, %broadcast_in_dim3A_1043 : vector<16xf32>
          %swap3A_1059 = arith.index_cast %add3A_1040 : i32 to index
          %swap3A_1060 = arith.constant 16 : index
          %swap3A_1061 = tpu.vector_load %arg20[%swap3A_1059, %swap3A_1060] {strides = array<i32>} : memref<80x128xf32, #tpu.memory_space<vmem>>, vector<1x16xf32>,
          %swap3A_1062 = vector.shape_cast %swap3A_1061 : vector<1x16xf32> to vector<16xf32>
          %swap3A_1063 = vector.shape_cast %mul3A_1058 : vector<16xf32> to vector<1x16xf32>
          tpu.vector_store %arg20[%swap3A_1059, %swap3A_1060], %swap3A_1063 {strides = array<i32>} : memref<80x128xf32, #tpu.memory_space<vmem>>, vector<1x16xf32>,
          %get3A_1064 = arith.index_cast %add3A_1040 : i32 to index
          %get3A_1065 = arith.constant 32 : index
          %get3A_1066 = tpu.vector_load %arg20[%get3A_1064, %get3A_1065] {strides = array<i32>} : memref<80x128xf32, #tpu.memory_space<vmem>>, vector<1x16xf32>,
          %get3A_1067 = vector.shape_cast %get3A_1066 : vector<1x16xf32> to vector<16xf32>
          %mul3A_1068 = arith.mulf %get3A_1067, %broadcast_in_dim3A_1043 : vector<16xf32>
          %swap3A_1069 = arith.index_cast %add3A_1040 : i32 to index
          %swap3A_1070 = arith.constant 32 : index
          %swap3A_1071 = tpu.vector_load %arg20[%swap3A_1069, %swap3A_1070] {strides = array<i32>} : memref<80x128xf32, #tpu.memory_space<vmem>>, vector<1x16xf32>,
          %swap3A_1072 = vector.shape_cast %swap3A_1071 : vector<1x16xf32> to vector<16xf32>
          %swap3A_1073 = vector.shape_cast %mul3A_1068 : vector<16xf32> to vector<1x16xf32>
          tpu.vector_store %arg20[%swap3A_1069, %swap3A_1070], %swap3A_1073 {strides = array<i32>} : memref<80x128xf32, #tpu.memory_space<vmem>>, vector<1x16xf32>,
          %get3A_1074 = arith.index_cast %add3A_1040 : i32 to index
          %get3A_1075 = arith.constant 48 : index
          %get3A_1076 = tpu.vector_load %arg20[%get3A_1074, %get3A_1075] {strides = array<i32>} : memref<80x128xf32, #tpu.memory_space<vmem>>, vector<1x16xf32>,
          %get3A_1077 = vector.shape_cast %get3A_1076 : vector<1x16xf32> to vector<16xf32>
          %mul3A_1078 = arith.mulf %get3A_1077, %broadcast_in_dim3A_1043 : vector<16xf32>
          %swap3A_1079 = arith.index_cast %add3A_1040 : i32 to index
          %swap3A_1080 = arith.constant 48 : index
          %swap3A_1081 = tpu.vector_load %arg20[%swap3A_1079, %swap3A_1080] {strides = array<i32>} : memref<80x128xf32, #tpu.memory_space<vmem>>, vector<1x16xf32>,
          %swap3A_1082 = vector.shape_cast %swap3A_1081 : vector<1x16xf32> to vector<16xf32>
          %swap3A_1083 = vector.shape_cast %mul3A_1078 : vector<16xf32> to vector<1x16xf32>
          tpu.vector_store %arg20[%swap3A_1079, %swap3A_1080], %swap3A_1083 {strides = array<i32>} : memref<80x128xf32, #tpu.memory_space<vmem>>, vector<1x16xf32>,
          %get3A_1084 = arith.index_cast %add3A_1040 : i32 to index
          %get3A_1085 = arith.constant 64 : index
          %get3A_1086 = tpu.vector_load %arg20[%get3A_1084, %get3A_1085] {strides = array<i32>} : memref<80x128xf32, #tpu.memory_space<vmem>>, vector<1x16xf32>,
          %get3A_1087 = vector.shape_cast %get3A_1086 : vector<1x16xf32> to vector<16xf32>
          %mul3A_1088 = arith.mulf %get3A_1087, %broadcast_in_dim3A_1043 : vector<16xf32>
          %swap3A_1089 = arith.index_cast %add3A_1040 : i32 to index
          %swap3A_1090 = arith.constant 64 : index
          %swap3A_1091 = tpu.vector_load %arg20[%swap3A_1089, %swap3A_1090] {strides = array<i32>} : memref<80x128xf32, #tpu.memory_space<vmem>>, vector<1x16xf32>,
          %swap3A_1092 = vector.shape_cast %swap3A_1091 : vector<1x16xf32> to vector<16xf32>
          %swap3A_1093 = vector.shape_cast %mul3A_1088 : vector<16xf32> to vector<1x16xf32>
          tpu.vector_store %arg20[%swap3A_1089, %swap3A_1090], %swap3A_1093 {strides = array<i32>} : memref<80x128xf32, #tpu.memory_space<vmem>>, vector<1x16xf32>,
          %get3A_1094 = arith.index_cast %add3A_1040 : i32 to index
          %get3A_1095 = arith.constant 80 : index
          %get3A_1096 = tpu.vector_load %arg20[%get3A_1094, %get3A_1095] {strides = array<i32>} : memref<80x128xf32, #tpu.memory_space<vmem>>, vector<1x16xf32>,
          %get3A_1097 = vector.shape_cast %get3A_1096 : vector<1x16xf32> to vector<16xf32>
          %mul3A_1098 = arith.mulf %get3A_1097, %broadcast_in_dim3A_1043 : vector<16xf32>
          %swap3A_1099 = arith.index_cast %add3A_1040 : i32 to index
          %swap3A_1100 = arith.constant 80 : index
          %swap3A_1101 = tpu.vector_load %arg20[%swap3A_1099, %swap3A_1100] {strides = array<i32>} : memref<80x128xf32, #tpu.memory_space<vmem>>, vector<1x16xf32>,
          %swap3A_1102 = vector.shape_cast %swap3A_1101 : vector<1x16xf32> to vector<16xf32>
          %swap3A_1103 = vector.shape_cast %mul3A_1098 : vector<16xf32> to vector<1x16xf32>
          tpu.vector_store %arg20[%swap3A_1099, %swap3A_1100], %swap3A_1103 {strides = array<i32>} : memref<80x128xf32, #tpu.memory_space<vmem>>, vector<1x16xf32>,
          %get3A_1104 = arith.index_cast %add3A_1040 : i32 to index
          %get3A_1105 = arith.constant 96 : index
          %get3A_1106 = tpu.vector_load %arg20[%get3A_1104, %get3A_1105] {strides = array<i32>} : memref<80x128xf32, #tpu.memory_space<vmem>>, vector<1x16xf32>,
          %get3A_1107 = vector.shape_cast %get3A_1106 : vector<1x16xf32> to vector<16xf32>
          %mul3A_1108 = arith.mulf %get3A_1107, %broadcast_in_dim3A_1043 : vector<16xf32>
          %swap3A_1109 = arith.index_cast %add3A_1040 : i32 to index
          %swap3A_1110 = arith.constant 96 : index
          %swap3A_1111 = tpu.vector_load %arg20[%swap3A_1109, %swap3A_1110] {strides = array<i32>} : memref<80x128xf32, #tpu.memory_space<vmem>>, vector<1x16xf32>,
          %swap3A_1112 = vector.shape_cast %swap3A_1111 : vector<1x16xf32> to vector<16xf32>
          %swap3A_1113 = vector.shape_cast %mul3A_1108 : vector<16xf32> to vector<1x16xf32>
          tpu.vector_store %arg20[%swap3A_1109, %swap3A_1110], %swap3A_1113 {strides = array<i32>} : memref<80x128xf32, #tpu.memory_space<vmem>>, vector<1x16xf32>,
          %get3A_1114 = arith.index_cast %add3A_1040 : i32 to index
          %get3A_1115 = arith.constant 112 : index
          %get3A_1116 = tpu.vector_load %arg20[%get3A_1114, %get3A_1115] {strides = array<i32>} : memref<80x128xf32, #tpu.memory_space<vmem>>, vector<1x16xf32>,
          %get3A_1117 = vector.shape_cast %get3A_1116 : vector<1x16xf32> to vector<16xf32>
          %mul3A_1118 = arith.mulf %get3A_1117, %broadcast_in_dim3A_1043 : vector<16xf32>
          %swap3A_1119 = arith.index_cast %add3A_1040 : i32 to index
          %swap3A_1120 = arith.constant 112 : index
          %swap3A_1121 = tpu.vector_load %arg20[%swap3A_1119, %swap3A_1120] {strides = array<i32>} : memref<80x128xf32, #tpu.memory_space<vmem>>, vector<1x16xf32>,
          %swap3A_1122 = vector.shape_cast %swap3A_1121 : vector<1x16xf32> to vector<16xf32>
          %swap3A_1123 = vector.shape_cast %mul3A_1118 : vector<16xf32> to vector<1x16xf32>
          tpu.vector_store %arg20[%swap3A_1119, %swap3A_1120], %swap3A_1123 {strides = array<i32>} : memref<80x128xf32, #tpu.memory_space<vmem>>, vector<1x16xf32>,
          %mul3A_1124 = arith.constant 16 : i32
          %mul3A_1125 = arith.muli %scan3A_59, %mul3A_1124 : i32
          %add3A_1126 = arith.constant 12 : i32
          %add3A_1127 = arith.addi %mul3A_1125, %add3A_1126 : i32
          %slice3A_1128 = vector.extract_strided_slice %exp3A {offsets = [12], sizes = [1], strides = [1]} : vector<16xf32> to vector<1xf32>
          %broadcast_in_dim3A_1129 = vector.shape_cast %slice3A_1128 : vector<1xf32> to vector<1xf32>
          %broadcast_in_dim3A_1130 = vector.broadcast %broadcast_in_dim3A_1129 : vector<1xf32> to vector<16xf32>
          %get3A_1131 = arith.index_cast %add3A_1127 : i32 to index
          %get3A_1132 = arith.constant 0 : index
          %get3A_1133 = tpu.vector_load %arg20[%get3A_1131, %get3A_1132] {strides = array<i32>} : memref<80x128xf32, #tpu.memory_space<vmem>>, vector<1x16xf32>,
          %get3A_1134 = vector.shape_cast %get3A_1133 : vector<1x16xf32> to vector<16xf32>
          %mul3A_1135 = arith.mulf %get3A_1134, %broadcast_in_dim3A_1130 : vector<16xf32>
          %swap3A_1136 = arith.index_cast %add3A_1127 : i32 to index
          %swap3A_1137 = arith.constant 0 : index
          %swap3A_1138 = tpu.vector_load %arg20[%swap3A_1136, %swap3A_1137] {strides = array<i32>} : memref<80x128xf32, #tpu.memory_space<vmem>>, vector<1x16xf32>,
          %swap3A_1139 = vector.shape_cast %swap3A_1138 : vector<1x16xf32> to vector<16xf32>
          %swap3A_1140 = vector.shape_cast %mul3A_1135 : vector<16xf32> to vector<1x16xf32>
          tpu.vector_store %arg20[%swap3A_1136, %swap3A_1137], %swap3A_1140 {strides = array<i32>} : memref<80x128xf32, #tpu.memory_space<vmem>>, vector<1x16xf32>,
          %get3A_1141 = arith.index_cast %add3A_1127 : i32 to index
          %get3A_1142 = arith.constant 16 : index
          %get3A_1143 = tpu.vector_load %arg20[%get3A_1141, %get3A_1142] {strides = array<i32>} : memref<80x128xf32, #tpu.memory_space<vmem>>, vector<1x16xf32>,
          %get3A_1144 = vector.shape_cast %get3A_1143 : vector<1x16xf32> to vector<16xf32>
          %mul3A_1145 = arith.mulf %get3A_1144, %broadcast_in_dim3A_1130 : vector<16xf32>
          %swap3A_1146 = arith.index_cast %add3A_1127 : i32 to index
          %swap3A_1147 = arith.constant 16 : index
          %swap3A_1148 = tpu.vector_load %arg20[%swap3A_1146, %swap3A_1147] {strides = array<i32>} : memref<80x128xf32, #tpu.memory_space<vmem>>, vector<1x16xf32>,
          %swap3A_1149 = vector.shape_cast %swap3A_1148 : vector<1x16xf32> to vector<16xf32>
          %swap3A_1150 = vector.shape_cast %mul3A_1145 : vector<16xf32> to vector<1x16xf32>
          tpu.vector_store %arg20[%swap3A_1146, %swap3A_1147], %swap3A_1150 {strides = array<i32>} : memref<80x128xf32, #tpu.memory_space<vmem>>, vector<1x16xf32>,
          %get3A_1151 = arith.index_cast %add3A_1127 : i32 to index
          %get3A_1152 = arith.constant 32 : index
          %get3A_1153 = tpu.vector_load %arg20[%get3A_1151, %get3A_1152] {strides = array<i32>} : memref<80x128xf32, #tpu.memory_space<vmem>>, vector<1x16xf32>,
          %get3A_1154 = vector.shape_cast %get3A_1153 : vector<1x16xf32> to vector<16xf32>
          %mul3A_1155 = arith.mulf %get3A_1154, %broadcast_in_dim3A_1130 : vector<16xf32>
          %swap3A_1156 = arith.index_cast %add3A_1127 : i32 to index
          %swap3A_1157 = arith.constant 32 : index
          %swap3A_1158 = tpu.vector_load %arg20[%swap3A_1156, %swap3A_1157] {strides = array<i32>} : memref<80x128xf32, #tpu.memory_space<vmem>>, vector<1x16xf32>,
          %swap3A_1159 = vector.shape_cast %swap3A_1158 : vector<1x16xf32> to vector<16xf32>
          %swap3A_1160 = vector.shape_cast %mul3A_1155 : vector<16xf32> to vector<1x16xf32>
          tpu.vector_store %arg20[%swap3A_1156, %swap3A_1157], %swap3A_1160 {strides = array<i32>} : memref<80x128xf32, #tpu.memory_space<vmem>>, vector<1x16xf32>,
          %get3A_1161 = arith.index_cast %add3A_1127 : i32 to index
          %get3A_1162 = arith.constant 48 : index
          %get3A_1163 = tpu.vector_load %arg20[%get3A_1161, %get3A_1162] {strides = array<i32>} : memref<80x128xf32, #tpu.memory_space<vmem>>, vector<1x16xf32>,
          %get3A_1164 = vector.shape_cast %get3A_1163 : vector<1x16xf32> to vector<16xf32>
          %mul3A_1165 = arith.mulf %get3A_1164, %broadcast_in_dim3A_1130 : vector<16xf32>
          %swap3A_1166 = arith.index_cast %add3A_1127 : i32 to index
          %swap3A_1167 = arith.constant 48 : index
          %swap3A_1168 = tpu.vector_load %arg20[%swap3A_1166, %swap3A_1167] {strides = array<i32>} : memref<80x128xf32, #tpu.memory_space<vmem>>, vector<1x16xf32>,
          %swap3A_1169 = vector.shape_cast %swap3A_1168 : vector<1x16xf32> to vector<16xf32>
          %swap3A_1170 = vector.shape_cast %mul3A_1165 : vector<16xf32> to vector<1x16xf32>
          tpu.vector_store %arg20[%swap3A_1166, %swap3A_1167], %swap3A_1170 {strides = array<i32>} : memref<80x128xf32, #tpu.memory_space<vmem>>, vector<1x16xf32>,
          %get3A_1171 = arith.index_cast %add3A_1127 : i32 to index
          %get3A_1172 = arith.constant 64 : index
          %get3A_1173 = tpu.vector_load %arg20[%get3A_1171, %get3A_1172] {strides = array<i32>} : memref<80x128xf32, #tpu.memory_space<vmem>>, vector<1x16xf32>,
          %get3A_1174 = vector.shape_cast %get3A_1173 : vector<1x16xf32> to vector<16xf32>
          %mul3A_1175 = arith.mulf %get3A_1174, %broadcast_in_dim3A_1130 : vector<16xf32>
          %swap3A_1176 = arith.index_cast %add3A_1127 : i32 to index
          %swap3A_1177 = arith.constant 64 : index
          %swap3A_1178 = tpu.vector_load %arg20[%swap3A_1176, %swap3A_1177] {strides = array<i32>} : memref<80x128xf32, #tpu.memory_space<vmem>>, vector<1x16xf32>,
          %swap3A_1179 = vector.shape_cast %swap3A_1178 : vector<1x16xf32> to vector<16xf32>
          %swap3A_1180 = vector.shape_cast %mul3A_1175 : vector<16xf32> to vector<1x16xf32>
          tpu.vector_store %arg20[%swap3A_1176, %swap3A_1177], %swap3A_1180 {strides = array<i32>} : memref<80x128xf32, #tpu.memory_space<vmem>>, vector<1x16xf32>,
          %get3A_1181 = arith.index_cast %add3A_1127 : i32 to index
          %get3A_1182 = arith.constant 80 : index
          %get3A_1183 = tpu.vector_load %arg20[%get3A_1181, %get3A_1182] {strides = array<i32>} : memref<80x128xf32, #tpu.memory_space<vmem>>, vector<1x16xf32>,
          %get3A_1184 = vector.shape_cast %get3A_1183 : vector<1x16xf32> to vector<16xf32>
          %mul3A_1185 = arith.mulf %get3A_1184, %broadcast_in_dim3A_1130 : vector<16xf32>
          %swap3A_1186 = arith.index_cast %add3A_1127 : i32 to index
          %swap3A_1187 = arith.constant 80 : index
          %swap3A_1188 = tpu.vector_load %arg20[%swap3A_1186, %swap3A_1187] {strides = array<i32>} : memref<80x128xf32, #tpu.memory_space<vmem>>, vector<1x16xf32>,
          %swap3A_1189 = vector.shape_cast %swap3A_1188 : vector<1x16xf32> to vector<16xf32>
          %swap3A_1190 = vector.shape_cast %mul3A_1185 : vector<16xf32> to vector<1x16xf32>
          tpu.vector_store %arg20[%swap3A_1186, %swap3A_1187], %swap3A_1190 {strides = array<i32>} : memref<80x128xf32, #tpu.memory_space<vmem>>, vector<1x16xf32>,
          %get3A_1191 = arith.index_cast %add3A_1127 : i32 to index
          %get3A_1192 = arith.constant 96 : index
          %get3A_1193 = tpu.vector_load %arg20[%get3A_1191, %get3A_1192] {strides = array<i32>} : memref<80x128xf32, #tpu.memory_space<vmem>>, vector<1x16xf32>,
          %get3A_1194 = vector.shape_cast %get3A_1193 : vector<1x16xf32> to vector<16xf32>
          %mul3A_1195 = arith.mulf %get3A_1194, %broadcast_in_dim3A_1130 : vector<16xf32>
          %swap3A_1196 = arith.index_cast %add3A_1127 : i32 to index
          %swap3A_1197 = arith.constant 96 : index
          %swap3A_1198 = tpu.vector_load %arg20[%swap3A_1196, %swap3A_1197] {strides = array<i32>} : memref<80x128xf32, #tpu.memory_space<vmem>>, vector<1x16xf32>,
          %swap3A_1199 = vector.shape_cast %swap3A_1198 : vector<1x16xf32> to vector<16xf32>
          %swap3A_1200 = vector.shape_cast %mul3A_1195 : vector<16xf32> to vector<1x16xf32>
          tpu.vector_store %arg20[%swap3A_1196, %swap3A_1197], %swap3A_1200 {strides = array<i32>} : memref<80x128xf32, #tpu.memory_space<vmem>>, vector<1x16xf32>,
          %get3A_1201 = arith.index_cast %add3A_1127 : i32 to index
          %get3A_1202 = arith.constant 112 : index
          %get3A_1203 = tpu.vector_load %arg20[%get3A_1201, %get3A_1202] {strides = array<i32>} : memref<80x128xf32, #tpu.memory_space<vmem>>, vector<1x16xf32>,
          %get3A_1204 = vector.shape_cast %get3A_1203 : vector<1x16xf32> to vector<16xf32>
          %mul3A_1205 = arith.mulf %get3A_1204, %broadcast_in_dim3A_1130 : vector<16xf32>
          %swap3A_1206 = arith.index_cast %add3A_1127 : i32 to index
          %swap3A_1207 = arith.constant 112 : index
          %swap3A_1208 = tpu.vector_load %arg20[%swap3A_1206, %swap3A_1207] {strides = array<i32>} : memref<80x128xf32, #tpu.memory_space<vmem>>, vector<1x16xf32>,
          %swap3A_1209 = vector.shape_cast %swap3A_1208 : vector<1x16xf32> to vector<16xf32>
          %swap3A_1210 = vector.shape_cast %mul3A_1205 : vector<16xf32> to vector<1x16xf32>
          tpu.vector_store %arg20[%swap3A_1206, %swap3A_1207], %swap3A_1210 {strides = array<i32>} : memref<80x128xf32, #tpu.memory_space<vmem>>, vector<1x16xf32>,
          %mul3A_1211 = arith.constant 16 : i32
          %mul3A_1212 = arith.muli %scan3A_59, %mul3A_1211 : i32
          %add3A_1213 = arith.constant 13 : i32
          %add3A_1214 = arith.addi %mul3A_1212, %add3A_1213 : i32
          %slice3A_1215 = vector.extract_strided_slice %exp3A {offsets = [13], sizes = [1], strides = [1]} : vector<16xf32> to vector<1xf32>
          %broadcast_in_dim3A_1216 = vector.shape_cast %slice3A_1215 : vector<1xf32> to vector<1xf32>
          %broadcast_in_dim3A_1217 = vector.broadcast %broadcast_in_dim3A_1216 : vector<1xf32> to vector<16xf32>
          %get3A_1218 = arith.index_cast %add3A_1214 : i32 to index
          %get3A_1219 = arith.constant 0 : index
          %get3A_1220 = tpu.vector_load %arg20[%get3A_1218, %get3A_1219] {strides = array<i32>} : memref<80x128xf32, #tpu.memory_space<vmem>>, vector<1x16xf32>,
          %get3A_1221 = vector.shape_cast %get3A_1220 : vector<1x16xf32> to vector<16xf32>
          %mul3A_1222 = arith.mulf %get3A_1221, %broadcast_in_dim3A_1217 : vector<16xf32>
          %swap3A_1223 = arith.index_cast %add3A_1214 : i32 to index
          %swap3A_1224 = arith.constant 0 : index
          %swap3A_1225 = tpu.vector_load %arg20[%swap3A_1223, %swap3A_1224] {strides = array<i32>} : memref<80x128xf32, #tpu.memory_space<vmem>>, vector<1x16xf32>,
          %swap3A_1226 = vector.shape_cast %swap3A_1225 : vector<1x16xf32> to vector<16xf32>
          %swap3A_1227 = vector.shape_cast %mul3A_1222 : vector<16xf32> to vector<1x16xf32>
          tpu.vector_store %arg20[%swap3A_1223, %swap3A_1224], %swap3A_1227 {strides = array<i32>} : memref<80x128xf32, #tpu.memory_space<vmem>>, vector<1x16xf32>,
          %get3A_1228 = arith.index_cast %add3A_1214 : i32 to index
          %get3A_1229 = arith.constant 16 : index
          %get3A_1230 = tpu.vector_load %arg20[%get3A_1228, %get3A_1229] {strides = array<i32>} : memref<80x128xf32, #tpu.memory_space<vmem>>, vector<1x16xf32>,
          %get3A_1231 = vector.shape_cast %get3A_1230 : vector<1x16xf32> to vector<16xf32>
          %mul3A_1232 = arith.mulf %get3A_1231, %broadcast_in_dim3A_1217 : vector<16xf32>
          %swap3A_1233 = arith.index_cast %add3A_1214 : i32 to index
          %swap3A_1234 = arith.constant 16 : index
          %swap3A_1235 = tpu.vector_load %arg20[%swap3A_1233, %swap3A_1234] {strides = array<i32>} : memref<80x128xf32, #tpu.memory_space<vmem>>, vector<1x16xf32>,
          %swap3A_1236 = vector.shape_cast %swap3A_1235 : vector<1x16xf32> to vector<16xf32>
          %swap3A_1237 = vector.shape_cast %mul3A_1232 : vector<16xf32> to vector<1x16xf32>
          tpu.vector_store %arg20[%swap3A_1233, %swap3A_1234], %swap3A_1237 {strides = array<i32>} : memref<80x128xf32, #tpu.memory_space<vmem>>, vector<1x16xf32>,
          %get3A_1238 = arith.index_cast %add3A_1214 : i32 to index
          %get3A_1239 = arith.constant 32 : index
          %get3A_1240 = tpu.vector_load %arg20[%get3A_1238, %get3A_1239] {strides = array<i32>} : memref<80x128xf32, #tpu.memory_space<vmem>>, vector<1x16xf32>,
          %get3A_1241 = vector.shape_cast %get3A_1240 : vector<1x16xf32> to vector<16xf32>
          %mul3A_1242 = arith.mulf %get3A_1241, %broadcast_in_dim3A_1217 : vector<16xf32>
          %swap3A_1243 = arith.index_cast %add3A_1214 : i32 to index
          %swap3A_1244 = arith.constant 32 : index
          %swap3A_1245 = tpu.vector_load %arg20[%swap3A_1243, %swap3A_1244] {strides = array<i32>} : memref<80x128xf32, #tpu.memory_space<vmem>>, vector<1x16xf32>,
          %swap3A_1246 = vector.shape_cast %swap3A_1245 : vector<1x16xf32> to vector<16xf32>
          %swap3A_1247 = vector.shape_cast %mul3A_1242 : vector<16xf32> to vector<1x16xf32>
          tpu.vector_store %arg20[%swap3A_1243, %swap3A_1244], %swap3A_1247 {strides = array<i32>} : memref<80x128xf32, #tpu.memory_space<vmem>>, vector<1x16xf32>,
          %get3A_1248 = arith.index_cast %add3A_1214 : i32 to index
          %get3A_1249 = arith.constant 48 : index
          %get3A_1250 = tpu.vector_load %arg20[%get3A_1248, %get3A_1249] {strides = array<i32>} : memref<80x128xf32, #tpu.memory_space<vmem>>, vector<1x16xf32>,
          %get3A_1251 = vector.shape_cast %get3A_1250 : vector<1x16xf32> to vector<16xf32>
          %mul3A_1252 = arith.mulf %get3A_1251, %broadcast_in_dim3A_1217 : vector<16xf32>
          %swap3A_1253 = arith.index_cast %add3A_1214 : i32 to index
          %swap3A_1254 = arith.constant 48 : index
          %swap3A_1255 = tpu.vector_load %arg20[%swap3A_1253, %swap3A_1254] {strides = array<i32>} : memref<80x128xf32, #tpu.memory_space<vmem>>, vector<1x16xf32>,
          %swap3A_1256 = vector.shape_cast %swap3A_1255 : vector<1x16xf32> to vector<16xf32>
          %swap3A_1257 = vector.shape_cast %mul3A_1252 : vector<16xf32> to vector<1x16xf32>
          tpu.vector_store %arg20[%swap3A_1253, %swap3A_1254], %swap3A_1257 {strides = array<i32>} : memref<80x128xf32, #tpu.memory_space<vmem>>, vector<1x16xf32>,
          %get3A_1258 = arith.index_cast %add3A_1214 : i32 to index
          %get3A_1259 = arith.constant 64 : index
          %get3A_1260 = tpu.vector_load %arg20[%get3A_1258, %get3A_1259] {strides = array<i32>} : memref<80x128xf32, #tpu.memory_space<vmem>>, vector<1x16xf32>,
          %get3A_1261 = vector.shape_cast %get3A_1260 : vector<1x16xf32> to vector<16xf32>
          %mul3A_1262 = arith.mulf %get3A_1261, %broadcast_in_dim3A_1217 : vector<16xf32>
          %swap3A_1263 = arith.index_cast %add3A_1214 : i32 to index
          %swap3A_1264 = arith.constant 64 : index
          %swap3A_1265 = tpu.vector_load %arg20[%swap3A_1263, %swap3A_1264] {strides = array<i32>} : memref<80x128xf32, #tpu.memory_space<vmem>>, vector<1x16xf32>,
          %swap3A_1266 = vector.shape_cast %swap3A_1265 : vector<1x16xf32> to vector<16xf32>
          %swap3A_1267 = vector.shape_cast %mul3A_1262 : vector<16xf32> to vector<1x16xf32>
          tpu.vector_store %arg20[%swap3A_1263, %swap3A_1264], %swap3A_1267 {strides = array<i32>} : memref<80x128xf32, #tpu.memory_space<vmem>>, vector<1x16xf32>,
          %get3A_1268 = arith.index_cast %add3A_1214 : i32 to index
          %get3A_1269 = arith.constant 80 : index
          %get3A_1270 = tpu.vector_load %arg20[%get3A_1268, %get3A_1269] {strides = array<i32>} : memref<80x128xf32, #tpu.memory_space<vmem>>, vector<1x16xf32>,
          %get3A_1271 = vector.shape_cast %get3A_1270 : vector<1x16xf32> to vector<16xf32>
          %mul3A_1272 = arith.mulf %get3A_1271, %broadcast_in_dim3A_1217 : vector<16xf32>
          %swap3A_1273 = arith.index_cast %add3A_1214 : i32 to index
          %swap3A_1274 = arith.constant 80 : index
          %swap3A_1275 = tpu.vector_load %arg20[%swap3A_1273, %swap3A_1274] {strides = array<i32>} : memref<80x128xf32, #tpu.memory_space<vmem>>, vector<1x16xf32>,
          %swap3A_1276 = vector.shape_cast %swap3A_1275 : vector<1x16xf32> to vector<16xf32>
          %swap3A_1277 = vector.shape_cast %mul3A_1272 : vector<16xf32> to vector<1x16xf32>
          tpu.vector_store %arg20[%swap3A_1273, %swap3A_1274], %swap3A_1277 {strides = array<i32>} : memref<80x128xf32, #tpu.memory_space<vmem>>, vector<1x16xf32>,
          %get3A_1278 = arith.index_cast %add3A_1214 : i32 to index
          %get3A_1279 = arith.constant 96 : index
          %get3A_1280 = tpu.vector_load %arg20[%get3A_1278, %get3A_1279] {strides = array<i32>} : memref<80x128xf32, #tpu.memory_space<vmem>>, vector<1x16xf32>,
          %get3A_1281 = vector.shape_cast %get3A_1280 : vector<1x16xf32> to vector<16xf32>
          %mul3A_1282 = arith.mulf %get3A_1281, %broadcast_in_dim3A_1217 : vector<16xf32>
          %swap3A_1283 = arith.index_cast %add3A_1214 : i32 to index
          %swap3A_1284 = arith.constant 96 : index
          %swap3A_1285 = tpu.vector_load %arg20[%swap3A_1283, %swap3A_1284] {strides = array<i32>} : memref<80x128xf32, #tpu.memory_space<vmem>>, vector<1x16xf32>,
          %swap3A_1286 = vector.shape_cast %swap3A_1285 : vector<1x16xf32> to vector<16xf32>
          %swap3A_1287 = vector.shape_cast %mul3A_1282 : vector<16xf32> to vector<1x16xf32>
          tpu.vector_store %arg20[%swap3A_1283, %swap3A_1284], %swap3A_1287 {strides = array<i32>} : memref<80x128xf32, #tpu.memory_space<vmem>>, vector<1x16xf32>,
          %get3A_1288 = arith.index_cast %add3A_1214 : i32 to index
          %get3A_1289 = arith.constant 112 : index
          %get3A_1290 = tpu.vector_load %arg20[%get3A_1288, %get3A_1289] {strides = array<i32>} : memref<80x128xf32, #tpu.memory_space<vmem>>, vector<1x16xf32>,
          %get3A_1291 = vector.shape_cast %get3A_1290 : vector<1x16xf32> to vector<16xf32>
          %mul3A_1292 = arith.mulf %get3A_1291, %broadcast_in_dim3A_1217 : vector<16xf32>
          %swap3A_1293 = arith.index_cast %add3A_1214 : i32 to index
          %swap3A_1294 = arith.constant 112 : index
          %swap3A_1295 = tpu.vector_load %arg20[%swap3A_1293, %swap3A_1294] {strides = array<i32>} : memref<80x128xf32, #tpu.memory_space<vmem>>, vector<1x16xf32>,
          %swap3A_1296 = vector.shape_cast %swap3A_1295 : vector<1x16xf32> to vector<16xf32>
          %swap3A_1297 = vector.shape_cast %mul3A_1292 : vector<16xf32> to vector<1x16xf32>
          tpu.vector_store %arg20[%swap3A_1293, %swap3A_1294], %swap3A_1297 {strides = array<i32>} : memref<80x128xf32, #tpu.memory_space<vmem>>, vector<1x16xf32>,
          %mul3A_1298 = arith.constant 16 : i32
          %mul3A_1299 = arith.muli %scan3A_59, %mul3A_1298 : i32
          %add3A_1300 = arith.constant 14 : i32
          %add3A_1301 = arith.addi %mul3A_1299, %add3A_1300 : i32
          %slice3A_1302 = vector.extract_strided_slice %exp3A {offsets = [14], sizes = [1], strides = [1]} : vector<16xf32> to vector<1xf32>
          %broadcast_in_dim3A_1303 = vector.shape_cast %slice3A_1302 : vector<1xf32> to vector<1xf32>
          %broadcast_in_dim3A_1304 = vector.broadcast %broadcast_in_dim3A_1303 : vector<1xf32> to vector<16xf32>
          %get3A_1305 = arith.index_cast %add3A_1301 : i32 to index
          %get3A_1306 = arith.constant 0 : index
          %get3A_1307 = tpu.vector_load %arg20[%get3A_1305, %get3A_1306] {strides = array<i32>} : memref<80x128xf32, #tpu.memory_space<vmem>>, vector<1x16xf32>,
          %get3A_1308 = vector.shape_cast %get3A_1307 : vector<1x16xf32> to vector<16xf32>
          %mul3A_1309 = arith.mulf %get3A_1308, %broadcast_in_dim3A_1304 : vector<16xf32>
          %swap3A_1310 = arith.index_cast %add3A_1301 : i32 to index
          %swap3A_1311 = arith.constant 0 : index
          %swap3A_1312 = tpu.vector_load %arg20[%swap3A_1310, %swap3A_1311] {strides = array<i32>} : memref<80x128xf32, #tpu.memory_space<vmem>>, vector<1x16xf32>,
          %swap3A_1313 = vector.shape_cast %swap3A_1312 : vector<1x16xf32> to vector<16xf32>
          %swap3A_1314 = vector.shape_cast %mul3A_1309 : vector<16xf32> to vector<1x16xf32>
          tpu.vector_store %arg20[%swap3A_1310, %swap3A_1311], %swap3A_1314 {strides = array<i32>} : memref<80x128xf32, #tpu.memory_space<vmem>>, vector<1x16xf32>,
          %get3A_1315 = arith.index_cast %add3A_1301 : i32 to index
          %get3A_1316 = arith.constant 16 : index
          %get3A_1317 = tpu.vector_load %arg20[%get3A_1315, %get3A_1316] {strides = array<i32>} : memref<80x128xf32, #tpu.memory_space<vmem>>, vector<1x16xf32>,
          %get3A_1318 = vector.shape_cast %get3A_1317 : vector<1x16xf32> to vector<16xf32>
          %mul3A_1319 = arith.mulf %get3A_1318, %broadcast_in_dim3A_1304 : vector<16xf32>
          %swap3A_1320 = arith.index_cast %add3A_1301 : i32 to index
          %swap3A_1321 = arith.constant 16 : index
          %swap3A_1322 = tpu.vector_load %arg20[%swap3A_1320, %swap3A_1321] {strides = array<i32>} : memref<80x128xf32, #tpu.memory_space<vmem>>, vector<1x16xf32>,
          %swap3A_1323 = vector.shape_cast %swap3A_1322 : vector<1x16xf32> to vector<16xf32>
          %swap3A_1324 = vector.shape_cast %mul3A_1319 : vector<16xf32> to vector<1x16xf32>
          tpu.vector_store %arg20[%swap3A_1320, %swap3A_1321], %swap3A_1324 {strides = array<i32>} : memref<80x128xf32, #tpu.memory_space<vmem>>, vector<1x16xf32>,
          %get3A_1325 = arith.index_cast %add3A_1301 : i32 to index
          %get3A_1326 = arith.constant 32 : index
          %get3A_1327 = tpu.vector_load %arg20[%get3A_1325, %get3A_1326] {strides = array<i32>} : memref<80x128xf32, #tpu.memory_space<vmem>>, vector<1x16xf32>,
          %get3A_1328 = vector.shape_cast %get3A_1327 : vector<1x16xf32> to vector<16xf32>
          %mul3A_1329 = arith.mulf %get3A_1328, %broadcast_in_dim3A_1304 : vector<16xf32>
          %swap3A_1330 = arith.index_cast %add3A_1301 : i32 to index
          %swap3A_1331 = arith.constant 32 : index
          %swap3A_1332 = tpu.vector_load %arg20[%swap3A_1330, %swap3A_1331] {strides = array<i32>} : memref<80x128xf32, #tpu.memory_space<vmem>>, vector<1x16xf32>,
          %swap3A_1333 = vector.shape_cast %swap3A_1332 : vector<1x16xf32> to vector<16xf32>
          %swap3A_1334 = vector.shape_cast %mul3A_1329 : vector<16xf32> to vector<1x16xf32>
          tpu.vector_store %arg20[%swap3A_1330, %swap3A_1331], %swap3A_1334 {strides = array<i32>} : memref<80x128xf32, #tpu.memory_space<vmem>>, vector<1x16xf32>,
          %get3A_1335 = arith.index_cast %add3A_1301 : i32 to index
          %get3A_1336 = arith.constant 48 : index
          %get3A_1337 = tpu.vector_load %arg20[%get3A_1335, %get3A_1336] {strides = array<i32>} : memref<80x128xf32, #tpu.memory_space<vmem>>, vector<1x16xf32>,
          %get3A_1338 = vector.shape_cast %get3A_1337 : vector<1x16xf32> to vector<16xf32>
          %mul3A_1339 = arith.mulf %get3A_1338, %broadcast_in_dim3A_1304 : vector<16xf32>
          %swap3A_1340 = arith.index_cast %add3A_1301 : i32 to index
          %swap3A_1341 = arith.constant 48 : index
          %swap3A_1342 = tpu.vector_load %arg20[%swap3A_1340, %swap3A_1341] {strides = array<i32>} : memref<80x128xf32, #tpu.memory_space<vmem>>, vector<1x16xf32>,
          %swap3A_1343 = vector.shape_cast %swap3A_1342 : vector<1x16xf32> to vector<16xf32>
          %swap3A_1344 = vector.shape_cast %mul3A_1339 : vector<16xf32> to vector<1x16xf32>
          tpu.vector_store %arg20[%swap3A_1340, %swap3A_1341], %swap3A_1344 {strides = array<i32>} : memref<80x128xf32, #tpu.memory_space<vmem>>, vector<1x16xf32>,
          %get3A_1345 = arith.index_cast %add3A_1301 : i32 to index
          %get3A_1346 = arith.constant 64 : index
          %get3A_1347 = tpu.vector_load %arg20[%get3A_1345, %get3A_1346] {strides = array<i32>} : memref<80x128xf32, #tpu.memory_space<vmem>>, vector<1x16xf32>,
          %get3A_1348 = vector.shape_cast %get3A_1347 : vector<1x16xf32> to vector<16xf32>
          %mul3A_1349 = arith.mulf %get3A_1348, %broadcast_in_dim3A_1304 : vector<16xf32>
          %swap3A_1350 = arith.index_cast %add3A_1301 : i32 to index
          %swap3A_1351 = arith.constant 64 : index
          %swap3A_1352 = tpu.vector_load %arg20[%swap3A_1350, %swap3A_1351] {strides = array<i32>} : memref<80x128xf32, #tpu.memory_space<vmem>>, vector<1x16xf32>,
          %swap3A_1353 = vector.shape_cast %swap3A_1352 : vector<1x16xf32> to vector<16xf32>
          %swap3A_1354 = vector.shape_cast %mul3A_1349 : vector<16xf32> to vector<1x16xf32>
          tpu.vector_store %arg20[%swap3A_1350, %swap3A_1351], %swap3A_1354 {strides = array<i32>} : memref<80x128xf32, #tpu.memory_space<vmem>>, vector<1x16xf32>,
          %get3A_1355 = arith.index_cast %add3A_1301 : i32 to index
          %get3A_1356 = arith.constant 80 : index
          %get3A_1357 = tpu.vector_load %arg20[%get3A_1355, %get3A_1356] {strides = array<i32>} : memref<80x128xf32, #tpu.memory_space<vmem>>, vector<1x16xf32>,
          %get3A_1358 = vector.shape_cast %get3A_1357 : vector<1x16xf32> to vector<16xf32>
          %mul3A_1359 = arith.mulf %get3A_1358, %broadcast_in_dim3A_1304 : vector<16xf32>
          %swap3A_1360 = arith.index_cast %add3A_1301 : i32 to index
          %swap3A_1361 = arith.constant 80 : index
          %swap3A_1362 = tpu.vector_load %arg20[%swap3A_1360, %swap3A_1361] {strides = array<i32>} : memref<80x128xf32, #tpu.memory_space<vmem>>, vector<1x16xf32>,
          %swap3A_1363 = vector.shape_cast %swap3A_1362 : vector<1x16xf32> to vector<16xf32>
          %swap3A_1364 = vector.shape_cast %mul3A_1359 : vector<16xf32> to vector<1x16xf32>
          tpu.vector_store %arg20[%swap3A_1360, %swap3A_1361], %swap3A_1364 {strides = array<i32>} : memref<80x128xf32, #tpu.memory_space<vmem>>, vector<1x16xf32>,
          %get3A_1365 = arith.index_cast %add3A_1301 : i32 to index
          %get3A_1366 = arith.constant 96 : index
          %get3A_1367 = tpu.vector_load %arg20[%get3A_1365, %get3A_1366] {strides = array<i32>} : memref<80x128xf32, #tpu.memory_space<vmem>>, vector<1x16xf32>,
          %get3A_1368 = vector.shape_cast %get3A_1367 : vector<1x16xf32> to vector<16xf32>
          %mul3A_1369 = arith.mulf %get3A_1368, %broadcast_in_dim3A_1304 : vector<16xf32>
          %swap3A_1370 = arith.index_cast %add3A_1301 : i32 to index
          %swap3A_1371 = arith.constant 96 : index
          %swap3A_1372 = tpu.vector_load %arg20[%swap3A_1370, %swap3A_1371] {strides = array<i32>} : memref<80x128xf32, #tpu.memory_space<vmem>>, vector<1x16xf32>,
          %swap3A_1373 = vector.shape_cast %swap3A_1372 : vector<1x16xf32> to vector<16xf32>
          %swap3A_1374 = vector.shape_cast %mul3A_1369 : vector<16xf32> to vector<1x16xf32>
          tpu.vector_store %arg20[%swap3A_1370, %swap3A_1371], %swap3A_1374 {strides = array<i32>} : memref<80x128xf32, #tpu.memory_space<vmem>>, vector<1x16xf32>,
          %get3A_1375 = arith.index_cast %add3A_1301 : i32 to index
          %get3A_1376 = arith.constant 112 : index
          %get3A_1377 = tpu.vector_load %arg20[%get3A_1375, %get3A_1376] {strides = array<i32>} : memref<80x128xf32, #tpu.memory_space<vmem>>, vector<1x16xf32>,
          %get3A_1378 = vector.shape_cast %get3A_1377 : vector<1x16xf32> to vector<16xf32>
          %mul3A_1379 = arith.mulf %get3A_1378, %broadcast_in_dim3A_1304 : vector<16xf32>
          %swap3A_1380 = arith.index_cast %add3A_1301 : i32 to index
          %swap3A_1381 = arith.constant 112 : index
          %swap3A_1382 = tpu.vector_load %arg20[%swap3A_1380, %swap3A_1381] {strides = array<i32>} : memref<80x128xf32, #tpu.memory_space<vmem>>, vector<1x16xf32>,
          %swap3A_1383 = vector.shape_cast %swap3A_1382 : vector<1x16xf32> to vector<16xf32>
          %swap3A_1384 = vector.shape_cast %mul3A_1379 : vector<16xf32> to vector<1x16xf32>
          tpu.vector_store %arg20[%swap3A_1380, %swap3A_1381], %swap3A_1384 {strides = array<i32>} : memref<80x128xf32, #tpu.memory_space<vmem>>, vector<1x16xf32>,
          %mul3A_1385 = arith.constant 16 : i32
          %mul3A_1386 = arith.muli %scan3A_59, %mul3A_1385 : i32
          %add3A_1387 = arith.constant 15 : i32
          %add3A_1388 = arith.addi %mul3A_1386, %add3A_1387 : i32
          %slice3A_1389 = vector.extract_strided_slice %exp3A {offsets = [15], sizes = [1], strides = [1]} : vector<16xf32> to vector<1xf32>
          %broadcast_in_dim3A_1390 = vector.shape_cast %slice3A_1389 : vector<1xf32> to vector<1xf32>
          %broadcast_in_dim3A_1391 = vector.broadcast %broadcast_in_dim3A_1390 : vector<1xf32> to vector<16xf32>
          %get3A_1392 = arith.index_cast %add3A_1388 : i32 to index
          %get3A_1393 = arith.constant 0 : index
          %get3A_1394 = tpu.vector_load %arg20[%get3A_1392, %get3A_1393] {strides = array<i32>} : memref<80x128xf32, #tpu.memory_space<vmem>>, vector<1x16xf32>,
          %get3A_1395 = vector.shape_cast %get3A_1394 : vector<1x16xf32> to vector<16xf32>
          %mul3A_1396 = arith.mulf %get3A_1395, %broadcast_in_dim3A_1391 : vector<16xf32>
          %swap3A_1397 = arith.index_cast %add3A_1388 : i32 to index
          %swap3A_1398 = arith.constant 0 : index
          %swap3A_1399 = tpu.vector_load %arg20[%swap3A_1397, %swap3A_1398] {strides = array<i32>} : memref<80x128xf32, #tpu.memory_space<vmem>>, vector<1x16xf32>,
          %swap3A_1400 = vector.shape_cast %swap3A_1399 : vector<1x16xf32> to vector<16xf32>
          %swap3A_1401 = vector.shape_cast %mul3A_1396 : vector<16xf32> to vector<1x16xf32>
          tpu.vector_store %arg20[%swap3A_1397, %swap3A_1398], %swap3A_1401 {strides = array<i32>} : memref<80x128xf32, #tpu.memory_space<vmem>>, vector<1x16xf32>,
          %get3A_1402 = arith.index_cast %add3A_1388 : i32 to index
          %get3A_1403 = arith.constant 16 : index
          %get3A_1404 = tpu.vector_load %arg20[%get3A_1402, %get3A_1403] {strides = array<i32>} : memref<80x128xf32, #tpu.memory_space<vmem>>, vector<1x16xf32>,
          %get3A_1405 = vector.shape_cast %get3A_1404 : vector<1x16xf32> to vector<16xf32>
          %mul3A_1406 = arith.mulf %get3A_1405, %broadcast_in_dim3A_1391 : vector<16xf32>
          %swap3A_1407 = arith.index_cast %add3A_1388 : i32 to index
          %swap3A_1408 = arith.constant 16 : index
          %swap3A_1409 = tpu.vector_load %arg20[%swap3A_1407, %swap3A_1408] {strides = array<i32>} : memref<80x128xf32, #tpu.memory_space<vmem>>, vector<1x16xf32>,
          %swap3A_1410 = vector.shape_cast %swap3A_1409 : vector<1x16xf32> to vector<16xf32>
          %swap3A_1411 = vector.shape_cast %mul3A_1406 : vector<16xf32> to vector<1x16xf32>
          tpu.vector_store %arg20[%swap3A_1407, %swap3A_1408], %swap3A_1411 {strides = array<i32>} : memref<80x128xf32, #tpu.memory_space<vmem>>, vector<1x16xf32>,
          %get3A_1412 = arith.index_cast %add3A_1388 : i32 to index
          %get3A_1413 = arith.constant 32 : index
          %get3A_1414 = tpu.vector_load %arg20[%get3A_1412, %get3A_1413] {strides = array<i32>} : memref<80x128xf32, #tpu.memory_space<vmem>>, vector<1x16xf32>,
          %get3A_1415 = vector.shape_cast %get3A_1414 : vector<1x16xf32> to vector<16xf32>
          %mul3A_1416 = arith.mulf %get3A_1415, %broadcast_in_dim3A_1391 : vector<16xf32>
          %swap3A_1417 = arith.index_cast %add3A_1388 : i32 to index
          %swap3A_1418 = arith.constant 32 : index
          %swap3A_1419 = tpu.vector_load %arg20[%swap3A_1417, %swap3A_1418] {strides = array<i32>} : memref<80x128xf32, #tpu.memory_space<vmem>>, vector<1x16xf32>,
          %swap3A_1420 = vector.shape_cast %swap3A_1419 : vector<1x16xf32> to vector<16xf32>
          %swap3A_1421 = vector.shape_cast %mul3A_1416 : vector<16xf32> to vector<1x16xf32>
          tpu.vector_store %arg20[%swap3A_1417, %swap3A_1418], %swap3A_1421 {strides = array<i32>} : memref<80x128xf32, #tpu.memory_space<vmem>>, vector<1x16xf32>,
          %get3A_1422 = arith.index_cast %add3A_1388 : i32 to index
          %get3A_1423 = arith.constant 48 : index
          %get3A_1424 = tpu.vector_load %arg20[%get3A_1422, %get3A_1423] {strides = array<i32>} : memref<80x128xf32, #tpu.memory_space<vmem>>, vector<1x16xf32>,
          %get3A_1425 = vector.shape_cast %get3A_1424 : vector<1x16xf32> to vector<16xf32>
          %mul3A_1426 = arith.mulf %get3A_1425, %broadcast_in_dim3A_1391 : vector<16xf32>
          %swap3A_1427 = arith.index_cast %add3A_1388 : i32 to index
          %swap3A_1428 = arith.constant 48 : index
          %swap3A_1429 = tpu.vector_load %arg20[%swap3A_1427, %swap3A_1428] {strides = array<i32>} : memref<80x128xf32, #tpu.memory_space<vmem>>, vector<1x16xf32>,
          %swap3A_1430 = vector.shape_cast %swap3A_1429 : vector<1x16xf32> to vector<16xf32>
          %swap3A_1431 = vector.shape_cast %mul3A_1426 : vector<16xf32> to vector<1x16xf32>
          tpu.vector_store %arg20[%swap3A_1427, %swap3A_1428], %swap3A_1431 {strides = array<i32>} : memref<80x128xf32, #tpu.memory_space<vmem>>, vector<1x16xf32>,
          %get3A_1432 = arith.index_cast %add3A_1388 : i32 to index
          %get3A_1433 = arith.constant 64 : index
          %get3A_1434 = tpu.vector_load %arg20[%get3A_1432, %get3A_1433] {strides = array<i32>} : memref<80x128xf32, #tpu.memory_space<vmem>>, vector<1x16xf32>,
          %get3A_1435 = vector.shape_cast %get3A_1434 : vector<1x16xf32> to vector<16xf32>
          %mul3A_1436 = arith.mulf %get3A_1435, %broadcast_in_dim3A_1391 : vector<16xf32>
          %swap3A_1437 = arith.index_cast %add3A_1388 : i32 to index
          %swap3A_1438 = arith.constant 64 : index
          %swap3A_1439 = tpu.vector_load %arg20[%swap3A_1437, %swap3A_1438] {strides = array<i32>} : memref<80x128xf32, #tpu.memory_space<vmem>>, vector<1x16xf32>,
          %swap3A_1440 = vector.shape_cast %swap3A_1439 : vector<1x16xf32> to vector<16xf32>
          %swap3A_1441 = vector.shape_cast %mul3A_1436 : vector<16xf32> to vector<1x16xf32>
          tpu.vector_store %arg20[%swap3A_1437, %swap3A_1438], %swap3A_1441 {strides = array<i32>} : memref<80x128xf32, #tpu.memory_space<vmem>>, vector<1x16xf32>,
          %get3A_1442 = arith.index_cast %add3A_1388 : i32 to index
          %get3A_1443 = arith.constant 80 : index
          %get3A_1444 = tpu.vector_load %arg20[%get3A_1442, %get3A_1443] {strides = array<i32>} : memref<80x128xf32, #tpu.memory_space<vmem>>, vector<1x16xf32>,
          %get3A_1445 = vector.shape_cast %get3A_1444 : vector<1x16xf32> to vector<16xf32>
          %mul3A_1446 = arith.mulf %get3A_1445, %broadcast_in_dim3A_1391 : vector<16xf32>
          %swap3A_1447 = arith.index_cast %add3A_1388 : i32 to index
          %swap3A_1448 = arith.constant 80 : index
          %swap3A_1449 = tpu.vector_load %arg20[%swap3A_1447, %swap3A_1448] {strides = array<i32>} : memref<80x128xf32, #tpu.memory_space<vmem>>, vector<1x16xf32>,
          %swap3A_1450 = vector.shape_cast %swap3A_1449 : vector<1x16xf32> to vector<16xf32>
          %swap3A_1451 = vector.shape_cast %mul3A_1446 : vector<16xf32> to vector<1x16xf32>
          tpu.vector_store %arg20[%swap3A_1447, %swap3A_1448], %swap3A_1451 {strides = array<i32>} : memref<80x128xf32, #tpu.memory_space<vmem>>, vector<1x16xf32>,
          %get3A_1452 = arith.index_cast %add3A_1388 : i32 to index
          %get3A_1453 = arith.constant 96 : index
          %get3A_1454 = tpu.vector_load %arg20[%get3A_1452, %get3A_1453] {strides = array<i32>} : memref<80x128xf32, #tpu.memory_space<vmem>>, vector<1x16xf32>,
          %get3A_1455 = vector.shape_cast %get3A_1454 : vector<1x16xf32> to vector<16xf32>
          %mul3A_1456 = arith.mulf %get3A_1455, %broadcast_in_dim3A_1391 : vector<16xf32>
          %swap3A_1457 = arith.index_cast %add3A_1388 : i32 to index
          %swap3A_1458 = arith.constant 96 : index
          %swap3A_1459 = tpu.vector_load %arg20[%swap3A_1457, %swap3A_1458] {strides = array<i32>} : memref<80x128xf32, #tpu.memory_space<vmem>>, vector<1x16xf32>,
          %swap3A_1460 = vector.shape_cast %swap3A_1459 : vector<1x16xf32> to vector<16xf32>
          %swap3A_1461 = vector.shape_cast %mul3A_1456 : vector<16xf32> to vector<1x16xf32>
          tpu.vector_store %arg20[%swap3A_1457, %swap3A_1458], %swap3A_1461 {strides = array<i32>} : memref<80x128xf32, #tpu.memory_space<vmem>>, vector<1x16xf32>,
          %get3A_1462 = arith.index_cast %add3A_1388 : i32 to index
          %get3A_1463 = arith.constant 112 : index
          %get3A_1464 = tpu.vector_load %arg20[%get3A_1462, %get3A_1463] {strides = array<i32>} : memref<80x128xf32, #tpu.memory_space<vmem>>, vector<1x16xf32>,
          %get3A_1465 = vector.shape_cast %get3A_1464 : vector<1x16xf32> to vector<16xf32>
          %mul3A_1466 = arith.mulf %get3A_1465, %broadcast_in_dim3A_1391 : vector<16xf32>
          %swap3A_1467 = arith.index_cast %add3A_1388 : i32 to index
          %swap3A_1468 = arith.constant 112 : index
          %swap3A_1469 = tpu.vector_load %arg20[%swap3A_1467, %swap3A_1468] {strides = array<i32>} : memref<80x128xf32, #tpu.memory_space<vmem>>, vector<1x16xf32>,
          %swap3A_1470 = vector.shape_cast %swap3A_1469 : vector<1x16xf32> to vector<16xf32>
          %swap3A_1471 = vector.shape_cast %mul3A_1466 : vector<16xf32> to vector<1x16xf32>
          tpu.vector_store %arg20[%swap3A_1467, %swap3A_1468], %swap3A_1471 {strides = array<i32>} : memref<80x128xf32, #tpu.memory_space<vmem>>, vector<1x16xf32>,
        }
        %scan3A_58 = arith.constant 5 : i32
        "tpu.region"() ({
          %run_scoped3A = tpu.sem_alloc : memref<!tpu.dma_semaphore, #tpu.memory_space<semaphore_mem>>
          %dma_start3A = arith.constant 0 : i32
          %dma_start3A_59 = tpu.memref_slice %arg16[%scan3A_46, %dma_start3A] : memref<5x80xi32, #tpu.memory_space<vmem>> -> memref<1x80xi32, #tpu.memory_space<vmem>>
          %dma_start3A_60 = tpu.memref_squeeze %dma_start3A_59 : memref<1x80xi32, #tpu.memory_space<vmem>> -> memref<80xi32, #tpu.memory_space<vmem>>
          %dma_start3A_61 = arith.constant 0 : i32
          %dma_start3A_62 = arith.constant 0 : i32
          %dma_start3A_63 = tpu.memref_slice %arg23[%dma_start3A_61, %dma_start3A_62] : memref<10240x128xf32, #tpu.memory_space<vmem_shared>> -> memref<10240x128xf32, #tpu.memory_space<vmem_shared>>
          tpu.enqueue_indirect_dma source(%arg20 : memref<80x128xf32, #tpu.memory_space<vmem>>) target(%dma_start3A_63 : memref<10240x128xf32, #tpu.memory_space<vmem_shared>>) offsets(%dma_start3A_60 : memref<80xi32, #tpu.memory_space<vmem>>) semaphore(%run_scoped3A : memref<!tpu.dma_semaphore, #tpu.memory_space<semaphore_mem>>) {add = true}
          %dma_wait3A = arith.constant 0 : i32
          %dma_wait3A_64 = tpu.memref_slice %arg16[%scan3A_46, %dma_wait3A] : memref<5x80xi32, #tpu.memory_space<vmem>> -> memref<1x80xi32, #tpu.memory_space<vmem>>
          %dma_wait3A_65 = tpu.memref_squeeze %dma_wait3A_64 : memref<1x80xi32, #tpu.memory_space<vmem>> -> memref<80xi32, #tpu.memory_space<vmem>>
          %dma_wait3A_66 = arith.constant 0 : i32
          %dma_wait3A_67 = arith.constant 0 : i32
          %dma_wait3A_68 = tpu.memref_slice %arg23[%dma_wait3A_66, %dma_wait3A_67] : memref<10240x128xf32, #tpu.memory_space<vmem_shared>> -> memref<10240x128xf32, #tpu.memory_space<vmem_shared>>
          tpu.wait_indirect_dma semaphore(%run_scoped3A : memref<!tpu.dma_semaphore, #tpu.memory_space<semaphore_mem>>) src(%arg20 : memref<80x128xf32, #tpu.memory_space<vmem>>) dst(%dma_wait3A_68 : memref<10240x128xf32, #tpu.memory_space<vmem_shared>>)
          tpu.yield
        }) : () -> ()
        "tpu.region"() ({
          %run_scoped3A = tpu.sem_alloc : memref<!tpu.dma_semaphore, #tpu.memory_space<semaphore_mem>>
          %dma_start3A = arith.constant 0 : i32
          %dma_start3A_59 = tpu.memref_slice %arg19[%scan3A_46, %dma_start3A] : memref<5x80xf32, #tpu.memory_space<vmem>> -> memref<1x80xf32, #tpu.memory_space<vmem>>
          %dma_start3A_60 = tpu.memref_squeeze %dma_start3A_59 : memref<1x80xf32, #tpu.memory_space<vmem>> -> memref<80xf32, #tpu.memory_space<vmem>>
          %dma_start3A_61 = arith.constant 0 : i32
          %dma_start3A_62 = tpu.memref_slice %arg16[%scan3A_46, %dma_start3A_61] : memref<5x80xi32, #tpu.memory_space<vmem>> -> memref<1x80xi32, #tpu.memory_space<vmem>>
          %dma_start3A_63 = tpu.memref_squeeze %dma_start3A_62 : memref<1x80xi32, #tpu.memory_space<vmem>> -> memref<80xi32, #tpu.memory_space<vmem>>
          %dma_start3A_64 = arith.constant 0 : i32
          %dma_start3A_65 = tpu.memref_slice %arg24[%dma_start3A_64] : memref<10240xf32, #tpu.memory_space<vmem_shared>> -> memref<10240xf32, #tpu.memory_space<vmem_shared>>
          tpu.enqueue_indirect_dma source(%dma_start3A_60 : memref<80xf32, #tpu.memory_space<vmem>>) target(%dma_start3A_65 : memref<10240xf32, #tpu.memory_space<vmem_shared>>) offsets(%dma_start3A_63 : memref<80xi32, #tpu.memory_space<vmem>>) semaphore(%run_scoped3A : memref<!tpu.dma_semaphore, #tpu.memory_space<semaphore_mem>>) {add = true}
          %dma_wait3A = arith.constant 0 : i32
          %dma_wait3A_66 = tpu.memref_slice %arg19[%scan3A_46, %dma_wait3A] : memref<5x80xf32, #tpu.memory_space<vmem>> -> memref<1x80xf32, #tpu.memory_space<vmem>>
          %dma_wait3A_67 = tpu.memref_squeeze %dma_wait3A_66 : memref<1x80xf32, #tpu.memory_space<vmem>> -> memref<80xf32, #tpu.memory_space<vmem>>
          %dma_wait3A_68 = arith.constant 0 : i32
          %dma_wait3A_69 = tpu.memref_slice %arg16[%scan3A_46, %dma_wait3A_68] : memref<5x80xi32, #tpu.memory_space<vmem>> -> memref<1x80xi32, #tpu.memory_space<vmem>>
          %dma_wait3A_70 = tpu.memref_squeeze %dma_wait3A_69 : memref<1x80xi32, #tpu.memory_space<vmem>> -> memref<80xi32, #tpu.memory_space<vmem>>
          %dma_wait3A_71 = arith.constant 0 : i32
          %dma_wait3A_72 = tpu.memref_slice %arg24[%dma_wait3A_71] : memref<10240xf32, #tpu.memory_space<vmem_shared>> -> memref<10240xf32, #tpu.memory_space<vmem_shared>>
          tpu.wait_indirect_dma semaphore(%run_scoped3A : memref<!tpu.dma_semaphore, #tpu.memory_space<semaphore_mem>>) src(%dma_wait3A_67 : memref<80xf32, #tpu.memory_space<vmem>>) dst(%dma_wait3A_72 : memref<10240xf32, #tpu.memory_space<vmem_shared>>)
          tpu.yield
        }) : () -> ()
      }
      %scan3A_45 = arith.constant 5 : i32
    }
    %scan3A_30 = arith.constant 25 : i32
    %barrier3A_31 = arith.constant 0 : index
    tpu.barrier barrier_id(%barrier3A_31)
    "tpu.region"() ({
      %run_scoped3A = tpu.sem_alloc : memref<!tpu.dma_semaphore, #tpu.memory_space<semaphore_mem>>
      %dma_start3A = arith.constant 0 : i32
      %dma_start3A_35 = tpu.memref_slice %arg8[%arg0, %mul3A_4, %dma_start3A] : memref<2x10240x128xf32, #tpu.memory_space<hbm>> -> memref<1x640x128xf32, #tpu.memory_space<hbm>>
      %dma_start3A_36 = tpu.memref_squeeze %dma_start3A_35 : memref<1x640x128xf32, #tpu.memory_space<hbm>> -> memref<640x128xf32, #tpu.memory_space<hbm>>
      %dma_start3A_37 = arith.constant 0 : i32
      %dma_start3A_38 = tpu.memref_slice %arg23[%mul3A_4, %dma_start3A_37] : memref<10240x128xf32, #tpu.memory_space<vmem_shared>> -> memref<640x128xf32, #tpu.memory_space<vmem_shared>>
      tpu.enqueue_dma source(%dma_start3A_38 : memref<640x128xf32, #tpu.memory_space<vmem_shared>>) target(%dma_start3A_36 : memref<640x128xf32, #tpu.memory_space<hbm>>) target_semaphore(%run_scoped3A : memref<!tpu.dma_semaphore, #tpu.memory_space<semaphore_mem>>)
      %dma_wait3A = arith.constant 0 : i32
      %dma_wait3A_39 = tpu.memref_slice %arg8[%arg0, %mul3A_4, %dma_wait3A] : memref<2x10240x128xf32, #tpu.memory_space<hbm>> -> memref<1x640x128xf32, #tpu.memory_space<hbm>>
      %dma_wait3A_40 = tpu.memref_squeeze %dma_wait3A_39 : memref<1x640x128xf32, #tpu.memory_space<hbm>> -> memref<640x128xf32, #tpu.memory_space<hbm>>
      %dma_wait3A_41 = arith.constant 0 : i32
      %dma_wait3A_42 = tpu.memref_slice %arg23[%mul3A_4, %dma_wait3A_41] : memref<10240x128xf32, #tpu.memory_space<vmem_shared>> -> memref<640x128xf32, #tpu.memory_space<vmem_shared>>
      tpu.wait_dma2 semaphore(%run_scoped3A : memref<!tpu.dma_semaphore, #tpu.memory_space<semaphore_mem>>) src(%dma_wait3A_42 : memref<640x128xf32, #tpu.memory_space<vmem_shared>>) dst(%dma_wait3A_40 : memref<640x128xf32, #tpu.memory_space<hbm>>)
      tpu.yield
    }) : () -> ()
    %mul3A_32 = arith.constant 10240 : i32
    %mul3A_33 = arith.muli %arg0, %mul3A_32 : i32
    %add3A_34 = arith.addi %mul3A_33, %mul3A_4 : i32
    %multiple_of3A = tpu.assume_multiple %add3A_34, 128 : i32
    "tpu.region"() ({
      %run_scoped3A = tpu.sem_alloc : memref<!tpu.dma_semaphore, #tpu.memory_space<semaphore_mem>>
      %dma_start3A = tpu.memref_slice %arg9[%multiple_of3A] : memref<20480xf32, #tpu.memory_space<hbm>> -> memref<640xf32, #tpu.memory_space<hbm>>
      %dma_start3A_35 = tpu.memref_slice %arg24[%mul3A_4] : memref<10240xf32, #tpu.memory_space<vmem_shared>> -> memref<640xf32, #tpu.memory_space<vmem_shared>>
      tpu.enqueue_dma source(%dma_start3A_35 : memref<640xf32, #tpu.memory_space<vmem_shared>>) target(%dma_start3A : memref<640xf32, #tpu.memory_space<hbm>>) target_semaphore(%run_scoped3A : memref<!tpu.dma_semaphore, #tpu.memory_space<semaphore_mem>>)
      %dma_wait3A = tpu.memref_slice %arg9[%multiple_of3A] : memref<20480xf32, #tpu.memory_space<hbm>> -> memref<640xf32, #tpu.memory_space<hbm>>
      %dma_wait3A_36 = tpu.memref_slice %arg24[%mul3A_4] : memref<10240xf32, #tpu.memory_space<vmem_shared>> -> memref<640xf32, #tpu.memory_space<vmem_shared>>
      tpu.wait_dma2 semaphore(%run_scoped3A : memref<!tpu.dma_semaphore, #tpu.memory_space<semaphore_mem>>) src(%dma_wait3A_36 : memref<640xf32, #tpu.memory_space<vmem_shared>>) dst(%dma_wait3A : memref<640xf32, #tpu.memory_space<hbm>>)
      tpu.yield
    }) : () -> ()
    return
  }
}

#map = affine_map<(d0, d1) -> (0)>
#map1 = affine_map<(d0, d1) -> (0, 0)>
#map2 = affine_map<(d0, d1) -> (0, 0, 0)>
module attributes {stable_mosaic.version = 14 : i64} {
  func.func @_sc_body(%arg0: i32, %arg1: i32, %arg2: memref<320000xi32, #tpu.memory_space<hbm>>, %arg3: memref<320000xi32, #tpu.memory_space<hbm>>, %arg4: memref<320000xi32, #tpu.memory_space<hbm>>, %arg5: memref<81920x128xf32, #tpu.memory_space<hbm>>, %arg6: memref<163840xf32, #tpu.memory_space<hbm>>, %arg7: memref<16xf32, #tpu.memory_space<hbm>>, %arg8: memref<2x10240x128xf32, #tpu.memory_space<hbm>>, %arg9: memref<20480xf32, #tpu.memory_space<hbm>>, %arg10: memref<400xi32, #tpu.memory_space<vmem>>, %arg11: memref<400xi32, #tpu.memory_space<vmem>>, %arg12: memref<400xi32, #tpu.memory_space<vmem>>, %arg13: memref<5x80xi32, #tpu.memory_space<vmem>>, %arg14: memref<5x80xi32, #tpu.memory_space<vmem>>, %arg15: memref<5x80xi32, #tpu.memory_space<vmem>>, %arg16: memref<5x80xi32, #tpu.memory_space<vmem>>, %arg17: memref<5x80xf32, #tpu.memory_space<vmem>>, %arg18: memref<5x80xf32, #tpu.memory_space<vmem>>, %arg19: memref<5x80xf32, #tpu.memory_space<vmem>>, %arg20: memref<80x128xf32, #tpu.memory_space<vmem>>, %arg21: memref<640xf32, #tpu.memory_space<vmem>>, %arg22: memref<16xf32, #tpu.memory_space<vmem>>, %arg23: memref<10240x128xf32, #tpu.memory_space<vmem_shared>>, %arg24: memref<10240xf32, #tpu.memory_space<vmem_shared>>) attributes {dimension_semantics = [#tpu.dimension_semantics<core_parallel>, #tpu.dimension_semantics<subcore_parallel>], iteration_bounds = array<i64: 2, 16>, scalar_prefetch = 0 : i64, scratch_operands = 15 : i64, tpu.core_type = #tpu.core_type<sc_vector_subcore>, window_params = [{transform_indices = #map}, {transform_indices = #map}, {transform_indices = #map}, {transform_indices = #map1}, {transform_indices = #map}, {transform_indices = #map}, {transform_indices = #map2}, {transform_indices = #map}]} {
    %mul3A = arith.constant 2 : i32
    %mul3A_0 = arith.muli %arg1, %mul3A : i32
    %add3A = arith.addi %mul3A_0, %arg0 : i32
    %mul3A_1 = arith.constant 10000 : i32
    %mul3A_2 = arith.muli %add3A, %mul3A_1 : i32
    %mul3A_3 = arith.constant 640 : i32
    %mul3A_4 = arith.muli %arg1, %mul3A_3 : i32
    %broadcast_in_dim3A = arith.constant 0.000000e+00 : f32
    %broadcast_in_dim3A_5 = vector.broadcast %broadcast_in_dim3A : f32 to vector<16xf32>
    %scan3A = arith.constant 0 : i32
    %scan3A_6 = arith.constant 0 : i32
    %scan3A_7 = arith.constant 80 : i32
    %scan3A_8 = arith.addi %scan3A_6, %scan3A_7 : i32
    %scan3A_9 = arith.constant 1 : i32
    scf.for %scan3A_35 = %scan3A_6 to %scan3A_8 step %scan3A_9  : i32 {
      %swap3A = arith.index_cast %scan3A_35 : i32 to index
      %swap3A_36 = arith.constant 0 : index
      %swap3A_37 = tpu.vector_load %arg20[%swap3A, %swap3A_36] {strides = array<i32>} : memref<80x128xf32, #tpu.memory_space<vmem>>, vector<1x16xf32>,
      %swap3A_38 = vector.shape_cast %swap3A_37 : vector<1x16xf32> to vector<16xf32>
      %swap3A_39 = vector.shape_cast %broadcast_in_dim3A_5 : vector<16xf32> to vector<1x16xf32>
      tpu.vector_store %arg20[%swap3A, %swap3A_36], %swap3A_39 {strides = array<i32>} : memref<80x128xf32, #tpu.memory_space<vmem>>, vector<1x16xf32>,
      %swap3A_40 = arith.index_cast %scan3A_35 : i32 to index
      %swap3A_41 = arith.constant 16 : index
      %swap3A_42 = tpu.vector_load %arg20[%swap3A_40, %swap3A_41] {strides = array<i32>} : memref<80x128xf32, #tpu.memory_space<vmem>>, vector<1x16xf32>,
      %swap3A_43 = vector.shape_cast %swap3A_42 : vector<1x16xf32> to vector<16xf32>
      %swap3A_44 = vector.shape_cast %broadcast_in_dim3A_5 : vector<16xf32> to vector<1x16xf32>
      tpu.vector_store %arg20[%swap3A_40, %swap3A_41], %swap3A_44 {strides = array<i32>} : memref<80x128xf32, #tpu.memory_space<vmem>>, vector<1x16xf32>,
      %swap3A_45 = arith.index_cast %scan3A_35 : i32 to index
      %swap3A_46 = arith.constant 32 : index
      %swap3A_47 = tpu.vector_load %arg20[%swap3A_45, %swap3A_46] {strides = array<i32>} : memref<80x128xf32, #tpu.memory_space<vmem>>, vector<1x16xf32>,
      %swap3A_48 = vector.shape_cast %swap3A_47 : vector<1x16xf32> to vector<16xf32>
      %swap3A_49 = vector.shape_cast %broadcast_in_dim3A_5 : vector<16xf32> to vector<1x16xf32>
      tpu.vector_store %arg20[%swap3A_45, %swap3A_46], %swap3A_49 {strides = array<i32>} : memref<80x128xf32, #tpu.memory_space<vmem>>, vector<1x16xf32>,
      %swap3A_50 = arith.index_cast %scan3A_35 : i32 to index
      %swap3A_51 = arith.constant 48 : index
      %swap3A_52 = tpu.vector_load %arg20[%swap3A_50, %swap3A_51] {strides = array<i32>} : memref<80x128xf32, #tpu.memory_space<vmem>>, vector<1x16xf32>,
      %swap3A_53 = vector.shape_cast %swap3A_52 : vector<1x16xf32> to vector<16xf32>
      %swap3A_54 = vector.shape_cast %broadcast_in_dim3A_5 : vector<16xf32> to vector<1x16xf32>
      tpu.vector_store %arg20[%swap3A_50, %swap3A_51], %swap3A_54 {strides = array<i32>} : memref<80x128xf32, #tpu.memory_space<vmem>>, vector<1x16xf32>,
      %swap3A_55 = arith.index_cast %scan3A_35 : i32 to index
      %swap3A_56 = arith.constant 64 : index
      %swap3A_57 = tpu.vector_load %arg20[%swap3A_55, %swap3A_56] {strides = array<i32>} : memref<80x128xf32, #tpu.memory_space<vmem>>, vector<1x16xf32>,
      %swap3A_58 = vector.shape_cast %swap3A_57 : vector<1x16xf32> to vector<16xf32>
      %swap3A_59 = vector.shape_cast %broadcast_in_dim3A_5 : vector<16xf32> to vector<1x16xf32>
      tpu.vector_store %arg20[%swap3A_55, %swap3A_56], %swap3A_59 {strides = array<i32>} : memref<80x128xf32, #tpu.memory_space<vmem>>, vector<1x16xf32>,
      %swap3A_60 = arith.index_cast %scan3A_35 : i32 to index
      %swap3A_61 = arith.constant 80 : index
      %swap3A_62 = tpu.vector_load %arg20[%swap3A_60, %swap3A_61] {strides = array<i32>} : memref<80x128xf32, #tpu.memory_space<vmem>>, vector<1x16xf32>,
      %swap3A_63 = vector.shape_cast %swap3A_62 : vector<1x16xf32> to vector<16xf32>
      %swap3A_64 = vector.shape_cast %broadcast_in_dim3A_5 : vector<16xf32> to vector<1x16xf32>
      tpu.vector_store %arg20[%swap3A_60, %swap3A_61], %swap3A_64 {strides = array<i32>} : memref<80x128xf32, #tpu.memory_space<vmem>>, vector<1x16xf32>,
      %swap3A_65 = arith.index_cast %scan3A_35 : i32 to index
      %swap3A_66 = arith.constant 96 : index
      %swap3A_67 = tpu.vector_load %arg20[%swap3A_65, %swap3A_66] {strides = array<i32>} : memref<80x128xf32, #tpu.memory_space<vmem>>, vector<1x16xf32>,
      %swap3A_68 = vector.shape_cast %swap3A_67 : vector<1x16xf32> to vector<16xf32>
      %swap3A_69 = vector.shape_cast %broadcast_in_dim3A_5 : vector<16xf32> to vector<1x16xf32>
      tpu.vector_store %arg20[%swap3A_65, %swap3A_66], %swap3A_69 {strides = array<i32>} : memref<80x128xf32, #tpu.memory_space<vmem>>, vector<1x16xf32>,
      %swap3A_70 = arith.index_cast %scan3A_35 : i32 to index
      %swap3A_71 = arith.constant 112 : index
      %swap3A_72 = tpu.vector_load %arg20[%swap3A_70, %swap3A_71] {strides = array<i32>} : memref<80x128xf32, #tpu.memory_space<vmem>>, vector<1x16xf32>,
      %swap3A_73 = vector.shape_cast %swap3A_72 : vector<1x16xf32> to vector<16xf32>
      %swap3A_74 = vector.shape_cast %broadcast_in_dim3A_5 : vector<16xf32> to vector<1x16xf32>
      tpu.vector_store %arg20[%swap3A_70, %swap3A_71], %swap3A_74 {strides = array<i32>} : memref<80x128xf32, #tpu.memory_space<vmem>>, vector<1x16xf32>,
    }
    %scan3A_10 = arith.constant 80 : i32
    %scan3A_11 = arith.constant 0 : i32
    %scan3A_12 = arith.constant 0 : i32
    %scan3A_13 = arith.constant 40 : i32
    %scan3A_14 = arith.addi %scan3A_12, %scan3A_13 : i32
    %scan3A_15 = arith.constant 1 : i32
    scf.for %scan3A_35 = %scan3A_12 to %scan3A_14 step %scan3A_15  : i32 {
      %mul3A_36 = arith.constant 16 : i32
      %mul3A_37 = arith.muli %scan3A_35, %mul3A_36 : i32
      %swap3A = arith.index_cast %mul3A_37 : i32 to index
      %swap3A_38 = tpu.vector_load %arg21[%swap3A] {strides = array<i32>} : memref<640xf32, #tpu.memory_space<vmem>>, vector<16xf32>,
      %swap3A_39 = vector.shape_cast %swap3A_38 : vector<16xf32> to vector<16xf32>
      %swap3A_40 = vector.shape_cast %broadcast_in_dim3A_5 : vector<16xf32> to vector<16xf32>
      tpu.vector_store %arg21[%swap3A], %swap3A_40 {strides = array<i32>} : memref<640xf32, #tpu.memory_space<vmem>>, vector<16xf32>,
    }
    %scan3A_16 = arith.constant 40 : i32
    %scan3A_17 = arith.constant 0 : i32
    %scan3A_18 = arith.constant 0 : i32
    %scan3A_19 = arith.constant 8 : i32
    %scan3A_20 = arith.addi %scan3A_18, %scan3A_19 : i32
    %scan3A_21 = arith.constant 1 : i32
    scf.for %scan3A_35 = %scan3A_18 to %scan3A_20 step %scan3A_21  : i32 {
      %mul3A_36 = arith.constant 80 : i32
      %mul3A_37 = arith.muli %scan3A_35, %mul3A_36 : i32
      %add3A_38 = arith.addi %mul3A_4, %mul3A_37 : i32
      %multiple_of3A_39 = tpu.assume_multiple %add3A_38, 16 : i32
      "tpu.region"() ({
        %run_scoped3A = tpu.sem_alloc : memref<!tpu.dma_semaphore, #tpu.memory_space<semaphore_mem>>
        %dma_start3A = arith.constant 0 : i32
        %dma_start3A_40 = tpu.memref_slice %arg23[%multiple_of3A_39, %dma_start3A] : memref<10240x128xf32, #tpu.memory_space<vmem_shared>> -> memref<80x128xf32, #tpu.memory_space<vmem_shared>>
        %dma_start3A_41 = arith.constant 0 : i32
        %dma_start3A_42 = tpu.memref_slice %arg23[%multiple_of3A_39, %dma_start3A_41] : memref<10240x128xf32, #tpu.memory_space<vmem_shared>> -> memref<80x128xf32, #tpu.memory_space<vmem_shared>>
        tpu.enqueue_dma source(%arg20 : memref<80x128xf32, #tpu.memory_space<vmem>>) target(%dma_start3A_42 : memref<80x128xf32, #tpu.memory_space<vmem_shared>>) target_semaphore(%run_scoped3A : memref<!tpu.dma_semaphore, #tpu.memory_space<semaphore_mem>>)
        %dma_wait3A = arith.constant 0 : i32
        %dma_wait3A_43 = tpu.memref_slice %arg23[%multiple_of3A_39, %dma_wait3A] : memref<10240x128xf32, #tpu.memory_space<vmem_shared>> -> memref<80x128xf32, #tpu.memory_space<vmem_shared>>
        %dma_wait3A_44 = arith.constant 0 : i32
        %dma_wait3A_45 = tpu.memref_slice %arg23[%multiple_of3A_39, %dma_wait3A_44] : memref<10240x128xf32, #tpu.memory_space<vmem_shared>> -> memref<80x128xf32, #tpu.memory_space<vmem_shared>>
        tpu.wait_dma2 semaphore(%run_scoped3A : memref<!tpu.dma_semaphore, #tpu.memory_space<semaphore_mem>>) src(%arg20 : memref<80x128xf32, #tpu.memory_space<vmem>>) dst(%dma_wait3A_45 : memref<80x128xf32, #tpu.memory_space<vmem_shared>>)
        tpu.yield
      }) : () -> ()
    }
    %scan3A_22 = arith.constant 8 : i32
    "tpu.region"() ({
      %run_scoped3A = tpu.sem_alloc : memref<!tpu.dma_semaphore, #tpu.memory_space<semaphore_mem>>
      %dma_start3A = tpu.memref_slice %arg24[%mul3A_4] : memref<10240xf32, #tpu.memory_space<vmem_shared>> -> memref<640xf32, #tpu.memory_space<vmem_shared>>
      %dma_start3A_35 = tpu.memref_slice %arg24[%mul3A_4] : memref<10240xf32, #tpu.memory_space<vmem_shared>> -> memref<640xf32, #tpu.memory_space<vmem_shared>>
      tpu.enqueue_dma source(%arg21 : memref<640xf32, #tpu.memory_space<vmem>>) target(%dma_start3A_35 : memref<640xf32, #tpu.memory_space<vmem_shared>>) target_semaphore(%run_scoped3A : memref<!tpu.dma_semaphore, #tpu.memory_space<semaphore_mem>>)
      %dma_wait3A = tpu.memref_slice %arg24[%mul3A_4] : memref<10240xf32, #tpu.memory_space<vmem_shared>> -> memref<640xf32, #tpu.memory_space<vmem_shared>>
      %dma_wait3A_36 = tpu.memref_slice %arg24[%mul3A_4] : memref<10240xf32, #tpu.memory_space<vmem_shared>> -> memref<640xf32, #tpu.memory_space<vmem_shared>>
      tpu.wait_dma2 semaphore(%run_scoped3A : memref<!tpu.dma_semaphore, #tpu.memory_space<semaphore_mem>>) src(%arg21 : memref<640xf32, #tpu.memory_space<vmem>>) dst(%dma_wait3A_36 : memref<640xf32, #tpu.memory_space<vmem_shared>>)
      tpu.yield
    }) : () -> ()
    %barrier3A = arith.constant 0 : index
    tpu.barrier barrier_id(%barrier3A)
    "tpu.region"() ({
      %run_scoped3A = tpu.sem_alloc : memref<!tpu.dma_semaphore, #tpu.memory_space<semaphore_mem>>
      tpu.enqueue_dma source(%arg7 : memref<16xf32, #tpu.memory_space<hbm>>) target(%arg22 : memref<16xf32, #tpu.memory_space<vmem>>) target_semaphore(%run_scoped3A : memref<!tpu.dma_semaphore, #tpu.memory_space<semaphore_mem>>)
      tpu.wait_dma2 semaphore(%run_scoped3A : memref<!tpu.dma_semaphore, #tpu.memory_space<semaphore_mem>>) src(%arg7 : memref<16xf32, #tpu.memory_space<hbm>>) dst(%arg22 : memref<16xf32, #tpu.memory_space<vmem>>)
      tpu.yield
    }) : () -> ()
    %get3A = arith.constant 0 : index
    %get3A_23 = tpu.vector_load %arg22[%get3A] {strides = array<i32>} : memref<16xf32, #tpu.memory_space<vmem>>, vector<16xf32>,
    %get3A_24 = vector.shape_cast %get3A_23 : vector<16xf32> to vector<16xf32>
    %scan3A_25 = arith.constant 0 : i32
    %scan3A_26 = arith.constant 0 : i32
    %scan3A_27 = arith.constant 25 : i32
    %scan3A_28 = arith.addi %scan3A_26, %scan3A_27 : i32
    %scan3A_29 = arith.constant 1 : i32
    scf.for %scan3A_35 = %scan3A_26 to %scan3A_28 step %scan3A_29  : i32 {
      %mul3A_36 = arith.constant 400 : i32
      %mul3A_37 = arith.muli %scan3A_35, %mul3A_36 : i32
      %add3A_38 = arith.addi %mul3A_2, %mul3A_37 : i32
      %multiple_of3A_39 = tpu.assume_multiple %add3A_38, 400 : i32
      "tpu.region"() ({
        %run_scoped3A = tpu.sem_alloc : memref<!tpu.dma_semaphore, #tpu.memory_space<semaphore_mem>>
        %dma_start3A = tpu.memref_slice %arg2[%multiple_of3A_39] : memref<320000xi32, #tpu.memory_space<hbm>> -> memref<400xi32, #tpu.memory_space<hbm>>
        %dma_start3A_46 = tpu.memref_slice %arg2[%multiple_of3A_39] : memref<320000xi32, #tpu.memory_space<hbm>> -> memref<400xi32, #tpu.memory_space<hbm>>
        tpu.enqueue_dma source(%dma_start3A_46 : memref<400xi32, #tpu.memory_space<hbm>>) target(%arg10 : memref<400xi32, #tpu.memory_space<vmem>>) target_semaphore(%run_scoped3A : memref<!tpu.dma_semaphore, #tpu.memory_space<semaphore_mem>>)
        %dma_wait3A = tpu.memref_slice %arg2[%multiple_of3A_39] : memref<320000xi32, #tpu.memory_space<hbm>> -> memref<400xi32, #tpu.memory_space<hbm>>
        %dma_wait3A_47 = tpu.memref_slice %arg2[%multiple_of3A_39] : memref<320000xi32, #tpu.memory_space<hbm>> -> memref<400xi32, #tpu.memory_space<hbm>>
        tpu.wait_dma2 semaphore(%run_scoped3A : memref<!tpu.dma_semaphore, #tpu.memory_space<semaphore_mem>>) src(%dma_wait3A_47 : memref<400xi32, #tpu.memory_space<hbm>>) dst(%arg10 : memref<400xi32, #tpu.memory_space<vmem>>)
        tpu.yield
      }) : () -> ()
      "tpu.region"() ({
        %run_scoped3A = tpu.sem_alloc : memref<!tpu.dma_semaphore, #tpu.memory_space<semaphore_mem>>
        %dma_start3A = tpu.memref_slice %arg3[%multiple_of3A_39] : memref<320000xi32, #tpu.memory_space<hbm>> -> memref<400xi32, #tpu.memory_space<hbm>>
        %dma_start3A_46 = tpu.memref_slice %arg3[%multiple_of3A_39] : memref<320000xi32, #tpu.memory_space<hbm>> -> memref<400xi32, #tpu.memory_space<hbm>>
        tpu.enqueue_dma source(%dma_start3A_46 : memref<400xi32, #tpu.memory_space<hbm>>) target(%arg11 : memref<400xi32, #tpu.memory_space<vmem>>) target_semaphore(%run_scoped3A : memref<!tpu.dma_semaphore, #tpu.memory_space<semaphore_mem>>)
        %dma_wait3A = tpu.memref_slice %arg3[%multiple_of3A_39] : memref<320000xi32, #tpu.memory_space<hbm>> -> memref<400xi32, #tpu.memory_space<hbm>>
        %dma_wait3A_47 = tpu.memref_slice %arg3[%multiple_of3A_39] : memref<320000xi32, #tpu.memory_space<hbm>> -> memref<400xi32, #tpu.memory_space<hbm>>
        tpu.wait_dma2 semaphore(%run_scoped3A : memref<!tpu.dma_semaphore, #tpu.memory_space<semaphore_mem>>) src(%dma_wait3A_47 : memref<400xi32, #tpu.memory_space<hbm>>) dst(%arg11 : memref<400xi32, #tpu.memory_space<vmem>>)
        tpu.yield
      }) : () -> ()
      "tpu.region"() ({
        %run_scoped3A = tpu.sem_alloc : memref<!tpu.dma_semaphore, #tpu.memory_space<semaphore_mem>>
        %dma_start3A = tpu.memref_slice %arg4[%multiple_of3A_39] : memref<320000xi32, #tpu.memory_space<hbm>> -> memref<400xi32, #tpu.memory_space<hbm>>
        %dma_start3A_46 = tpu.memref_slice %arg4[%multiple_of3A_39] : memref<320000xi32, #tpu.memory_space<hbm>> -> memref<400xi32, #tpu.memory_space<hbm>>
        tpu.enqueue_dma source(%dma_start3A_46 : memref<400xi32, #tpu.memory_space<hbm>>) target(%arg12 : memref<400xi32, #tpu.memory_space<vmem>>) target_semaphore(%run_scoped3A : memref<!tpu.dma_semaphore, #tpu.memory_space<semaphore_mem>>)
        %dma_wait3A = tpu.memref_slice %arg4[%multiple_of3A_39] : memref<320000xi32, #tpu.memory_space<hbm>> -> memref<400xi32, #tpu.memory_space<hbm>>
        %dma_wait3A_47 = tpu.memref_slice %arg4[%multiple_of3A_39] : memref<320000xi32, #tpu.memory_space<hbm>> -> memref<400xi32, #tpu.memory_space<hbm>>
        tpu.wait_dma2 semaphore(%run_scoped3A : memref<!tpu.dma_semaphore, #tpu.memory_space<semaphore_mem>>) src(%dma_wait3A_47 : memref<400xi32, #tpu.memory_space<hbm>>) dst(%arg12 : memref<400xi32, #tpu.memory_space<vmem>>)
        tpu.yield
      }) : () -> ()
      %scan3A_40 = arith.constant 0 : i32
      %scan3A_41 = arith.constant 0 : i32
      %scan3A_42 = arith.constant 5 : i32
      %scan3A_43 = arith.addi %scan3A_41, %scan3A_42 : i32
      %scan3A_44 = arith.constant 1 : i32
      scf.for %scan3A_46 = %scan3A_41 to %scan3A_43 step %scan3A_44  : i32 {
        %scan3A_47 = arith.constant 0 : i32
        %scan3A_48 = arith.constant 0 : i32
        %scan3A_49 = arith.constant 5 : i32
        %scan3A_50 = arith.addi %scan3A_48, %scan3A_49 : i32
        %scan3A_51 = arith.constant 1 : i32
        scf.for %scan3A_59 = %scan3A_48 to %scan3A_50 step %scan3A_51  : i32 {
          %mul3A_60 = arith.constant 80 : i32
          %mul3A_61 = arith.muli %scan3A_46, %mul3A_60 : i32
          %mul3A_62 = arith.constant 16 : i32
          %mul3A_63 = arith.muli %scan3A_59, %mul3A_62 : i32
          %add3A_64 = arith.addi %mul3A_61, %mul3A_63 : i32
          %multiple_of3A_65 = tpu.assume_multiple %add3A_64, 16 : i32
          %get3A_66 = arith.index_cast %multiple_of3A_65 : i32 to index
          %get3A_67 = tpu.vector_load %arg10[%get3A_66] {strides = array<i32>} : memref<400xi32, #tpu.memory_space<vmem>>, vector<16xi32>,
          %get3A_68 = vector.shape_cast %get3A_67 : vector<16xi32> to vector<16xi32>
          %get3A_69 = arith.index_cast %multiple_of3A_65 : i32 to index
          %get3A_70 = tpu.vector_load %arg11[%get3A_69] {strides = array<i32>} : memref<400xi32, #tpu.memory_space<vmem>>, vector<16xi32>,
          %get3A_71 = vector.shape_cast %get3A_70 : vector<16xi32> to vector<16xi32>
          %get3A_72 = arith.index_cast %multiple_of3A_65 : i32 to index
          %get3A_73 = tpu.vector_load %arg12[%get3A_72] {strides = array<i32>} : memref<400xi32, #tpu.memory_space<vmem>>, vector<16xi32>,
          %get3A_74 = vector.shape_cast %get3A_73 : vector<16xi32> to vector<16xi32>
          %mul3A_75 = arith.constant 16 : i32
          %mul3A_76 = arith.muli %scan3A_59, %mul3A_75 : i32
          %multiple_of3A_77 = tpu.assume_multiple %mul3A_76, 16 : i32
          %mul3A_78 = arith.constant 16 : i32
          %mul3A_79 = vector.broadcast %mul3A_78 : i32 to vector<16xi32>
          %mul3A_80 = arith.muli %get3A_71, %mul3A_79 : vector<16xi32>
          %add3A_81 = arith.addi %mul3A_80, %get3A_74 : vector<16xi32>
          %swap3A = arith.index_cast %scan3A_46 : i32 to index
          %swap3A_82 = arith.index_cast %multiple_of3A_77 : i32 to index
          %swap3A_83 = tpu.vector_load %arg13[%swap3A, %swap3A_82] {strides = array<i32>} : memref<5x80xi32, #tpu.memory_space<vmem>>, vector<1x16xi32>,
          %swap3A_84 = vector.shape_cast %swap3A_83 : vector<1x16xi32> to vector<16xi32>
          %swap3A_85 = vector.shape_cast %add3A_81 : vector<16xi32> to vector<1x16xi32>
          tpu.vector_store %arg13[%swap3A, %swap3A_82], %swap3A_85 {strides = array<i32>} : memref<5x80xi32, #tpu.memory_space<vmem>>, vector<1x16xi32>,
          %mul3A_86 = arith.constant 16 : i32
          %mul3A_87 = vector.broadcast %mul3A_86 : i32 to vector<16xi32>
          %mul3A_88 = arith.muli %get3A_68, %mul3A_87 : vector<16xi32>
          %add3A_89 = arith.constant 8 : i32
          %add3A_90 = vector.broadcast %add3A_89 : i32 to vector<16xi32>
          %add3A_91 = arith.addi %get3A_74, %add3A_90 : vector<16xi32>
          %add3A_92 = arith.addi %mul3A_88, %add3A_91 : vector<16xi32>
          %swap3A_93 = arith.index_cast %scan3A_46 : i32 to index
          %swap3A_94 = arith.index_cast %multiple_of3A_77 : i32 to index
          %swap3A_95 = tpu.vector_load %arg14[%swap3A_93, %swap3A_94] {strides = array<i32>} : memref<5x80xi32, #tpu.memory_space<vmem>>, vector<1x16xi32>,
          %swap3A_96 = vector.shape_cast %swap3A_95 : vector<1x16xi32> to vector<16xi32>
          %swap3A_97 = vector.shape_cast %add3A_92 : vector<16xi32> to vector<1x16xi32>
          tpu.vector_store %arg14[%swap3A_93, %swap3A_94], %swap3A_97 {strides = array<i32>} : memref<5x80xi32, #tpu.memory_space<vmem>>, vector<1x16xi32>,
          %mul3A_98 = arith.constant 10240 : i32
          %mul3A_99 = vector.broadcast %mul3A_98 : i32 to vector<16xi32>
          %mul3A_100 = arith.muli %get3A_74, %mul3A_99 : vector<16xi32>
          %add3A_101 = arith.addi %mul3A_100, %get3A_68 : vector<16xi32>
          %swap3A_102 = arith.index_cast %scan3A_46 : i32 to index
          %swap3A_103 = arith.index_cast %multiple_of3A_77 : i32 to index
          %swap3A_104 = tpu.vector_load %arg15[%swap3A_102, %swap3A_103] {strides = array<i32>} : memref<5x80xi32, #tpu.memory_space<vmem>>, vector<1x16xi32>,
          %swap3A_105 = vector.shape_cast %swap3A_104 : vector<1x16xi32> to vector<16xi32>
          %swap3A_106 = vector.shape_cast %add3A_101 : vector<16xi32> to vector<1x16xi32>
          tpu.vector_store %arg15[%swap3A_102, %swap3A_103], %swap3A_106 {strides = array<i32>} : memref<5x80xi32, #tpu.memory_space<vmem>>, vector<1x16xi32>,
          %swap3A_107 = arith.index_cast %scan3A_46 : i32 to index
          %swap3A_108 = arith.index_cast %multiple_of3A_77 : i32 to index
          %swap3A_109 = tpu.vector_load %arg16[%swap3A_107, %swap3A_108] {strides = array<i32>} : memref<5x80xi32, #tpu.memory_space<vmem>>, vector<1x16xi32>,
          %swap3A_110 = vector.shape_cast %swap3A_109 : vector<1x16xi32> to vector<16xi32>
          %swap3A_111 = vector.shape_cast %get3A_71 : vector<16xi32> to vector<1x16xi32>
          tpu.vector_store %arg16[%swap3A_107, %swap3A_108], %swap3A_111 {strides = array<i32>} : memref<5x80xi32, #tpu.memory_space<vmem>>, vector<1x16xi32>,
        }
        %scan3A_52 = arith.constant 5 : i32
        "tpu.region"() ({
          %run_scoped3A = tpu.sem_alloc : memref<!tpu.dma_semaphore, #tpu.memory_space<semaphore_mem>>
          %dma_start3A = arith.constant 0 : i32
          %dma_start3A_59 = tpu.memref_slice %arg17[%scan3A_46, %dma_start3A] : memref<5x80xf32, #tpu.memory_space<vmem>> -> memref<1x80xf32, #tpu.memory_space<vmem>>
          %dma_start3A_60 = tpu.memref_squeeze %dma_start3A_59 : memref<1x80xf32, #tpu.memory_space<vmem>> -> memref<80xf32, #tpu.memory_space<vmem>>
          %dma_start3A_61 = arith.constant 0 : i32
          %dma_start3A_62 = tpu.memref_slice %arg13[%scan3A_46, %dma_start3A_61] : memref<5x80xi32, #tpu.memory_space<vmem>> -> memref<1x80xi32, #tpu.memory_space<vmem>>
          %dma_start3A_63 = tpu.memref_squeeze %dma_start3A_62 : memref<1x80xi32, #tpu.memory_space<vmem>> -> memref<80xi32, #tpu.memory_space<vmem>>
          %dma_start3A_64 = arith.constant 0 : i32
          %dma_start3A_65 = tpu.memref_slice %arg6[%dma_start3A_64] : memref<163840xf32, #tpu.memory_space<hbm>> -> memref<163840xf32, #tpu.memory_space<hbm>>
          tpu.enqueue_indirect_dma source(%dma_start3A_65 : memref<163840xf32, #tpu.memory_space<hbm>>) target(%dma_start3A_60 : memref<80xf32, #tpu.memory_space<vmem>>) offsets(%dma_start3A_63 : memref<80xi32, #tpu.memory_space<vmem>>) semaphore(%run_scoped3A : memref<!tpu.dma_semaphore, #tpu.memory_space<semaphore_mem>>)
          %dma_wait3A = arith.constant 0 : i32
          %dma_wait3A_66 = tpu.memref_slice %arg17[%scan3A_46, %dma_wait3A] : memref<5x80xf32, #tpu.memory_space<vmem>> -> memref<1x80xf32, #tpu.memory_space<vmem>>
          %dma_wait3A_67 = tpu.memref_squeeze %dma_wait3A_66 : memref<1x80xf32, #tpu.memory_space<vmem>> -> memref<80xf32, #tpu.memory_space<vmem>>
          %dma_wait3A_68 = arith.constant 0 : i32
          %dma_wait3A_69 = tpu.memref_slice %arg13[%scan3A_46, %dma_wait3A_68] : memref<5x80xi32, #tpu.memory_space<vmem>> -> memref<1x80xi32, #tpu.memory_space<vmem>>
          %dma_wait3A_70 = tpu.memref_squeeze %dma_wait3A_69 : memref<1x80xi32, #tpu.memory_space<vmem>> -> memref<80xi32, #tpu.memory_space<vmem>>
          %dma_wait3A_71 = arith.constant 0 : i32
          %dma_wait3A_72 = tpu.memref_slice %arg6[%dma_wait3A_71] : memref<163840xf32, #tpu.memory_space<hbm>> -> memref<163840xf32, #tpu.memory_space<hbm>>
          tpu.wait_indirect_dma semaphore(%run_scoped3A : memref<!tpu.dma_semaphore, #tpu.memory_space<semaphore_mem>>) src(%dma_wait3A_72 : memref<163840xf32, #tpu.memory_space<hbm>>) dst(%dma_wait3A_67 : memref<80xf32, #tpu.memory_space<vmem>>)
          tpu.yield
        }) : () -> ()
        "tpu.region"() ({
          %run_scoped3A = tpu.sem_alloc : memref<!tpu.dma_semaphore, #tpu.memory_space<semaphore_mem>>
          %dma_start3A = arith.constant 0 : i32
          %dma_start3A_59 = tpu.memref_slice %arg18[%scan3A_46, %dma_start3A] : memref<5x80xf32, #tpu.memory_space<vmem>> -> memref<1x80xf32, #tpu.memory_space<vmem>>
          %dma_start3A_60 = tpu.memref_squeeze %dma_start3A_59 : memref<1x80xf32, #tpu.memory_space<vmem>> -> memref<80xf32, #tpu.memory_space<vmem>>
          %dma_start3A_61 = arith.constant 0 : i32
          %dma_start3A_62 = tpu.memref_slice %arg14[%scan3A_46, %dma_start3A_61] : memref<5x80xi32, #tpu.memory_space<vmem>> -> memref<1x80xi32, #tpu.memory_space<vmem>>
          %dma_start3A_63 = tpu.memref_squeeze %dma_start3A_62 : memref<1x80xi32, #tpu.memory_space<vmem>> -> memref<80xi32, #tpu.memory_space<vmem>>
          %dma_start3A_64 = arith.constant 0 : i32
          %dma_start3A_65 = tpu.memref_slice %arg6[%dma_start3A_64] : memref<163840xf32, #tpu.memory_space<hbm>> -> memref<163840xf32, #tpu.memory_space<hbm>>
          tpu.enqueue_indirect_dma source(%dma_start3A_65 : memref<163840xf32, #tpu.memory_space<hbm>>) target(%dma_start3A_60 : memref<80xf32, #tpu.memory_space<vmem>>) offsets(%dma_start3A_63 : memref<80xi32, #tpu.memory_space<vmem>>) semaphore(%run_scoped3A : memref<!tpu.dma_semaphore, #tpu.memory_space<semaphore_mem>>)
          %dma_wait3A = arith.constant 0 : i32
          %dma_wait3A_66 = tpu.memref_slice %arg18[%scan3A_46, %dma_wait3A] : memref<5x80xf32, #tpu.memory_space<vmem>> -> memref<1x80xf32, #tpu.memory_space<vmem>>
          %dma_wait3A_67 = tpu.memref_squeeze %dma_wait3A_66 : memref<1x80xf32, #tpu.memory_space<vmem>> -> memref<80xf32, #tpu.memory_space<vmem>>
          %dma_wait3A_68 = arith.constant 0 : i32
          %dma_wait3A_69 = tpu.memref_slice %arg14[%scan3A_46, %dma_wait3A_68] : memref<5x80xi32, #tpu.memory_space<vmem>> -> memref<1x80xi32, #tpu.memory_space<vmem>>
          %dma_wait3A_70 = tpu.memref_squeeze %dma_wait3A_69 : memref<1x80xi32, #tpu.memory_space<vmem>> -> memref<80xi32, #tpu.memory_space<vmem>>
          %dma_wait3A_71 = arith.constant 0 : i32
          %dma_wait3A_72 = tpu.memref_slice %arg6[%dma_wait3A_71] : memref<163840xf32, #tpu.memory_space<hbm>> -> memref<163840xf32, #tpu.memory_space<hbm>>
          tpu.wait_indirect_dma semaphore(%run_scoped3A : memref<!tpu.dma_semaphore, #tpu.memory_space<semaphore_mem>>) src(%dma_wait3A_72 : memref<163840xf32, #tpu.memory_space<hbm>>) dst(%dma_wait3A_67 : memref<80xf32, #tpu.memory_space<vmem>>)
          tpu.yield
        }) : () -> ()
        "tpu.region"() ({
          %run_scoped3A = tpu.sem_alloc : memref<!tpu.dma_semaphore, #tpu.memory_space<semaphore_mem>>
          %dma_start3A = arith.constant 0 : i32
          %dma_start3A_59 = tpu.memref_slice %arg15[%scan3A_46, %dma_start3A] : memref<5x80xi32, #tpu.memory_space<vmem>> -> memref<1x80xi32, #tpu.memory_space<vmem>>
          %dma_start3A_60 = tpu.memref_squeeze %dma_start3A_59 : memref<1x80xi32, #tpu.memory_space<vmem>> -> memref<80xi32, #tpu.memory_space<vmem>>
          %dma_start3A_61 = arith.constant 0 : i32
          %dma_start3A_62 = arith.constant 0 : i32
          %dma_start3A_63 = tpu.memref_slice %arg5[%dma_start3A_61, %dma_start3A_62] : memref<81920x128xf32, #tpu.memory_space<hbm>> -> memref<81920x128xf32, #tpu.memory_space<hbm>>
          tpu.enqueue_indirect_dma source(%dma_start3A_63 : memref<81920x128xf32, #tpu.memory_space<hbm>>) target(%arg20 : memref<80x128xf32, #tpu.memory_space<vmem>>) offsets(%dma_start3A_60 : memref<80xi32, #tpu.memory_space<vmem>>) semaphore(%run_scoped3A : memref<!tpu.dma_semaphore, #tpu.memory_space<semaphore_mem>>)
          %dma_wait3A = arith.constant 0 : i32
          %dma_wait3A_64 = tpu.memref_slice %arg15[%scan3A_46, %dma_wait3A] : memref<5x80xi32, #tpu.memory_space<vmem>> -> memref<1x80xi32, #tpu.memory_space<vmem>>
          %dma_wait3A_65 = tpu.memref_squeeze %dma_wait3A_64 : memref<1x80xi32, #tpu.memory_space<vmem>> -> memref<80xi32, #tpu.memory_space<vmem>>
          %dma_wait3A_66 = arith.constant 0 : i32
          %dma_wait3A_67 = arith.constant 0 : i32
          %dma_wait3A_68 = tpu.memref_slice %arg5[%dma_wait3A_66, %dma_wait3A_67] : memref<81920x128xf32, #tpu.memory_space<hbm>> -> memref<81920x128xf32, #tpu.memory_space<hbm>>
          tpu.wait_indirect_dma semaphore(%run_scoped3A : memref<!tpu.dma_semaphore, #tpu.memory_space<semaphore_mem>>) src(%dma_wait3A_68 : memref<81920x128xf32, #tpu.memory_space<hbm>>) dst(%arg20 : memref<80x128xf32, #tpu.memory_space<vmem>>)
          tpu.yield
        }) : () -> ()
        %scan3A_53 = arith.constant 0 : i32
        %scan3A_54 = arith.constant 0 : i32
        %scan3A_55 = arith.constant 5 : i32
        %scan3A_56 = arith.addi %scan3A_54, %scan3A_55 : i32
        %scan3A_57 = arith.constant 1 : i32
        scf.for %scan3A_59 = %scan3A_54 to %scan3A_56 step %scan3A_57  : i32 {
          %mul3A_60 = arith.constant 16 : i32
          %mul3A_61 = arith.muli %scan3A_59, %mul3A_60 : i32
          %multiple_of3A_62 = tpu.assume_multiple %mul3A_61, 16 : i32
          %get3A_63 = arith.index_cast %scan3A_46 : i32 to index
          %get3A_64 = arith.index_cast %multiple_of3A_62 : i32 to index
          %get3A_65 = tpu.vector_load %arg17[%get3A_63, %get3A_64] {strides = array<i32>} : memref<5x80xf32, #tpu.memory_space<vmem>>, vector<1x16xf32>,
          %get3A_66 = vector.shape_cast %get3A_65 : vector<1x16xf32> to vector<16xf32>
          %get3A_67 = arith.index_cast %scan3A_46 : i32 to index
          %get3A_68 = arith.index_cast %multiple_of3A_62 : i32 to index
          %get3A_69 = tpu.vector_load %arg18[%get3A_67, %get3A_68] {strides = array<i32>} : memref<5x80xf32, #tpu.memory_space<vmem>>, vector<1x16xf32>,
          %get3A_70 = vector.shape_cast %get3A_69 : vector<1x16xf32> to vector<16xf32>
          %add3A_71 = arith.addf %get3A_66, %get3A_70 : vector<16xf32>
          %gt3A = arith.constant 0.000000e+00 : f32
          %gt3A_72 = vector.broadcast %gt3A : f32 to vector<16xf32>
          %gt3A_73 = arith.cmpf ogt, %add3A_71, %gt3A_72 : vector<16xf32>
          %mul3A_74 = arith.constant 2.000000e-01 : f32
          %mul3A_75 = vector.broadcast %mul3A_74 : f32 to vector<16xf32>
          %mul3A_76 = arith.mulf %add3A_71, %mul3A_75 : vector<16xf32>
          %select_n3A = arith.select %gt3A_73, %add3A_71, %mul3A_76 : vector<16xi1>, vector<16xf32>
          %sub3A = arith.subf %select_n3A, %get3A_24 : vector<16xf32>
          %exp3A = math.exp %sub3A : vector<16xf32>
          %swap3A = arith.index_cast %scan3A_46 : i32 to index
          %swap3A_77 = arith.index_cast %multiple_of3A_62 : i32 to index
          %swap3A_78 = tpu.vector_load %arg19[%swap3A, %swap3A_77] {strides = array<i32>} : memref<5x80xf32, #tpu.memory_space<vmem>>, vector<1x16xf32>,
          %swap3A_79 = vector.shape_cast %swap3A_78 : vector<1x16xf32> to vector<16xf32>
          %swap3A_80 = vector.shape_cast %exp3A : vector<16xf32> to vector<1x16xf32>
          tpu.vector_store %arg19[%swap3A, %swap3A_77], %swap3A_80 {strides = array<i32>} : memref<5x80xf32, #tpu.memory_space<vmem>>, vector<1x16xf32>,
          %mul3A_81 = arith.constant 16 : i32
          %mul3A_82 = arith.muli %scan3A_59, %mul3A_81 : i32
          %add3A_83 = arith.constant 0 : i32
          %add3A_84 = arith.addi %mul3A_82, %add3A_83 : i32
          %slice3A = vector.extract_strided_slice %exp3A {offsets = [0], sizes = [1], strides = [1]} : vector<16xf32> to vector<1xf32>
          %broadcast_in_dim3A_85 = vector.shape_cast %slice3A : vector<1xf32> to vector<1xf32>
          %broadcast_in_dim3A_86 = vector.broadcast %broadcast_in_dim3A_85 : vector<1xf32> to vector<16xf32>
          %get3A_87 = arith.index_cast %add3A_84 : i32 to index
          %get3A_88 = arith.constant 0 : index
          %get3A_89 = tpu.vector_load %arg20[%get3A_87, %get3A_88] {strides = array<i32>} : memref<80x128xf32, #tpu.memory_space<vmem>>, vector<1x16xf32>,
          %get3A_90 = vector.shape_cast %get3A_89 : vector<1x16xf32> to vector<16xf32>
          %mul3A_91 = arith.mulf %get3A_90, %broadcast_in_dim3A_86 : vector<16xf32>
          %swap3A_92 = arith.index_cast %add3A_84 : i32 to index
          %swap3A_93 = arith.constant 0 : index
          %swap3A_94 = tpu.vector_load %arg20[%swap3A_92, %swap3A_93] {strides = array<i32>} : memref<80x128xf32, #tpu.memory_space<vmem>>, vector<1x16xf32>,
          %swap3A_95 = vector.shape_cast %swap3A_94 : vector<1x16xf32> to vector<16xf32>
          %swap3A_96 = vector.shape_cast %mul3A_91 : vector<16xf32> to vector<1x16xf32>
          tpu.vector_store %arg20[%swap3A_92, %swap3A_93], %swap3A_96 {strides = array<i32>} : memref<80x128xf32, #tpu.memory_space<vmem>>, vector<1x16xf32>,
          %get3A_97 = arith.index_cast %add3A_84 : i32 to index
          %get3A_98 = arith.constant 16 : index
          %get3A_99 = tpu.vector_load %arg20[%get3A_97, %get3A_98] {strides = array<i32>} : memref<80x128xf32, #tpu.memory_space<vmem>>, vector<1x16xf32>,
          %get3A_100 = vector.shape_cast %get3A_99 : vector<1x16xf32> to vector<16xf32>
          %mul3A_101 = arith.mulf %get3A_100, %broadcast_in_dim3A_86 : vector<16xf32>
          %swap3A_102 = arith.index_cast %add3A_84 : i32 to index
          %swap3A_103 = arith.constant 16 : index
          %swap3A_104 = tpu.vector_load %arg20[%swap3A_102, %swap3A_103] {strides = array<i32>} : memref<80x128xf32, #tpu.memory_space<vmem>>, vector<1x16xf32>,
          %swap3A_105 = vector.shape_cast %swap3A_104 : vector<1x16xf32> to vector<16xf32>
          %swap3A_106 = vector.shape_cast %mul3A_101 : vector<16xf32> to vector<1x16xf32>
          tpu.vector_store %arg20[%swap3A_102, %swap3A_103], %swap3A_106 {strides = array<i32>} : memref<80x128xf32, #tpu.memory_space<vmem>>, vector<1x16xf32>,
          %get3A_107 = arith.index_cast %add3A_84 : i32 to index
          %get3A_108 = arith.constant 32 : index
          %get3A_109 = tpu.vector_load %arg20[%get3A_107, %get3A_108] {strides = array<i32>} : memref<80x128xf32, #tpu.memory_space<vmem>>, vector<1x16xf32>,
          %get3A_110 = vector.shape_cast %get3A_109 : vector<1x16xf32> to vector<16xf32>
          %mul3A_111 = arith.mulf %get3A_110, %broadcast_in_dim3A_86 : vector<16xf32>
          %swap3A_112 = arith.index_cast %add3A_84 : i32 to index
          %swap3A_113 = arith.constant 32 : index
          %swap3A_114 = tpu.vector_load %arg20[%swap3A_112, %swap3A_113] {strides = array<i32>} : memref<80x128xf32, #tpu.memory_space<vmem>>, vector<1x16xf32>,
          %swap3A_115 = vector.shape_cast %swap3A_114 : vector<1x16xf32> to vector<16xf32>
          %swap3A_116 = vector.shape_cast %mul3A_111 : vector<16xf32> to vector<1x16xf32>
          tpu.vector_store %arg20[%swap3A_112, %swap3A_113], %swap3A_116 {strides = array<i32>} : memref<80x128xf32, #tpu.memory_space<vmem>>, vector<1x16xf32>,
          %get3A_117 = arith.index_cast %add3A_84 : i32 to index
          %get3A_118 = arith.constant 48 : index
          %get3A_119 = tpu.vector_load %arg20[%get3A_117, %get3A_118] {strides = array<i32>} : memref<80x128xf32, #tpu.memory_space<vmem>>, vector<1x16xf32>,
          %get3A_120 = vector.shape_cast %get3A_119 : vector<1x16xf32> to vector<16xf32>
          %mul3A_121 = arith.mulf %get3A_120, %broadcast_in_dim3A_86 : vector<16xf32>
          %swap3A_122 = arith.index_cast %add3A_84 : i32 to index
          %swap3A_123 = arith.constant 48 : index
          %swap3A_124 = tpu.vector_load %arg20[%swap3A_122, %swap3A_123] {strides = array<i32>} : memref<80x128xf32, #tpu.memory_space<vmem>>, vector<1x16xf32>,
          %swap3A_125 = vector.shape_cast %swap3A_124 : vector<1x16xf32> to vector<16xf32>
          %swap3A_126 = vector.shape_cast %mul3A_121 : vector<16xf32> to vector<1x16xf32>
          tpu.vector_store %arg20[%swap3A_122, %swap3A_123], %swap3A_126 {strides = array<i32>} : memref<80x128xf32, #tpu.memory_space<vmem>>, vector<1x16xf32>,
          %get3A_127 = arith.index_cast %add3A_84 : i32 to index
          %get3A_128 = arith.constant 64 : index
          %get3A_129 = tpu.vector_load %arg20[%get3A_127, %get3A_128] {strides = array<i32>} : memref<80x128xf32, #tpu.memory_space<vmem>>, vector<1x16xf32>,
          %get3A_130 = vector.shape_cast %get3A_129 : vector<1x16xf32> to vector<16xf32>
          %mul3A_131 = arith.mulf %get3A_130, %broadcast_in_dim3A_86 : vector<16xf32>
          %swap3A_132 = arith.index_cast %add3A_84 : i32 to index
          %swap3A_133 = arith.constant 64 : index
          %swap3A_134 = tpu.vector_load %arg20[%swap3A_132, %swap3A_133] {strides = array<i32>} : memref<80x128xf32, #tpu.memory_space<vmem>>, vector<1x16xf32>,
          %swap3A_135 = vector.shape_cast %swap3A_134 : vector<1x16xf32> to vector<16xf32>
          %swap3A_136 = vector.shape_cast %mul3A_131 : vector<16xf32> to vector<1x16xf32>
          tpu.vector_store %arg20[%swap3A_132, %swap3A_133], %swap3A_136 {strides = array<i32>} : memref<80x128xf32, #tpu.memory_space<vmem>>, vector<1x16xf32>,
          %get3A_137 = arith.index_cast %add3A_84 : i32 to index
          %get3A_138 = arith.constant 80 : index
          %get3A_139 = tpu.vector_load %arg20[%get3A_137, %get3A_138] {strides = array<i32>} : memref<80x128xf32, #tpu.memory_space<vmem>>, vector<1x16xf32>,
          %get3A_140 = vector.shape_cast %get3A_139 : vector<1x16xf32> to vector<16xf32>
          %mul3A_141 = arith.mulf %get3A_140, %broadcast_in_dim3A_86 : vector<16xf32>
          %swap3A_142 = arith.index_cast %add3A_84 : i32 to index
          %swap3A_143 = arith.constant 80 : index
          %swap3A_144 = tpu.vector_load %arg20[%swap3A_142, %swap3A_143] {strides = array<i32>} : memref<80x128xf32, #tpu.memory_space<vmem>>, vector<1x16xf32>,
          %swap3A_145 = vector.shape_cast %swap3A_144 : vector<1x16xf32> to vector<16xf32>
          %swap3A_146 = vector.shape_cast %mul3A_141 : vector<16xf32> to vector<1x16xf32>
          tpu.vector_store %arg20[%swap3A_142, %swap3A_143], %swap3A_146 {strides = array<i32>} : memref<80x128xf32, #tpu.memory_space<vmem>>, vector<1x16xf32>,
          %get3A_147 = arith.index_cast %add3A_84 : i32 to index
          %get3A_148 = arith.constant 96 : index
          %get3A_149 = tpu.vector_load %arg20[%get3A_147, %get3A_148] {strides = array<i32>} : memref<80x128xf32, #tpu.memory_space<vmem>>, vector<1x16xf32>,
          %get3A_150 = vector.shape_cast %get3A_149 : vector<1x16xf32> to vector<16xf32>
          %mul3A_151 = arith.mulf %get3A_150, %broadcast_in_dim3A_86 : vector<16xf32>
          %swap3A_152 = arith.index_cast %add3A_84 : i32 to index
          %swap3A_153 = arith.constant 96 : index
          %swap3A_154 = tpu.vector_load %arg20[%swap3A_152, %swap3A_153] {strides = array<i32>} : memref<80x128xf32, #tpu.memory_space<vmem>>, vector<1x16xf32>,
          %swap3A_155 = vector.shape_cast %swap3A_154 : vector<1x16xf32> to vector<16xf32>
          %swap3A_156 = vector.shape_cast %mul3A_151 : vector<16xf32> to vector<1x16xf32>
          tpu.vector_store %arg20[%swap3A_152, %swap3A_153], %swap3A_156 {strides = array<i32>} : memref<80x128xf32, #tpu.memory_space<vmem>>, vector<1x16xf32>,
          %get3A_157 = arith.index_cast %add3A_84 : i32 to index
          %get3A_158 = arith.constant 112 : index
          %get3A_159 = tpu.vector_load %arg20[%get3A_157, %get3A_158] {strides = array<i32>} : memref<80x128xf32, #tpu.memory_space<vmem>>, vector<1x16xf32>,
          %get3A_160 = vector.shape_cast %get3A_159 : vector<1x16xf32> to vector<16xf32>
          %mul3A_161 = arith.mulf %get3A_160, %broadcast_in_dim3A_86 : vector<16xf32>
          %swap3A_162 = arith.index_cast %add3A_84 : i32 to index
          %swap3A_163 = arith.constant 112 : index
          %swap3A_164 = tpu.vector_load %arg20[%swap3A_162, %swap3A_163] {strides = array<i32>} : memref<80x128xf32, #tpu.memory_space<vmem>>, vector<1x16xf32>,
          %swap3A_165 = vector.shape_cast %swap3A_164 : vector<1x16xf32> to vector<16xf32>
          %swap3A_166 = vector.shape_cast %mul3A_161 : vector<16xf32> to vector<1x16xf32>
          tpu.vector_store %arg20[%swap3A_162, %swap3A_163], %swap3A_166 {strides = array<i32>} : memref<80x128xf32, #tpu.memory_space<vmem>>, vector<1x16xf32>,
          %mul3A_167 = arith.constant 16 : i32
          %mul3A_168 = arith.muli %scan3A_59, %mul3A_167 : i32
          %add3A_169 = arith.constant 1 : i32
          %add3A_170 = arith.addi %mul3A_168, %add3A_169 : i32
          %slice3A_171 = vector.extract_strided_slice %exp3A {offsets = [1], sizes = [1], strides = [1]} : vector<16xf32> to vector<1xf32>
          %broadcast_in_dim3A_172 = vector.shape_cast %slice3A_171 : vector<1xf32> to vector<1xf32>
          %broadcast_in_dim3A_173 = vector.broadcast %broadcast_in_dim3A_172 : vector<1xf32> to vector<16xf32>
          %get3A_174 = arith.index_cast %add3A_170 : i32 to index
          %get3A_175 = arith.constant 0 : index
          %get3A_176 = tpu.vector_load %arg20[%get3A_174, %get3A_175] {strides = array<i32>} : memref<80x128xf32, #tpu.memory_space<vmem>>, vector<1x16xf32>,
          %get3A_177 = vector.shape_cast %get3A_176 : vector<1x16xf32> to vector<16xf32>
          %mul3A_178 = arith.mulf %get3A_177, %broadcast_in_dim3A_173 : vector<16xf32>
          %swap3A_179 = arith.index_cast %add3A_170 : i32 to index
          %swap3A_180 = arith.constant 0 : index
          %swap3A_181 = tpu.vector_load %arg20[%swap3A_179, %swap3A_180] {strides = array<i32>} : memref<80x128xf32, #tpu.memory_space<vmem>>, vector<1x16xf32>,
          %swap3A_182 = vector.shape_cast %swap3A_181 : vector<1x16xf32> to vector<16xf32>
          %swap3A_183 = vector.shape_cast %mul3A_178 : vector<16xf32> to vector<1x16xf32>
          tpu.vector_store %arg20[%swap3A_179, %swap3A_180], %swap3A_183 {strides = array<i32>} : memref<80x128xf32, #tpu.memory_space<vmem>>, vector<1x16xf32>,
          %get3A_184 = arith.index_cast %add3A_170 : i32 to index
          %get3A_185 = arith.constant 16 : index
          %get3A_186 = tpu.vector_load %arg20[%get3A_184, %get3A_185] {strides = array<i32>} : memref<80x128xf32, #tpu.memory_space<vmem>>, vector<1x16xf32>,
          %get3A_187 = vector.shape_cast %get3A_186 : vector<1x16xf32> to vector<16xf32>
          %mul3A_188 = arith.mulf %get3A_187, %broadcast_in_dim3A_173 : vector<16xf32>
          %swap3A_189 = arith.index_cast %add3A_170 : i32 to index
          %swap3A_190 = arith.constant 16 : index
          %swap3A_191 = tpu.vector_load %arg20[%swap3A_189, %swap3A_190] {strides = array<i32>} : memref<80x128xf32, #tpu.memory_space<vmem>>, vector<1x16xf32>,
          %swap3A_192 = vector.shape_cast %swap3A_191 : vector<1x16xf32> to vector<16xf32>
          %swap3A_193 = vector.shape_cast %mul3A_188 : vector<16xf32> to vector<1x16xf32>
          tpu.vector_store %arg20[%swap3A_189, %swap3A_190], %swap3A_193 {strides = array<i32>} : memref<80x128xf32, #tpu.memory_space<vmem>>, vector<1x16xf32>,
          %get3A_194 = arith.index_cast %add3A_170 : i32 to index
          %get3A_195 = arith.constant 32 : index
          %get3A_196 = tpu.vector_load %arg20[%get3A_194, %get3A_195] {strides = array<i32>} : memref<80x128xf32, #tpu.memory_space<vmem>>, vector<1x16xf32>,
          %get3A_197 = vector.shape_cast %get3A_196 : vector<1x16xf32> to vector<16xf32>
          %mul3A_198 = arith.mulf %get3A_197, %broadcast_in_dim3A_173 : vector<16xf32>
          %swap3A_199 = arith.index_cast %add3A_170 : i32 to index
          %swap3A_200 = arith.constant 32 : index
          %swap3A_201 = tpu.vector_load %arg20[%swap3A_199, %swap3A_200] {strides = array<i32>} : memref<80x128xf32, #tpu.memory_space<vmem>>, vector<1x16xf32>,
          %swap3A_202 = vector.shape_cast %swap3A_201 : vector<1x16xf32> to vector<16xf32>
          %swap3A_203 = vector.shape_cast %mul3A_198 : vector<16xf32> to vector<1x16xf32>
          tpu.vector_store %arg20[%swap3A_199, %swap3A_200], %swap3A_203 {strides = array<i32>} : memref<80x128xf32, #tpu.memory_space<vmem>>, vector<1x16xf32>,
          %get3A_204 = arith.index_cast %add3A_170 : i32 to index
          %get3A_205 = arith.constant 48 : index
          %get3A_206 = tpu.vector_load %arg20[%get3A_204, %get3A_205] {strides = array<i32>} : memref<80x128xf32, #tpu.memory_space<vmem>>, vector<1x16xf32>,
          %get3A_207 = vector.shape_cast %get3A_206 : vector<1x16xf32> to vector<16xf32>
          %mul3A_208 = arith.mulf %get3A_207, %broadcast_in_dim3A_173 : vector<16xf32>
          %swap3A_209 = arith.index_cast %add3A_170 : i32 to index
          %swap3A_210 = arith.constant 48 : index
          %swap3A_211 = tpu.vector_load %arg20[%swap3A_209, %swap3A_210] {strides = array<i32>} : memref<80x128xf32, #tpu.memory_space<vmem>>, vector<1x16xf32>,
          %swap3A_212 = vector.shape_cast %swap3A_211 : vector<1x16xf32> to vector<16xf32>
          %swap3A_213 = vector.shape_cast %mul3A_208 : vector<16xf32> to vector<1x16xf32>
          tpu.vector_store %arg20[%swap3A_209, %swap3A_210], %swap3A_213 {strides = array<i32>} : memref<80x128xf32, #tpu.memory_space<vmem>>, vector<1x16xf32>,
          %get3A_214 = arith.index_cast %add3A_170 : i32 to index
          %get3A_215 = arith.constant 64 : index
          %get3A_216 = tpu.vector_load %arg20[%get3A_214, %get3A_215] {strides = array<i32>} : memref<80x128xf32, #tpu.memory_space<vmem>>, vector<1x16xf32>,
          %get3A_217 = vector.shape_cast %get3A_216 : vector<1x16xf32> to vector<16xf32>
          %mul3A_218 = arith.mulf %get3A_217, %broadcast_in_dim3A_173 : vector<16xf32>
          %swap3A_219 = arith.index_cast %add3A_170 : i32 to index
          %swap3A_220 = arith.constant 64 : index
          %swap3A_221 = tpu.vector_load %arg20[%swap3A_219, %swap3A_220] {strides = array<i32>} : memref<80x128xf32, #tpu.memory_space<vmem>>, vector<1x16xf32>,
          %swap3A_222 = vector.shape_cast %swap3A_221 : vector<1x16xf32> to vector<16xf32>
          %swap3A_223 = vector.shape_cast %mul3A_218 : vector<16xf32> to vector<1x16xf32>
          tpu.vector_store %arg20[%swap3A_219, %swap3A_220], %swap3A_223 {strides = array<i32>} : memref<80x128xf32, #tpu.memory_space<vmem>>, vector<1x16xf32>,
          %get3A_224 = arith.index_cast %add3A_170 : i32 to index
          %get3A_225 = arith.constant 80 : index
          %get3A_226 = tpu.vector_load %arg20[%get3A_224, %get3A_225] {strides = array<i32>} : memref<80x128xf32, #tpu.memory_space<vmem>>, vector<1x16xf32>,
          %get3A_227 = vector.shape_cast %get3A_226 : vector<1x16xf32> to vector<16xf32>
          %mul3A_228 = arith.mulf %get3A_227, %broadcast_in_dim3A_173 : vector<16xf32>
          %swap3A_229 = arith.index_cast %add3A_170 : i32 to index
          %swap3A_230 = arith.constant 80 : index
          %swap3A_231 = tpu.vector_load %arg20[%swap3A_229, %swap3A_230] {strides = array<i32>} : memref<80x128xf32, #tpu.memory_space<vmem>>, vector<1x16xf32>,
          %swap3A_232 = vector.shape_cast %swap3A_231 : vector<1x16xf32> to vector<16xf32>
          %swap3A_233 = vector.shape_cast %mul3A_228 : vector<16xf32> to vector<1x16xf32>
          tpu.vector_store %arg20[%swap3A_229, %swap3A_230], %swap3A_233 {strides = array<i32>} : memref<80x128xf32, #tpu.memory_space<vmem>>, vector<1x16xf32>,
          %get3A_234 = arith.index_cast %add3A_170 : i32 to index
          %get3A_235 = arith.constant 96 : index
          %get3A_236 = tpu.vector_load %arg20[%get3A_234, %get3A_235] {strides = array<i32>} : memref<80x128xf32, #tpu.memory_space<vmem>>, vector<1x16xf32>,
          %get3A_237 = vector.shape_cast %get3A_236 : vector<1x16xf32> to vector<16xf32>
          %mul3A_238 = arith.mulf %get3A_237, %broadcast_in_dim3A_173 : vector<16xf32>
          %swap3A_239 = arith.index_cast %add3A_170 : i32 to index
          %swap3A_240 = arith.constant 96 : index
          %swap3A_241 = tpu.vector_load %arg20[%swap3A_239, %swap3A_240] {strides = array<i32>} : memref<80x128xf32, #tpu.memory_space<vmem>>, vector<1x16xf32>,
          %swap3A_242 = vector.shape_cast %swap3A_241 : vector<1x16xf32> to vector<16xf32>
          %swap3A_243 = vector.shape_cast %mul3A_238 : vector<16xf32> to vector<1x16xf32>
          tpu.vector_store %arg20[%swap3A_239, %swap3A_240], %swap3A_243 {strides = array<i32>} : memref<80x128xf32, #tpu.memory_space<vmem>>, vector<1x16xf32>,
          %get3A_244 = arith.index_cast %add3A_170 : i32 to index
          %get3A_245 = arith.constant 112 : index
          %get3A_246 = tpu.vector_load %arg20[%get3A_244, %get3A_245] {strides = array<i32>} : memref<80x128xf32, #tpu.memory_space<vmem>>, vector<1x16xf32>,
          %get3A_247 = vector.shape_cast %get3A_246 : vector<1x16xf32> to vector<16xf32>
          %mul3A_248 = arith.mulf %get3A_247, %broadcast_in_dim3A_173 : vector<16xf32>
          %swap3A_249 = arith.index_cast %add3A_170 : i32 to index
          %swap3A_250 = arith.constant 112 : index
          %swap3A_251 = tpu.vector_load %arg20[%swap3A_249, %swap3A_250] {strides = array<i32>} : memref<80x128xf32, #tpu.memory_space<vmem>>, vector<1x16xf32>,
          %swap3A_252 = vector.shape_cast %swap3A_251 : vector<1x16xf32> to vector<16xf32>
          %swap3A_253 = vector.shape_cast %mul3A_248 : vector<16xf32> to vector<1x16xf32>
          tpu.vector_store %arg20[%swap3A_249, %swap3A_250], %swap3A_253 {strides = array<i32>} : memref<80x128xf32, #tpu.memory_space<vmem>>, vector<1x16xf32>,
          %mul3A_254 = arith.constant 16 : i32
          %mul3A_255 = arith.muli %scan3A_59, %mul3A_254 : i32
          %add3A_256 = arith.constant 2 : i32
          %add3A_257 = arith.addi %mul3A_255, %add3A_256 : i32
          %slice3A_258 = vector.extract_strided_slice %exp3A {offsets = [2], sizes = [1], strides = [1]} : vector<16xf32> to vector<1xf32>
          %broadcast_in_dim3A_259 = vector.shape_cast %slice3A_258 : vector<1xf32> to vector<1xf32>
          %broadcast_in_dim3A_260 = vector.broadcast %broadcast_in_dim3A_259 : vector<1xf32> to vector<16xf32>
          %get3A_261 = arith.index_cast %add3A_257 : i32 to index
          %get3A_262 = arith.constant 0 : index
          %get3A_263 = tpu.vector_load %arg20[%get3A_261, %get3A_262] {strides = array<i32>} : memref<80x128xf32, #tpu.memory_space<vmem>>, vector<1x16xf32>,
          %get3A_264 = vector.shape_cast %get3A_263 : vector<1x16xf32> to vector<16xf32>
          %mul3A_265 = arith.mulf %get3A_264, %broadcast_in_dim3A_260 : vector<16xf32>
          %swap3A_266 = arith.index_cast %add3A_257 : i32 to index
          %swap3A_267 = arith.constant 0 : index
          %swap3A_268 = tpu.vector_load %arg20[%swap3A_266, %swap3A_267] {strides = array<i32>} : memref<80x128xf32, #tpu.memory_space<vmem>>, vector<1x16xf32>,
          %swap3A_269 = vector.shape_cast %swap3A_268 : vector<1x16xf32> to vector<16xf32>
          %swap3A_270 = vector.shape_cast %mul3A_265 : vector<16xf32> to vector<1x16xf32>
          tpu.vector_store %arg20[%swap3A_266, %swap3A_267], %swap3A_270 {strides = array<i32>} : memref<80x128xf32, #tpu.memory_space<vmem>>, vector<1x16xf32>,
          %get3A_271 = arith.index_cast %add3A_257 : i32 to index
          %get3A_272 = arith.constant 16 : index
          %get3A_273 = tpu.vector_load %arg20[%get3A_271, %get3A_272] {strides = array<i32>} : memref<80x128xf32, #tpu.memory_space<vmem>>, vector<1x16xf32>,
          %get3A_274 = vector.shape_cast %get3A_273 : vector<1x16xf32> to vector<16xf32>
          %mul3A_275 = arith.mulf %get3A_274, %broadcast_in_dim3A_260 : vector<16xf32>
          %swap3A_276 = arith.index_cast %add3A_257 : i32 to index
          %swap3A_277 = arith.constant 16 : index
          %swap3A_278 = tpu.vector_load %arg20[%swap3A_276, %swap3A_277] {strides = array<i32>} : memref<80x128xf32, #tpu.memory_space<vmem>>, vector<1x16xf32>,
          %swap3A_279 = vector.shape_cast %swap3A_278 : vector<1x16xf32> to vector<16xf32>
          %swap3A_280 = vector.shape_cast %mul3A_275 : vector<16xf32> to vector<1x16xf32>
          tpu.vector_store %arg20[%swap3A_276, %swap3A_277], %swap3A_280 {strides = array<i32>} : memref<80x128xf32, #tpu.memory_space<vmem>>, vector<1x16xf32>,
          %get3A_281 = arith.index_cast %add3A_257 : i32 to index
          %get3A_282 = arith.constant 32 : index
          %get3A_283 = tpu.vector_load %arg20[%get3A_281, %get3A_282] {strides = array<i32>} : memref<80x128xf32, #tpu.memory_space<vmem>>, vector<1x16xf32>,
          %get3A_284 = vector.shape_cast %get3A_283 : vector<1x16xf32> to vector<16xf32>
          %mul3A_285 = arith.mulf %get3A_284, %broadcast_in_dim3A_260 : vector<16xf32>
          %swap3A_286 = arith.index_cast %add3A_257 : i32 to index
          %swap3A_287 = arith.constant 32 : index
          %swap3A_288 = tpu.vector_load %arg20[%swap3A_286, %swap3A_287] {strides = array<i32>} : memref<80x128xf32, #tpu.memory_space<vmem>>, vector<1x16xf32>,
          %swap3A_289 = vector.shape_cast %swap3A_288 : vector<1x16xf32> to vector<16xf32>
          %swap3A_290 = vector.shape_cast %mul3A_285 : vector<16xf32> to vector<1x16xf32>
          tpu.vector_store %arg20[%swap3A_286, %swap3A_287], %swap3A_290 {strides = array<i32>} : memref<80x128xf32, #tpu.memory_space<vmem>>, vector<1x16xf32>,
          %get3A_291 = arith.index_cast %add3A_257 : i32 to index
          %get3A_292 = arith.constant 48 : index
          %get3A_293 = tpu.vector_load %arg20[%get3A_291, %get3A_292] {strides = array<i32>} : memref<80x128xf32, #tpu.memory_space<vmem>>, vector<1x16xf32>,
          %get3A_294 = vector.shape_cast %get3A_293 : vector<1x16xf32> to vector<16xf32>
          %mul3A_295 = arith.mulf %get3A_294, %broadcast_in_dim3A_260 : vector<16xf32>
          %swap3A_296 = arith.index_cast %add3A_257 : i32 to index
          %swap3A_297 = arith.constant 48 : index
          %swap3A_298 = tpu.vector_load %arg20[%swap3A_296, %swap3A_297] {strides = array<i32>} : memref<80x128xf32, #tpu.memory_space<vmem>>, vector<1x16xf32>,
          %swap3A_299 = vector.shape_cast %swap3A_298 : vector<1x16xf32> to vector<16xf32>
          %swap3A_300 = vector.shape_cast %mul3A_295 : vector<16xf32> to vector<1x16xf32>
          tpu.vector_store %arg20[%swap3A_296, %swap3A_297], %swap3A_300 {strides = array<i32>} : memref<80x128xf32, #tpu.memory_space<vmem>>, vector<1x16xf32>,
          %get3A_301 = arith.index_cast %add3A_257 : i32 to index
          %get3A_302 = arith.constant 64 : index
          %get3A_303 = tpu.vector_load %arg20[%get3A_301, %get3A_302] {strides = array<i32>} : memref<80x128xf32, #tpu.memory_space<vmem>>, vector<1x16xf32>,
          %get3A_304 = vector.shape_cast %get3A_303 : vector<1x16xf32> to vector<16xf32>
          %mul3A_305 = arith.mulf %get3A_304, %broadcast_in_dim3A_260 : vector<16xf32>
          %swap3A_306 = arith.index_cast %add3A_257 : i32 to index
          %swap3A_307 = arith.constant 64 : index
          %swap3A_308 = tpu.vector_load %arg20[%swap3A_306, %swap3A_307] {strides = array<i32>} : memref<80x128xf32, #tpu.memory_space<vmem>>, vector<1x16xf32>,
          %swap3A_309 = vector.shape_cast %swap3A_308 : vector<1x16xf32> to vector<16xf32>
          %swap3A_310 = vector.shape_cast %mul3A_305 : vector<16xf32> to vector<1x16xf32>
          tpu.vector_store %arg20[%swap3A_306, %swap3A_307], %swap3A_310 {strides = array<i32>} : memref<80x128xf32, #tpu.memory_space<vmem>>, vector<1x16xf32>,
          %get3A_311 = arith.index_cast %add3A_257 : i32 to index
          %get3A_312 = arith.constant 80 : index
          %get3A_313 = tpu.vector_load %arg20[%get3A_311, %get3A_312] {strides = array<i32>} : memref<80x128xf32, #tpu.memory_space<vmem>>, vector<1x16xf32>,
          %get3A_314 = vector.shape_cast %get3A_313 : vector<1x16xf32> to vector<16xf32>
          %mul3A_315 = arith.mulf %get3A_314, %broadcast_in_dim3A_260 : vector<16xf32>
          %swap3A_316 = arith.index_cast %add3A_257 : i32 to index
          %swap3A_317 = arith.constant 80 : index
          %swap3A_318 = tpu.vector_load %arg20[%swap3A_316, %swap3A_317] {strides = array<i32>} : memref<80x128xf32, #tpu.memory_space<vmem>>, vector<1x16xf32>,
          %swap3A_319 = vector.shape_cast %swap3A_318 : vector<1x16xf32> to vector<16xf32>
          %swap3A_320 = vector.shape_cast %mul3A_315 : vector<16xf32> to vector<1x16xf32>
          tpu.vector_store %arg20[%swap3A_316, %swap3A_317], %swap3A_320 {strides = array<i32>} : memref<80x128xf32, #tpu.memory_space<vmem>>, vector<1x16xf32>,
          %get3A_321 = arith.index_cast %add3A_257 : i32 to index
          %get3A_322 = arith.constant 96 : index
          %get3A_323 = tpu.vector_load %arg20[%get3A_321, %get3A_322] {strides = array<i32>} : memref<80x128xf32, #tpu.memory_space<vmem>>, vector<1x16xf32>,
          %get3A_324 = vector.shape_cast %get3A_323 : vector<1x16xf32> to vector<16xf32>
          %mul3A_325 = arith.mulf %get3A_324, %broadcast_in_dim3A_260 : vector<16xf32>
          %swap3A_326 = arith.index_cast %add3A_257 : i32 to index
          %swap3A_327 = arith.constant 96 : index
          %swap3A_328 = tpu.vector_load %arg20[%swap3A_326, %swap3A_327] {strides = array<i32>} : memref<80x128xf32, #tpu.memory_space<vmem>>, vector<1x16xf32>,
          %swap3A_329 = vector.shape_cast %swap3A_328 : vector<1x16xf32> to vector<16xf32>
          %swap3A_330 = vector.shape_cast %mul3A_325 : vector<16xf32> to vector<1x16xf32>
          tpu.vector_store %arg20[%swap3A_326, %swap3A_327], %swap3A_330 {strides = array<i32>} : memref<80x128xf32, #tpu.memory_space<vmem>>, vector<1x16xf32>,
          %get3A_331 = arith.index_cast %add3A_257 : i32 to index
          %get3A_332 = arith.constant 112 : index
          %get3A_333 = tpu.vector_load %arg20[%get3A_331, %get3A_332] {strides = array<i32>} : memref<80x128xf32, #tpu.memory_space<vmem>>, vector<1x16xf32>,
          %get3A_334 = vector.shape_cast %get3A_333 : vector<1x16xf32> to vector<16xf32>
          %mul3A_335 = arith.mulf %get3A_334, %broadcast_in_dim3A_260 : vector<16xf32>
          %swap3A_336 = arith.index_cast %add3A_257 : i32 to index
          %swap3A_337 = arith.constant 112 : index
          %swap3A_338 = tpu.vector_load %arg20[%swap3A_336, %swap3A_337] {strides = array<i32>} : memref<80x128xf32, #tpu.memory_space<vmem>>, vector<1x16xf32>,
          %swap3A_339 = vector.shape_cast %swap3A_338 : vector<1x16xf32> to vector<16xf32>
          %swap3A_340 = vector.shape_cast %mul3A_335 : vector<16xf32> to vector<1x16xf32>
          tpu.vector_store %arg20[%swap3A_336, %swap3A_337], %swap3A_340 {strides = array<i32>} : memref<80x128xf32, #tpu.memory_space<vmem>>, vector<1x16xf32>,
          %mul3A_341 = arith.constant 16 : i32
          %mul3A_342 = arith.muli %scan3A_59, %mul3A_341 : i32
          %add3A_343 = arith.constant 3 : i32
          %add3A_344 = arith.addi %mul3A_342, %add3A_343 : i32
          %slice3A_345 = vector.extract_strided_slice %exp3A {offsets = [3], sizes = [1], strides = [1]} : vector<16xf32> to vector<1xf32>
          %broadcast_in_dim3A_346 = vector.shape_cast %slice3A_345 : vector<1xf32> to vector<1xf32>
          %broadcast_in_dim3A_347 = vector.broadcast %broadcast_in_dim3A_346 : vector<1xf32> to vector<16xf32>
          %get3A_348 = arith.index_cast %add3A_344 : i32 to index
          %get3A_349 = arith.constant 0 : index
          %get3A_350 = tpu.vector_load %arg20[%get3A_348, %get3A_349] {strides = array<i32>} : memref<80x128xf32, #tpu.memory_space<vmem>>, vector<1x16xf32>,
          %get3A_351 = vector.shape_cast %get3A_350 : vector<1x16xf32> to vector<16xf32>
          %mul3A_352 = arith.mulf %get3A_351, %broadcast_in_dim3A_347 : vector<16xf32>
          %swap3A_353 = arith.index_cast %add3A_344 : i32 to index
          %swap3A_354 = arith.constant 0 : index
          %swap3A_355 = tpu.vector_load %arg20[%swap3A_353, %swap3A_354] {strides = array<i32>} : memref<80x128xf32, #tpu.memory_space<vmem>>, vector<1x16xf32>,
          %swap3A_356 = vector.shape_cast %swap3A_355 : vector<1x16xf32> to vector<16xf32>
          %swap3A_357 = vector.shape_cast %mul3A_352 : vector<16xf32> to vector<1x16xf32>
          tpu.vector_store %arg20[%swap3A_353, %swap3A_354], %swap3A_357 {strides = array<i32>} : memref<80x128xf32, #tpu.memory_space<vmem>>, vector<1x16xf32>,
          %get3A_358 = arith.index_cast %add3A_344 : i32 to index
          %get3A_359 = arith.constant 16 : index
          %get3A_360 = tpu.vector_load %arg20[%get3A_358, %get3A_359] {strides = array<i32>} : memref<80x128xf32, #tpu.memory_space<vmem>>, vector<1x16xf32>,
          %get3A_361 = vector.shape_cast %get3A_360 : vector<1x16xf32> to vector<16xf32>
          %mul3A_362 = arith.mulf %get3A_361, %broadcast_in_dim3A_347 : vector<16xf32>
          %swap3A_363 = arith.index_cast %add3A_344 : i32 to index
          %swap3A_364 = arith.constant 16 : index
          %swap3A_365 = tpu.vector_load %arg20[%swap3A_363, %swap3A_364] {strides = array<i32>} : memref<80x128xf32, #tpu.memory_space<vmem>>, vector<1x16xf32>,
          %swap3A_366 = vector.shape_cast %swap3A_365 : vector<1x16xf32> to vector<16xf32>
          %swap3A_367 = vector.shape_cast %mul3A_362 : vector<16xf32> to vector<1x16xf32>
          tpu.vector_store %arg20[%swap3A_363, %swap3A_364], %swap3A_367 {strides = array<i32>} : memref<80x128xf32, #tpu.memory_space<vmem>>, vector<1x16xf32>,
          %get3A_368 = arith.index_cast %add3A_344 : i32 to index
          %get3A_369 = arith.constant 32 : index
          %get3A_370 = tpu.vector_load %arg20[%get3A_368, %get3A_369] {strides = array<i32>} : memref<80x128xf32, #tpu.memory_space<vmem>>, vector<1x16xf32>,
          %get3A_371 = vector.shape_cast %get3A_370 : vector<1x16xf32> to vector<16xf32>
          %mul3A_372 = arith.mulf %get3A_371, %broadcast_in_dim3A_347 : vector<16xf32>
          %swap3A_373 = arith.index_cast %add3A_344 : i32 to index
          %swap3A_374 = arith.constant 32 : index
          %swap3A_375 = tpu.vector_load %arg20[%swap3A_373, %swap3A_374] {strides = array<i32>} : memref<80x128xf32, #tpu.memory_space<vmem>>, vector<1x16xf32>,
          %swap3A_376 = vector.shape_cast %swap3A_375 : vector<1x16xf32> to vector<16xf32>
          %swap3A_377 = vector.shape_cast %mul3A_372 : vector<16xf32> to vector<1x16xf32>
          tpu.vector_store %arg20[%swap3A_373, %swap3A_374], %swap3A_377 {strides = array<i32>} : memref<80x128xf32, #tpu.memory_space<vmem>>, vector<1x16xf32>,
          %get3A_378 = arith.index_cast %add3A_344 : i32 to index
          %get3A_379 = arith.constant 48 : index
          %get3A_380 = tpu.vector_load %arg20[%get3A_378, %get3A_379] {strides = array<i32>} : memref<80x128xf32, #tpu.memory_space<vmem>>, vector<1x16xf32>,
          %get3A_381 = vector.shape_cast %get3A_380 : vector<1x16xf32> to vector<16xf32>
          %mul3A_382 = arith.mulf %get3A_381, %broadcast_in_dim3A_347 : vector<16xf32>
          %swap3A_383 = arith.index_cast %add3A_344 : i32 to index
          %swap3A_384 = arith.constant 48 : index
          %swap3A_385 = tpu.vector_load %arg20[%swap3A_383, %swap3A_384] {strides = array<i32>} : memref<80x128xf32, #tpu.memory_space<vmem>>, vector<1x16xf32>,
          %swap3A_386 = vector.shape_cast %swap3A_385 : vector<1x16xf32> to vector<16xf32>
          %swap3A_387 = vector.shape_cast %mul3A_382 : vector<16xf32> to vector<1x16xf32>
          tpu.vector_store %arg20[%swap3A_383, %swap3A_384], %swap3A_387 {strides = array<i32>} : memref<80x128xf32, #tpu.memory_space<vmem>>, vector<1x16xf32>,
          %get3A_388 = arith.index_cast %add3A_344 : i32 to index
          %get3A_389 = arith.constant 64 : index
          %get3A_390 = tpu.vector_load %arg20[%get3A_388, %get3A_389] {strides = array<i32>} : memref<80x128xf32, #tpu.memory_space<vmem>>, vector<1x16xf32>,
          %get3A_391 = vector.shape_cast %get3A_390 : vector<1x16xf32> to vector<16xf32>
          %mul3A_392 = arith.mulf %get3A_391, %broadcast_in_dim3A_347 : vector<16xf32>
          %swap3A_393 = arith.index_cast %add3A_344 : i32 to index
          %swap3A_394 = arith.constant 64 : index
          %swap3A_395 = tpu.vector_load %arg20[%swap3A_393, %swap3A_394] {strides = array<i32>} : memref<80x128xf32, #tpu.memory_space<vmem>>, vector<1x16xf32>,
          %swap3A_396 = vector.shape_cast %swap3A_395 : vector<1x16xf32> to vector<16xf32>
          %swap3A_397 = vector.shape_cast %mul3A_392 : vector<16xf32> to vector<1x16xf32>
          tpu.vector_store %arg20[%swap3A_393, %swap3A_394], %swap3A_397 {strides = array<i32>} : memref<80x128xf32, #tpu.memory_space<vmem>>, vector<1x16xf32>,
          %get3A_398 = arith.index_cast %add3A_344 : i32 to index
          %get3A_399 = arith.constant 80 : index
          %get3A_400 = tpu.vector_load %arg20[%get3A_398, %get3A_399] {strides = array<i32>} : memref<80x128xf32, #tpu.memory_space<vmem>>, vector<1x16xf32>,
          %get3A_401 = vector.shape_cast %get3A_400 : vector<1x16xf32> to vector<16xf32>
          %mul3A_402 = arith.mulf %get3A_401, %broadcast_in_dim3A_347 : vector<16xf32>
          %swap3A_403 = arith.index_cast %add3A_344 : i32 to index
          %swap3A_404 = arith.constant 80 : index
          %swap3A_405 = tpu.vector_load %arg20[%swap3A_403, %swap3A_404] {strides = array<i32>} : memref<80x128xf32, #tpu.memory_space<vmem>>, vector<1x16xf32>,
          %swap3A_406 = vector.shape_cast %swap3A_405 : vector<1x16xf32> to vector<16xf32>
          %swap3A_407 = vector.shape_cast %mul3A_402 : vector<16xf32> to vector<1x16xf32>
          tpu.vector_store %arg20[%swap3A_403, %swap3A_404], %swap3A_407 {strides = array<i32>} : memref<80x128xf32, #tpu.memory_space<vmem>>, vector<1x16xf32>,
          %get3A_408 = arith.index_cast %add3A_344 : i32 to index
          %get3A_409 = arith.constant 96 : index
          %get3A_410 = tpu.vector_load %arg20[%get3A_408, %get3A_409] {strides = array<i32>} : memref<80x128xf32, #tpu.memory_space<vmem>>, vector<1x16xf32>,
          %get3A_411 = vector.shape_cast %get3A_410 : vector<1x16xf32> to vector<16xf32>
          %mul3A_412 = arith.mulf %get3A_411, %broadcast_in_dim3A_347 : vector<16xf32>
          %swap3A_413 = arith.index_cast %add3A_344 : i32 to index
          %swap3A_414 = arith.constant 96 : index
          %swap3A_415 = tpu.vector_load %arg20[%swap3A_413, %swap3A_414] {strides = array<i32>} : memref<80x128xf32, #tpu.memory_space<vmem>>, vector<1x16xf32>,
          %swap3A_416 = vector.shape_cast %swap3A_415 : vector<1x16xf32> to vector<16xf32>
          %swap3A_417 = vector.shape_cast %mul3A_412 : vector<16xf32> to vector<1x16xf32>
          tpu.vector_store %arg20[%swap3A_413, %swap3A_414], %swap3A_417 {strides = array<i32>} : memref<80x128xf32, #tpu.memory_space<vmem>>, vector<1x16xf32>,
          %get3A_418 = arith.index_cast %add3A_344 : i32 to index
          %get3A_419 = arith.constant 112 : index
          %get3A_420 = tpu.vector_load %arg20[%get3A_418, %get3A_419] {strides = array<i32>} : memref<80x128xf32, #tpu.memory_space<vmem>>, vector<1x16xf32>,
          %get3A_421 = vector.shape_cast %get3A_420 : vector<1x16xf32> to vector<16xf32>
          %mul3A_422 = arith.mulf %get3A_421, %broadcast_in_dim3A_347 : vector<16xf32>
          %swap3A_423 = arith.index_cast %add3A_344 : i32 to index
          %swap3A_424 = arith.constant 112 : index
          %swap3A_425 = tpu.vector_load %arg20[%swap3A_423, %swap3A_424] {strides = array<i32>} : memref<80x128xf32, #tpu.memory_space<vmem>>, vector<1x16xf32>,
          %swap3A_426 = vector.shape_cast %swap3A_425 : vector<1x16xf32> to vector<16xf32>
          %swap3A_427 = vector.shape_cast %mul3A_422 : vector<16xf32> to vector<1x16xf32>
          tpu.vector_store %arg20[%swap3A_423, %swap3A_424], %swap3A_427 {strides = array<i32>} : memref<80x128xf32, #tpu.memory_space<vmem>>, vector<1x16xf32>,
          %mul3A_428 = arith.constant 16 : i32
          %mul3A_429 = arith.muli %scan3A_59, %mul3A_428 : i32
          %add3A_430 = arith.constant 4 : i32
          %add3A_431 = arith.addi %mul3A_429, %add3A_430 : i32
          %slice3A_432 = vector.extract_strided_slice %exp3A {offsets = [4], sizes = [1], strides = [1]} : vector<16xf32> to vector<1xf32>
          %broadcast_in_dim3A_433 = vector.shape_cast %slice3A_432 : vector<1xf32> to vector<1xf32>
          %broadcast_in_dim3A_434 = vector.broadcast %broadcast_in_dim3A_433 : vector<1xf32> to vector<16xf32>
          %get3A_435 = arith.index_cast %add3A_431 : i32 to index
          %get3A_436 = arith.constant 0 : index
          %get3A_437 = tpu.vector_load %arg20[%get3A_435, %get3A_436] {strides = array<i32>} : memref<80x128xf32, #tpu.memory_space<vmem>>, vector<1x16xf32>,
          %get3A_438 = vector.shape_cast %get3A_437 : vector<1x16xf32> to vector<16xf32>
          %mul3A_439 = arith.mulf %get3A_438, %broadcast_in_dim3A_434 : vector<16xf32>
          %swap3A_440 = arith.index_cast %add3A_431 : i32 to index
          %swap3A_441 = arith.constant 0 : index
          %swap3A_442 = tpu.vector_load %arg20[%swap3A_440, %swap3A_441] {strides = array<i32>} : memref<80x128xf32, #tpu.memory_space<vmem>>, vector<1x16xf32>,
          %swap3A_443 = vector.shape_cast %swap3A_442 : vector<1x16xf32> to vector<16xf32>
          %swap3A_444 = vector.shape_cast %mul3A_439 : vector<16xf32> to vector<1x16xf32>
          tpu.vector_store %arg20[%swap3A_440, %swap3A_441], %swap3A_444 {strides = array<i32>} : memref<80x128xf32, #tpu.memory_space<vmem>>, vector<1x16xf32>,
          %get3A_445 = arith.index_cast %add3A_431 : i32 to index
          %get3A_446 = arith.constant 16 : index
          %get3A_447 = tpu.vector_load %arg20[%get3A_445, %get3A_446] {strides = array<i32>} : memref<80x128xf32, #tpu.memory_space<vmem>>, vector<1x16xf32>,
          %get3A_448 = vector.shape_cast %get3A_447 : vector<1x16xf32> to vector<16xf32>
          %mul3A_449 = arith.mulf %get3A_448, %broadcast_in_dim3A_434 : vector<16xf32>
          %swap3A_450 = arith.index_cast %add3A_431 : i32 to index
          %swap3A_451 = arith.constant 16 : index
          %swap3A_452 = tpu.vector_load %arg20[%swap3A_450, %swap3A_451] {strides = array<i32>} : memref<80x128xf32, #tpu.memory_space<vmem>>, vector<1x16xf32>,
          %swap3A_453 = vector.shape_cast %swap3A_452 : vector<1x16xf32> to vector<16xf32>
          %swap3A_454 = vector.shape_cast %mul3A_449 : vector<16xf32> to vector<1x16xf32>
          tpu.vector_store %arg20[%swap3A_450, %swap3A_451], %swap3A_454 {strides = array<i32>} : memref<80x128xf32, #tpu.memory_space<vmem>>, vector<1x16xf32>,
          %get3A_455 = arith.index_cast %add3A_431 : i32 to index
          %get3A_456 = arith.constant 32 : index
          %get3A_457 = tpu.vector_load %arg20[%get3A_455, %get3A_456] {strides = array<i32>} : memref<80x128xf32, #tpu.memory_space<vmem>>, vector<1x16xf32>,
          %get3A_458 = vector.shape_cast %get3A_457 : vector<1x16xf32> to vector<16xf32>
          %mul3A_459 = arith.mulf %get3A_458, %broadcast_in_dim3A_434 : vector<16xf32>
          %swap3A_460 = arith.index_cast %add3A_431 : i32 to index
          %swap3A_461 = arith.constant 32 : index
          %swap3A_462 = tpu.vector_load %arg20[%swap3A_460, %swap3A_461] {strides = array<i32>} : memref<80x128xf32, #tpu.memory_space<vmem>>, vector<1x16xf32>,
          %swap3A_463 = vector.shape_cast %swap3A_462 : vector<1x16xf32> to vector<16xf32>
          %swap3A_464 = vector.shape_cast %mul3A_459 : vector<16xf32> to vector<1x16xf32>
          tpu.vector_store %arg20[%swap3A_460, %swap3A_461], %swap3A_464 {strides = array<i32>} : memref<80x128xf32, #tpu.memory_space<vmem>>, vector<1x16xf32>,
          %get3A_465 = arith.index_cast %add3A_431 : i32 to index
          %get3A_466 = arith.constant 48 : index
          %get3A_467 = tpu.vector_load %arg20[%get3A_465, %get3A_466] {strides = array<i32>} : memref<80x128xf32, #tpu.memory_space<vmem>>, vector<1x16xf32>,
          %get3A_468 = vector.shape_cast %get3A_467 : vector<1x16xf32> to vector<16xf32>
          %mul3A_469 = arith.mulf %get3A_468, %broadcast_in_dim3A_434 : vector<16xf32>
          %swap3A_470 = arith.index_cast %add3A_431 : i32 to index
          %swap3A_471 = arith.constant 48 : index
          %swap3A_472 = tpu.vector_load %arg20[%swap3A_470, %swap3A_471] {strides = array<i32>} : memref<80x128xf32, #tpu.memory_space<vmem>>, vector<1x16xf32>,
          %swap3A_473 = vector.shape_cast %swap3A_472 : vector<1x16xf32> to vector<16xf32>
          %swap3A_474 = vector.shape_cast %mul3A_469 : vector<16xf32> to vector<1x16xf32>
          tpu.vector_store %arg20[%swap3A_470, %swap3A_471], %swap3A_474 {strides = array<i32>} : memref<80x128xf32, #tpu.memory_space<vmem>>, vector<1x16xf32>,
          %get3A_475 = arith.index_cast %add3A_431 : i32 to index
          %get3A_476 = arith.constant 64 : index
          %get3A_477 = tpu.vector_load %arg20[%get3A_475, %get3A_476] {strides = array<i32>} : memref<80x128xf32, #tpu.memory_space<vmem>>, vector<1x16xf32>,
          %get3A_478 = vector.shape_cast %get3A_477 : vector<1x16xf32> to vector<16xf32>
          %mul3A_479 = arith.mulf %get3A_478, %broadcast_in_dim3A_434 : vector<16xf32>
          %swap3A_480 = arith.index_cast %add3A_431 : i32 to index
          %swap3A_481 = arith.constant 64 : index
          %swap3A_482 = tpu.vector_load %arg20[%swap3A_480, %swap3A_481] {strides = array<i32>} : memref<80x128xf32, #tpu.memory_space<vmem>>, vector<1x16xf32>,
          %swap3A_483 = vector.shape_cast %swap3A_482 : vector<1x16xf32> to vector<16xf32>
          %swap3A_484 = vector.shape_cast %mul3A_479 : vector<16xf32> to vector<1x16xf32>
          tpu.vector_store %arg20[%swap3A_480, %swap3A_481], %swap3A_484 {strides = array<i32>} : memref<80x128xf32, #tpu.memory_space<vmem>>, vector<1x16xf32>,
          %get3A_485 = arith.index_cast %add3A_431 : i32 to index
          %get3A_486 = arith.constant 80 : index
          %get3A_487 = tpu.vector_load %arg20[%get3A_485, %get3A_486] {strides = array<i32>} : memref<80x128xf32, #tpu.memory_space<vmem>>, vector<1x16xf32>,
          %get3A_488 = vector.shape_cast %get3A_487 : vector<1x16xf32> to vector<16xf32>
          %mul3A_489 = arith.mulf %get3A_488, %broadcast_in_dim3A_434 : vector<16xf32>
          %swap3A_490 = arith.index_cast %add3A_431 : i32 to index
          %swap3A_491 = arith.constant 80 : index
          %swap3A_492 = tpu.vector_load %arg20[%swap3A_490, %swap3A_491] {strides = array<i32>} : memref<80x128xf32, #tpu.memory_space<vmem>>, vector<1x16xf32>,
          %swap3A_493 = vector.shape_cast %swap3A_492 : vector<1x16xf32> to vector<16xf32>
          %swap3A_494 = vector.shape_cast %mul3A_489 : vector<16xf32> to vector<1x16xf32>
          tpu.vector_store %arg20[%swap3A_490, %swap3A_491], %swap3A_494 {strides = array<i32>} : memref<80x128xf32, #tpu.memory_space<vmem>>, vector<1x16xf32>,
          %get3A_495 = arith.index_cast %add3A_431 : i32 to index
          %get3A_496 = arith.constant 96 : index
          %get3A_497 = tpu.vector_load %arg20[%get3A_495, %get3A_496] {strides = array<i32>} : memref<80x128xf32, #tpu.memory_space<vmem>>, vector<1x16xf32>,
          %get3A_498 = vector.shape_cast %get3A_497 : vector<1x16xf32> to vector<16xf32>
          %mul3A_499 = arith.mulf %get3A_498, %broadcast_in_dim3A_434 : vector<16xf32>
          %swap3A_500 = arith.index_cast %add3A_431 : i32 to index
          %swap3A_501 = arith.constant 96 : index
          %swap3A_502 = tpu.vector_load %arg20[%swap3A_500, %swap3A_501] {strides = array<i32>} : memref<80x128xf32, #tpu.memory_space<vmem>>, vector<1x16xf32>,
          %swap3A_503 = vector.shape_cast %swap3A_502 : vector<1x16xf32> to vector<16xf32>
          %swap3A_504 = vector.shape_cast %mul3A_499 : vector<16xf32> to vector<1x16xf32>
          tpu.vector_store %arg20[%swap3A_500, %swap3A_501], %swap3A_504 {strides = array<i32>} : memref<80x128xf32, #tpu.memory_space<vmem>>, vector<1x16xf32>,
          %get3A_505 = arith.index_cast %add3A_431 : i32 to index
          %get3A_506 = arith.constant 112 : index
          %get3A_507 = tpu.vector_load %arg20[%get3A_505, %get3A_506] {strides = array<i32>} : memref<80x128xf32, #tpu.memory_space<vmem>>, vector<1x16xf32>,
          %get3A_508 = vector.shape_cast %get3A_507 : vector<1x16xf32> to vector<16xf32>
          %mul3A_509 = arith.mulf %get3A_508, %broadcast_in_dim3A_434 : vector<16xf32>
          %swap3A_510 = arith.index_cast %add3A_431 : i32 to index
          %swap3A_511 = arith.constant 112 : index
          %swap3A_512 = tpu.vector_load %arg20[%swap3A_510, %swap3A_511] {strides = array<i32>} : memref<80x128xf32, #tpu.memory_space<vmem>>, vector<1x16xf32>,
          %swap3A_513 = vector.shape_cast %swap3A_512 : vector<1x16xf32> to vector<16xf32>
          %swap3A_514 = vector.shape_cast %mul3A_509 : vector<16xf32> to vector<1x16xf32>
          tpu.vector_store %arg20[%swap3A_510, %swap3A_511], %swap3A_514 {strides = array<i32>} : memref<80x128xf32, #tpu.memory_space<vmem>>, vector<1x16xf32>,
          %mul3A_515 = arith.constant 16 : i32
          %mul3A_516 = arith.muli %scan3A_59, %mul3A_515 : i32
          %add3A_517 = arith.constant 5 : i32
          %add3A_518 = arith.addi %mul3A_516, %add3A_517 : i32
          %slice3A_519 = vector.extract_strided_slice %exp3A {offsets = [5], sizes = [1], strides = [1]} : vector<16xf32> to vector<1xf32>
          %broadcast_in_dim3A_520 = vector.shape_cast %slice3A_519 : vector<1xf32> to vector<1xf32>
          %broadcast_in_dim3A_521 = vector.broadcast %broadcast_in_dim3A_520 : vector<1xf32> to vector<16xf32>
          %get3A_522 = arith.index_cast %add3A_518 : i32 to index
          %get3A_523 = arith.constant 0 : index
          %get3A_524 = tpu.vector_load %arg20[%get3A_522, %get3A_523] {strides = array<i32>} : memref<80x128xf32, #tpu.memory_space<vmem>>, vector<1x16xf32>,
          %get3A_525 = vector.shape_cast %get3A_524 : vector<1x16xf32> to vector<16xf32>
          %mul3A_526 = arith.mulf %get3A_525, %broadcast_in_dim3A_521 : vector<16xf32>
          %swap3A_527 = arith.index_cast %add3A_518 : i32 to index
          %swap3A_528 = arith.constant 0 : index
          %swap3A_529 = tpu.vector_load %arg20[%swap3A_527, %swap3A_528] {strides = array<i32>} : memref<80x128xf32, #tpu.memory_space<vmem>>, vector<1x16xf32>,
          %swap3A_530 = vector.shape_cast %swap3A_529 : vector<1x16xf32> to vector<16xf32>
          %swap3A_531 = vector.shape_cast %mul3A_526 : vector<16xf32> to vector<1x16xf32>
          tpu.vector_store %arg20[%swap3A_527, %swap3A_528], %swap3A_531 {strides = array<i32>} : memref<80x128xf32, #tpu.memory_space<vmem>>, vector<1x16xf32>,
          %get3A_532 = arith.index_cast %add3A_518 : i32 to index
          %get3A_533 = arith.constant 16 : index
          %get3A_534 = tpu.vector_load %arg20[%get3A_532, %get3A_533] {strides = array<i32>} : memref<80x128xf32, #tpu.memory_space<vmem>>, vector<1x16xf32>,
          %get3A_535 = vector.shape_cast %get3A_534 : vector<1x16xf32> to vector<16xf32>
          %mul3A_536 = arith.mulf %get3A_535, %broadcast_in_dim3A_521 : vector<16xf32>
          %swap3A_537 = arith.index_cast %add3A_518 : i32 to index
          %swap3A_538 = arith.constant 16 : index
          %swap3A_539 = tpu.vector_load %arg20[%swap3A_537, %swap3A_538] {strides = array<i32>} : memref<80x128xf32, #tpu.memory_space<vmem>>, vector<1x16xf32>,
          %swap3A_540 = vector.shape_cast %swap3A_539 : vector<1x16xf32> to vector<16xf32>
          %swap3A_541 = vector.shape_cast %mul3A_536 : vector<16xf32> to vector<1x16xf32>
          tpu.vector_store %arg20[%swap3A_537, %swap3A_538], %swap3A_541 {strides = array<i32>} : memref<80x128xf32, #tpu.memory_space<vmem>>, vector<1x16xf32>,
          %get3A_542 = arith.index_cast %add3A_518 : i32 to index
          %get3A_543 = arith.constant 32 : index
          %get3A_544 = tpu.vector_load %arg20[%get3A_542, %get3A_543] {strides = array<i32>} : memref<80x128xf32, #tpu.memory_space<vmem>>, vector<1x16xf32>,
          %get3A_545 = vector.shape_cast %get3A_544 : vector<1x16xf32> to vector<16xf32>
          %mul3A_546 = arith.mulf %get3A_545, %broadcast_in_dim3A_521 : vector<16xf32>
          %swap3A_547 = arith.index_cast %add3A_518 : i32 to index
          %swap3A_548 = arith.constant 32 : index
          %swap3A_549 = tpu.vector_load %arg20[%swap3A_547, %swap3A_548] {strides = array<i32>} : memref<80x128xf32, #tpu.memory_space<vmem>>, vector<1x16xf32>,
          %swap3A_550 = vector.shape_cast %swap3A_549 : vector<1x16xf32> to vector<16xf32>
          %swap3A_551 = vector.shape_cast %mul3A_546 : vector<16xf32> to vector<1x16xf32>
          tpu.vector_store %arg20[%swap3A_547, %swap3A_548], %swap3A_551 {strides = array<i32>} : memref<80x128xf32, #tpu.memory_space<vmem>>, vector<1x16xf32>,
          %get3A_552 = arith.index_cast %add3A_518 : i32 to index
          %get3A_553 = arith.constant 48 : index
          %get3A_554 = tpu.vector_load %arg20[%get3A_552, %get3A_553] {strides = array<i32>} : memref<80x128xf32, #tpu.memory_space<vmem>>, vector<1x16xf32>,
          %get3A_555 = vector.shape_cast %get3A_554 : vector<1x16xf32> to vector<16xf32>
          %mul3A_556 = arith.mulf %get3A_555, %broadcast_in_dim3A_521 : vector<16xf32>
          %swap3A_557 = arith.index_cast %add3A_518 : i32 to index
          %swap3A_558 = arith.constant 48 : index
          %swap3A_559 = tpu.vector_load %arg20[%swap3A_557, %swap3A_558] {strides = array<i32>} : memref<80x128xf32, #tpu.memory_space<vmem>>, vector<1x16xf32>,
          %swap3A_560 = vector.shape_cast %swap3A_559 : vector<1x16xf32> to vector<16xf32>
          %swap3A_561 = vector.shape_cast %mul3A_556 : vector<16xf32> to vector<1x16xf32>
          tpu.vector_store %arg20[%swap3A_557, %swap3A_558], %swap3A_561 {strides = array<i32>} : memref<80x128xf32, #tpu.memory_space<vmem>>, vector<1x16xf32>,
          %get3A_562 = arith.index_cast %add3A_518 : i32 to index
          %get3A_563 = arith.constant 64 : index
          %get3A_564 = tpu.vector_load %arg20[%get3A_562, %get3A_563] {strides = array<i32>} : memref<80x128xf32, #tpu.memory_space<vmem>>, vector<1x16xf32>,
          %get3A_565 = vector.shape_cast %get3A_564 : vector<1x16xf32> to vector<16xf32>
          %mul3A_566 = arith.mulf %get3A_565, %broadcast_in_dim3A_521 : vector<16xf32>
          %swap3A_567 = arith.index_cast %add3A_518 : i32 to index
          %swap3A_568 = arith.constant 64 : index
          %swap3A_569 = tpu.vector_load %arg20[%swap3A_567, %swap3A_568] {strides = array<i32>} : memref<80x128xf32, #tpu.memory_space<vmem>>, vector<1x16xf32>,
          %swap3A_570 = vector.shape_cast %swap3A_569 : vector<1x16xf32> to vector<16xf32>
          %swap3A_571 = vector.shape_cast %mul3A_566 : vector<16xf32> to vector<1x16xf32>
          tpu.vector_store %arg20[%swap3A_567, %swap3A_568], %swap3A_571 {strides = array<i32>} : memref<80x128xf32, #tpu.memory_space<vmem>>, vector<1x16xf32>,
          %get3A_572 = arith.index_cast %add3A_518 : i32 to index
          %get3A_573 = arith.constant 80 : index
          %get3A_574 = tpu.vector_load %arg20[%get3A_572, %get3A_573] {strides = array<i32>} : memref<80x128xf32, #tpu.memory_space<vmem>>, vector<1x16xf32>,
          %get3A_575 = vector.shape_cast %get3A_574 : vector<1x16xf32> to vector<16xf32>
          %mul3A_576 = arith.mulf %get3A_575, %broadcast_in_dim3A_521 : vector<16xf32>
          %swap3A_577 = arith.index_cast %add3A_518 : i32 to index
          %swap3A_578 = arith.constant 80 : index
          %swap3A_579 = tpu.vector_load %arg20[%swap3A_577, %swap3A_578] {strides = array<i32>} : memref<80x128xf32, #tpu.memory_space<vmem>>, vector<1x16xf32>,
          %swap3A_580 = vector.shape_cast %swap3A_579 : vector<1x16xf32> to vector<16xf32>
          %swap3A_581 = vector.shape_cast %mul3A_576 : vector<16xf32> to vector<1x16xf32>
          tpu.vector_store %arg20[%swap3A_577, %swap3A_578], %swap3A_581 {strides = array<i32>} : memref<80x128xf32, #tpu.memory_space<vmem>>, vector<1x16xf32>,
          %get3A_582 = arith.index_cast %add3A_518 : i32 to index
          %get3A_583 = arith.constant 96 : index
          %get3A_584 = tpu.vector_load %arg20[%get3A_582, %get3A_583] {strides = array<i32>} : memref<80x128xf32, #tpu.memory_space<vmem>>, vector<1x16xf32>,
          %get3A_585 = vector.shape_cast %get3A_584 : vector<1x16xf32> to vector<16xf32>
          %mul3A_586 = arith.mulf %get3A_585, %broadcast_in_dim3A_521 : vector<16xf32>
          %swap3A_587 = arith.index_cast %add3A_518 : i32 to index
          %swap3A_588 = arith.constant 96 : index
          %swap3A_589 = tpu.vector_load %arg20[%swap3A_587, %swap3A_588] {strides = array<i32>} : memref<80x128xf32, #tpu.memory_space<vmem>>, vector<1x16xf32>,
          %swap3A_590 = vector.shape_cast %swap3A_589 : vector<1x16xf32> to vector<16xf32>
          %swap3A_591 = vector.shape_cast %mul3A_586 : vector<16xf32> to vector<1x16xf32>
          tpu.vector_store %arg20[%swap3A_587, %swap3A_588], %swap3A_591 {strides = array<i32>} : memref<80x128xf32, #tpu.memory_space<vmem>>, vector<1x16xf32>,
          %get3A_592 = arith.index_cast %add3A_518 : i32 to index
          %get3A_593 = arith.constant 112 : index
          %get3A_594 = tpu.vector_load %arg20[%get3A_592, %get3A_593] {strides = array<i32>} : memref<80x128xf32, #tpu.memory_space<vmem>>, vector<1x16xf32>,
          %get3A_595 = vector.shape_cast %get3A_594 : vector<1x16xf32> to vector<16xf32>
          %mul3A_596 = arith.mulf %get3A_595, %broadcast_in_dim3A_521 : vector<16xf32>
          %swap3A_597 = arith.index_cast %add3A_518 : i32 to index
          %swap3A_598 = arith.constant 112 : index
          %swap3A_599 = tpu.vector_load %arg20[%swap3A_597, %swap3A_598] {strides = array<i32>} : memref<80x128xf32, #tpu.memory_space<vmem>>, vector<1x16xf32>,
          %swap3A_600 = vector.shape_cast %swap3A_599 : vector<1x16xf32> to vector<16xf32>
          %swap3A_601 = vector.shape_cast %mul3A_596 : vector<16xf32> to vector<1x16xf32>
          tpu.vector_store %arg20[%swap3A_597, %swap3A_598], %swap3A_601 {strides = array<i32>} : memref<80x128xf32, #tpu.memory_space<vmem>>, vector<1x16xf32>,
          %mul3A_602 = arith.constant 16 : i32
          %mul3A_603 = arith.muli %scan3A_59, %mul3A_602 : i32
          %add3A_604 = arith.constant 6 : i32
          %add3A_605 = arith.addi %mul3A_603, %add3A_604 : i32
          %slice3A_606 = vector.extract_strided_slice %exp3A {offsets = [6], sizes = [1], strides = [1]} : vector<16xf32> to vector<1xf32>
          %broadcast_in_dim3A_607 = vector.shape_cast %slice3A_606 : vector<1xf32> to vector<1xf32>
          %broadcast_in_dim3A_608 = vector.broadcast %broadcast_in_dim3A_607 : vector<1xf32> to vector<16xf32>
          %get3A_609 = arith.index_cast %add3A_605 : i32 to index
          %get3A_610 = arith.constant 0 : index
          %get3A_611 = tpu.vector_load %arg20[%get3A_609, %get3A_610] {strides = array<i32>} : memref<80x128xf32, #tpu.memory_space<vmem>>, vector<1x16xf32>,
          %get3A_612 = vector.shape_cast %get3A_611 : vector<1x16xf32> to vector<16xf32>
          %mul3A_613 = arith.mulf %get3A_612, %broadcast_in_dim3A_608 : vector<16xf32>
          %swap3A_614 = arith.index_cast %add3A_605 : i32 to index
          %swap3A_615 = arith.constant 0 : index
          %swap3A_616 = tpu.vector_load %arg20[%swap3A_614, %swap3A_615] {strides = array<i32>} : memref<80x128xf32, #tpu.memory_space<vmem>>, vector<1x16xf32>,
          %swap3A_617 = vector.shape_cast %swap3A_616 : vector<1x16xf32> to vector<16xf32>
          %swap3A_618 = vector.shape_cast %mul3A_613 : vector<16xf32> to vector<1x16xf32>
          tpu.vector_store %arg20[%swap3A_614, %swap3A_615], %swap3A_618 {strides = array<i32>} : memref<80x128xf32, #tpu.memory_space<vmem>>, vector<1x16xf32>,
          %get3A_619 = arith.index_cast %add3A_605 : i32 to index
          %get3A_620 = arith.constant 16 : index
          %get3A_621 = tpu.vector_load %arg20[%get3A_619, %get3A_620] {strides = array<i32>} : memref<80x128xf32, #tpu.memory_space<vmem>>, vector<1x16xf32>,
          %get3A_622 = vector.shape_cast %get3A_621 : vector<1x16xf32> to vector<16xf32>
          %mul3A_623 = arith.mulf %get3A_622, %broadcast_in_dim3A_608 : vector<16xf32>
          %swap3A_624 = arith.index_cast %add3A_605 : i32 to index
          %swap3A_625 = arith.constant 16 : index
          %swap3A_626 = tpu.vector_load %arg20[%swap3A_624, %swap3A_625] {strides = array<i32>} : memref<80x128xf32, #tpu.memory_space<vmem>>, vector<1x16xf32>,
          %swap3A_627 = vector.shape_cast %swap3A_626 : vector<1x16xf32> to vector<16xf32>
          %swap3A_628 = vector.shape_cast %mul3A_623 : vector<16xf32> to vector<1x16xf32>
          tpu.vector_store %arg20[%swap3A_624, %swap3A_625], %swap3A_628 {strides = array<i32>} : memref<80x128xf32, #tpu.memory_space<vmem>>, vector<1x16xf32>,
          %get3A_629 = arith.index_cast %add3A_605 : i32 to index
          %get3A_630 = arith.constant 32 : index
          %get3A_631 = tpu.vector_load %arg20[%get3A_629, %get3A_630] {strides = array<i32>} : memref<80x128xf32, #tpu.memory_space<vmem>>, vector<1x16xf32>,
          %get3A_632 = vector.shape_cast %get3A_631 : vector<1x16xf32> to vector<16xf32>
          %mul3A_633 = arith.mulf %get3A_632, %broadcast_in_dim3A_608 : vector<16xf32>
          %swap3A_634 = arith.index_cast %add3A_605 : i32 to index
          %swap3A_635 = arith.constant 32 : index
          %swap3A_636 = tpu.vector_load %arg20[%swap3A_634, %swap3A_635] {strides = array<i32>} : memref<80x128xf32, #tpu.memory_space<vmem>>, vector<1x16xf32>,
          %swap3A_637 = vector.shape_cast %swap3A_636 : vector<1x16xf32> to vector<16xf32>
          %swap3A_638 = vector.shape_cast %mul3A_633 : vector<16xf32> to vector<1x16xf32>
          tpu.vector_store %arg20[%swap3A_634, %swap3A_635], %swap3A_638 {strides = array<i32>} : memref<80x128xf32, #tpu.memory_space<vmem>>, vector<1x16xf32>,
          %get3A_639 = arith.index_cast %add3A_605 : i32 to index
          %get3A_640 = arith.constant 48 : index
          %get3A_641 = tpu.vector_load %arg20[%get3A_639, %get3A_640] {strides = array<i32>} : memref<80x128xf32, #tpu.memory_space<vmem>>, vector<1x16xf32>,
          %get3A_642 = vector.shape_cast %get3A_641 : vector<1x16xf32> to vector<16xf32>
          %mul3A_643 = arith.mulf %get3A_642, %broadcast_in_dim3A_608 : vector<16xf32>
          %swap3A_644 = arith.index_cast %add3A_605 : i32 to index
          %swap3A_645 = arith.constant 48 : index
          %swap3A_646 = tpu.vector_load %arg20[%swap3A_644, %swap3A_645] {strides = array<i32>} : memref<80x128xf32, #tpu.memory_space<vmem>>, vector<1x16xf32>,
          %swap3A_647 = vector.shape_cast %swap3A_646 : vector<1x16xf32> to vector<16xf32>
          %swap3A_648 = vector.shape_cast %mul3A_643 : vector<16xf32> to vector<1x16xf32>
          tpu.vector_store %arg20[%swap3A_644, %swap3A_645], %swap3A_648 {strides = array<i32>} : memref<80x128xf32, #tpu.memory_space<vmem>>, vector<1x16xf32>,
          %get3A_649 = arith.index_cast %add3A_605 : i32 to index
          %get3A_650 = arith.constant 64 : index
          %get3A_651 = tpu.vector_load %arg20[%get3A_649, %get3A_650] {strides = array<i32>} : memref<80x128xf32, #tpu.memory_space<vmem>>, vector<1x16xf32>,
          %get3A_652 = vector.shape_cast %get3A_651 : vector<1x16xf32> to vector<16xf32>
          %mul3A_653 = arith.mulf %get3A_652, %broadcast_in_dim3A_608 : vector<16xf32>
          %swap3A_654 = arith.index_cast %add3A_605 : i32 to index
          %swap3A_655 = arith.constant 64 : index
          %swap3A_656 = tpu.vector_load %arg20[%swap3A_654, %swap3A_655] {strides = array<i32>} : memref<80x128xf32, #tpu.memory_space<vmem>>, vector<1x16xf32>,
          %swap3A_657 = vector.shape_cast %swap3A_656 : vector<1x16xf32> to vector<16xf32>
          %swap3A_658 = vector.shape_cast %mul3A_653 : vector<16xf32> to vector<1x16xf32>
          tpu.vector_store %arg20[%swap3A_654, %swap3A_655], %swap3A_658 {strides = array<i32>} : memref<80x128xf32, #tpu.memory_space<vmem>>, vector<1x16xf32>,
          %get3A_659 = arith.index_cast %add3A_605 : i32 to index
          %get3A_660 = arith.constant 80 : index
          %get3A_661 = tpu.vector_load %arg20[%get3A_659, %get3A_660] {strides = array<i32>} : memref<80x128xf32, #tpu.memory_space<vmem>>, vector<1x16xf32>,
          %get3A_662 = vector.shape_cast %get3A_661 : vector<1x16xf32> to vector<16xf32>
          %mul3A_663 = arith.mulf %get3A_662, %broadcast_in_dim3A_608 : vector<16xf32>
          %swap3A_664 = arith.index_cast %add3A_605 : i32 to index
          %swap3A_665 = arith.constant 80 : index
          %swap3A_666 = tpu.vector_load %arg20[%swap3A_664, %swap3A_665] {strides = array<i32>} : memref<80x128xf32, #tpu.memory_space<vmem>>, vector<1x16xf32>,
          %swap3A_667 = vector.shape_cast %swap3A_666 : vector<1x16xf32> to vector<16xf32>
          %swap3A_668 = vector.shape_cast %mul3A_663 : vector<16xf32> to vector<1x16xf32>
          tpu.vector_store %arg20[%swap3A_664, %swap3A_665], %swap3A_668 {strides = array<i32>} : memref<80x128xf32, #tpu.memory_space<vmem>>, vector<1x16xf32>,
          %get3A_669 = arith.index_cast %add3A_605 : i32 to index
          %get3A_670 = arith.constant 96 : index
          %get3A_671 = tpu.vector_load %arg20[%get3A_669, %get3A_670] {strides = array<i32>} : memref<80x128xf32, #tpu.memory_space<vmem>>, vector<1x16xf32>,
          %get3A_672 = vector.shape_cast %get3A_671 : vector<1x16xf32> to vector<16xf32>
          %mul3A_673 = arith.mulf %get3A_672, %broadcast_in_dim3A_608 : vector<16xf32>
          %swap3A_674 = arith.index_cast %add3A_605 : i32 to index
          %swap3A_675 = arith.constant 96 : index
          %swap3A_676 = tpu.vector_load %arg20[%swap3A_674, %swap3A_675] {strides = array<i32>} : memref<80x128xf32, #tpu.memory_space<vmem>>, vector<1x16xf32>,
          %swap3A_677 = vector.shape_cast %swap3A_676 : vector<1x16xf32> to vector<16xf32>
          %swap3A_678 = vector.shape_cast %mul3A_673 : vector<16xf32> to vector<1x16xf32>
          tpu.vector_store %arg20[%swap3A_674, %swap3A_675], %swap3A_678 {strides = array<i32>} : memref<80x128xf32, #tpu.memory_space<vmem>>, vector<1x16xf32>,
          %get3A_679 = arith.index_cast %add3A_605 : i32 to index
          %get3A_680 = arith.constant 112 : index
          %get3A_681 = tpu.vector_load %arg20[%get3A_679, %get3A_680] {strides = array<i32>} : memref<80x128xf32, #tpu.memory_space<vmem>>, vector<1x16xf32>,
          %get3A_682 = vector.shape_cast %get3A_681 : vector<1x16xf32> to vector<16xf32>
          %mul3A_683 = arith.mulf %get3A_682, %broadcast_in_dim3A_608 : vector<16xf32>
          %swap3A_684 = arith.index_cast %add3A_605 : i32 to index
          %swap3A_685 = arith.constant 112 : index
          %swap3A_686 = tpu.vector_load %arg20[%swap3A_684, %swap3A_685] {strides = array<i32>} : memref<80x128xf32, #tpu.memory_space<vmem>>, vector<1x16xf32>,
          %swap3A_687 = vector.shape_cast %swap3A_686 : vector<1x16xf32> to vector<16xf32>
          %swap3A_688 = vector.shape_cast %mul3A_683 : vector<16xf32> to vector<1x16xf32>
          tpu.vector_store %arg20[%swap3A_684, %swap3A_685], %swap3A_688 {strides = array<i32>} : memref<80x128xf32, #tpu.memory_space<vmem>>, vector<1x16xf32>,
          %mul3A_689 = arith.constant 16 : i32
          %mul3A_690 = arith.muli %scan3A_59, %mul3A_689 : i32
          %add3A_691 = arith.constant 7 : i32
          %add3A_692 = arith.addi %mul3A_690, %add3A_691 : i32
          %slice3A_693 = vector.extract_strided_slice %exp3A {offsets = [7], sizes = [1], strides = [1]} : vector<16xf32> to vector<1xf32>
          %broadcast_in_dim3A_694 = vector.shape_cast %slice3A_693 : vector<1xf32> to vector<1xf32>
          %broadcast_in_dim3A_695 = vector.broadcast %broadcast_in_dim3A_694 : vector<1xf32> to vector<16xf32>
          %get3A_696 = arith.index_cast %add3A_692 : i32 to index
          %get3A_697 = arith.constant 0 : index
          %get3A_698 = tpu.vector_load %arg20[%get3A_696, %get3A_697] {strides = array<i32>} : memref<80x128xf32, #tpu.memory_space<vmem>>, vector<1x16xf32>,
          %get3A_699 = vector.shape_cast %get3A_698 : vector<1x16xf32> to vector<16xf32>
          %mul3A_700 = arith.mulf %get3A_699, %broadcast_in_dim3A_695 : vector<16xf32>
          %swap3A_701 = arith.index_cast %add3A_692 : i32 to index
          %swap3A_702 = arith.constant 0 : index
          %swap3A_703 = tpu.vector_load %arg20[%swap3A_701, %swap3A_702] {strides = array<i32>} : memref<80x128xf32, #tpu.memory_space<vmem>>, vector<1x16xf32>,
          %swap3A_704 = vector.shape_cast %swap3A_703 : vector<1x16xf32> to vector<16xf32>
          %swap3A_705 = vector.shape_cast %mul3A_700 : vector<16xf32> to vector<1x16xf32>
          tpu.vector_store %arg20[%swap3A_701, %swap3A_702], %swap3A_705 {strides = array<i32>} : memref<80x128xf32, #tpu.memory_space<vmem>>, vector<1x16xf32>,
          %get3A_706 = arith.index_cast %add3A_692 : i32 to index
          %get3A_707 = arith.constant 16 : index
          %get3A_708 = tpu.vector_load %arg20[%get3A_706, %get3A_707] {strides = array<i32>} : memref<80x128xf32, #tpu.memory_space<vmem>>, vector<1x16xf32>,
          %get3A_709 = vector.shape_cast %get3A_708 : vector<1x16xf32> to vector<16xf32>
          %mul3A_710 = arith.mulf %get3A_709, %broadcast_in_dim3A_695 : vector<16xf32>
          %swap3A_711 = arith.index_cast %add3A_692 : i32 to index
          %swap3A_712 = arith.constant 16 : index
          %swap3A_713 = tpu.vector_load %arg20[%swap3A_711, %swap3A_712] {strides = array<i32>} : memref<80x128xf32, #tpu.memory_space<vmem>>, vector<1x16xf32>,
          %swap3A_714 = vector.shape_cast %swap3A_713 : vector<1x16xf32> to vector<16xf32>
          %swap3A_715 = vector.shape_cast %mul3A_710 : vector<16xf32> to vector<1x16xf32>
          tpu.vector_store %arg20[%swap3A_711, %swap3A_712], %swap3A_715 {strides = array<i32>} : memref<80x128xf32, #tpu.memory_space<vmem>>, vector<1x16xf32>,
          %get3A_716 = arith.index_cast %add3A_692 : i32 to index
          %get3A_717 = arith.constant 32 : index
          %get3A_718 = tpu.vector_load %arg20[%get3A_716, %get3A_717] {strides = array<i32>} : memref<80x128xf32, #tpu.memory_space<vmem>>, vector<1x16xf32>,
          %get3A_719 = vector.shape_cast %get3A_718 : vector<1x16xf32> to vector<16xf32>
          %mul3A_720 = arith.mulf %get3A_719, %broadcast_in_dim3A_695 : vector<16xf32>
          %swap3A_721 = arith.index_cast %add3A_692 : i32 to index
          %swap3A_722 = arith.constant 32 : index
          %swap3A_723 = tpu.vector_load %arg20[%swap3A_721, %swap3A_722] {strides = array<i32>} : memref<80x128xf32, #tpu.memory_space<vmem>>, vector<1x16xf32>,
          %swap3A_724 = vector.shape_cast %swap3A_723 : vector<1x16xf32> to vector<16xf32>
          %swap3A_725 = vector.shape_cast %mul3A_720 : vector<16xf32> to vector<1x16xf32>
          tpu.vector_store %arg20[%swap3A_721, %swap3A_722], %swap3A_725 {strides = array<i32>} : memref<80x128xf32, #tpu.memory_space<vmem>>, vector<1x16xf32>,
          %get3A_726 = arith.index_cast %add3A_692 : i32 to index
          %get3A_727 = arith.constant 48 : index
          %get3A_728 = tpu.vector_load %arg20[%get3A_726, %get3A_727] {strides = array<i32>} : memref<80x128xf32, #tpu.memory_space<vmem>>, vector<1x16xf32>,
          %get3A_729 = vector.shape_cast %get3A_728 : vector<1x16xf32> to vector<16xf32>
          %mul3A_730 = arith.mulf %get3A_729, %broadcast_in_dim3A_695 : vector<16xf32>
          %swap3A_731 = arith.index_cast %add3A_692 : i32 to index
          %swap3A_732 = arith.constant 48 : index
          %swap3A_733 = tpu.vector_load %arg20[%swap3A_731, %swap3A_732] {strides = array<i32>} : memref<80x128xf32, #tpu.memory_space<vmem>>, vector<1x16xf32>,
          %swap3A_734 = vector.shape_cast %swap3A_733 : vector<1x16xf32> to vector<16xf32>
          %swap3A_735 = vector.shape_cast %mul3A_730 : vector<16xf32> to vector<1x16xf32>
          tpu.vector_store %arg20[%swap3A_731, %swap3A_732], %swap3A_735 {strides = array<i32>} : memref<80x128xf32, #tpu.memory_space<vmem>>, vector<1x16xf32>,
          %get3A_736 = arith.index_cast %add3A_692 : i32 to index
          %get3A_737 = arith.constant 64 : index
          %get3A_738 = tpu.vector_load %arg20[%get3A_736, %get3A_737] {strides = array<i32>} : memref<80x128xf32, #tpu.memory_space<vmem>>, vector<1x16xf32>,
          %get3A_739 = vector.shape_cast %get3A_738 : vector<1x16xf32> to vector<16xf32>
          %mul3A_740 = arith.mulf %get3A_739, %broadcast_in_dim3A_695 : vector<16xf32>
          %swap3A_741 = arith.index_cast %add3A_692 : i32 to index
          %swap3A_742 = arith.constant 64 : index
          %swap3A_743 = tpu.vector_load %arg20[%swap3A_741, %swap3A_742] {strides = array<i32>} : memref<80x128xf32, #tpu.memory_space<vmem>>, vector<1x16xf32>,
          %swap3A_744 = vector.shape_cast %swap3A_743 : vector<1x16xf32> to vector<16xf32>
          %swap3A_745 = vector.shape_cast %mul3A_740 : vector<16xf32> to vector<1x16xf32>
          tpu.vector_store %arg20[%swap3A_741, %swap3A_742], %swap3A_745 {strides = array<i32>} : memref<80x128xf32, #tpu.memory_space<vmem>>, vector<1x16xf32>,
          %get3A_746 = arith.index_cast %add3A_692 : i32 to index
          %get3A_747 = arith.constant 80 : index
          %get3A_748 = tpu.vector_load %arg20[%get3A_746, %get3A_747] {strides = array<i32>} : memref<80x128xf32, #tpu.memory_space<vmem>>, vector<1x16xf32>,
          %get3A_749 = vector.shape_cast %get3A_748 : vector<1x16xf32> to vector<16xf32>
          %mul3A_750 = arith.mulf %get3A_749, %broadcast_in_dim3A_695 : vector<16xf32>
          %swap3A_751 = arith.index_cast %add3A_692 : i32 to index
          %swap3A_752 = arith.constant 80 : index
          %swap3A_753 = tpu.vector_load %arg20[%swap3A_751, %swap3A_752] {strides = array<i32>} : memref<80x128xf32, #tpu.memory_space<vmem>>, vector<1x16xf32>,
          %swap3A_754 = vector.shape_cast %swap3A_753 : vector<1x16xf32> to vector<16xf32>
          %swap3A_755 = vector.shape_cast %mul3A_750 : vector<16xf32> to vector<1x16xf32>
          tpu.vector_store %arg20[%swap3A_751, %swap3A_752], %swap3A_755 {strides = array<i32>} : memref<80x128xf32, #tpu.memory_space<vmem>>, vector<1x16xf32>,
          %get3A_756 = arith.index_cast %add3A_692 : i32 to index
          %get3A_757 = arith.constant 96 : index
          %get3A_758 = tpu.vector_load %arg20[%get3A_756, %get3A_757] {strides = array<i32>} : memref<80x128xf32, #tpu.memory_space<vmem>>, vector<1x16xf32>,
          %get3A_759 = vector.shape_cast %get3A_758 : vector<1x16xf32> to vector<16xf32>
          %mul3A_760 = arith.mulf %get3A_759, %broadcast_in_dim3A_695 : vector<16xf32>
          %swap3A_761 = arith.index_cast %add3A_692 : i32 to index
          %swap3A_762 = arith.constant 96 : index
          %swap3A_763 = tpu.vector_load %arg20[%swap3A_761, %swap3A_762] {strides = array<i32>} : memref<80x128xf32, #tpu.memory_space<vmem>>, vector<1x16xf32>,
          %swap3A_764 = vector.shape_cast %swap3A_763 : vector<1x16xf32> to vector<16xf32>
          %swap3A_765 = vector.shape_cast %mul3A_760 : vector<16xf32> to vector<1x16xf32>
          tpu.vector_store %arg20[%swap3A_761, %swap3A_762], %swap3A_765 {strides = array<i32>} : memref<80x128xf32, #tpu.memory_space<vmem>>, vector<1x16xf32>,
          %get3A_766 = arith.index_cast %add3A_692 : i32 to index
          %get3A_767 = arith.constant 112 : index
          %get3A_768 = tpu.vector_load %arg20[%get3A_766, %get3A_767] {strides = array<i32>} : memref<80x128xf32, #tpu.memory_space<vmem>>, vector<1x16xf32>,
          %get3A_769 = vector.shape_cast %get3A_768 : vector<1x16xf32> to vector<16xf32>
          %mul3A_770 = arith.mulf %get3A_769, %broadcast_in_dim3A_695 : vector<16xf32>
          %swap3A_771 = arith.index_cast %add3A_692 : i32 to index
          %swap3A_772 = arith.constant 112 : index
          %swap3A_773 = tpu.vector_load %arg20[%swap3A_771, %swap3A_772] {strides = array<i32>} : memref<80x128xf32, #tpu.memory_space<vmem>>, vector<1x16xf32>,
          %swap3A_774 = vector.shape_cast %swap3A_773 : vector<1x16xf32> to vector<16xf32>
          %swap3A_775 = vector.shape_cast %mul3A_770 : vector<16xf32> to vector<1x16xf32>
          tpu.vector_store %arg20[%swap3A_771, %swap3A_772], %swap3A_775 {strides = array<i32>} : memref<80x128xf32, #tpu.memory_space<vmem>>, vector<1x16xf32>,
          %mul3A_776 = arith.constant 16 : i32
          %mul3A_777 = arith.muli %scan3A_59, %mul3A_776 : i32
          %add3A_778 = arith.constant 8 : i32
          %add3A_779 = arith.addi %mul3A_777, %add3A_778 : i32
          %slice3A_780 = vector.extract_strided_slice %exp3A {offsets = [8], sizes = [1], strides = [1]} : vector<16xf32> to vector<1xf32>
          %broadcast_in_dim3A_781 = vector.shape_cast %slice3A_780 : vector<1xf32> to vector<1xf32>
          %broadcast_in_dim3A_782 = vector.broadcast %broadcast_in_dim3A_781 : vector<1xf32> to vector<16xf32>
          %get3A_783 = arith.index_cast %add3A_779 : i32 to index
          %get3A_784 = arith.constant 0 : index
          %get3A_785 = tpu.vector_load %arg20[%get3A_783, %get3A_784] {strides = array<i32>} : memref<80x128xf32, #tpu.memory_space<vmem>>, vector<1x16xf32>,
          %get3A_786 = vector.shape_cast %get3A_785 : vector<1x16xf32> to vector<16xf32>
          %mul3A_787 = arith.mulf %get3A_786, %broadcast_in_dim3A_782 : vector<16xf32>
          %swap3A_788 = arith.index_cast %add3A_779 : i32 to index
          %swap3A_789 = arith.constant 0 : index
          %swap3A_790 = tpu.vector_load %arg20[%swap3A_788, %swap3A_789] {strides = array<i32>} : memref<80x128xf32, #tpu.memory_space<vmem>>, vector<1x16xf32>,
          %swap3A_791 = vector.shape_cast %swap3A_790 : vector<1x16xf32> to vector<16xf32>
          %swap3A_792 = vector.shape_cast %mul3A_787 : vector<16xf32> to vector<1x16xf32>
          tpu.vector_store %arg20[%swap3A_788, %swap3A_789], %swap3A_792 {strides = array<i32>} : memref<80x128xf32, #tpu.memory_space<vmem>>, vector<1x16xf32>,
          %get3A_793 = arith.index_cast %add3A_779 : i32 to index
          %get3A_794 = arith.constant 16 : index
          %get3A_795 = tpu.vector_load %arg20[%get3A_793, %get3A_794] {strides = array<i32>} : memref<80x128xf32, #tpu.memory_space<vmem>>, vector<1x16xf32>,
          %get3A_796 = vector.shape_cast %get3A_795 : vector<1x16xf32> to vector<16xf32>
          %mul3A_797 = arith.mulf %get3A_796, %broadcast_in_dim3A_782 : vector<16xf32>
          %swap3A_798 = arith.index_cast %add3A_779 : i32 to index
          %swap3A_799 = arith.constant 16 : index
          %swap3A_800 = tpu.vector_load %arg20[%swap3A_798, %swap3A_799] {strides = array<i32>} : memref<80x128xf32, #tpu.memory_space<vmem>>, vector<1x16xf32>,
          %swap3A_801 = vector.shape_cast %swap3A_800 : vector<1x16xf32> to vector<16xf32>
          %swap3A_802 = vector.shape_cast %mul3A_797 : vector<16xf32> to vector<1x16xf32>
          tpu.vector_store %arg20[%swap3A_798, %swap3A_799], %swap3A_802 {strides = array<i32>} : memref<80x128xf32, #tpu.memory_space<vmem>>, vector<1x16xf32>,
          %get3A_803 = arith.index_cast %add3A_779 : i32 to index
          %get3A_804 = arith.constant 32 : index
          %get3A_805 = tpu.vector_load %arg20[%get3A_803, %get3A_804] {strides = array<i32>} : memref<80x128xf32, #tpu.memory_space<vmem>>, vector<1x16xf32>,
          %get3A_806 = vector.shape_cast %get3A_805 : vector<1x16xf32> to vector<16xf32>
          %mul3A_807 = arith.mulf %get3A_806, %broadcast_in_dim3A_782 : vector<16xf32>
          %swap3A_808 = arith.index_cast %add3A_779 : i32 to index
          %swap3A_809 = arith.constant 32 : index
          %swap3A_810 = tpu.vector_load %arg20[%swap3A_808, %swap3A_809] {strides = array<i32>} : memref<80x128xf32, #tpu.memory_space<vmem>>, vector<1x16xf32>,
          %swap3A_811 = vector.shape_cast %swap3A_810 : vector<1x16xf32> to vector<16xf32>
          %swap3A_812 = vector.shape_cast %mul3A_807 : vector<16xf32> to vector<1x16xf32>
          tpu.vector_store %arg20[%swap3A_808, %swap3A_809], %swap3A_812 {strides = array<i32>} : memref<80x128xf32, #tpu.memory_space<vmem>>, vector<1x16xf32>,
          %get3A_813 = arith.index_cast %add3A_779 : i32 to index
          %get3A_814 = arith.constant 48 : index
          %get3A_815 = tpu.vector_load %arg20[%get3A_813, %get3A_814] {strides = array<i32>} : memref<80x128xf32, #tpu.memory_space<vmem>>, vector<1x16xf32>,
          %get3A_816 = vector.shape_cast %get3A_815 : vector<1x16xf32> to vector<16xf32>
          %mul3A_817 = arith.mulf %get3A_816, %broadcast_in_dim3A_782 : vector<16xf32>
          %swap3A_818 = arith.index_cast %add3A_779 : i32 to index
          %swap3A_819 = arith.constant 48 : index
          %swap3A_820 = tpu.vector_load %arg20[%swap3A_818, %swap3A_819] {strides = array<i32>} : memref<80x128xf32, #tpu.memory_space<vmem>>, vector<1x16xf32>,
          %swap3A_821 = vector.shape_cast %swap3A_820 : vector<1x16xf32> to vector<16xf32>
          %swap3A_822 = vector.shape_cast %mul3A_817 : vector<16xf32> to vector<1x16xf32>
          tpu.vector_store %arg20[%swap3A_818, %swap3A_819], %swap3A_822 {strides = array<i32>} : memref<80x128xf32, #tpu.memory_space<vmem>>, vector<1x16xf32>,
          %get3A_823 = arith.index_cast %add3A_779 : i32 to index
          %get3A_824 = arith.constant 64 : index
          %get3A_825 = tpu.vector_load %arg20[%get3A_823, %get3A_824] {strides = array<i32>} : memref<80x128xf32, #tpu.memory_space<vmem>>, vector<1x16xf32>,
          %get3A_826 = vector.shape_cast %get3A_825 : vector<1x16xf32> to vector<16xf32>
          %mul3A_827 = arith.mulf %get3A_826, %broadcast_in_dim3A_782 : vector<16xf32>
          %swap3A_828 = arith.index_cast %add3A_779 : i32 to index
          %swap3A_829 = arith.constant 64 : index
          %swap3A_830 = tpu.vector_load %arg20[%swap3A_828, %swap3A_829] {strides = array<i32>} : memref<80x128xf32, #tpu.memory_space<vmem>>, vector<1x16xf32>,
          %swap3A_831 = vector.shape_cast %swap3A_830 : vector<1x16xf32> to vector<16xf32>
          %swap3A_832 = vector.shape_cast %mul3A_827 : vector<16xf32> to vector<1x16xf32>
          tpu.vector_store %arg20[%swap3A_828, %swap3A_829], %swap3A_832 {strides = array<i32>} : memref<80x128xf32, #tpu.memory_space<vmem>>, vector<1x16xf32>,
          %get3A_833 = arith.index_cast %add3A_779 : i32 to index
          %get3A_834 = arith.constant 80 : index
          %get3A_835 = tpu.vector_load %arg20[%get3A_833, %get3A_834] {strides = array<i32>} : memref<80x128xf32, #tpu.memory_space<vmem>>, vector<1x16xf32>,
          %get3A_836 = vector.shape_cast %get3A_835 : vector<1x16xf32> to vector<16xf32>
          %mul3A_837 = arith.mulf %get3A_836, %broadcast_in_dim3A_782 : vector<16xf32>
          %swap3A_838 = arith.index_cast %add3A_779 : i32 to index
          %swap3A_839 = arith.constant 80 : index
          %swap3A_840 = tpu.vector_load %arg20[%swap3A_838, %swap3A_839] {strides = array<i32>} : memref<80x128xf32, #tpu.memory_space<vmem>>, vector<1x16xf32>,
          %swap3A_841 = vector.shape_cast %swap3A_840 : vector<1x16xf32> to vector<16xf32>
          %swap3A_842 = vector.shape_cast %mul3A_837 : vector<16xf32> to vector<1x16xf32>
          tpu.vector_store %arg20[%swap3A_838, %swap3A_839], %swap3A_842 {strides = array<i32>} : memref<80x128xf32, #tpu.memory_space<vmem>>, vector<1x16xf32>,
          %get3A_843 = arith.index_cast %add3A_779 : i32 to index
          %get3A_844 = arith.constant 96 : index
          %get3A_845 = tpu.vector_load %arg20[%get3A_843, %get3A_844] {strides = array<i32>} : memref<80x128xf32, #tpu.memory_space<vmem>>, vector<1x16xf32>,
          %get3A_846 = vector.shape_cast %get3A_845 : vector<1x16xf32> to vector<16xf32>
          %mul3A_847 = arith.mulf %get3A_846, %broadcast_in_dim3A_782 : vector<16xf32>
          %swap3A_848 = arith.index_cast %add3A_779 : i32 to index
          %swap3A_849 = arith.constant 96 : index
          %swap3A_850 = tpu.vector_load %arg20[%swap3A_848, %swap3A_849] {strides = array<i32>} : memref<80x128xf32, #tpu.memory_space<vmem>>, vector<1x16xf32>,
          %swap3A_851 = vector.shape_cast %swap3A_850 : vector<1x16xf32> to vector<16xf32>
          %swap3A_852 = vector.shape_cast %mul3A_847 : vector<16xf32> to vector<1x16xf32>
          tpu.vector_store %arg20[%swap3A_848, %swap3A_849], %swap3A_852 {strides = array<i32>} : memref<80x128xf32, #tpu.memory_space<vmem>>, vector<1x16xf32>,
          %get3A_853 = arith.index_cast %add3A_779 : i32 to index
          %get3A_854 = arith.constant 112 : index
          %get3A_855 = tpu.vector_load %arg20[%get3A_853, %get3A_854] {strides = array<i32>} : memref<80x128xf32, #tpu.memory_space<vmem>>, vector<1x16xf32>,
          %get3A_856 = vector.shape_cast %get3A_855 : vector<1x16xf32> to vector<16xf32>
          %mul3A_857 = arith.mulf %get3A_856, %broadcast_in_dim3A_782 : vector<16xf32>
          %swap3A_858 = arith.index_cast %add3A_779 : i32 to index
          %swap3A_859 = arith.constant 112 : index
          %swap3A_860 = tpu.vector_load %arg20[%swap3A_858, %swap3A_859] {strides = array<i32>} : memref<80x128xf32, #tpu.memory_space<vmem>>, vector<1x16xf32>,
          %swap3A_861 = vector.shape_cast %swap3A_860 : vector<1x16xf32> to vector<16xf32>
          %swap3A_862 = vector.shape_cast %mul3A_857 : vector<16xf32> to vector<1x16xf32>
          tpu.vector_store %arg20[%swap3A_858, %swap3A_859], %swap3A_862 {strides = array<i32>} : memref<80x128xf32, #tpu.memory_space<vmem>>, vector<1x16xf32>,
          %mul3A_863 = arith.constant 16 : i32
          %mul3A_864 = arith.muli %scan3A_59, %mul3A_863 : i32
          %add3A_865 = arith.constant 9 : i32
          %add3A_866 = arith.addi %mul3A_864, %add3A_865 : i32
          %slice3A_867 = vector.extract_strided_slice %exp3A {offsets = [9], sizes = [1], strides = [1]} : vector<16xf32> to vector<1xf32>
          %broadcast_in_dim3A_868 = vector.shape_cast %slice3A_867 : vector<1xf32> to vector<1xf32>
          %broadcast_in_dim3A_869 = vector.broadcast %broadcast_in_dim3A_868 : vector<1xf32> to vector<16xf32>
          %get3A_870 = arith.index_cast %add3A_866 : i32 to index
          %get3A_871 = arith.constant 0 : index
          %get3A_872 = tpu.vector_load %arg20[%get3A_870, %get3A_871] {strides = array<i32>} : memref<80x128xf32, #tpu.memory_space<vmem>>, vector<1x16xf32>,
          %get3A_873 = vector.shape_cast %get3A_872 : vector<1x16xf32> to vector<16xf32>
          %mul3A_874 = arith.mulf %get3A_873, %broadcast_in_dim3A_869 : vector<16xf32>
          %swap3A_875 = arith.index_cast %add3A_866 : i32 to index
          %swap3A_876 = arith.constant 0 : index
          %swap3A_877 = tpu.vector_load %arg20[%swap3A_875, %swap3A_876] {strides = array<i32>} : memref<80x128xf32, #tpu.memory_space<vmem>>, vector<1x16xf32>,
          %swap3A_878 = vector.shape_cast %swap3A_877 : vector<1x16xf32> to vector<16xf32>
          %swap3A_879 = vector.shape_cast %mul3A_874 : vector<16xf32> to vector<1x16xf32>
          tpu.vector_store %arg20[%swap3A_875, %swap3A_876], %swap3A_879 {strides = array<i32>} : memref<80x128xf32, #tpu.memory_space<vmem>>, vector<1x16xf32>,
          %get3A_880 = arith.index_cast %add3A_866 : i32 to index
          %get3A_881 = arith.constant 16 : index
          %get3A_882 = tpu.vector_load %arg20[%get3A_880, %get3A_881] {strides = array<i32>} : memref<80x128xf32, #tpu.memory_space<vmem>>, vector<1x16xf32>,
          %get3A_883 = vector.shape_cast %get3A_882 : vector<1x16xf32> to vector<16xf32>
          %mul3A_884 = arith.mulf %get3A_883, %broadcast_in_dim3A_869 : vector<16xf32>
          %swap3A_885 = arith.index_cast %add3A_866 : i32 to index
          %swap3A_886 = arith.constant 16 : index
          %swap3A_887 = tpu.vector_load %arg20[%swap3A_885, %swap3A_886] {strides = array<i32>} : memref<80x128xf32, #tpu.memory_space<vmem>>, vector<1x16xf32>,
          %swap3A_888 = vector.shape_cast %swap3A_887 : vector<1x16xf32> to vector<16xf32>
          %swap3A_889 = vector.shape_cast %mul3A_884 : vector<16xf32> to vector<1x16xf32>
          tpu.vector_store %arg20[%swap3A_885, %swap3A_886], %swap3A_889 {strides = array<i32>} : memref<80x128xf32, #tpu.memory_space<vmem>>, vector<1x16xf32>,
          %get3A_890 = arith.index_cast %add3A_866 : i32 to index
          %get3A_891 = arith.constant 32 : index
          %get3A_892 = tpu.vector_load %arg20[%get3A_890, %get3A_891] {strides = array<i32>} : memref<80x128xf32, #tpu.memory_space<vmem>>, vector<1x16xf32>,
          %get3A_893 = vector.shape_cast %get3A_892 : vector<1x16xf32> to vector<16xf32>
          %mul3A_894 = arith.mulf %get3A_893, %broadcast_in_dim3A_869 : vector<16xf32>
          %swap3A_895 = arith.index_cast %add3A_866 : i32 to index
          %swap3A_896 = arith.constant 32 : index
          %swap3A_897 = tpu.vector_load %arg20[%swap3A_895, %swap3A_896] {strides = array<i32>} : memref<80x128xf32, #tpu.memory_space<vmem>>, vector<1x16xf32>,
          %swap3A_898 = vector.shape_cast %swap3A_897 : vector<1x16xf32> to vector<16xf32>
          %swap3A_899 = vector.shape_cast %mul3A_894 : vector<16xf32> to vector<1x16xf32>
          tpu.vector_store %arg20[%swap3A_895, %swap3A_896], %swap3A_899 {strides = array<i32>} : memref<80x128xf32, #tpu.memory_space<vmem>>, vector<1x16xf32>,
          %get3A_900 = arith.index_cast %add3A_866 : i32 to index
          %get3A_901 = arith.constant 48 : index
          %get3A_902 = tpu.vector_load %arg20[%get3A_900, %get3A_901] {strides = array<i32>} : memref<80x128xf32, #tpu.memory_space<vmem>>, vector<1x16xf32>,
          %get3A_903 = vector.shape_cast %get3A_902 : vector<1x16xf32> to vector<16xf32>
          %mul3A_904 = arith.mulf %get3A_903, %broadcast_in_dim3A_869 : vector<16xf32>
          %swap3A_905 = arith.index_cast %add3A_866 : i32 to index
          %swap3A_906 = arith.constant 48 : index
          %swap3A_907 = tpu.vector_load %arg20[%swap3A_905, %swap3A_906] {strides = array<i32>} : memref<80x128xf32, #tpu.memory_space<vmem>>, vector<1x16xf32>,
          %swap3A_908 = vector.shape_cast %swap3A_907 : vector<1x16xf32> to vector<16xf32>
          %swap3A_909 = vector.shape_cast %mul3A_904 : vector<16xf32> to vector<1x16xf32>
          tpu.vector_store %arg20[%swap3A_905, %swap3A_906], %swap3A_909 {strides = array<i32>} : memref<80x128xf32, #tpu.memory_space<vmem>>, vector<1x16xf32>,
          %get3A_910 = arith.index_cast %add3A_866 : i32 to index
          %get3A_911 = arith.constant 64 : index
          %get3A_912 = tpu.vector_load %arg20[%get3A_910, %get3A_911] {strides = array<i32>} : memref<80x128xf32, #tpu.memory_space<vmem>>, vector<1x16xf32>,
          %get3A_913 = vector.shape_cast %get3A_912 : vector<1x16xf32> to vector<16xf32>
          %mul3A_914 = arith.mulf %get3A_913, %broadcast_in_dim3A_869 : vector<16xf32>
          %swap3A_915 = arith.index_cast %add3A_866 : i32 to index
          %swap3A_916 = arith.constant 64 : index
          %swap3A_917 = tpu.vector_load %arg20[%swap3A_915, %swap3A_916] {strides = array<i32>} : memref<80x128xf32, #tpu.memory_space<vmem>>, vector<1x16xf32>,
          %swap3A_918 = vector.shape_cast %swap3A_917 : vector<1x16xf32> to vector<16xf32>
          %swap3A_919 = vector.shape_cast %mul3A_914 : vector<16xf32> to vector<1x16xf32>
          tpu.vector_store %arg20[%swap3A_915, %swap3A_916], %swap3A_919 {strides = array<i32>} : memref<80x128xf32, #tpu.memory_space<vmem>>, vector<1x16xf32>,
          %get3A_920 = arith.index_cast %add3A_866 : i32 to index
          %get3A_921 = arith.constant 80 : index
          %get3A_922 = tpu.vector_load %arg20[%get3A_920, %get3A_921] {strides = array<i32>} : memref<80x128xf32, #tpu.memory_space<vmem>>, vector<1x16xf32>,
          %get3A_923 = vector.shape_cast %get3A_922 : vector<1x16xf32> to vector<16xf32>
          %mul3A_924 = arith.mulf %get3A_923, %broadcast_in_dim3A_869 : vector<16xf32>
          %swap3A_925 = arith.index_cast %add3A_866 : i32 to index
          %swap3A_926 = arith.constant 80 : index
          %swap3A_927 = tpu.vector_load %arg20[%swap3A_925, %swap3A_926] {strides = array<i32>} : memref<80x128xf32, #tpu.memory_space<vmem>>, vector<1x16xf32>,
          %swap3A_928 = vector.shape_cast %swap3A_927 : vector<1x16xf32> to vector<16xf32>
          %swap3A_929 = vector.shape_cast %mul3A_924 : vector<16xf32> to vector<1x16xf32>
          tpu.vector_store %arg20[%swap3A_925, %swap3A_926], %swap3A_929 {strides = array<i32>} : memref<80x128xf32, #tpu.memory_space<vmem>>, vector<1x16xf32>,
          %get3A_930 = arith.index_cast %add3A_866 : i32 to index
          %get3A_931 = arith.constant 96 : index
          %get3A_932 = tpu.vector_load %arg20[%get3A_930, %get3A_931] {strides = array<i32>} : memref<80x128xf32, #tpu.memory_space<vmem>>, vector<1x16xf32>,
          %get3A_933 = vector.shape_cast %get3A_932 : vector<1x16xf32> to vector<16xf32>
          %mul3A_934 = arith.mulf %get3A_933, %broadcast_in_dim3A_869 : vector<16xf32>
          %swap3A_935 = arith.index_cast %add3A_866 : i32 to index
          %swap3A_936 = arith.constant 96 : index
          %swap3A_937 = tpu.vector_load %arg20[%swap3A_935, %swap3A_936] {strides = array<i32>} : memref<80x128xf32, #tpu.memory_space<vmem>>, vector<1x16xf32>,
          %swap3A_938 = vector.shape_cast %swap3A_937 : vector<1x16xf32> to vector<16xf32>
          %swap3A_939 = vector.shape_cast %mul3A_934 : vector<16xf32> to vector<1x16xf32>
          tpu.vector_store %arg20[%swap3A_935, %swap3A_936], %swap3A_939 {strides = array<i32>} : memref<80x128xf32, #tpu.memory_space<vmem>>, vector<1x16xf32>,
          %get3A_940 = arith.index_cast %add3A_866 : i32 to index
          %get3A_941 = arith.constant 112 : index
          %get3A_942 = tpu.vector_load %arg20[%get3A_940, %get3A_941] {strides = array<i32>} : memref<80x128xf32, #tpu.memory_space<vmem>>, vector<1x16xf32>,
          %get3A_943 = vector.shape_cast %get3A_942 : vector<1x16xf32> to vector<16xf32>
          %mul3A_944 = arith.mulf %get3A_943, %broadcast_in_dim3A_869 : vector<16xf32>
          %swap3A_945 = arith.index_cast %add3A_866 : i32 to index
          %swap3A_946 = arith.constant 112 : index
          %swap3A_947 = tpu.vector_load %arg20[%swap3A_945, %swap3A_946] {strides = array<i32>} : memref<80x128xf32, #tpu.memory_space<vmem>>, vector<1x16xf32>,
          %swap3A_948 = vector.shape_cast %swap3A_947 : vector<1x16xf32> to vector<16xf32>
          %swap3A_949 = vector.shape_cast %mul3A_944 : vector<16xf32> to vector<1x16xf32>
          tpu.vector_store %arg20[%swap3A_945, %swap3A_946], %swap3A_949 {strides = array<i32>} : memref<80x128xf32, #tpu.memory_space<vmem>>, vector<1x16xf32>,
          %mul3A_950 = arith.constant 16 : i32
          %mul3A_951 = arith.muli %scan3A_59, %mul3A_950 : i32
          %add3A_952 = arith.constant 10 : i32
          %add3A_953 = arith.addi %mul3A_951, %add3A_952 : i32
          %slice3A_954 = vector.extract_strided_slice %exp3A {offsets = [10], sizes = [1], strides = [1]} : vector<16xf32> to vector<1xf32>
          %broadcast_in_dim3A_955 = vector.shape_cast %slice3A_954 : vector<1xf32> to vector<1xf32>
          %broadcast_in_dim3A_956 = vector.broadcast %broadcast_in_dim3A_955 : vector<1xf32> to vector<16xf32>
          %get3A_957 = arith.index_cast %add3A_953 : i32 to index
          %get3A_958 = arith.constant 0 : index
          %get3A_959 = tpu.vector_load %arg20[%get3A_957, %get3A_958] {strides = array<i32>} : memref<80x128xf32, #tpu.memory_space<vmem>>, vector<1x16xf32>,
          %get3A_960 = vector.shape_cast %get3A_959 : vector<1x16xf32> to vector<16xf32>
          %mul3A_961 = arith.mulf %get3A_960, %broadcast_in_dim3A_956 : vector<16xf32>
          %swap3A_962 = arith.index_cast %add3A_953 : i32 to index
          %swap3A_963 = arith.constant 0 : index
          %swap3A_964 = tpu.vector_load %arg20[%swap3A_962, %swap3A_963] {strides = array<i32>} : memref<80x128xf32, #tpu.memory_space<vmem>>, vector<1x16xf32>,
          %swap3A_965 = vector.shape_cast %swap3A_964 : vector<1x16xf32> to vector<16xf32>
          %swap3A_966 = vector.shape_cast %mul3A_961 : vector<16xf32> to vector<1x16xf32>
          tpu.vector_store %arg20[%swap3A_962, %swap3A_963], %swap3A_966 {strides = array<i32>} : memref<80x128xf32, #tpu.memory_space<vmem>>, vector<1x16xf32>,
          %get3A_967 = arith.index_cast %add3A_953 : i32 to index
          %get3A_968 = arith.constant 16 : index
          %get3A_969 = tpu.vector_load %arg20[%get3A_967, %get3A_968] {strides = array<i32>} : memref<80x128xf32, #tpu.memory_space<vmem>>, vector<1x16xf32>,
          %get3A_970 = vector.shape_cast %get3A_969 : vector<1x16xf32> to vector<16xf32>
          %mul3A_971 = arith.mulf %get3A_970, %broadcast_in_dim3A_956 : vector<16xf32>
          %swap3A_972 = arith.index_cast %add3A_953 : i32 to index
          %swap3A_973 = arith.constant 16 : index
          %swap3A_974 = tpu.vector_load %arg20[%swap3A_972, %swap3A_973] {strides = array<i32>} : memref<80x128xf32, #tpu.memory_space<vmem>>, vector<1x16xf32>,
          %swap3A_975 = vector.shape_cast %swap3A_974 : vector<1x16xf32> to vector<16xf32>
          %swap3A_976 = vector.shape_cast %mul3A_971 : vector<16xf32> to vector<1x16xf32>
          tpu.vector_store %arg20[%swap3A_972, %swap3A_973], %swap3A_976 {strides = array<i32>} : memref<80x128xf32, #tpu.memory_space<vmem>>, vector<1x16xf32>,
          %get3A_977 = arith.index_cast %add3A_953 : i32 to index
          %get3A_978 = arith.constant 32 : index
          %get3A_979 = tpu.vector_load %arg20[%get3A_977, %get3A_978] {strides = array<i32>} : memref<80x128xf32, #tpu.memory_space<vmem>>, vector<1x16xf32>,
          %get3A_980 = vector.shape_cast %get3A_979 : vector<1x16xf32> to vector<16xf32>
          %mul3A_981 = arith.mulf %get3A_980, %broadcast_in_dim3A_956 : vector<16xf32>
          %swap3A_982 = arith.index_cast %add3A_953 : i32 to index
          %swap3A_983 = arith.constant 32 : index
          %swap3A_984 = tpu.vector_load %arg20[%swap3A_982, %swap3A_983] {strides = array<i32>} : memref<80x128xf32, #tpu.memory_space<vmem>>, vector<1x16xf32>,
          %swap3A_985 = vector.shape_cast %swap3A_984 : vector<1x16xf32> to vector<16xf32>
          %swap3A_986 = vector.shape_cast %mul3A_981 : vector<16xf32> to vector<1x16xf32>
          tpu.vector_store %arg20[%swap3A_982, %swap3A_983], %swap3A_986 {strides = array<i32>} : memref<80x128xf32, #tpu.memory_space<vmem>>, vector<1x16xf32>,
          %get3A_987 = arith.index_cast %add3A_953 : i32 to index
          %get3A_988 = arith.constant 48 : index
          %get3A_989 = tpu.vector_load %arg20[%get3A_987, %get3A_988] {strides = array<i32>} : memref<80x128xf32, #tpu.memory_space<vmem>>, vector<1x16xf32>,
          %get3A_990 = vector.shape_cast %get3A_989 : vector<1x16xf32> to vector<16xf32>
          %mul3A_991 = arith.mulf %get3A_990, %broadcast_in_dim3A_956 : vector<16xf32>
          %swap3A_992 = arith.index_cast %add3A_953 : i32 to index
          %swap3A_993 = arith.constant 48 : index
          %swap3A_994 = tpu.vector_load %arg20[%swap3A_992, %swap3A_993] {strides = array<i32>} : memref<80x128xf32, #tpu.memory_space<vmem>>, vector<1x16xf32>,
          %swap3A_995 = vector.shape_cast %swap3A_994 : vector<1x16xf32> to vector<16xf32>
          %swap3A_996 = vector.shape_cast %mul3A_991 : vector<16xf32> to vector<1x16xf32>
          tpu.vector_store %arg20[%swap3A_992, %swap3A_993], %swap3A_996 {strides = array<i32>} : memref<80x128xf32, #tpu.memory_space<vmem>>, vector<1x16xf32>,
          %get3A_997 = arith.index_cast %add3A_953 : i32 to index
          %get3A_998 = arith.constant 64 : index
          %get3A_999 = tpu.vector_load %arg20[%get3A_997, %get3A_998] {strides = array<i32>} : memref<80x128xf32, #tpu.memory_space<vmem>>, vector<1x16xf32>,
          %get3A_1000 = vector.shape_cast %get3A_999 : vector<1x16xf32> to vector<16xf32>
          %mul3A_1001 = arith.mulf %get3A_1000, %broadcast_in_dim3A_956 : vector<16xf32>
          %swap3A_1002 = arith.index_cast %add3A_953 : i32 to index
          %swap3A_1003 = arith.constant 64 : index
          %swap3A_1004 = tpu.vector_load %arg20[%swap3A_1002, %swap3A_1003] {strides = array<i32>} : memref<80x128xf32, #tpu.memory_space<vmem>>, vector<1x16xf32>,
          %swap3A_1005 = vector.shape_cast %swap3A_1004 : vector<1x16xf32> to vector<16xf32>
          %swap3A_1006 = vector.shape_cast %mul3A_1001 : vector<16xf32> to vector<1x16xf32>
          tpu.vector_store %arg20[%swap3A_1002, %swap3A_1003], %swap3A_1006 {strides = array<i32>} : memref<80x128xf32, #tpu.memory_space<vmem>>, vector<1x16xf32>,
          %get3A_1007 = arith.index_cast %add3A_953 : i32 to index
          %get3A_1008 = arith.constant 80 : index
          %get3A_1009 = tpu.vector_load %arg20[%get3A_1007, %get3A_1008] {strides = array<i32>} : memref<80x128xf32, #tpu.memory_space<vmem>>, vector<1x16xf32>,
          %get3A_1010 = vector.shape_cast %get3A_1009 : vector<1x16xf32> to vector<16xf32>
          %mul3A_1011 = arith.mulf %get3A_1010, %broadcast_in_dim3A_956 : vector<16xf32>
          %swap3A_1012 = arith.index_cast %add3A_953 : i32 to index
          %swap3A_1013 = arith.constant 80 : index
          %swap3A_1014 = tpu.vector_load %arg20[%swap3A_1012, %swap3A_1013] {strides = array<i32>} : memref<80x128xf32, #tpu.memory_space<vmem>>, vector<1x16xf32>,
          %swap3A_1015 = vector.shape_cast %swap3A_1014 : vector<1x16xf32> to vector<16xf32>
          %swap3A_1016 = vector.shape_cast %mul3A_1011 : vector<16xf32> to vector<1x16xf32>
          tpu.vector_store %arg20[%swap3A_1012, %swap3A_1013], %swap3A_1016 {strides = array<i32>} : memref<80x128xf32, #tpu.memory_space<vmem>>, vector<1x16xf32>,
          %get3A_1017 = arith.index_cast %add3A_953 : i32 to index
          %get3A_1018 = arith.constant 96 : index
          %get3A_1019 = tpu.vector_load %arg20[%get3A_1017, %get3A_1018] {strides = array<i32>} : memref<80x128xf32, #tpu.memory_space<vmem>>, vector<1x16xf32>,
          %get3A_1020 = vector.shape_cast %get3A_1019 : vector<1x16xf32> to vector<16xf32>
          %mul3A_1021 = arith.mulf %get3A_1020, %broadcast_in_dim3A_956 : vector<16xf32>
          %swap3A_1022 = arith.index_cast %add3A_953 : i32 to index
          %swap3A_1023 = arith.constant 96 : index
          %swap3A_1024 = tpu.vector_load %arg20[%swap3A_1022, %swap3A_1023] {strides = array<i32>} : memref<80x128xf32, #tpu.memory_space<vmem>>, vector<1x16xf32>,
          %swap3A_1025 = vector.shape_cast %swap3A_1024 : vector<1x16xf32> to vector<16xf32>
          %swap3A_1026 = vector.shape_cast %mul3A_1021 : vector<16xf32> to vector<1x16xf32>
          tpu.vector_store %arg20[%swap3A_1022, %swap3A_1023], %swap3A_1026 {strides = array<i32>} : memref<80x128xf32, #tpu.memory_space<vmem>>, vector<1x16xf32>,
          %get3A_1027 = arith.index_cast %add3A_953 : i32 to index
          %get3A_1028 = arith.constant 112 : index
          %get3A_1029 = tpu.vector_load %arg20[%get3A_1027, %get3A_1028] {strides = array<i32>} : memref<80x128xf32, #tpu.memory_space<vmem>>, vector<1x16xf32>,
          %get3A_1030 = vector.shape_cast %get3A_1029 : vector<1x16xf32> to vector<16xf32>
          %mul3A_1031 = arith.mulf %get3A_1030, %broadcast_in_dim3A_956 : vector<16xf32>
          %swap3A_1032 = arith.index_cast %add3A_953 : i32 to index
          %swap3A_1033 = arith.constant 112 : index
          %swap3A_1034 = tpu.vector_load %arg20[%swap3A_1032, %swap3A_1033] {strides = array<i32>} : memref<80x128xf32, #tpu.memory_space<vmem>>, vector<1x16xf32>,
          %swap3A_1035 = vector.shape_cast %swap3A_1034 : vector<1x16xf32> to vector<16xf32>
          %swap3A_1036 = vector.shape_cast %mul3A_1031 : vector<16xf32> to vector<1x16xf32>
          tpu.vector_store %arg20[%swap3A_1032, %swap3A_1033], %swap3A_1036 {strides = array<i32>} : memref<80x128xf32, #tpu.memory_space<vmem>>, vector<1x16xf32>,
          %mul3A_1037 = arith.constant 16 : i32
          %mul3A_1038 = arith.muli %scan3A_59, %mul3A_1037 : i32
          %add3A_1039 = arith.constant 11 : i32
          %add3A_1040 = arith.addi %mul3A_1038, %add3A_1039 : i32
          %slice3A_1041 = vector.extract_strided_slice %exp3A {offsets = [11], sizes = [1], strides = [1]} : vector<16xf32> to vector<1xf32>
          %broadcast_in_dim3A_1042 = vector.shape_cast %slice3A_1041 : vector<1xf32> to vector<1xf32>
          %broadcast_in_dim3A_1043 = vector.broadcast %broadcast_in_dim3A_1042 : vector<1xf32> to vector<16xf32>
          %get3A_1044 = arith.index_cast %add3A_1040 : i32 to index
          %get3A_1045 = arith.constant 0 : index
          %get3A_1046 = tpu.vector_load %arg20[%get3A_1044, %get3A_1045] {strides = array<i32>} : memref<80x128xf32, #tpu.memory_space<vmem>>, vector<1x16xf32>,
          %get3A_1047 = vector.shape_cast %get3A_1046 : vector<1x16xf32> to vector<16xf32>
          %mul3A_1048 = arith.mulf %get3A_1047, %broadcast_in_dim3A_1043 : vector<16xf32>
          %swap3A_1049 = arith.index_cast %add3A_1040 : i32 to index
          %swap3A_1050 = arith.constant 0 : index
          %swap3A_1051 = tpu.vector_load %arg20[%swap3A_1049, %swap3A_1050] {strides = array<i32>} : memref<80x128xf32, #tpu.memory_space<vmem>>, vector<1x16xf32>,
          %swap3A_1052 = vector.shape_cast %swap3A_1051 : vector<1x16xf32> to vector<16xf32>
          %swap3A_1053 = vector.shape_cast %mul3A_1048 : vector<16xf32> to vector<1x16xf32>
          tpu.vector_store %arg20[%swap3A_1049, %swap3A_1050], %swap3A_1053 {strides = array<i32>} : memref<80x128xf32, #tpu.memory_space<vmem>>, vector<1x16xf32>,
          %get3A_1054 = arith.index_cast %add3A_1040 : i32 to index
          %get3A_1055 = arith.constant 16 : index
          %get3A_1056 = tpu.vector_load %arg20[%get3A_1054, %get3A_1055] {strides = array<i32>} : memref<80x128xf32, #tpu.memory_space<vmem>>, vector<1x16xf32>,
          %get3A_1057 = vector.shape_cast %get3A_1056 : vector<1x16xf32> to vector<16xf32>
          %mul3A_1058 = arith.mulf %get3A_1057, %broadcast_in_dim3A_1043 : vector<16xf32>
          %swap3A_1059 = arith.index_cast %add3A_1040 : i32 to index
          %swap3A_1060 = arith.constant 16 : index
          %swap3A_1061 = tpu.vector_load %arg20[%swap3A_1059, %swap3A_1060] {strides = array<i32>} : memref<80x128xf32, #tpu.memory_space<vmem>>, vector<1x16xf32>,
          %swap3A_1062 = vector.shape_cast %swap3A_1061 : vector<1x16xf32> to vector<16xf32>
          %swap3A_1063 = vector.shape_cast %mul3A_1058 : vector<16xf32> to vector<1x16xf32>
          tpu.vector_store %arg20[%swap3A_1059, %swap3A_1060], %swap3A_1063 {strides = array<i32>} : memref<80x128xf32, #tpu.memory_space<vmem>>, vector<1x16xf32>,
          %get3A_1064 = arith.index_cast %add3A_1040 : i32 to index
          %get3A_1065 = arith.constant 32 : index
          %get3A_1066 = tpu.vector_load %arg20[%get3A_1064, %get3A_1065] {strides = array<i32>} : memref<80x128xf32, #tpu.memory_space<vmem>>, vector<1x16xf32>,
          %get3A_1067 = vector.shape_cast %get3A_1066 : vector<1x16xf32> to vector<16xf32>
          %mul3A_1068 = arith.mulf %get3A_1067, %broadcast_in_dim3A_1043 : vector<16xf32>
          %swap3A_1069 = arith.index_cast %add3A_1040 : i32 to index
          %swap3A_1070 = arith.constant 32 : index
          %swap3A_1071 = tpu.vector_load %arg20[%swap3A_1069, %swap3A_1070] {strides = array<i32>} : memref<80x128xf32, #tpu.memory_space<vmem>>, vector<1x16xf32>,
          %swap3A_1072 = vector.shape_cast %swap3A_1071 : vector<1x16xf32> to vector<16xf32>
          %swap3A_1073 = vector.shape_cast %mul3A_1068 : vector<16xf32> to vector<1x16xf32>
          tpu.vector_store %arg20[%swap3A_1069, %swap3A_1070], %swap3A_1073 {strides = array<i32>} : memref<80x128xf32, #tpu.memory_space<vmem>>, vector<1x16xf32>,
          %get3A_1074 = arith.index_cast %add3A_1040 : i32 to index
          %get3A_1075 = arith.constant 48 : index
          %get3A_1076 = tpu.vector_load %arg20[%get3A_1074, %get3A_1075] {strides = array<i32>} : memref<80x128xf32, #tpu.memory_space<vmem>>, vector<1x16xf32>,
          %get3A_1077 = vector.shape_cast %get3A_1076 : vector<1x16xf32> to vector<16xf32>
          %mul3A_1078 = arith.mulf %get3A_1077, %broadcast_in_dim3A_1043 : vector<16xf32>
          %swap3A_1079 = arith.index_cast %add3A_1040 : i32 to index
          %swap3A_1080 = arith.constant 48 : index
          %swap3A_1081 = tpu.vector_load %arg20[%swap3A_1079, %swap3A_1080] {strides = array<i32>} : memref<80x128xf32, #tpu.memory_space<vmem>>, vector<1x16xf32>,
          %swap3A_1082 = vector.shape_cast %swap3A_1081 : vector<1x16xf32> to vector<16xf32>
          %swap3A_1083 = vector.shape_cast %mul3A_1078 : vector<16xf32> to vector<1x16xf32>
          tpu.vector_store %arg20[%swap3A_1079, %swap3A_1080], %swap3A_1083 {strides = array<i32>} : memref<80x128xf32, #tpu.memory_space<vmem>>, vector<1x16xf32>,
          %get3A_1084 = arith.index_cast %add3A_1040 : i32 to index
          %get3A_1085 = arith.constant 64 : index
          %get3A_1086 = tpu.vector_load %arg20[%get3A_1084, %get3A_1085] {strides = array<i32>} : memref<80x128xf32, #tpu.memory_space<vmem>>, vector<1x16xf32>,
          %get3A_1087 = vector.shape_cast %get3A_1086 : vector<1x16xf32> to vector<16xf32>
          %mul3A_1088 = arith.mulf %get3A_1087, %broadcast_in_dim3A_1043 : vector<16xf32>
          %swap3A_1089 = arith.index_cast %add3A_1040 : i32 to index
          %swap3A_1090 = arith.constant 64 : index
          %swap3A_1091 = tpu.vector_load %arg20[%swap3A_1089, %swap3A_1090] {strides = array<i32>} : memref<80x128xf32, #tpu.memory_space<vmem>>, vector<1x16xf32>,
          %swap3A_1092 = vector.shape_cast %swap3A_1091 : vector<1x16xf32> to vector<16xf32>
          %swap3A_1093 = vector.shape_cast %mul3A_1088 : vector<16xf32> to vector<1x16xf32>
          tpu.vector_store %arg20[%swap3A_1089, %swap3A_1090], %swap3A_1093 {strides = array<i32>} : memref<80x128xf32, #tpu.memory_space<vmem>>, vector<1x16xf32>,
          %get3A_1094 = arith.index_cast %add3A_1040 : i32 to index
          %get3A_1095 = arith.constant 80 : index
          %get3A_1096 = tpu.vector_load %arg20[%get3A_1094, %get3A_1095] {strides = array<i32>} : memref<80x128xf32, #tpu.memory_space<vmem>>, vector<1x16xf32>,
          %get3A_1097 = vector.shape_cast %get3A_1096 : vector<1x16xf32> to vector<16xf32>
          %mul3A_1098 = arith.mulf %get3A_1097, %broadcast_in_dim3A_1043 : vector<16xf32>
          %swap3A_1099 = arith.index_cast %add3A_1040 : i32 to index
          %swap3A_1100 = arith.constant 80 : index
          %swap3A_1101 = tpu.vector_load %arg20[%swap3A_1099, %swap3A_1100] {strides = array<i32>} : memref<80x128xf32, #tpu.memory_space<vmem>>, vector<1x16xf32>,
          %swap3A_1102 = vector.shape_cast %swap3A_1101 : vector<1x16xf32> to vector<16xf32>
          %swap3A_1103 = vector.shape_cast %mul3A_1098 : vector<16xf32> to vector<1x16xf32>
          tpu.vector_store %arg20[%swap3A_1099, %swap3A_1100], %swap3A_1103 {strides = array<i32>} : memref<80x128xf32, #tpu.memory_space<vmem>>, vector<1x16xf32>,
          %get3A_1104 = arith.index_cast %add3A_1040 : i32 to index
          %get3A_1105 = arith.constant 96 : index
          %get3A_1106 = tpu.vector_load %arg20[%get3A_1104, %get3A_1105] {strides = array<i32>} : memref<80x128xf32, #tpu.memory_space<vmem>>, vector<1x16xf32>,
          %get3A_1107 = vector.shape_cast %get3A_1106 : vector<1x16xf32> to vector<16xf32>
          %mul3A_1108 = arith.mulf %get3A_1107, %broadcast_in_dim3A_1043 : vector<16xf32>
          %swap3A_1109 = arith.index_cast %add3A_1040 : i32 to index
          %swap3A_1110 = arith.constant 96 : index
          %swap3A_1111 = tpu.vector_load %arg20[%swap3A_1109, %swap3A_1110] {strides = array<i32>} : memref<80x128xf32, #tpu.memory_space<vmem>>, vector<1x16xf32>,
          %swap3A_1112 = vector.shape_cast %swap3A_1111 : vector<1x16xf32> to vector<16xf32>
          %swap3A_1113 = vector.shape_cast %mul3A_1108 : vector<16xf32> to vector<1x16xf32>
          tpu.vector_store %arg20[%swap3A_1109, %swap3A_1110], %swap3A_1113 {strides = array<i32>} : memref<80x128xf32, #tpu.memory_space<vmem>>, vector<1x16xf32>,
          %get3A_1114 = arith.index_cast %add3A_1040 : i32 to index
          %get3A_1115 = arith.constant 112 : index
          %get3A_1116 = tpu.vector_load %arg20[%get3A_1114, %get3A_1115] {strides = array<i32>} : memref<80x128xf32, #tpu.memory_space<vmem>>, vector<1x16xf32>,
          %get3A_1117 = vector.shape_cast %get3A_1116 : vector<1x16xf32> to vector<16xf32>
          %mul3A_1118 = arith.mulf %get3A_1117, %broadcast_in_dim3A_1043 : vector<16xf32>
          %swap3A_1119 = arith.index_cast %add3A_1040 : i32 to index
          %swap3A_1120 = arith.constant 112 : index
          %swap3A_1121 = tpu.vector_load %arg20[%swap3A_1119, %swap3A_1120] {strides = array<i32>} : memref<80x128xf32, #tpu.memory_space<vmem>>, vector<1x16xf32>,
          %swap3A_1122 = vector.shape_cast %swap3A_1121 : vector<1x16xf32> to vector<16xf32>
          %swap3A_1123 = vector.shape_cast %mul3A_1118 : vector<16xf32> to vector<1x16xf32>
          tpu.vector_store %arg20[%swap3A_1119, %swap3A_1120], %swap3A_1123 {strides = array<i32>} : memref<80x128xf32, #tpu.memory_space<vmem>>, vector<1x16xf32>,
          %mul3A_1124 = arith.constant 16 : i32
          %mul3A_1125 = arith.muli %scan3A_59, %mul3A_1124 : i32
          %add3A_1126 = arith.constant 12 : i32
          %add3A_1127 = arith.addi %mul3A_1125, %add3A_1126 : i32
          %slice3A_1128 = vector.extract_strided_slice %exp3A {offsets = [12], sizes = [1], strides = [1]} : vector<16xf32> to vector<1xf32>
          %broadcast_in_dim3A_1129 = vector.shape_cast %slice3A_1128 : vector<1xf32> to vector<1xf32>
          %broadcast_in_dim3A_1130 = vector.broadcast %broadcast_in_dim3A_1129 : vector<1xf32> to vector<16xf32>
          %get3A_1131 = arith.index_cast %add3A_1127 : i32 to index
          %get3A_1132 = arith.constant 0 : index
          %get3A_1133 = tpu.vector_load %arg20[%get3A_1131, %get3A_1132] {strides = array<i32>} : memref<80x128xf32, #tpu.memory_space<vmem>>, vector<1x16xf32>,
          %get3A_1134 = vector.shape_cast %get3A_1133 : vector<1x16xf32> to vector<16xf32>
          %mul3A_1135 = arith.mulf %get3A_1134, %broadcast_in_dim3A_1130 : vector<16xf32>
          %swap3A_1136 = arith.index_cast %add3A_1127 : i32 to index
          %swap3A_1137 = arith.constant 0 : index
          %swap3A_1138 = tpu.vector_load %arg20[%swap3A_1136, %swap3A_1137] {strides = array<i32>} : memref<80x128xf32, #tpu.memory_space<vmem>>, vector<1x16xf32>,
          %swap3A_1139 = vector.shape_cast %swap3A_1138 : vector<1x16xf32> to vector<16xf32>
          %swap3A_1140 = vector.shape_cast %mul3A_1135 : vector<16xf32> to vector<1x16xf32>
          tpu.vector_store %arg20[%swap3A_1136, %swap3A_1137], %swap3A_1140 {strides = array<i32>} : memref<80x128xf32, #tpu.memory_space<vmem>>, vector<1x16xf32>,
          %get3A_1141 = arith.index_cast %add3A_1127 : i32 to index
          %get3A_1142 = arith.constant 16 : index
          %get3A_1143 = tpu.vector_load %arg20[%get3A_1141, %get3A_1142] {strides = array<i32>} : memref<80x128xf32, #tpu.memory_space<vmem>>, vector<1x16xf32>,
          %get3A_1144 = vector.shape_cast %get3A_1143 : vector<1x16xf32> to vector<16xf32>
          %mul3A_1145 = arith.mulf %get3A_1144, %broadcast_in_dim3A_1130 : vector<16xf32>
          %swap3A_1146 = arith.index_cast %add3A_1127 : i32 to index
          %swap3A_1147 = arith.constant 16 : index
          %swap3A_1148 = tpu.vector_load %arg20[%swap3A_1146, %swap3A_1147] {strides = array<i32>} : memref<80x128xf32, #tpu.memory_space<vmem>>, vector<1x16xf32>,
          %swap3A_1149 = vector.shape_cast %swap3A_1148 : vector<1x16xf32> to vector<16xf32>
          %swap3A_1150 = vector.shape_cast %mul3A_1145 : vector<16xf32> to vector<1x16xf32>
          tpu.vector_store %arg20[%swap3A_1146, %swap3A_1147], %swap3A_1150 {strides = array<i32>} : memref<80x128xf32, #tpu.memory_space<vmem>>, vector<1x16xf32>,
          %get3A_1151 = arith.index_cast %add3A_1127 : i32 to index
          %get3A_1152 = arith.constant 32 : index
          %get3A_1153 = tpu.vector_load %arg20[%get3A_1151, %get3A_1152] {strides = array<i32>} : memref<80x128xf32, #tpu.memory_space<vmem>>, vector<1x16xf32>,
          %get3A_1154 = vector.shape_cast %get3A_1153 : vector<1x16xf32> to vector<16xf32>
          %mul3A_1155 = arith.mulf %get3A_1154, %broadcast_in_dim3A_1130 : vector<16xf32>
          %swap3A_1156 = arith.index_cast %add3A_1127 : i32 to index
          %swap3A_1157 = arith.constant 32 : index
          %swap3A_1158 = tpu.vector_load %arg20[%swap3A_1156, %swap3A_1157] {strides = array<i32>} : memref<80x128xf32, #tpu.memory_space<vmem>>, vector<1x16xf32>,
          %swap3A_1159 = vector.shape_cast %swap3A_1158 : vector<1x16xf32> to vector<16xf32>
          %swap3A_1160 = vector.shape_cast %mul3A_1155 : vector<16xf32> to vector<1x16xf32>
          tpu.vector_store %arg20[%swap3A_1156, %swap3A_1157], %swap3A_1160 {strides = array<i32>} : memref<80x128xf32, #tpu.memory_space<vmem>>, vector<1x16xf32>,
          %get3A_1161 = arith.index_cast %add3A_1127 : i32 to index
          %get3A_1162 = arith.constant 48 : index
          %get3A_1163 = tpu.vector_load %arg20[%get3A_1161, %get3A_1162] {strides = array<i32>} : memref<80x128xf32, #tpu.memory_space<vmem>>, vector<1x16xf32>,
          %get3A_1164 = vector.shape_cast %get3A_1163 : vector<1x16xf32> to vector<16xf32>
          %mul3A_1165 = arith.mulf %get3A_1164, %broadcast_in_dim3A_1130 : vector<16xf32>
          %swap3A_1166 = arith.index_cast %add3A_1127 : i32 to index
          %swap3A_1167 = arith.constant 48 : index
          %swap3A_1168 = tpu.vector_load %arg20[%swap3A_1166, %swap3A_1167] {strides = array<i32>} : memref<80x128xf32, #tpu.memory_space<vmem>>, vector<1x16xf32>,
          %swap3A_1169 = vector.shape_cast %swap3A_1168 : vector<1x16xf32> to vector<16xf32>
          %swap3A_1170 = vector.shape_cast %mul3A_1165 : vector<16xf32> to vector<1x16xf32>
          tpu.vector_store %arg20[%swap3A_1166, %swap3A_1167], %swap3A_1170 {strides = array<i32>} : memref<80x128xf32, #tpu.memory_space<vmem>>, vector<1x16xf32>,
          %get3A_1171 = arith.index_cast %add3A_1127 : i32 to index
          %get3A_1172 = arith.constant 64 : index
          %get3A_1173 = tpu.vector_load %arg20[%get3A_1171, %get3A_1172] {strides = array<i32>} : memref<80x128xf32, #tpu.memory_space<vmem>>, vector<1x16xf32>,
          %get3A_1174 = vector.shape_cast %get3A_1173 : vector<1x16xf32> to vector<16xf32>
          %mul3A_1175 = arith.mulf %get3A_1174, %broadcast_in_dim3A_1130 : vector<16xf32>
          %swap3A_1176 = arith.index_cast %add3A_1127 : i32 to index
          %swap3A_1177 = arith.constant 64 : index
          %swap3A_1178 = tpu.vector_load %arg20[%swap3A_1176, %swap3A_1177] {strides = array<i32>} : memref<80x128xf32, #tpu.memory_space<vmem>>, vector<1x16xf32>,
          %swap3A_1179 = vector.shape_cast %swap3A_1178 : vector<1x16xf32> to vector<16xf32>
          %swap3A_1180 = vector.shape_cast %mul3A_1175 : vector<16xf32> to vector<1x16xf32>
          tpu.vector_store %arg20[%swap3A_1176, %swap3A_1177], %swap3A_1180 {strides = array<i32>} : memref<80x128xf32, #tpu.memory_space<vmem>>, vector<1x16xf32>,
          %get3A_1181 = arith.index_cast %add3A_1127 : i32 to index
          %get3A_1182 = arith.constant 80 : index
          %get3A_1183 = tpu.vector_load %arg20[%get3A_1181, %get3A_1182] {strides = array<i32>} : memref<80x128xf32, #tpu.memory_space<vmem>>, vector<1x16xf32>,
          %get3A_1184 = vector.shape_cast %get3A_1183 : vector<1x16xf32> to vector<16xf32>
          %mul3A_1185 = arith.mulf %get3A_1184, %broadcast_in_dim3A_1130 : vector<16xf32>
          %swap3A_1186 = arith.index_cast %add3A_1127 : i32 to index
          %swap3A_1187 = arith.constant 80 : index
          %swap3A_1188 = tpu.vector_load %arg20[%swap3A_1186, %swap3A_1187] {strides = array<i32>} : memref<80x128xf32, #tpu.memory_space<vmem>>, vector<1x16xf32>,
          %swap3A_1189 = vector.shape_cast %swap3A_1188 : vector<1x16xf32> to vector<16xf32>
          %swap3A_1190 = vector.shape_cast %mul3A_1185 : vector<16xf32> to vector<1x16xf32>
          tpu.vector_store %arg20[%swap3A_1186, %swap3A_1187], %swap3A_1190 {strides = array<i32>} : memref<80x128xf32, #tpu.memory_space<vmem>>, vector<1x16xf32>,
          %get3A_1191 = arith.index_cast %add3A_1127 : i32 to index
          %get3A_1192 = arith.constant 96 : index
          %get3A_1193 = tpu.vector_load %arg20[%get3A_1191, %get3A_1192] {strides = array<i32>} : memref<80x128xf32, #tpu.memory_space<vmem>>, vector<1x16xf32>,
          %get3A_1194 = vector.shape_cast %get3A_1193 : vector<1x16xf32> to vector<16xf32>
          %mul3A_1195 = arith.mulf %get3A_1194, %broadcast_in_dim3A_1130 : vector<16xf32>
          %swap3A_1196 = arith.index_cast %add3A_1127 : i32 to index
          %swap3A_1197 = arith.constant 96 : index
          %swap3A_1198 = tpu.vector_load %arg20[%swap3A_1196, %swap3A_1197] {strides = array<i32>} : memref<80x128xf32, #tpu.memory_space<vmem>>, vector<1x16xf32>,
          %swap3A_1199 = vector.shape_cast %swap3A_1198 : vector<1x16xf32> to vector<16xf32>
          %swap3A_1200 = vector.shape_cast %mul3A_1195 : vector<16xf32> to vector<1x16xf32>
          tpu.vector_store %arg20[%swap3A_1196, %swap3A_1197], %swap3A_1200 {strides = array<i32>} : memref<80x128xf32, #tpu.memory_space<vmem>>, vector<1x16xf32>,
          %get3A_1201 = arith.index_cast %add3A_1127 : i32 to index
          %get3A_1202 = arith.constant 112 : index
          %get3A_1203 = tpu.vector_load %arg20[%get3A_1201, %get3A_1202] {strides = array<i32>} : memref<80x128xf32, #tpu.memory_space<vmem>>, vector<1x16xf32>,
          %get3A_1204 = vector.shape_cast %get3A_1203 : vector<1x16xf32> to vector<16xf32>
          %mul3A_1205 = arith.mulf %get3A_1204, %broadcast_in_dim3A_1130 : vector<16xf32>
          %swap3A_1206 = arith.index_cast %add3A_1127 : i32 to index
          %swap3A_1207 = arith.constant 112 : index
          %swap3A_1208 = tpu.vector_load %arg20[%swap3A_1206, %swap3A_1207] {strides = array<i32>} : memref<80x128xf32, #tpu.memory_space<vmem>>, vector<1x16xf32>,
          %swap3A_1209 = vector.shape_cast %swap3A_1208 : vector<1x16xf32> to vector<16xf32>
          %swap3A_1210 = vector.shape_cast %mul3A_1205 : vector<16xf32> to vector<1x16xf32>
          tpu.vector_store %arg20[%swap3A_1206, %swap3A_1207], %swap3A_1210 {strides = array<i32>} : memref<80x128xf32, #tpu.memory_space<vmem>>, vector<1x16xf32>,
          %mul3A_1211 = arith.constant 16 : i32
          %mul3A_1212 = arith.muli %scan3A_59, %mul3A_1211 : i32
          %add3A_1213 = arith.constant 13 : i32
          %add3A_1214 = arith.addi %mul3A_1212, %add3A_1213 : i32
          %slice3A_1215 = vector.extract_strided_slice %exp3A {offsets = [13], sizes = [1], strides = [1]} : vector<16xf32> to vector<1xf32>
          %broadcast_in_dim3A_1216 = vector.shape_cast %slice3A_1215 : vector<1xf32> to vector<1xf32>
          %broadcast_in_dim3A_1217 = vector.broadcast %broadcast_in_dim3A_1216 : vector<1xf32> to vector<16xf32>
          %get3A_1218 = arith.index_cast %add3A_1214 : i32 to index
          %get3A_1219 = arith.constant 0 : index
          %get3A_1220 = tpu.vector_load %arg20[%get3A_1218, %get3A_1219] {strides = array<i32>} : memref<80x128xf32, #tpu.memory_space<vmem>>, vector<1x16xf32>,
          %get3A_1221 = vector.shape_cast %get3A_1220 : vector<1x16xf32> to vector<16xf32>
          %mul3A_1222 = arith.mulf %get3A_1221, %broadcast_in_dim3A_1217 : vector<16xf32>
          %swap3A_1223 = arith.index_cast %add3A_1214 : i32 to index
          %swap3A_1224 = arith.constant 0 : index
          %swap3A_1225 = tpu.vector_load %arg20[%swap3A_1223, %swap3A_1224] {strides = array<i32>} : memref<80x128xf32, #tpu.memory_space<vmem>>, vector<1x16xf32>,
          %swap3A_1226 = vector.shape_cast %swap3A_1225 : vector<1x16xf32> to vector<16xf32>
          %swap3A_1227 = vector.shape_cast %mul3A_1222 : vector<16xf32> to vector<1x16xf32>
          tpu.vector_store %arg20[%swap3A_1223, %swap3A_1224], %swap3A_1227 {strides = array<i32>} : memref<80x128xf32, #tpu.memory_space<vmem>>, vector<1x16xf32>,
          %get3A_1228 = arith.index_cast %add3A_1214 : i32 to index
          %get3A_1229 = arith.constant 16 : index
          %get3A_1230 = tpu.vector_load %arg20[%get3A_1228, %get3A_1229] {strides = array<i32>} : memref<80x128xf32, #tpu.memory_space<vmem>>, vector<1x16xf32>,
          %get3A_1231 = vector.shape_cast %get3A_1230 : vector<1x16xf32> to vector<16xf32>
          %mul3A_1232 = arith.mulf %get3A_1231, %broadcast_in_dim3A_1217 : vector<16xf32>
          %swap3A_1233 = arith.index_cast %add3A_1214 : i32 to index
          %swap3A_1234 = arith.constant 16 : index
          %swap3A_1235 = tpu.vector_load %arg20[%swap3A_1233, %swap3A_1234] {strides = array<i32>} : memref<80x128xf32, #tpu.memory_space<vmem>>, vector<1x16xf32>,
          %swap3A_1236 = vector.shape_cast %swap3A_1235 : vector<1x16xf32> to vector<16xf32>
          %swap3A_1237 = vector.shape_cast %mul3A_1232 : vector<16xf32> to vector<1x16xf32>
          tpu.vector_store %arg20[%swap3A_1233, %swap3A_1234], %swap3A_1237 {strides = array<i32>} : memref<80x128xf32, #tpu.memory_space<vmem>>, vector<1x16xf32>,
          %get3A_1238 = arith.index_cast %add3A_1214 : i32 to index
          %get3A_1239 = arith.constant 32 : index
          %get3A_1240 = tpu.vector_load %arg20[%get3A_1238, %get3A_1239] {strides = array<i32>} : memref<80x128xf32, #tpu.memory_space<vmem>>, vector<1x16xf32>,
          %get3A_1241 = vector.shape_cast %get3A_1240 : vector<1x16xf32> to vector<16xf32>
          %mul3A_1242 = arith.mulf %get3A_1241, %broadcast_in_dim3A_1217 : vector<16xf32>
          %swap3A_1243 = arith.index_cast %add3A_1214 : i32 to index
          %swap3A_1244 = arith.constant 32 : index
          %swap3A_1245 = tpu.vector_load %arg20[%swap3A_1243, %swap3A_1244] {strides = array<i32>} : memref<80x128xf32, #tpu.memory_space<vmem>>, vector<1x16xf32>,
          %swap3A_1246 = vector.shape_cast %swap3A_1245 : vector<1x16xf32> to vector<16xf32>
          %swap3A_1247 = vector.shape_cast %mul3A_1242 : vector<16xf32> to vector<1x16xf32>
          tpu.vector_store %arg20[%swap3A_1243, %swap3A_1244], %swap3A_1247 {strides = array<i32>} : memref<80x128xf32, #tpu.memory_space<vmem>>, vector<1x16xf32>,
          %get3A_1248 = arith.index_cast %add3A_1214 : i32 to index
          %get3A_1249 = arith.constant 48 : index
          %get3A_1250 = tpu.vector_load %arg20[%get3A_1248, %get3A_1249] {strides = array<i32>} : memref<80x128xf32, #tpu.memory_space<vmem>>, vector<1x16xf32>,
          %get3A_1251 = vector.shape_cast %get3A_1250 : vector<1x16xf32> to vector<16xf32>
          %mul3A_1252 = arith.mulf %get3A_1251, %broadcast_in_dim3A_1217 : vector<16xf32>
          %swap3A_1253 = arith.index_cast %add3A_1214 : i32 to index
          %swap3A_1254 = arith.constant 48 : index
          %swap3A_1255 = tpu.vector_load %arg20[%swap3A_1253, %swap3A_1254] {strides = array<i32>} : memref<80x128xf32, #tpu.memory_space<vmem>>, vector<1x16xf32>,
          %swap3A_1256 = vector.shape_cast %swap3A_1255 : vector<1x16xf32> to vector<16xf32>
          %swap3A_1257 = vector.shape_cast %mul3A_1252 : vector<16xf32> to vector<1x16xf32>
          tpu.vector_store %arg20[%swap3A_1253, %swap3A_1254], %swap3A_1257 {strides = array<i32>} : memref<80x128xf32, #tpu.memory_space<vmem>>, vector<1x16xf32>,
          %get3A_1258 = arith.index_cast %add3A_1214 : i32 to index
          %get3A_1259 = arith.constant 64 : index
          %get3A_1260 = tpu.vector_load %arg20[%get3A_1258, %get3A_1259] {strides = array<i32>} : memref<80x128xf32, #tpu.memory_space<vmem>>, vector<1x16xf32>,
          %get3A_1261 = vector.shape_cast %get3A_1260 : vector<1x16xf32> to vector<16xf32>
          %mul3A_1262 = arith.mulf %get3A_1261, %broadcast_in_dim3A_1217 : vector<16xf32>
          %swap3A_1263 = arith.index_cast %add3A_1214 : i32 to index
          %swap3A_1264 = arith.constant 64 : index
          %swap3A_1265 = tpu.vector_load %arg20[%swap3A_1263, %swap3A_1264] {strides = array<i32>} : memref<80x128xf32, #tpu.memory_space<vmem>>, vector<1x16xf32>,
          %swap3A_1266 = vector.shape_cast %swap3A_1265 : vector<1x16xf32> to vector<16xf32>
          %swap3A_1267 = vector.shape_cast %mul3A_1262 : vector<16xf32> to vector<1x16xf32>
          tpu.vector_store %arg20[%swap3A_1263, %swap3A_1264], %swap3A_1267 {strides = array<i32>} : memref<80x128xf32, #tpu.memory_space<vmem>>, vector<1x16xf32>,
          %get3A_1268 = arith.index_cast %add3A_1214 : i32 to index
          %get3A_1269 = arith.constant 80 : index
          %get3A_1270 = tpu.vector_load %arg20[%get3A_1268, %get3A_1269] {strides = array<i32>} : memref<80x128xf32, #tpu.memory_space<vmem>>, vector<1x16xf32>,
          %get3A_1271 = vector.shape_cast %get3A_1270 : vector<1x16xf32> to vector<16xf32>
          %mul3A_1272 = arith.mulf %get3A_1271, %broadcast_in_dim3A_1217 : vector<16xf32>
          %swap3A_1273 = arith.index_cast %add3A_1214 : i32 to index
          %swap3A_1274 = arith.constant 80 : index
          %swap3A_1275 = tpu.vector_load %arg20[%swap3A_1273, %swap3A_1274] {strides = array<i32>} : memref<80x128xf32, #tpu.memory_space<vmem>>, vector<1x16xf32>,
          %swap3A_1276 = vector.shape_cast %swap3A_1275 : vector<1x16xf32> to vector<16xf32>
          %swap3A_1277 = vector.shape_cast %mul3A_1272 : vector<16xf32> to vector<1x16xf32>
          tpu.vector_store %arg20[%swap3A_1273, %swap3A_1274], %swap3A_1277 {strides = array<i32>} : memref<80x128xf32, #tpu.memory_space<vmem>>, vector<1x16xf32>,
          %get3A_1278 = arith.index_cast %add3A_1214 : i32 to index
          %get3A_1279 = arith.constant 96 : index
          %get3A_1280 = tpu.vector_load %arg20[%get3A_1278, %get3A_1279] {strides = array<i32>} : memref<80x128xf32, #tpu.memory_space<vmem>>, vector<1x16xf32>,
          %get3A_1281 = vector.shape_cast %get3A_1280 : vector<1x16xf32> to vector<16xf32>
          %mul3A_1282 = arith.mulf %get3A_1281, %broadcast_in_dim3A_1217 : vector<16xf32>
          %swap3A_1283 = arith.index_cast %add3A_1214 : i32 to index
          %swap3A_1284 = arith.constant 96 : index
          %swap3A_1285 = tpu.vector_load %arg20[%swap3A_1283, %swap3A_1284] {strides = array<i32>} : memref<80x128xf32, #tpu.memory_space<vmem>>, vector<1x16xf32>,
          %swap3A_1286 = vector.shape_cast %swap3A_1285 : vector<1x16xf32> to vector<16xf32>
          %swap3A_1287 = vector.shape_cast %mul3A_1282 : vector<16xf32> to vector<1x16xf32>
          tpu.vector_store %arg20[%swap3A_1283, %swap3A_1284], %swap3A_1287 {strides = array<i32>} : memref<80x128xf32, #tpu.memory_space<vmem>>, vector<1x16xf32>,
          %get3A_1288 = arith.index_cast %add3A_1214 : i32 to index
          %get3A_1289 = arith.constant 112 : index
          %get3A_1290 = tpu.vector_load %arg20[%get3A_1288, %get3A_1289] {strides = array<i32>} : memref<80x128xf32, #tpu.memory_space<vmem>>, vector<1x16xf32>,
          %get3A_1291 = vector.shape_cast %get3A_1290 : vector<1x16xf32> to vector<16xf32>
          %mul3A_1292 = arith.mulf %get3A_1291, %broadcast_in_dim3A_1217 : vector<16xf32>
          %swap3A_1293 = arith.index_cast %add3A_1214 : i32 to index
          %swap3A_1294 = arith.constant 112 : index
          %swap3A_1295 = tpu.vector_load %arg20[%swap3A_1293, %swap3A_1294] {strides = array<i32>} : memref<80x128xf32, #tpu.memory_space<vmem>>, vector<1x16xf32>,
          %swap3A_1296 = vector.shape_cast %swap3A_1295 : vector<1x16xf32> to vector<16xf32>
          %swap3A_1297 = vector.shape_cast %mul3A_1292 : vector<16xf32> to vector<1x16xf32>
          tpu.vector_store %arg20[%swap3A_1293, %swap3A_1294], %swap3A_1297 {strides = array<i32>} : memref<80x128xf32, #tpu.memory_space<vmem>>, vector<1x16xf32>,
          %mul3A_1298 = arith.constant 16 : i32
          %mul3A_1299 = arith.muli %scan3A_59, %mul3A_1298 : i32
          %add3A_1300 = arith.constant 14 : i32
          %add3A_1301 = arith.addi %mul3A_1299, %add3A_1300 : i32
          %slice3A_1302 = vector.extract_strided_slice %exp3A {offsets = [14], sizes = [1], strides = [1]} : vector<16xf32> to vector<1xf32>
          %broadcast_in_dim3A_1303 = vector.shape_cast %slice3A_1302 : vector<1xf32> to vector<1xf32>
          %broadcast_in_dim3A_1304 = vector.broadcast %broadcast_in_dim3A_1303 : vector<1xf32> to vector<16xf32>
          %get3A_1305 = arith.index_cast %add3A_1301 : i32 to index
          %get3A_1306 = arith.constant 0 : index
          %get3A_1307 = tpu.vector_load %arg20[%get3A_1305, %get3A_1306] {strides = array<i32>} : memref<80x128xf32, #tpu.memory_space<vmem>>, vector<1x16xf32>,
          %get3A_1308 = vector.shape_cast %get3A_1307 : vector<1x16xf32> to vector<16xf32>
          %mul3A_1309 = arith.mulf %get3A_1308, %broadcast_in_dim3A_1304 : vector<16xf32>
          %swap3A_1310 = arith.index_cast %add3A_1301 : i32 to index
          %swap3A_1311 = arith.constant 0 : index
          %swap3A_1312 = tpu.vector_load %arg20[%swap3A_1310, %swap3A_1311] {strides = array<i32>} : memref<80x128xf32, #tpu.memory_space<vmem>>, vector<1x16xf32>,
          %swap3A_1313 = vector.shape_cast %swap3A_1312 : vector<1x16xf32> to vector<16xf32>
          %swap3A_1314 = vector.shape_cast %mul3A_1309 : vector<16xf32> to vector<1x16xf32>
          tpu.vector_store %arg20[%swap3A_1310, %swap3A_1311], %swap3A_1314 {strides = array<i32>} : memref<80x128xf32, #tpu.memory_space<vmem>>, vector<1x16xf32>,
          %get3A_1315 = arith.index_cast %add3A_1301 : i32 to index
          %get3A_1316 = arith.constant 16 : index
          %get3A_1317 = tpu.vector_load %arg20[%get3A_1315, %get3A_1316] {strides = array<i32>} : memref<80x128xf32, #tpu.memory_space<vmem>>, vector<1x16xf32>,
          %get3A_1318 = vector.shape_cast %get3A_1317 : vector<1x16xf32> to vector<16xf32>
          %mul3A_1319 = arith.mulf %get3A_1318, %broadcast_in_dim3A_1304 : vector<16xf32>
          %swap3A_1320 = arith.index_cast %add3A_1301 : i32 to index
          %swap3A_1321 = arith.constant 16 : index
          %swap3A_1322 = tpu.vector_load %arg20[%swap3A_1320, %swap3A_1321] {strides = array<i32>} : memref<80x128xf32, #tpu.memory_space<vmem>>, vector<1x16xf32>,
          %swap3A_1323 = vector.shape_cast %swap3A_1322 : vector<1x16xf32> to vector<16xf32>
          %swap3A_1324 = vector.shape_cast %mul3A_1319 : vector<16xf32> to vector<1x16xf32>
          tpu.vector_store %arg20[%swap3A_1320, %swap3A_1321], %swap3A_1324 {strides = array<i32>} : memref<80x128xf32, #tpu.memory_space<vmem>>, vector<1x16xf32>,
          %get3A_1325 = arith.index_cast %add3A_1301 : i32 to index
          %get3A_1326 = arith.constant 32 : index
          %get3A_1327 = tpu.vector_load %arg20[%get3A_1325, %get3A_1326] {strides = array<i32>} : memref<80x128xf32, #tpu.memory_space<vmem>>, vector<1x16xf32>,
          %get3A_1328 = vector.shape_cast %get3A_1327 : vector<1x16xf32> to vector<16xf32>
          %mul3A_1329 = arith.mulf %get3A_1328, %broadcast_in_dim3A_1304 : vector<16xf32>
          %swap3A_1330 = arith.index_cast %add3A_1301 : i32 to index
          %swap3A_1331 = arith.constant 32 : index
          %swap3A_1332 = tpu.vector_load %arg20[%swap3A_1330, %swap3A_1331] {strides = array<i32>} : memref<80x128xf32, #tpu.memory_space<vmem>>, vector<1x16xf32>,
          %swap3A_1333 = vector.shape_cast %swap3A_1332 : vector<1x16xf32> to vector<16xf32>
          %swap3A_1334 = vector.shape_cast %mul3A_1329 : vector<16xf32> to vector<1x16xf32>
          tpu.vector_store %arg20[%swap3A_1330, %swap3A_1331], %swap3A_1334 {strides = array<i32>} : memref<80x128xf32, #tpu.memory_space<vmem>>, vector<1x16xf32>,
          %get3A_1335 = arith.index_cast %add3A_1301 : i32 to index
          %get3A_1336 = arith.constant 48 : index
          %get3A_1337 = tpu.vector_load %arg20[%get3A_1335, %get3A_1336] {strides = array<i32>} : memref<80x128xf32, #tpu.memory_space<vmem>>, vector<1x16xf32>,
          %get3A_1338 = vector.shape_cast %get3A_1337 : vector<1x16xf32> to vector<16xf32>
          %mul3A_1339 = arith.mulf %get3A_1338, %broadcast_in_dim3A_1304 : vector<16xf32>
          %swap3A_1340 = arith.index_cast %add3A_1301 : i32 to index
          %swap3A_1341 = arith.constant 48 : index
          %swap3A_1342 = tpu.vector_load %arg20[%swap3A_1340, %swap3A_1341] {strides = array<i32>} : memref<80x128xf32, #tpu.memory_space<vmem>>, vector<1x16xf32>,
          %swap3A_1343 = vector.shape_cast %swap3A_1342 : vector<1x16xf32> to vector<16xf32>
          %swap3A_1344 = vector.shape_cast %mul3A_1339 : vector<16xf32> to vector<1x16xf32>
          tpu.vector_store %arg20[%swap3A_1340, %swap3A_1341], %swap3A_1344 {strides = array<i32>} : memref<80x128xf32, #tpu.memory_space<vmem>>, vector<1x16xf32>,
          %get3A_1345 = arith.index_cast %add3A_1301 : i32 to index
          %get3A_1346 = arith.constant 64 : index
          %get3A_1347 = tpu.vector_load %arg20[%get3A_1345, %get3A_1346] {strides = array<i32>} : memref<80x128xf32, #tpu.memory_space<vmem>>, vector<1x16xf32>,
          %get3A_1348 = vector.shape_cast %get3A_1347 : vector<1x16xf32> to vector<16xf32>
          %mul3A_1349 = arith.mulf %get3A_1348, %broadcast_in_dim3A_1304 : vector<16xf32>
          %swap3A_1350 = arith.index_cast %add3A_1301 : i32 to index
          %swap3A_1351 = arith.constant 64 : index
          %swap3A_1352 = tpu.vector_load %arg20[%swap3A_1350, %swap3A_1351] {strides = array<i32>} : memref<80x128xf32, #tpu.memory_space<vmem>>, vector<1x16xf32>,
          %swap3A_1353 = vector.shape_cast %swap3A_1352 : vector<1x16xf32> to vector<16xf32>
          %swap3A_1354 = vector.shape_cast %mul3A_1349 : vector<16xf32> to vector<1x16xf32>
          tpu.vector_store %arg20[%swap3A_1350, %swap3A_1351], %swap3A_1354 {strides = array<i32>} : memref<80x128xf32, #tpu.memory_space<vmem>>, vector<1x16xf32>,
          %get3A_1355 = arith.index_cast %add3A_1301 : i32 to index
          %get3A_1356 = arith.constant 80 : index
          %get3A_1357 = tpu.vector_load %arg20[%get3A_1355, %get3A_1356] {strides = array<i32>} : memref<80x128xf32, #tpu.memory_space<vmem>>, vector<1x16xf32>,
          %get3A_1358 = vector.shape_cast %get3A_1357 : vector<1x16xf32> to vector<16xf32>
          %mul3A_1359 = arith.mulf %get3A_1358, %broadcast_in_dim3A_1304 : vector<16xf32>
          %swap3A_1360 = arith.index_cast %add3A_1301 : i32 to index
          %swap3A_1361 = arith.constant 80 : index
          %swap3A_1362 = tpu.vector_load %arg20[%swap3A_1360, %swap3A_1361] {strides = array<i32>} : memref<80x128xf32, #tpu.memory_space<vmem>>, vector<1x16xf32>,
          %swap3A_1363 = vector.shape_cast %swap3A_1362 : vector<1x16xf32> to vector<16xf32>
          %swap3A_1364 = vector.shape_cast %mul3A_1359 : vector<16xf32> to vector<1x16xf32>
          tpu.vector_store %arg20[%swap3A_1360, %swap3A_1361], %swap3A_1364 {strides = array<i32>} : memref<80x128xf32, #tpu.memory_space<vmem>>, vector<1x16xf32>,
          %get3A_1365 = arith.index_cast %add3A_1301 : i32 to index
          %get3A_1366 = arith.constant 96 : index
          %get3A_1367 = tpu.vector_load %arg20[%get3A_1365, %get3A_1366] {strides = array<i32>} : memref<80x128xf32, #tpu.memory_space<vmem>>, vector<1x16xf32>,
          %get3A_1368 = vector.shape_cast %get3A_1367 : vector<1x16xf32> to vector<16xf32>
          %mul3A_1369 = arith.mulf %get3A_1368, %broadcast_in_dim3A_1304 : vector<16xf32>
          %swap3A_1370 = arith.index_cast %add3A_1301 : i32 to index
          %swap3A_1371 = arith.constant 96 : index
          %swap3A_1372 = tpu.vector_load %arg20[%swap3A_1370, %swap3A_1371] {strides = array<i32>} : memref<80x128xf32, #tpu.memory_space<vmem>>, vector<1x16xf32>,
          %swap3A_1373 = vector.shape_cast %swap3A_1372 : vector<1x16xf32> to vector<16xf32>
          %swap3A_1374 = vector.shape_cast %mul3A_1369 : vector<16xf32> to vector<1x16xf32>
          tpu.vector_store %arg20[%swap3A_1370, %swap3A_1371], %swap3A_1374 {strides = array<i32>} : memref<80x128xf32, #tpu.memory_space<vmem>>, vector<1x16xf32>,
          %get3A_1375 = arith.index_cast %add3A_1301 : i32 to index
          %get3A_1376 = arith.constant 112 : index
          %get3A_1377 = tpu.vector_load %arg20[%get3A_1375, %get3A_1376] {strides = array<i32>} : memref<80x128xf32, #tpu.memory_space<vmem>>, vector<1x16xf32>,
          %get3A_1378 = vector.shape_cast %get3A_1377 : vector<1x16xf32> to vector<16xf32>
          %mul3A_1379 = arith.mulf %get3A_1378, %broadcast_in_dim3A_1304 : vector<16xf32>
          %swap3A_1380 = arith.index_cast %add3A_1301 : i32 to index
          %swap3A_1381 = arith.constant 112 : index
          %swap3A_1382 = tpu.vector_load %arg20[%swap3A_1380, %swap3A_1381] {strides = array<i32>} : memref<80x128xf32, #tpu.memory_space<vmem>>, vector<1x16xf32>,
          %swap3A_1383 = vector.shape_cast %swap3A_1382 : vector<1x16xf32> to vector<16xf32>
          %swap3A_1384 = vector.shape_cast %mul3A_1379 : vector<16xf32> to vector<1x16xf32>
          tpu.vector_store %arg20[%swap3A_1380, %swap3A_1381], %swap3A_1384 {strides = array<i32>} : memref<80x128xf32, #tpu.memory_space<vmem>>, vector<1x16xf32>,
          %mul3A_1385 = arith.constant 16 : i32
          %mul3A_1386 = arith.muli %scan3A_59, %mul3A_1385 : i32
          %add3A_1387 = arith.constant 15 : i32
          %add3A_1388 = arith.addi %mul3A_1386, %add3A_1387 : i32
          %slice3A_1389 = vector.extract_strided_slice %exp3A {offsets = [15], sizes = [1], strides = [1]} : vector<16xf32> to vector<1xf32>
          %broadcast_in_dim3A_1390 = vector.shape_cast %slice3A_1389 : vector<1xf32> to vector<1xf32>
          %broadcast_in_dim3A_1391 = vector.broadcast %broadcast_in_dim3A_1390 : vector<1xf32> to vector<16xf32>
          %get3A_1392 = arith.index_cast %add3A_1388 : i32 to index
          %get3A_1393 = arith.constant 0 : index
          %get3A_1394 = tpu.vector_load %arg20[%get3A_1392, %get3A_1393] {strides = array<i32>} : memref<80x128xf32, #tpu.memory_space<vmem>>, vector<1x16xf32>,
          %get3A_1395 = vector.shape_cast %get3A_1394 : vector<1x16xf32> to vector<16xf32>
          %mul3A_1396 = arith.mulf %get3A_1395, %broadcast_in_dim3A_1391 : vector<16xf32>
          %swap3A_1397 = arith.index_cast %add3A_1388 : i32 to index
          %swap3A_1398 = arith.constant 0 : index
          %swap3A_1399 = tpu.vector_load %arg20[%swap3A_1397, %swap3A_1398] {strides = array<i32>} : memref<80x128xf32, #tpu.memory_space<vmem>>, vector<1x16xf32>,
          %swap3A_1400 = vector.shape_cast %swap3A_1399 : vector<1x16xf32> to vector<16xf32>
          %swap3A_1401 = vector.shape_cast %mul3A_1396 : vector<16xf32> to vector<1x16xf32>
          tpu.vector_store %arg20[%swap3A_1397, %swap3A_1398], %swap3A_1401 {strides = array<i32>} : memref<80x128xf32, #tpu.memory_space<vmem>>, vector<1x16xf32>,
          %get3A_1402 = arith.index_cast %add3A_1388 : i32 to index
          %get3A_1403 = arith.constant 16 : index
          %get3A_1404 = tpu.vector_load %arg20[%get3A_1402, %get3A_1403] {strides = array<i32>} : memref<80x128xf32, #tpu.memory_space<vmem>>, vector<1x16xf32>,
          %get3A_1405 = vector.shape_cast %get3A_1404 : vector<1x16xf32> to vector<16xf32>
          %mul3A_1406 = arith.mulf %get3A_1405, %broadcast_in_dim3A_1391 : vector<16xf32>
          %swap3A_1407 = arith.index_cast %add3A_1388 : i32 to index
          %swap3A_1408 = arith.constant 16 : index
          %swap3A_1409 = tpu.vector_load %arg20[%swap3A_1407, %swap3A_1408] {strides = array<i32>} : memref<80x128xf32, #tpu.memory_space<vmem>>, vector<1x16xf32>,
          %swap3A_1410 = vector.shape_cast %swap3A_1409 : vector<1x16xf32> to vector<16xf32>
          %swap3A_1411 = vector.shape_cast %mul3A_1406 : vector<16xf32> to vector<1x16xf32>
          tpu.vector_store %arg20[%swap3A_1407, %swap3A_1408], %swap3A_1411 {strides = array<i32>} : memref<80x128xf32, #tpu.memory_space<vmem>>, vector<1x16xf32>,
          %get3A_1412 = arith.index_cast %add3A_1388 : i32 to index
          %get3A_1413 = arith.constant 32 : index
          %get3A_1414 = tpu.vector_load %arg20[%get3A_1412, %get3A_1413] {strides = array<i32>} : memref<80x128xf32, #tpu.memory_space<vmem>>, vector<1x16xf32>,
          %get3A_1415 = vector.shape_cast %get3A_1414 : vector<1x16xf32> to vector<16xf32>
          %mul3A_1416 = arith.mulf %get3A_1415, %broadcast_in_dim3A_1391 : vector<16xf32>
          %swap3A_1417 = arith.index_cast %add3A_1388 : i32 to index
          %swap3A_1418 = arith.constant 32 : index
          %swap3A_1419 = tpu.vector_load %arg20[%swap3A_1417, %swap3A_1418] {strides = array<i32>} : memref<80x128xf32, #tpu.memory_space<vmem>>, vector<1x16xf32>,
          %swap3A_1420 = vector.shape_cast %swap3A_1419 : vector<1x16xf32> to vector<16xf32>
          %swap3A_1421 = vector.shape_cast %mul3A_1416 : vector<16xf32> to vector<1x16xf32>
          tpu.vector_store %arg20[%swap3A_1417, %swap3A_1418], %swap3A_1421 {strides = array<i32>} : memref<80x128xf32, #tpu.memory_space<vmem>>, vector<1x16xf32>,
          %get3A_1422 = arith.index_cast %add3A_1388 : i32 to index
          %get3A_1423 = arith.constant 48 : index
          %get3A_1424 = tpu.vector_load %arg20[%get3A_1422, %get3A_1423] {strides = array<i32>} : memref<80x128xf32, #tpu.memory_space<vmem>>, vector<1x16xf32>,
          %get3A_1425 = vector.shape_cast %get3A_1424 : vector<1x16xf32> to vector<16xf32>
          %mul3A_1426 = arith.mulf %get3A_1425, %broadcast_in_dim3A_1391 : vector<16xf32>
          %swap3A_1427 = arith.index_cast %add3A_1388 : i32 to index
          %swap3A_1428 = arith.constant 48 : index
          %swap3A_1429 = tpu.vector_load %arg20[%swap3A_1427, %swap3A_1428] {strides = array<i32>} : memref<80x128xf32, #tpu.memory_space<vmem>>, vector<1x16xf32>,
          %swap3A_1430 = vector.shape_cast %swap3A_1429 : vector<1x16xf32> to vector<16xf32>
          %swap3A_1431 = vector.shape_cast %mul3A_1426 : vector<16xf32> to vector<1x16xf32>
          tpu.vector_store %arg20[%swap3A_1427, %swap3A_1428], %swap3A_1431 {strides = array<i32>} : memref<80x128xf32, #tpu.memory_space<vmem>>, vector<1x16xf32>,
          %get3A_1432 = arith.index_cast %add3A_1388 : i32 to index
          %get3A_1433 = arith.constant 64 : index
          %get3A_1434 = tpu.vector_load %arg20[%get3A_1432, %get3A_1433] {strides = array<i32>} : memref<80x128xf32, #tpu.memory_space<vmem>>, vector<1x16xf32>,
          %get3A_1435 = vector.shape_cast %get3A_1434 : vector<1x16xf32> to vector<16xf32>
          %mul3A_1436 = arith.mulf %get3A_1435, %broadcast_in_dim3A_1391 : vector<16xf32>
          %swap3A_1437 = arith.index_cast %add3A_1388 : i32 to index
          %swap3A_1438 = arith.constant 64 : index
          %swap3A_1439 = tpu.vector_load %arg20[%swap3A_1437, %swap3A_1438] {strides = array<i32>} : memref<80x128xf32, #tpu.memory_space<vmem>>, vector<1x16xf32>,
          %swap3A_1440 = vector.shape_cast %swap3A_1439 : vector<1x16xf32> to vector<16xf32>
          %swap3A_1441 = vector.shape_cast %mul3A_1436 : vector<16xf32> to vector<1x16xf32>
          tpu.vector_store %arg20[%swap3A_1437, %swap3A_1438], %swap3A_1441 {strides = array<i32>} : memref<80x128xf32, #tpu.memory_space<vmem>>, vector<1x16xf32>,
          %get3A_1442 = arith.index_cast %add3A_1388 : i32 to index
          %get3A_1443 = arith.constant 80 : index
          %get3A_1444 = tpu.vector_load %arg20[%get3A_1442, %get3A_1443] {strides = array<i32>} : memref<80x128xf32, #tpu.memory_space<vmem>>, vector<1x16xf32>,
          %get3A_1445 = vector.shape_cast %get3A_1444 : vector<1x16xf32> to vector<16xf32>
          %mul3A_1446 = arith.mulf %get3A_1445, %broadcast_in_dim3A_1391 : vector<16xf32>
          %swap3A_1447 = arith.index_cast %add3A_1388 : i32 to index
          %swap3A_1448 = arith.constant 80 : index
          %swap3A_1449 = tpu.vector_load %arg20[%swap3A_1447, %swap3A_1448] {strides = array<i32>} : memref<80x128xf32, #tpu.memory_space<vmem>>, vector<1x16xf32>,
          %swap3A_1450 = vector.shape_cast %swap3A_1449 : vector<1x16xf32> to vector<16xf32>
          %swap3A_1451 = vector.shape_cast %mul3A_1446 : vector<16xf32> to vector<1x16xf32>
          tpu.vector_store %arg20[%swap3A_1447, %swap3A_1448], %swap3A_1451 {strides = array<i32>} : memref<80x128xf32, #tpu.memory_space<vmem>>, vector<1x16xf32>,
          %get3A_1452 = arith.index_cast %add3A_1388 : i32 to index
          %get3A_1453 = arith.constant 96 : index
          %get3A_1454 = tpu.vector_load %arg20[%get3A_1452, %get3A_1453] {strides = array<i32>} : memref<80x128xf32, #tpu.memory_space<vmem>>, vector<1x16xf32>,
          %get3A_1455 = vector.shape_cast %get3A_1454 : vector<1x16xf32> to vector<16xf32>
          %mul3A_1456 = arith.mulf %get3A_1455, %broadcast_in_dim3A_1391 : vector<16xf32>
          %swap3A_1457 = arith.index_cast %add3A_1388 : i32 to index
          %swap3A_1458 = arith.constant 96 : index
          %swap3A_1459 = tpu.vector_load %arg20[%swap3A_1457, %swap3A_1458] {strides = array<i32>} : memref<80x128xf32, #tpu.memory_space<vmem>>, vector<1x16xf32>,
          %swap3A_1460 = vector.shape_cast %swap3A_1459 : vector<1x16xf32> to vector<16xf32>
          %swap3A_1461 = vector.shape_cast %mul3A_1456 : vector<16xf32> to vector<1x16xf32>
          tpu.vector_store %arg20[%swap3A_1457, %swap3A_1458], %swap3A_1461 {strides = array<i32>} : memref<80x128xf32, #tpu.memory_space<vmem>>, vector<1x16xf32>,
          %get3A_1462 = arith.index_cast %add3A_1388 : i32 to index
          %get3A_1463 = arith.constant 112 : index
          %get3A_1464 = tpu.vector_load %arg20[%get3A_1462, %get3A_1463] {strides = array<i32>} : memref<80x128xf32, #tpu.memory_space<vmem>>, vector<1x16xf32>,
          %get3A_1465 = vector.shape_cast %get3A_1464 : vector<1x16xf32> to vector<16xf32>
          %mul3A_1466 = arith.mulf %get3A_1465, %broadcast_in_dim3A_1391 : vector<16xf32>
          %swap3A_1467 = arith.index_cast %add3A_1388 : i32 to index
          %swap3A_1468 = arith.constant 112 : index
          %swap3A_1469 = tpu.vector_load %arg20[%swap3A_1467, %swap3A_1468] {strides = array<i32>} : memref<80x128xf32, #tpu.memory_space<vmem>>, vector<1x16xf32>,
          %swap3A_1470 = vector.shape_cast %swap3A_1469 : vector<1x16xf32> to vector<16xf32>
          %swap3A_1471 = vector.shape_cast %mul3A_1466 : vector<16xf32> to vector<1x16xf32>
          tpu.vector_store %arg20[%swap3A_1467, %swap3A_1468], %swap3A_1471 {strides = array<i32>} : memref<80x128xf32, #tpu.memory_space<vmem>>, vector<1x16xf32>,
        }
        %scan3A_58 = arith.constant 5 : i32
        "tpu.region"() ({
          %run_scoped3A = tpu.sem_alloc : memref<!tpu.dma_semaphore, #tpu.memory_space<semaphore_mem>>
          %dma_start3A = arith.constant 0 : i32
          %dma_start3A_59 = tpu.memref_slice %arg16[%scan3A_46, %dma_start3A] : memref<5x80xi32, #tpu.memory_space<vmem>> -> memref<1x80xi32, #tpu.memory_space<vmem>>
          %dma_start3A_60 = tpu.memref_squeeze %dma_start3A_59 : memref<1x80xi32, #tpu.memory_space<vmem>> -> memref<80xi32, #tpu.memory_space<vmem>>
          %dma_start3A_61 = arith.constant 0 : i32
          %dma_start3A_62 = arith.constant 0 : i32
          %dma_start3A_63 = tpu.memref_slice %arg23[%dma_start3A_61, %dma_start3A_62] : memref<10240x128xf32, #tpu.memory_space<vmem_shared>> -> memref<10240x128xf32, #tpu.memory_space<vmem_shared>>
          tpu.enqueue_indirect_dma source(%arg20 : memref<80x128xf32, #tpu.memory_space<vmem>>) target(%dma_start3A_63 : memref<10240x128xf32, #tpu.memory_space<vmem_shared>>) offsets(%dma_start3A_60 : memref<80xi32, #tpu.memory_space<vmem>>) semaphore(%run_scoped3A : memref<!tpu.dma_semaphore, #tpu.memory_space<semaphore_mem>>) {add = true}
          %dma_wait3A = arith.constant 0 : i32
          %dma_wait3A_64 = tpu.memref_slice %arg16[%scan3A_46, %dma_wait3A] : memref<5x80xi32, #tpu.memory_space<vmem>> -> memref<1x80xi32, #tpu.memory_space<vmem>>
          %dma_wait3A_65 = tpu.memref_squeeze %dma_wait3A_64 : memref<1x80xi32, #tpu.memory_space<vmem>> -> memref<80xi32, #tpu.memory_space<vmem>>
          %dma_wait3A_66 = arith.constant 0 : i32
          %dma_wait3A_67 = arith.constant 0 : i32
          %dma_wait3A_68 = tpu.memref_slice %arg23[%dma_wait3A_66, %dma_wait3A_67] : memref<10240x128xf32, #tpu.memory_space<vmem_shared>> -> memref<10240x128xf32, #tpu.memory_space<vmem_shared>>
          tpu.wait_indirect_dma semaphore(%run_scoped3A : memref<!tpu.dma_semaphore, #tpu.memory_space<semaphore_mem>>) src(%arg20 : memref<80x128xf32, #tpu.memory_space<vmem>>) dst(%dma_wait3A_68 : memref<10240x128xf32, #tpu.memory_space<vmem_shared>>)
          tpu.yield
        }) : () -> ()
        "tpu.region"() ({
          %run_scoped3A = tpu.sem_alloc : memref<!tpu.dma_semaphore, #tpu.memory_space<semaphore_mem>>
          %dma_start3A = arith.constant 0 : i32
          %dma_start3A_59 = tpu.memref_slice %arg19[%scan3A_46, %dma_start3A] : memref<5x80xf32, #tpu.memory_space<vmem>> -> memref<1x80xf32, #tpu.memory_space<vmem>>
          %dma_start3A_60 = tpu.memref_squeeze %dma_start3A_59 : memref<1x80xf32, #tpu.memory_space<vmem>> -> memref<80xf32, #tpu.memory_space<vmem>>
          %dma_start3A_61 = arith.constant 0 : i32
          %dma_start3A_62 = tpu.memref_slice %arg16[%scan3A_46, %dma_start3A_61] : memref<5x80xi32, #tpu.memory_space<vmem>> -> memref<1x80xi32, #tpu.memory_space<vmem>>
          %dma_start3A_63 = tpu.memref_squeeze %dma_start3A_62 : memref<1x80xi32, #tpu.memory_space<vmem>> -> memref<80xi32, #tpu.memory_space<vmem>>
          %dma_start3A_64 = arith.constant 0 : i32
          %dma_start3A_65 = tpu.memref_slice %arg24[%dma_start3A_64] : memref<10240xf32, #tpu.memory_space<vmem_shared>> -> memref<10240xf32, #tpu.memory_space<vmem_shared>>
          tpu.enqueue_indirect_dma source(%dma_start3A_60 : memref<80xf32, #tpu.memory_space<vmem>>) target(%dma_start3A_65 : memref<10240xf32, #tpu.memory_space<vmem_shared>>) offsets(%dma_start3A_63 : memref<80xi32, #tpu.memory_space<vmem>>) semaphore(%run_scoped3A : memref<!tpu.dma_semaphore, #tpu.memory_space<semaphore_mem>>) {add = true}
          %dma_wait3A = arith.constant 0 : i32
          %dma_wait3A_66 = tpu.memref_slice %arg19[%scan3A_46, %dma_wait3A] : memref<5x80xf32, #tpu.memory_space<vmem>> -> memref<1x80xf32, #tpu.memory_space<vmem>>
          %dma_wait3A_67 = tpu.memref_squeeze %dma_wait3A_66 : memref<1x80xf32, #tpu.memory_space<vmem>> -> memref<80xf32, #tpu.memory_space<vmem>>
          %dma_wait3A_68 = arith.constant 0 : i32
          %dma_wait3A_69 = tpu.memref_slice %arg16[%scan3A_46, %dma_wait3A_68] : memref<5x80xi32, #tpu.memory_space<vmem>> -> memref<1x80xi32, #tpu.memory_space<vmem>>
          %dma_wait3A_70 = tpu.memref_squeeze %dma_wait3A_69 : memref<1x80xi32, #tpu.memory_space<vmem>> -> memref<80xi32, #tpu.memory_space<vmem>>
          %dma_wait3A_71 = arith.constant 0 : i32
          %dma_wait3A_72 = tpu.memref_slice %arg24[%dma_wait3A_71] : memref<10240xf32, #tpu.memory_space<vmem_shared>> -> memref<10240xf32, #tpu.memory_space<vmem_shared>>
          tpu.wait_indirect_dma semaphore(%run_scoped3A : memref<!tpu.dma_semaphore, #tpu.memory_space<semaphore_mem>>) src(%dma_wait3A_67 : memref<80xf32, #tpu.memory_space<vmem>>) dst(%dma_wait3A_72 : memref<10240xf32, #tpu.memory_space<vmem_shared>>)
          tpu.yield
        }) : () -> ()
      }
      %scan3A_45 = arith.constant 5 : i32
    }
    %scan3A_30 = arith.constant 25 : i32
    %barrier3A_31 = arith.constant 0 : index
    tpu.barrier barrier_id(%barrier3A_31)
    "tpu.region"() ({
      %run_scoped3A = tpu.sem_alloc : memref<!tpu.dma_semaphore, #tpu.memory_space<semaphore_mem>>
      %dma_start3A = arith.constant 0 : i32
      %dma_start3A_35 = tpu.memref_slice %arg8[%arg0, %mul3A_4, %dma_start3A] : memref<2x10240x128xf32, #tpu.memory_space<hbm>> -> memref<1x640x128xf32, #tpu.memory_space<hbm>>
      %dma_start3A_36 = tpu.memref_squeeze %dma_start3A_35 : memref<1x640x128xf32, #tpu.memory_space<hbm>> -> memref<640x128xf32, #tpu.memory_space<hbm>>
      %dma_start3A_37 = arith.constant 0 : i32
      %dma_start3A_38 = tpu.memref_slice %arg23[%mul3A_4, %dma_start3A_37] : memref<10240x128xf32, #tpu.memory_space<vmem_shared>> -> memref<640x128xf32, #tpu.memory_space<vmem_shared>>
      tpu.enqueue_dma source(%dma_start3A_38 : memref<640x128xf32, #tpu.memory_space<vmem_shared>>) target(%dma_start3A_36 : memref<640x128xf32, #tpu.memory_space<hbm>>) target_semaphore(%run_scoped3A : memref<!tpu.dma_semaphore, #tpu.memory_space<semaphore_mem>>)
      %dma_wait3A = arith.constant 0 : i32
      %dma_wait3A_39 = tpu.memref_slice %arg8[%arg0, %mul3A_4, %dma_wait3A] : memref<2x10240x128xf32, #tpu.memory_space<hbm>> -> memref<1x640x128xf32, #tpu.memory_space<hbm>>
      %dma_wait3A_40 = tpu.memref_squeeze %dma_wait3A_39 : memref<1x640x128xf32, #tpu.memory_space<hbm>> -> memref<640x128xf32, #tpu.memory_space<hbm>>
      %dma_wait3A_41 = arith.constant 0 : i32
      %dma_wait3A_42 = tpu.memref_slice %arg23[%mul3A_4, %dma_wait3A_41] : memref<10240x128xf32, #tpu.memory_space<vmem_shared>> -> memref<640x128xf32, #tpu.memory_space<vmem_shared>>
      tpu.wait_dma2 semaphore(%run_scoped3A : memref<!tpu.dma_semaphore, #tpu.memory_space<semaphore_mem>>) src(%dma_wait3A_42 : memref<640x128xf32, #tpu.memory_space<vmem_shared>>) dst(%dma_wait3A_40 : memref<640x128xf32, #tpu.memory_space<hbm>>)
      tpu.yield
    }) : () -> ()
    %mul3A_32 = arith.constant 10240 : i32
    %mul3A_33 = arith.muli %arg0, %mul3A_32 : i32
    %add3A_34 = arith.addi %mul3A_33, %mul3A_4 : i32
    %multiple_of3A = tpu.assume_multiple %add3A_34, 128 : i32
    "tpu.region"() ({
      %run_scoped3A = tpu.sem_alloc : memref<!tpu.dma_semaphore, #tpu.memory_space<semaphore_mem>>
      %dma_start3A = tpu.memref_slice %arg9[%multiple_of3A] : memref<20480xf32, #tpu.memory_space<hbm>> -> memref<640xf32, #tpu.memory_space<hbm>>
      %dma_start3A_35 = tpu.memref_slice %arg24[%mul3A_4] : memref<10240xf32, #tpu.memory_space<vmem_shared>> -> memref<640xf32, #tpu.memory_space<vmem_shared>>
      tpu.enqueue_dma source(%dma_start3A_35 : memref<640xf32, #tpu.memory_space<vmem_shared>>) target(%dma_start3A : memref<640xf32, #tpu.memory_space<hbm>>) target_semaphore(%run_scoped3A : memref<!tpu.dma_semaphore, #tpu.memory_space<semaphore_mem>>)
      %dma_wait3A = tpu.memref_slice %arg9[%multiple_of3A] : memref<20480xf32, #tpu.memory_space<hbm>> -> memref<640xf32, #tpu.memory_space<hbm>>
      %dma_wait3A_36 = tpu.memref_slice %arg24[%mul3A_4] : memref<10240xf32, #tpu.memory_space<vmem_shared>> -> memref<640xf32, #tpu.memory_space<vmem_shared>>
      tpu.wait_dma2 semaphore(%run_scoped3A : memref<!tpu.dma_semaphore, #tpu.memory_space<semaphore_mem>>) src(%dma_wait3A_36 : memref<640xf32, #tpu.memory_space<vmem_shared>>) dst(%dma_wait3A : memref<640xf32, #tpu.memory_space<hbm>>)
      tpu.yield
    }) : () -> ()
    return
  }
}

module attributes {stable_mosaic.version = 14 : i64} {
  func.func @_txw_body(%arg0: i32, %arg1: i32, %arg2: memref<1280x128xf32, #tpu.memory_space<vmem>>, %arg3: memref<1x128x128xf32, #tpu.memory_space<vmem>>, %arg4: memref<1280x128xf32, #tpu.memory_space<vmem>>) attributes {dimension_semantics = [#tpu.dimension_semantics<arbitrary>, #tpu.dimension_semantics<arbitrary>], iteration_bounds = array<i64: 8, 8>, scalar_prefetch = 0 : i64, scratch_operands = 0 : i64, tpu.core_type = #tpu.core_type<tc>, window_params = [{transform_indices = @transform_0, window_bounds = array<i64: 1280, 128>}, {transform_indices = @transform_1, window_bounds = array<i64: 1, 128, 128>}, {transform_indices = @transform_2, window_bounds = array<i64: 1280, 128>}]} {
    %get3A = arith.constant 0 : index
    %get3A_0 = arith.constant 0 : index
    %get3A_1 = vector.load %arg2[%get3A, %get3A_0] : memref<1280x128xf32, #tpu.memory_space<vmem>>, vector<1280x128xf32>
    %get3A_2 = arith.constant 0 : index
    %get3A_3 = arith.constant 0 : index
    %get3A_4 = arith.constant 0 : index
    %get3A_5 = vector.load %arg3[%get3A_2, %get3A_3, %get3A_4] : memref<1x128x128xf32, #tpu.memory_space<vmem>>, vector<1x128x128xf32>
    %get3A_6 = vector.shape_cast %get3A_5 : vector<1x128x128xf32> to vector<128x128xf32>
    %dot_general3A = arith.constant dense<0.000000e+00> : vector<1280x128xf32>
    %dot_general3A_7 = tpu.matmul %get3A_1, %get3A_6, %dot_general3A {dimension_numbers = #tpu.dot_dimension_numbers<[1], [0], [0], [1], [0, 0, 1, 1], [], []>, precision = #tpu.contract_precision<fp32>, transpose_lhs_hint = false} : vector<1280x128xf32>, vector<128x128xf32>, vector<1280x128xf32> -> vector<1280x128xf32>
    %swap3A = arith.constant 0 : index
    %swap3A_8 = arith.constant 0 : index
    %swap3A_9 = vector.load %arg4[%swap3A, %swap3A_8] : memref<1280x128xf32, #tpu.memory_space<vmem>>, vector<1280x128xf32>
    tpu.vector_store %arg4[%swap3A, %swap3A_8], %dot_general3A_7 {strides = array<i32>} : memref<1280x128xf32, #tpu.memory_space<vmem>>, vector<1280x128xf32>,
    return
  }
  func.func @transform_0(%arg0: i32, %arg1: i32) -> (i32, i32) {
    %c0_i32 = arith.constant 0 : i32
    %c0_i32_0 = arith.constant 0 : i32
    return %arg1, %c0_i32 : i32, i32
  }
  func.func @transform_1(%arg0: i32, %arg1: i32) -> (i32, i32, i32) {
    %c0_i32 = arith.constant 0 : i32
    %c0_i32_0 = arith.constant 0 : i32
    %c0_i32_1 = arith.constant 0 : i32
    return %arg0, %c0_i32, %c0_i32_0 : i32, i32, i32
  }
  func.func @transform_2(%arg0: i32, %arg1: i32) -> (i32, i32) {
    %mul3A = arith.constant 8 : i32
    %mul3A_0 = arith.muli %arg0, %mul3A : i32
    %add3A = arith.addi %mul3A_0, %arg1 : i32
    %c0_i32 = arith.constant 0 : i32
    %c0_i32_1 = arith.constant 0 : i32
    return %add3A, %c0_i32 : i32, i32
  }
}

module attributes {stable_mosaic.version = 14 : i64} {
  func.func @_tqk_body(%arg0: i32, %arg1: memref<1280x128xf32, #tpu.memory_space<vmem>>, %arg2: memref<8x128x128xf32, #tpu.memory_space<vmem>>, %arg3: memref<128x1xf32, #tpu.memory_space<vmem>>, %arg4: memref<128x1xf32, #tpu.memory_space<vmem>>, %arg5: memref<1280x16xf32, #tpu.memory_space<vmem>>, %arg6: memref<1x1xf32, #tpu.memory_space<vmem>>, %arg7: memref<2xf32, #tpu.memory_space<smem>>) attributes {dimension_semantics = [#tpu.dimension_semantics<arbitrary>], iteration_bounds = array<i64: 8>, scalar_prefetch = 0 : i64, scratch_operands = 1 : i64, tpu.core_type = #tpu.core_type<tc>, window_params = [{transform_indices = @transform_0, window_bounds = array<i64: 1280, 128>}, {pipeline_mode = #tpu.pipeline_mode<synchronous>, transform_indices = @transform_1, window_bounds = array<i64: 8, 128, 128>}, {pipeline_mode = #tpu.pipeline_mode<synchronous>, transform_indices = @transform_2, window_bounds = array<i64: 128, 1>}, {pipeline_mode = #tpu.pipeline_mode<synchronous>, transform_indices = @transform_3, window_bounds = array<i64: 128, 1>}, {transform_indices = @transform_4, window_bounds = array<i64: 1280, 16>}, {pipeline_mode = #tpu.pipeline_mode<synchronous>, transform_indices = @transform_5, window_bounds = array<i64: 1, 1>}]} {
    %get3A = arith.constant 0 : index
    %get3A_0 = arith.constant 0 : index
    %get3A_1 = arith.constant 0 : index
    %get3A_2 = vector.load %arg2[%get3A, %get3A_0, %get3A_1] : memref<8x128x128xf32, #tpu.memory_space<vmem>>, vector<1x128x128xf32>
    %get3A_3 = vector.shape_cast %get3A_2 : vector<1x128x128xf32> to vector<128x128xf32>
    %get3A_4 = arith.constant 0 : index
    %get3A_5 = arith.constant 0 : index
    %get3A_6 = vector.load %arg3[%get3A_4, %get3A_5] : memref<128x1xf32, #tpu.memory_space<vmem>>, vector<128x1xf32>
    %dot_general3A = arith.constant dense<0.000000e+00> : vector<128x1xf32>
    %dot_general3A_7 = tpu.matmul %get3A_3, %get3A_6, %dot_general3A {dimension_numbers = #tpu.dot_dimension_numbers<[1], [0], [0], [1], [0, 0, 1, 1], [], []>, precision = #tpu.contract_precision<fp32>, transpose_lhs_hint = false} : vector<128x128xf32>, vector<128x1xf32>, vector<128x1xf32> -> vector<128x1xf32>
    %get3A_8 = arith.constant 1 : index
    %get3A_9 = arith.constant 0 : index
    %get3A_10 = arith.constant 0 : index
    %get3A_11 = vector.load %arg2[%get3A_8, %get3A_9, %get3A_10] : memref<8x128x128xf32, #tpu.memory_space<vmem>>, vector<1x128x128xf32>
    %get3A_12 = vector.shape_cast %get3A_11 : vector<1x128x128xf32> to vector<128x128xf32>
    %get3A_13 = arith.constant 0 : index
    %get3A_14 = arith.constant 0 : index
    %get3A_15 = vector.load %arg3[%get3A_13, %get3A_14] : memref<128x1xf32, #tpu.memory_space<vmem>>, vector<128x1xf32>
    %dot_general3A_16 = arith.constant dense<0.000000e+00> : vector<128x1xf32>
    %dot_general3A_17 = tpu.matmul %get3A_12, %get3A_15, %dot_general3A_16 {dimension_numbers = #tpu.dot_dimension_numbers<[1], [0], [0], [1], [0, 0, 1, 1], [], []>, precision = #tpu.contract_precision<fp32>, transpose_lhs_hint = false} : vector<128x128xf32>, vector<128x1xf32>, vector<128x1xf32> -> vector<128x1xf32>
    %get3A_18 = arith.constant 2 : index
    %get3A_19 = arith.constant 0 : index
    %get3A_20 = arith.constant 0 : index
    %get3A_21 = vector.load %arg2[%get3A_18, %get3A_19, %get3A_20] : memref<8x128x128xf32, #tpu.memory_space<vmem>>, vector<1x128x128xf32>
    %get3A_22 = vector.shape_cast %get3A_21 : vector<1x128x128xf32> to vector<128x128xf32>
    %get3A_23 = arith.constant 0 : index
    %get3A_24 = arith.constant 0 : index
    %get3A_25 = vector.load %arg3[%get3A_23, %get3A_24] : memref<128x1xf32, #tpu.memory_space<vmem>>, vector<128x1xf32>
    %dot_general3A_26 = arith.constant dense<0.000000e+00> : vector<128x1xf32>
    %dot_general3A_27 = tpu.matmul %get3A_22, %get3A_25, %dot_general3A_26 {dimension_numbers = #tpu.dot_dimension_numbers<[1], [0], [0], [1], [0, 0, 1, 1], [], []>, precision = #tpu.contract_precision<fp32>, transpose_lhs_hint = false} : vector<128x128xf32>, vector<128x1xf32>, vector<128x1xf32> -> vector<128x1xf32>
    %get3A_28 = arith.constant 3 : index
    %get3A_29 = arith.constant 0 : index
    %get3A_30 = arith.constant 0 : index
    %get3A_31 = vector.load %arg2[%get3A_28, %get3A_29, %get3A_30] : memref<8x128x128xf32, #tpu.memory_space<vmem>>, vector<1x128x128xf32>
    %get3A_32 = vector.shape_cast %get3A_31 : vector<1x128x128xf32> to vector<128x128xf32>
    %get3A_33 = arith.constant 0 : index
    %get3A_34 = arith.constant 0 : index
    %get3A_35 = vector.load %arg3[%get3A_33, %get3A_34] : memref<128x1xf32, #tpu.memory_space<vmem>>, vector<128x1xf32>
    %dot_general3A_36 = arith.constant dense<0.000000e+00> : vector<128x1xf32>
    %dot_general3A_37 = tpu.matmul %get3A_32, %get3A_35, %dot_general3A_36 {dimension_numbers = #tpu.dot_dimension_numbers<[1], [0], [0], [1], [0, 0, 1, 1], [], []>, precision = #tpu.contract_precision<fp32>, transpose_lhs_hint = false} : vector<128x128xf32>, vector<128x1xf32>, vector<128x1xf32> -> vector<128x1xf32>
    %get3A_38 = arith.constant 4 : index
    %get3A_39 = arith.constant 0 : index
    %get3A_40 = arith.constant 0 : index
    %get3A_41 = vector.load %arg2[%get3A_38, %get3A_39, %get3A_40] : memref<8x128x128xf32, #tpu.memory_space<vmem>>, vector<1x128x128xf32>
    %get3A_42 = vector.shape_cast %get3A_41 : vector<1x128x128xf32> to vector<128x128xf32>
    %get3A_43 = arith.constant 0 : index
    %get3A_44 = arith.constant 0 : index
    %get3A_45 = vector.load %arg3[%get3A_43, %get3A_44] : memref<128x1xf32, #tpu.memory_space<vmem>>, vector<128x1xf32>
    %dot_general3A_46 = arith.constant dense<0.000000e+00> : vector<128x1xf32>
    %dot_general3A_47 = tpu.matmul %get3A_42, %get3A_45, %dot_general3A_46 {dimension_numbers = #tpu.dot_dimension_numbers<[1], [0], [0], [1], [0, 0, 1, 1], [], []>, precision = #tpu.contract_precision<fp32>, transpose_lhs_hint = false} : vector<128x128xf32>, vector<128x1xf32>, vector<128x1xf32> -> vector<128x1xf32>
    %get3A_48 = arith.constant 5 : index
    %get3A_49 = arith.constant 0 : index
    %get3A_50 = arith.constant 0 : index
    %get3A_51 = vector.load %arg2[%get3A_48, %get3A_49, %get3A_50] : memref<8x128x128xf32, #tpu.memory_space<vmem>>, vector<1x128x128xf32>
    %get3A_52 = vector.shape_cast %get3A_51 : vector<1x128x128xf32> to vector<128x128xf32>
    %get3A_53 = arith.constant 0 : index
    %get3A_54 = arith.constant 0 : index
    %get3A_55 = vector.load %arg3[%get3A_53, %get3A_54] : memref<128x1xf32, #tpu.memory_space<vmem>>, vector<128x1xf32>
    %dot_general3A_56 = arith.constant dense<0.000000e+00> : vector<128x1xf32>
    %dot_general3A_57 = tpu.matmul %get3A_52, %get3A_55, %dot_general3A_56 {dimension_numbers = #tpu.dot_dimension_numbers<[1], [0], [0], [1], [0, 0, 1, 1], [], []>, precision = #tpu.contract_precision<fp32>, transpose_lhs_hint = false} : vector<128x128xf32>, vector<128x1xf32>, vector<128x1xf32> -> vector<128x1xf32>
    %get3A_58 = arith.constant 6 : index
    %get3A_59 = arith.constant 0 : index
    %get3A_60 = arith.constant 0 : index
    %get3A_61 = vector.load %arg2[%get3A_58, %get3A_59, %get3A_60] : memref<8x128x128xf32, #tpu.memory_space<vmem>>, vector<1x128x128xf32>
    %get3A_62 = vector.shape_cast %get3A_61 : vector<1x128x128xf32> to vector<128x128xf32>
    %get3A_63 = arith.constant 0 : index
    %get3A_64 = arith.constant 0 : index
    %get3A_65 = vector.load %arg3[%get3A_63, %get3A_64] : memref<128x1xf32, #tpu.memory_space<vmem>>, vector<128x1xf32>
    %dot_general3A_66 = arith.constant dense<0.000000e+00> : vector<128x1xf32>
    %dot_general3A_67 = tpu.matmul %get3A_62, %get3A_65, %dot_general3A_66 {dimension_numbers = #tpu.dot_dimension_numbers<[1], [0], [0], [1], [0, 0, 1, 1], [], []>, precision = #tpu.contract_precision<fp32>, transpose_lhs_hint = false} : vector<128x128xf32>, vector<128x1xf32>, vector<128x1xf32> -> vector<128x1xf32>
    %get3A_68 = arith.constant 7 : index
    %get3A_69 = arith.constant 0 : index
    %get3A_70 = arith.constant 0 : index
    %get3A_71 = vector.load %arg2[%get3A_68, %get3A_69, %get3A_70] : memref<8x128x128xf32, #tpu.memory_space<vmem>>, vector<1x128x128xf32>
    %get3A_72 = vector.shape_cast %get3A_71 : vector<1x128x128xf32> to vector<128x128xf32>
    %get3A_73 = arith.constant 0 : index
    %get3A_74 = arith.constant 0 : index
    %get3A_75 = vector.load %arg3[%get3A_73, %get3A_74] : memref<128x1xf32, #tpu.memory_space<vmem>>, vector<128x1xf32>
    %dot_general3A_76 = arith.constant dense<0.000000e+00> : vector<128x1xf32>
    %dot_general3A_77 = tpu.matmul %get3A_72, %get3A_75, %dot_general3A_76 {dimension_numbers = #tpu.dot_dimension_numbers<[1], [0], [0], [1], [0, 0, 1, 1], [], []>, precision = #tpu.contract_precision<fp32>, transpose_lhs_hint = false} : vector<128x128xf32>, vector<128x1xf32>, vector<128x1xf32> -> vector<128x1xf32>
    %get3A_78 = arith.constant 0 : index
    %get3A_79 = arith.constant 0 : index
    %get3A_80 = arith.constant 0 : index
    %get3A_81 = vector.load %arg2[%get3A_78, %get3A_79, %get3A_80] : memref<8x128x128xf32, #tpu.memory_space<vmem>>, vector<1x128x128xf32>
    %get3A_82 = vector.shape_cast %get3A_81 : vector<1x128x128xf32> to vector<128x128xf32>
    %get3A_83 = arith.constant 0 : index
    %get3A_84 = arith.constant 0 : index
    %get3A_85 = vector.load %arg4[%get3A_83, %get3A_84] : memref<128x1xf32, #tpu.memory_space<vmem>>, vector<128x1xf32>
    %dot_general3A_86 = arith.constant dense<0.000000e+00> : vector<128x1xf32>
    %dot_general3A_87 = tpu.matmul %get3A_82, %get3A_85, %dot_general3A_86 {dimension_numbers = #tpu.dot_dimension_numbers<[1], [0], [0], [1], [0, 0, 1, 1], [], []>, precision = #tpu.contract_precision<fp32>, transpose_lhs_hint = false} : vector<128x128xf32>, vector<128x1xf32>, vector<128x1xf32> -> vector<128x1xf32>
    %get3A_88 = arith.constant 1 : index
    %get3A_89 = arith.constant 0 : index
    %get3A_90 = arith.constant 0 : index
    %get3A_91 = vector.load %arg2[%get3A_88, %get3A_89, %get3A_90] : memref<8x128x128xf32, #tpu.memory_space<vmem>>, vector<1x128x128xf32>
    %get3A_92 = vector.shape_cast %get3A_91 : vector<1x128x128xf32> to vector<128x128xf32>
    %get3A_93 = arith.constant 0 : index
    %get3A_94 = arith.constant 0 : index
    %get3A_95 = vector.load %arg4[%get3A_93, %get3A_94] : memref<128x1xf32, #tpu.memory_space<vmem>>, vector<128x1xf32>
    %dot_general3A_96 = arith.constant dense<0.000000e+00> : vector<128x1xf32>
    %dot_general3A_97 = tpu.matmul %get3A_92, %get3A_95, %dot_general3A_96 {dimension_numbers = #tpu.dot_dimension_numbers<[1], [0], [0], [1], [0, 0, 1, 1], [], []>, precision = #tpu.contract_precision<fp32>, transpose_lhs_hint = false} : vector<128x128xf32>, vector<128x1xf32>, vector<128x1xf32> -> vector<128x1xf32>
    %get3A_98 = arith.constant 2 : index
    %get3A_99 = arith.constant 0 : index
    %get3A_100 = arith.constant 0 : index
    %get3A_101 = vector.load %arg2[%get3A_98, %get3A_99, %get3A_100] : memref<8x128x128xf32, #tpu.memory_space<vmem>>, vector<1x128x128xf32>
    %get3A_102 = vector.shape_cast %get3A_101 : vector<1x128x128xf32> to vector<128x128xf32>
    %get3A_103 = arith.constant 0 : index
    %get3A_104 = arith.constant 0 : index
    %get3A_105 = vector.load %arg4[%get3A_103, %get3A_104] : memref<128x1xf32, #tpu.memory_space<vmem>>, vector<128x1xf32>
    %dot_general3A_106 = arith.constant dense<0.000000e+00> : vector<128x1xf32>
    %dot_general3A_107 = tpu.matmul %get3A_102, %get3A_105, %dot_general3A_106 {dimension_numbers = #tpu.dot_dimension_numbers<[1], [0], [0], [1], [0, 0, 1, 1], [], []>, precision = #tpu.contract_precision<fp32>, transpose_lhs_hint = false} : vector<128x128xf32>, vector<128x1xf32>, vector<128x1xf32> -> vector<128x1xf32>
    %get3A_108 = arith.constant 3 : index
    %get3A_109 = arith.constant 0 : index
    %get3A_110 = arith.constant 0 : index
    %get3A_111 = vector.load %arg2[%get3A_108, %get3A_109, %get3A_110] : memref<8x128x128xf32, #tpu.memory_space<vmem>>, vector<1x128x128xf32>
    %get3A_112 = vector.shape_cast %get3A_111 : vector<1x128x128xf32> to vector<128x128xf32>
    %get3A_113 = arith.constant 0 : index
    %get3A_114 = arith.constant 0 : index
    %get3A_115 = vector.load %arg4[%get3A_113, %get3A_114] : memref<128x1xf32, #tpu.memory_space<vmem>>, vector<128x1xf32>
    %dot_general3A_116 = arith.constant dense<0.000000e+00> : vector<128x1xf32>
    %dot_general3A_117 = tpu.matmul %get3A_112, %get3A_115, %dot_general3A_116 {dimension_numbers = #tpu.dot_dimension_numbers<[1], [0], [0], [1], [0, 0, 1, 1], [], []>, precision = #tpu.contract_precision<fp32>, transpose_lhs_hint = false} : vector<128x128xf32>, vector<128x1xf32>, vector<128x1xf32> -> vector<128x1xf32>
    %get3A_118 = arith.constant 4 : index
    %get3A_119 = arith.constant 0 : index
    %get3A_120 = arith.constant 0 : index
    %get3A_121 = vector.load %arg2[%get3A_118, %get3A_119, %get3A_120] : memref<8x128x128xf32, #tpu.memory_space<vmem>>, vector<1x128x128xf32>
    %get3A_122 = vector.shape_cast %get3A_121 : vector<1x128x128xf32> to vector<128x128xf32>
    %get3A_123 = arith.constant 0 : index
    %get3A_124 = arith.constant 0 : index
    %get3A_125 = vector.load %arg4[%get3A_123, %get3A_124] : memref<128x1xf32, #tpu.memory_space<vmem>>, vector<128x1xf32>
    %dot_general3A_126 = arith.constant dense<0.000000e+00> : vector<128x1xf32>
    %dot_general3A_127 = tpu.matmul %get3A_122, %get3A_125, %dot_general3A_126 {dimension_numbers = #tpu.dot_dimension_numbers<[1], [0], [0], [1], [0, 0, 1, 1], [], []>, precision = #tpu.contract_precision<fp32>, transpose_lhs_hint = false} : vector<128x128xf32>, vector<128x1xf32>, vector<128x1xf32> -> vector<128x1xf32>
    %get3A_128 = arith.constant 5 : index
    %get3A_129 = arith.constant 0 : index
    %get3A_130 = arith.constant 0 : index
    %get3A_131 = vector.load %arg2[%get3A_128, %get3A_129, %get3A_130] : memref<8x128x128xf32, #tpu.memory_space<vmem>>, vector<1x128x128xf32>
    %get3A_132 = vector.shape_cast %get3A_131 : vector<1x128x128xf32> to vector<128x128xf32>
    %get3A_133 = arith.constant 0 : index
    %get3A_134 = arith.constant 0 : index
    %get3A_135 = vector.load %arg4[%get3A_133, %get3A_134] : memref<128x1xf32, #tpu.memory_space<vmem>>, vector<128x1xf32>
    %dot_general3A_136 = arith.constant dense<0.000000e+00> : vector<128x1xf32>
    %dot_general3A_137 = tpu.matmul %get3A_132, %get3A_135, %dot_general3A_136 {dimension_numbers = #tpu.dot_dimension_numbers<[1], [0], [0], [1], [0, 0, 1, 1], [], []>, precision = #tpu.contract_precision<fp32>, transpose_lhs_hint = false} : vector<128x128xf32>, vector<128x1xf32>, vector<128x1xf32> -> vector<128x1xf32>
    %get3A_138 = arith.constant 6 : index
    %get3A_139 = arith.constant 0 : index
    %get3A_140 = arith.constant 0 : index
    %get3A_141 = vector.load %arg2[%get3A_138, %get3A_139, %get3A_140] : memref<8x128x128xf32, #tpu.memory_space<vmem>>, vector<1x128x128xf32>
    %get3A_142 = vector.shape_cast %get3A_141 : vector<1x128x128xf32> to vector<128x128xf32>
    %get3A_143 = arith.constant 0 : index
    %get3A_144 = arith.constant 0 : index
    %get3A_145 = vector.load %arg4[%get3A_143, %get3A_144] : memref<128x1xf32, #tpu.memory_space<vmem>>, vector<128x1xf32>
    %dot_general3A_146 = arith.constant dense<0.000000e+00> : vector<128x1xf32>
    %dot_general3A_147 = tpu.matmul %get3A_142, %get3A_145, %dot_general3A_146 {dimension_numbers = #tpu.dot_dimension_numbers<[1], [0], [0], [1], [0, 0, 1, 1], [], []>, precision = #tpu.contract_precision<fp32>, transpose_lhs_hint = false} : vector<128x128xf32>, vector<128x1xf32>, vector<128x1xf32> -> vector<128x1xf32>
    %get3A_148 = arith.constant 7 : index
    %get3A_149 = arith.constant 0 : index
    %get3A_150 = arith.constant 0 : index
    %get3A_151 = vector.load %arg2[%get3A_148, %get3A_149, %get3A_150] : memref<8x128x128xf32, #tpu.memory_space<vmem>>, vector<1x128x128xf32>
    %get3A_152 = vector.shape_cast %get3A_151 : vector<1x128x128xf32> to vector<128x128xf32>
    %get3A_153 = arith.constant 0 : index
    %get3A_154 = arith.constant 0 : index
    %get3A_155 = vector.load %arg4[%get3A_153, %get3A_154] : memref<128x1xf32, #tpu.memory_space<vmem>>, vector<128x1xf32>
    %dot_general3A_156 = arith.constant dense<0.000000e+00> : vector<128x1xf32>
    %dot_general3A_157 = tpu.matmul %get3A_152, %get3A_155, %dot_general3A_156 {dimension_numbers = #tpu.dot_dimension_numbers<[1], [0], [0], [1], [0, 0, 1, 1], [], []>, precision = #tpu.contract_precision<fp32>, transpose_lhs_hint = false} : vector<128x128xf32>, vector<128x1xf32>, vector<128x1xf32> -> vector<128x1xf32>
    %concatenate3A = tpu.concatenate %dot_general3A_7, %dot_general3A_17, %dot_general3A_27, %dot_general3A_37, %dot_general3A_47, %dot_general3A_57, %dot_general3A_67, %dot_general3A_77, %dot_general3A_87, %dot_general3A_97, %dot_general3A_107, %dot_general3A_117, %dot_general3A_127, %dot_general3A_137, %dot_general3A_147, %dot_general3A_157 in 1 : vector<128x1xf32>, vector<128x1xf32>, vector<128x1xf32>, vector<128x1xf32>, vector<128x1xf32>, vector<128x1xf32>, vector<128x1xf32>, vector<128x1xf32>, vector<128x1xf32>, vector<128x1xf32>, vector<128x1xf32>, vector<128x1xf32>, vector<128x1xf32>, vector<128x1xf32>, vector<128x1xf32>, vector<128x1xf32> -> vector<128x16xf32>
    %get3A_158 = arith.constant 0 : index
    %get3A_159 = arith.constant 0 : index
    %get3A_160 = vector.load %arg1[%get3A_158, %get3A_159] : memref<1280x128xf32, #tpu.memory_space<vmem>>, vector<1280x128xf32>
    %dot_general3A_161 = arith.constant dense<0.000000e+00> : vector<1280x16xf32>
    %dot_general3A_162 = tpu.matmul %get3A_160, %concatenate3A, %dot_general3A_161 {dimension_numbers = #tpu.dot_dimension_numbers<[1], [0], [0], [1], [0, 0, 1, 1], [], []>, precision = #tpu.contract_precision<fp32>, transpose_lhs_hint = false} : vector<1280x128xf32>, vector<128x16xf32>, vector<1280x16xf32> -> vector<1280x16xf32>
    %swap3A = arith.constant 0 : index
    %swap3A_163 = arith.constant 0 : index
    %swap3A_164 = vector.load %arg5[%swap3A, %swap3A_163] : memref<1280x16xf32, #tpu.memory_space<vmem>>, vector<1280x16xf32>
    tpu.vector_store %arg5[%swap3A, %swap3A_163], %dot_general3A_162 {strides = array<i32>} : memref<1280x16xf32, #tpu.memory_space<vmem>>, vector<1280x16xf32>,
    %slice3A = vector.extract_strided_slice %dot_general3A_162 {offsets = [0, 0], sizes = [1280, 8], strides = [1, 1]} : vector<1280x16xf32> to vector<1280x8xf32>
    %reduce_max3A = vector.shape_cast %slice3A : vector<1280x8xf32> to vector<1x1280x8xf32>
    %reduce_max3A_165 = arith.constant dense<0xFF800000> : vector<1xf32>
    %reduce_max3A_166 = vector.multi_reduction <maximumf>, %reduce_max3A, %reduce_max3A_165 [1, 2] : vector<1x1280x8xf32> to vector<1xf32>
    %reduce_max3A_167 = vector.shape_cast %reduce_max3A_166 : vector<1xf32> to vector<1x1x1xf32>
    %reduce_max3A_168 = vector.extract %reduce_max3A_167[0, 0, 0] : f32 from vector<1x1x1xf32>
    %slice3A_169 = vector.extract_strided_slice %dot_general3A_162 {offsets = [0, 8], sizes = [1280, 8], strides = [1, 1]} : vector<1280x16xf32> to vector<1280x8xf32>
    %reduce_max3A_170 = vector.shape_cast %slice3A_169 : vector<1280x8xf32> to vector<1x1280x8xf32>
    %reduce_max3A_171 = arith.constant dense<0xFF800000> : vector<1xf32>
    %reduce_max3A_172 = vector.multi_reduction <maximumf>, %reduce_max3A_170, %reduce_max3A_171 [1, 2] : vector<1x1280x8xf32> to vector<1xf32>
    %reduce_max3A_173 = vector.shape_cast %reduce_max3A_172 : vector<1xf32> to vector<1x1x1xf32>
    %reduce_max3A_174 = vector.extract %reduce_max3A_173[0, 0, 0] : f32 from vector<1x1x1xf32>
    %eq3A = arith.constant 0 : i32
    %eq3A_175 = arith.cmpi eq, %arg0, %eq3A : i32
    %convert_element_type3A = arith.extui %eq3A_175 : i1 to i32
    %cond3A = arith.constant 0 : i32
    %cond3A_176 = arith.cmpi ne, %convert_element_type3A, %cond3A : i32
    scf.if %cond3A_176 {
      %swap3A_186 = arith.constant 0 : index
      %swap3A_187 = memref.load %arg7[%swap3A_186] : memref<2xf32, #tpu.memory_space<smem>>
      memref.store %reduce_max3A_168, %arg7[%swap3A_186] : memref<2xf32, #tpu.memory_space<smem>>
      %swap3A_188 = arith.constant 1 : index
      %swap3A_189 = memref.load %arg7[%swap3A_188] : memref<2xf32, #tpu.memory_space<smem>>
      memref.store %reduce_max3A_174, %arg7[%swap3A_188] : memref<2xf32, #tpu.memory_space<smem>>
    } else {
    }
    %gt3A = arith.constant 0 : i32
    %gt3A_177 = arith.cmpi sgt, %arg0, %gt3A : i32
    %convert_element_type3A_178 = arith.extui %gt3A_177 : i1 to i32
    %cond3A_179 = arith.constant 0 : i32
    %cond3A_180 = arith.cmpi ne, %convert_element_type3A_178, %cond3A_179 : i32
    scf.if %cond3A_180 {
      %get3A_186 = arith.constant 0 : index
      %get3A_187 = memref.load %arg7[%get3A_186] : memref<2xf32, #tpu.memory_space<smem>>
      %max3A = arith.maximumf %get3A_187, %reduce_max3A_168 : f32
      %swap3A_188 = arith.constant 0 : index
      %swap3A_189 = memref.load %arg7[%swap3A_188] : memref<2xf32, #tpu.memory_space<smem>>
      memref.store %max3A, %arg7[%swap3A_188] : memref<2xf32, #tpu.memory_space<smem>>
      %get3A_190 = arith.constant 1 : index
      %get3A_191 = memref.load %arg7[%get3A_190] : memref<2xf32, #tpu.memory_space<smem>>
      %max3A_192 = arith.maximumf %get3A_191, %reduce_max3A_174 : f32
      %swap3A_193 = arith.constant 1 : index
      %swap3A_194 = memref.load %arg7[%swap3A_193] : memref<2xf32, #tpu.memory_space<smem>>
      memref.store %max3A_192, %arg7[%swap3A_193] : memref<2xf32, #tpu.memory_space<smem>>
    } else {
    }
    %eq3A_181 = arith.constant 7 : i32
    %eq3A_182 = arith.cmpi eq, %arg0, %eq3A_181 : i32
    %convert_element_type3A_183 = arith.extui %eq3A_182 : i1 to i32
    %cond3A_184 = arith.constant 0 : i32
    %cond3A_185 = arith.cmpi ne, %convert_element_type3A_183, %cond3A_184 : i32
    scf.if %cond3A_185 {
      %get3A_186 = arith.constant 0 : index
      %get3A_187 = memref.load %arg7[%get3A_186] : memref<2xf32, #tpu.memory_space<smem>>
      %get3A_188 = arith.constant 1 : index
      %get3A_189 = memref.load %arg7[%get3A_188] : memref<2xf32, #tpu.memory_space<smem>>
      %add3A = arith.addf %get3A_187, %get3A_189 : f32
      %gt3A_190 = arith.constant 0.000000e+00 : f32
      %gt3A_191 = arith.cmpf ogt, %add3A, %gt3A_190 : f32
      %mul3A = arith.constant 2.000000e-01 : f32
      %mul3A_192 = arith.mulf %add3A, %mul3A : f32
      %select_n3A = arith.select %gt3A_191, %add3A, %mul3A_192 : f32
      %reshape3A = vector.broadcast %select_n3A : f32 to vector<1x1xf32>
      %swap3A_193 = arith.constant 0 : index
      %swap3A_194 = arith.constant 0 : index
      %swap3A_195 = vector.load %arg6[%swap3A_193, %swap3A_194] : memref<1x1xf32, #tpu.memory_space<vmem>>, vector<1x1xf32>
      tpu.vector_store %arg6[%swap3A_193, %swap3A_194], %reshape3A {strides = array<i32>} : memref<1x1xf32, #tpu.memory_space<vmem>>, vector<1x1xf32>,
    } else {
    }
    return
  }
  func.func @transform_0(%arg0: i32) -> (i32, i32) {
    %c0_i32 = arith.constant 0 : i32
    %c0_i32_0 = arith.constant 0 : i32
    return %arg0, %c0_i32 : i32, i32
  }
  func.func @transform_1(%arg0: i32) -> (i32, i32, i32) {
    %c0_i32 = arith.constant 0 : i32
    %c0_i32_0 = arith.constant 0 : i32
    %c0_i32_1 = arith.constant 0 : i32
    %c0_i32_2 = arith.constant 0 : i32
    return %c0_i32, %c0_i32_0, %c0_i32_1 : i32, i32, i32
  }
  func.func @transform_2(%arg0: i32) -> (i32, i32) {
    %c0_i32 = arith.constant 0 : i32
    %c0_i32_0 = arith.constant 0 : i32
    %c0_i32_1 = arith.constant 0 : i32
    return %c0_i32, %c0_i32_0 : i32, i32
  }
  func.func @transform_3(%arg0: i32) -> (i32, i32) {
    %c0_i32 = arith.constant 0 : i32
    %c0_i32_0 = arith.constant 0 : i32
    %c0_i32_1 = arith.constant 0 : i32
    return %c0_i32, %c0_i32_0 : i32, i32
  }
  func.func @transform_4(%arg0: i32) -> (i32, i32) {
    %c0_i32 = arith.constant 0 : i32
    %c0_i32_0 = arith.constant 0 : i32
    return %arg0, %c0_i32 : i32, i32
  }
  func.func @transform_5(%arg0: i32) -> (i32, i32) {
    %c0_i32 = arith.constant 0 : i32
    %c0_i32_0 = arith.constant 0 : i32
    %c0_i32_1 = arith.constant 0 : i32
    return %c0_i32, %c0_i32_0 : i32, i32
  }
}

module attributes {stable_mosaic.version = 14 : i64} {
  func.func @_mid_body(%arg0: i32, %arg1: memref<2x640x128xf32, #tpu.memory_space<vmem>>, %arg2: memref<2x640x1xf32, #tpu.memory_space<vmem>>, %arg3: memref<1x128xf32, #tpu.memory_space<vmem>>, %arg4: memref<640x128xf32, #tpu.memory_space<vmem>>) attributes {dimension_semantics = [#tpu.dimension_semantics<arbitrary>], iteration_bounds = array<i64: 16>, scalar_prefetch = 0 : i64, scratch_operands = 0 : i64, tpu.core_type = #tpu.core_type<tc>, window_params = [{transform_indices = @transform_0, window_bounds = array<i64: 2, 640, 128>}, {transform_indices = @transform_1, window_bounds = array<i64: 2, 640, 1>}, {pipeline_mode = #tpu.pipeline_mode<synchronous>, transform_indices = @transform_2, window_bounds = array<i64: 1, 128>}, {transform_indices = @transform_3, window_bounds = array<i64: 640, 128>}]} {
    %get3A = arith.constant 0 : index
    %get3A_0 = arith.constant 0 : index
    %get3A_1 = arith.constant 0 : index
    %get3A_2 = vector.load %arg1[%get3A, %get3A_0, %get3A_1] : memref<2x640x128xf32, #tpu.memory_space<vmem>>, vector<1x640x128xf32>
    %get3A_3 = vector.shape_cast %get3A_2 : vector<1x640x128xf32> to vector<640x128xf32>
    %get3A_4 = arith.constant 1 : index
    %get3A_5 = arith.constant 0 : index
    %get3A_6 = arith.constant 0 : index
    %get3A_7 = vector.load %arg1[%get3A_4, %get3A_5, %get3A_6] : memref<2x640x128xf32, #tpu.memory_space<vmem>>, vector<1x640x128xf32>
    %get3A_8 = vector.shape_cast %get3A_7 : vector<1x640x128xf32> to vector<640x128xf32>
    %add3A = arith.addf %get3A_3, %get3A_8 : vector<640x128xf32>
    %get3A_9 = arith.constant 0 : index
    %get3A_10 = arith.constant 0 : index
    %get3A_11 = arith.constant 0 : index
    %get3A_12 = vector.load %arg2[%get3A_9, %get3A_10, %get3A_11] : memref<2x640x1xf32, #tpu.memory_space<vmem>>, vector<1x640x1xf32>
    %get3A_13 = vector.shape_cast %get3A_12 : vector<1x640x1xf32> to vector<640x1xf32>
    %get3A_14 = arith.constant 1 : index
    %get3A_15 = arith.constant 0 : index
    %get3A_16 = arith.constant 0 : index
    %get3A_17 = vector.load %arg2[%get3A_14, %get3A_15, %get3A_16] : memref<2x640x1xf32, #tpu.memory_space<vmem>>, vector<1x640x1xf32>
    %get3A_18 = vector.shape_cast %get3A_17 : vector<1x640x1xf32> to vector<640x1xf32>
    %add3A_19 = arith.addf %get3A_13, %get3A_18 : vector<640x1xf32>
    %add3A_20 = arith.constant 1.000000e-16 : f32
    %add3A_21 = vector.broadcast %add3A_20 : f32 to vector<640x1xf32>
    %add3A_22 = arith.addf %add3A_19, %add3A_21 : vector<640x1xf32>
    %div3A = vector.broadcast %add3A_22 : vector<640x1xf32> to vector<640x128xf32>
    %div3A_23 = arith.divf %add3A, %div3A : vector<640x128xf32>
    %get3A_24 = arith.constant 0 : index
    %get3A_25 = arith.constant 0 : index
    %get3A_26 = vector.load %arg3[%get3A_24, %get3A_25] : memref<1x128xf32, #tpu.memory_space<vmem>>, vector<1x128xf32>
    %add3A_27 = vector.broadcast %get3A_26 : vector<1x128xf32> to vector<640x128xf32>
    %add3A_28 = arith.addf %div3A_23, %add3A_27 : vector<640x128xf32>
    %max3A = arith.constant 0.000000e+00 : f32
    %max3A_29 = vector.broadcast %max3A : f32 to vector<640x128xf32>
    %max3A_30 = arith.maximumf %add3A_28, %max3A_29 : vector<640x128xf32>
    %swap3A = arith.constant 0 : index
    %swap3A_31 = arith.constant 0 : index
    %swap3A_32 = vector.load %arg4[%swap3A, %swap3A_31] : memref<640x128xf32, #tpu.memory_space<vmem>>, vector<640x128xf32>
    tpu.vector_store %arg4[%swap3A, %swap3A_31], %max3A_30 {strides = array<i32>} : memref<640x128xf32, #tpu.memory_space<vmem>>, vector<640x128xf32>,
    return
  }
  func.func @transform_0(%arg0: i32) -> (i32, i32, i32) {
    %c0_i32 = arith.constant 0 : i32
    %c0_i32_0 = arith.constant 0 : i32
    %c0_i32_1 = arith.constant 0 : i32
    return %c0_i32, %arg0, %c0_i32_0 : i32, i32, i32
  }
  func.func @transform_1(%arg0: i32) -> (i32, i32, i32) {
    %c0_i32 = arith.constant 0 : i32
    %c0_i32_0 = arith.constant 0 : i32
    %c0_i32_1 = arith.constant 0 : i32
    return %c0_i32, %arg0, %c0_i32_0 : i32, i32, i32
  }
  func.func @transform_2(%arg0: i32) -> (i32, i32) {
    %c0_i32 = arith.constant 0 : i32
    %c0_i32_0 = arith.constant 0 : i32
    %c0_i32_1 = arith.constant 0 : i32
    return %c0_i32, %c0_i32_0 : i32, i32
  }
  func.func @transform_3(%arg0: i32) -> (i32, i32) {
    %c0_i32 = arith.constant 0 : i32
    %c0_i32_0 = arith.constant 0 : i32
    return %arg0, %c0_i32 : i32, i32
  }
}

module attributes {stable_mosaic.version = 14 : i64} {
  func.func @_fin_body(%arg0: i32, %arg1: memref<2x640x128xf32, #tpu.memory_space<vmem>>, %arg2: memref<2x640x1xf32, #tpu.memory_space<vmem>>, %arg3: memref<1x128xf32, #tpu.memory_space<vmem>>, %arg4: memref<128x256xf32, #tpu.memory_space<vmem>>, %arg5: memref<128x1xf32, #tpu.memory_space<vmem>>, %arg6: memref<128x1xf32, #tpu.memory_space<vmem>>, %arg7: memref<1x1xf32, #tpu.memory_space<vmem>>, %arg8: memref<1x1xf32, #tpu.memory_space<vmem>>, %arg9: memref<2x128xf32, #tpu.memory_space<vmem>>) attributes {dimension_semantics = [#tpu.dimension_semantics<arbitrary>], iteration_bounds = array<i64: 16>, scalar_prefetch = 0 : i64, scratch_operands = 1 : i64, tpu.core_type = #tpu.core_type<tc>, window_params = [{transform_indices = @transform_0, window_bounds = array<i64: 2, 640, 128>}, {transform_indices = @transform_1, window_bounds = array<i64: 2, 640, 1>}, {pipeline_mode = #tpu.pipeline_mode<synchronous>, transform_indices = @transform_2, window_bounds = array<i64: 1, 128>}, {pipeline_mode = #tpu.pipeline_mode<synchronous>, transform_indices = @transform_3, window_bounds = array<i64: 128, 256>}, {pipeline_mode = #tpu.pipeline_mode<synchronous>, transform_indices = @transform_4, window_bounds = array<i64: 128, 1>}, {pipeline_mode = #tpu.pipeline_mode<synchronous>, transform_indices = @transform_5, window_bounds = array<i64: 128, 1>}, {pipeline_mode = #tpu.pipeline_mode<synchronous>, transform_indices = @transform_6, window_bounds = array<i64: 1, 1>}, {pipeline_mode = #tpu.pipeline_mode<synchronous>, transform_indices = @transform_7, window_bounds = array<i64: 1, 1>}]} {
    %get3A = arith.constant 0 : index
    %get3A_0 = arith.constant 0 : index
    %get3A_1 = arith.constant 0 : index
    %get3A_2 = vector.load %arg1[%get3A, %get3A_0, %get3A_1] : memref<2x640x128xf32, #tpu.memory_space<vmem>>, vector<1x640x128xf32>
    %get3A_3 = vector.shape_cast %get3A_2 : vector<1x640x128xf32> to vector<640x128xf32>
    %get3A_4 = arith.constant 1 : index
    %get3A_5 = arith.constant 0 : index
    %get3A_6 = arith.constant 0 : index
    %get3A_7 = vector.load %arg1[%get3A_4, %get3A_5, %get3A_6] : memref<2x640x128xf32, #tpu.memory_space<vmem>>, vector<1x640x128xf32>
    %get3A_8 = vector.shape_cast %get3A_7 : vector<1x640x128xf32> to vector<640x128xf32>
    %add3A = arith.addf %get3A_3, %get3A_8 : vector<640x128xf32>
    %get3A_9 = arith.constant 0 : index
    %get3A_10 = arith.constant 0 : index
    %get3A_11 = arith.constant 0 : index
    %get3A_12 = vector.load %arg2[%get3A_9, %get3A_10, %get3A_11] : memref<2x640x1xf32, #tpu.memory_space<vmem>>, vector<1x640x1xf32>
    %get3A_13 = vector.shape_cast %get3A_12 : vector<1x640x1xf32> to vector<640x1xf32>
    %get3A_14 = arith.constant 1 : index
    %get3A_15 = arith.constant 0 : index
    %get3A_16 = arith.constant 0 : index
    %get3A_17 = vector.load %arg2[%get3A_14, %get3A_15, %get3A_16] : memref<2x640x1xf32, #tpu.memory_space<vmem>>, vector<1x640x1xf32>
    %get3A_18 = vector.shape_cast %get3A_17 : vector<1x640x1xf32> to vector<640x1xf32>
    %add3A_19 = arith.addf %get3A_13, %get3A_18 : vector<640x1xf32>
    %add3A_20 = arith.constant 1.000000e-16 : f32
    %add3A_21 = vector.broadcast %add3A_20 : f32 to vector<640x1xf32>
    %add3A_22 = arith.addf %add3A_19, %add3A_21 : vector<640x1xf32>
    %div3A = vector.broadcast %add3A_22 : vector<640x1xf32> to vector<640x128xf32>
    %div3A_23 = arith.divf %add3A, %div3A : vector<640x128xf32>
    %get3A_24 = arith.constant 0 : index
    %get3A_25 = arith.constant 0 : index
    %get3A_26 = vector.load %arg3[%get3A_24, %get3A_25] : memref<1x128xf32, #tpu.memory_space<vmem>>, vector<1x128xf32>
    %add3A_27 = vector.broadcast %get3A_26 : vector<1x128xf32> to vector<640x128xf32>
    %add3A_28 = arith.addf %div3A_23, %add3A_27 : vector<640x128xf32>
    %max3A = arith.constant 0.000000e+00 : f32
    %max3A_29 = vector.broadcast %max3A : f32 to vector<640x128xf32>
    %max3A_30 = arith.maximumf %add3A_28, %max3A_29 : vector<640x128xf32>
    %iota3A = tpu.iota {dimensions = array<i32: 0>} : vector<640x1xi32>
    %mul3A = arith.constant 640 : i32
    %mul3A_31 = arith.muli %arg0, %mul3A : i32
    %add3A_32 = vector.broadcast %mul3A_31 : i32 to vector<640x1xi32>
    %add3A_33 = arith.addi %iota3A, %add3A_32 : vector<640x1xi32>
    %lt3A = arith.constant 10000 : i32
    %lt3A_34 = vector.broadcast %lt3A : i32 to vector<640x1xi32>
    %lt3A_35 = arith.cmpi slt, %add3A_33, %lt3A_34 : vector<640x1xi32>
    %jit3A = arith.constant 0.000000e+00 : f32
    %broadcast_in_dim3A = vector.shape_cast %lt3A_35 : vector<640x1xi1> to vector<640x1xi1>
    %broadcast_in_dim3A_36 = vector.broadcast %broadcast_in_dim3A : vector<640x1xi1> to vector<640x128xi1>
    %broadcast_in_dim3A_37 = vector.broadcast %jit3A : f32 to vector<640x128xf32>
    %select_n3A = arith.select %broadcast_in_dim3A_36, %max3A_30, %broadcast_in_dim3A_37 : vector<640x128xi1>, vector<640x128xf32>
    %reduce_sum3A = arith.constant dense<0.000000e+00> : vector<128xf32>
    %reduce_sum3A_38 = vector.multi_reduction <add>, %select_n3A, %reduce_sum3A [0] : vector<640x128xf32> to vector<128xf32>
    %broadcast_in_dim3A_39 = vector.shape_cast %reduce_sum3A_38 : vector<128xf32> to vector<1x128xf32>
    %reduce_max3A = arith.constant dense<0xFF800000> : vector<128xf32>
    %reduce_max3A_40 = vector.multi_reduction <maximumf>, %select_n3A, %reduce_max3A [0] : vector<640x128xf32> to vector<128xf32>
    %broadcast_in_dim3A_41 = vector.shape_cast %reduce_max3A_40 : vector<128xf32> to vector<1x128xf32>
    %eq3A = arith.constant 0 : i32
    %eq3A_42 = arith.cmpi eq, %arg0, %eq3A : i32
    %convert_element_type3A = arith.extui %eq3A_42 : i1 to i32
    %cond3A = arith.constant 0 : i32
    %cond3A_43 = arith.cmpi ne, %convert_element_type3A, %cond3A : i32
    scf.if %cond3A_43 {
      %swap3A = arith.constant 0 : index
      %swap3A_53 = arith.constant 0 : index
      %swap3A_54 = vector.load %arg9[%swap3A, %swap3A_53] : memref<2x128xf32, #tpu.memory_space<vmem>>, vector<1x128xf32>
      tpu.vector_store %arg9[%swap3A, %swap3A_53], %broadcast_in_dim3A_39 {strides = array<i32>} : memref<2x128xf32, #tpu.memory_space<vmem>>, vector<1x128xf32>,
      %swap3A_55 = arith.constant 1 : index
      %swap3A_56 = arith.constant 0 : index
      %swap3A_57 = vector.load %arg9[%swap3A_55, %swap3A_56] : memref<2x128xf32, #tpu.memory_space<vmem>>, vector<1x128xf32>
      tpu.vector_store %arg9[%swap3A_55, %swap3A_56], %broadcast_in_dim3A_41 {strides = array<i32>} : memref<2x128xf32, #tpu.memory_space<vmem>>, vector<1x128xf32>,
    } else {
    }
    %gt3A = arith.constant 0 : i32
    %gt3A_44 = arith.cmpi sgt, %arg0, %gt3A : i32
    %convert_element_type3A_45 = arith.extui %gt3A_44 : i1 to i32
    %cond3A_46 = arith.constant 0 : i32
    %cond3A_47 = arith.cmpi ne, %convert_element_type3A_45, %cond3A_46 : i32
    scf.if %cond3A_47 {
      %get3A_53 = arith.constant 0 : index
      %get3A_54 = arith.constant 0 : index
      %get3A_55 = vector.load %arg9[%get3A_53, %get3A_54] : memref<2x128xf32, #tpu.memory_space<vmem>>, vector<1x128xf32>
      %add3A_56 = arith.addf %get3A_55, %broadcast_in_dim3A_39 : vector<1x128xf32>
      %swap3A = arith.constant 0 : index
      %swap3A_57 = arith.constant 0 : index
      %swap3A_58 = vector.load %arg9[%swap3A, %swap3A_57] : memref<2x128xf32, #tpu.memory_space<vmem>>, vector<1x128xf32>
      tpu.vector_store %arg9[%swap3A, %swap3A_57], %add3A_56 {strides = array<i32>} : memref<2x128xf32, #tpu.memory_space<vmem>>, vector<1x128xf32>,
      %get3A_59 = arith.constant 1 : index
      %get3A_60 = arith.constant 0 : index
      %get3A_61 = vector.load %arg9[%get3A_59, %get3A_60] : memref<2x128xf32, #tpu.memory_space<vmem>>, vector<1x128xf32>
      %max3A_62 = arith.maximumf %get3A_61, %broadcast_in_dim3A_41 : vector<1x128xf32>
      %swap3A_63 = arith.constant 1 : index
      %swap3A_64 = arith.constant 0 : index
      %swap3A_65 = vector.load %arg9[%swap3A_63, %swap3A_64] : memref<2x128xf32, #tpu.memory_space<vmem>>, vector<1x128xf32>
      tpu.vector_store %arg9[%swap3A_63, %swap3A_64], %max3A_62 {strides = array<i32>} : memref<2x128xf32, #tpu.memory_space<vmem>>, vector<1x128xf32>,
    } else {
    }
    %eq3A_48 = arith.constant 15 : i32
    %eq3A_49 = arith.cmpi eq, %arg0, %eq3A_48 : i32
    %convert_element_type3A_50 = arith.extui %eq3A_49 : i1 to i32
    %cond3A_51 = arith.constant 0 : i32
    %cond3A_52 = arith.cmpi ne, %convert_element_type3A_50, %cond3A_51 : i32
    scf.if %cond3A_52 {
      %get3A_53 = arith.constant 0 : index
      %get3A_54 = arith.constant 0 : index
      %get3A_55 = vector.load %arg9[%get3A_53, %get3A_54] : memref<2x128xf32, #tpu.memory_space<vmem>>, vector<1x128xf32>
      %div3A_56 = arith.constant 1.000000e+04 : f32
      %div3A_57 = vector.broadcast %div3A_56 : f32 to vector<1x128xf32>
      %div3A_58 = arith.divf %get3A_55, %div3A_57 : vector<1x128xf32>
      %get3A_59 = arith.constant 1 : index
      %get3A_60 = arith.constant 0 : index
      %get3A_61 = vector.load %arg9[%get3A_59, %get3A_60] : memref<2x128xf32, #tpu.memory_space<vmem>>, vector<1x128xf32>
      %concatenate3A = tpu.concatenate %div3A_58, %get3A_61 in 1 : vector<1x128xf32>, vector<1x128xf32> -> vector<1x256xf32>
      %tanh3A = math.tanh %concatenate3A : vector<1x256xf32>
      %get3A_62 = arith.constant 0 : index
      %get3A_63 = arith.constant 0 : index
      %get3A_64 = vector.load %arg4[%get3A_62, %get3A_63] : memref<128x256xf32, #tpu.memory_space<vmem>>, vector<128x256xf32>
      %mul3A_65 = vector.broadcast %tanh3A : vector<1x256xf32> to vector<128x256xf32>
      %mul3A_66 = arith.mulf %get3A_64, %mul3A_65 : vector<128x256xf32>
      %reduce_sum3A_67 = arith.constant dense<0.000000e+00> : vector<128xf32>
      %reduce_sum3A_68 = vector.multi_reduction <add>, %mul3A_66, %reduce_sum3A_67 [1] : vector<128x256xf32> to vector<128xf32>
      %broadcast_in_dim3A_69 = vector.shape_cast %reduce_sum3A_68 : vector<128xf32> to vector<128x1xf32>
      %get3A_70 = arith.constant 0 : index
      %get3A_71 = arith.constant 0 : index
      %get3A_72 = vector.load %arg5[%get3A_70, %get3A_71] : memref<128x1xf32, #tpu.memory_space<vmem>>, vector<128x1xf32>
      %add3A_73 = arith.addf %broadcast_in_dim3A_69, %get3A_72 : vector<128x1xf32>
      %max3A_74 = arith.constant 0.000000e+00 : f32
      %max3A_75 = vector.broadcast %max3A_74 : f32 to vector<128x1xf32>
      %max3A_76 = arith.maximumf %add3A_73, %max3A_75 : vector<128x1xf32>
      %get3A_77 = arith.constant 0 : index
      %get3A_78 = arith.constant 0 : index
      %get3A_79 = vector.load %arg6[%get3A_77, %get3A_78] : memref<128x1xf32, #tpu.memory_space<vmem>>, vector<128x1xf32>
      %mul3A_80 = arith.mulf %max3A_76, %get3A_79 : vector<128x1xf32>
      %reduce_sum3A_81 = arith.constant dense<0.000000e+00> : vector<1xf32>
      %reduce_sum3A_82 = vector.multi_reduction <add>, %mul3A_80, %reduce_sum3A_81 [0] : vector<128x1xf32> to vector<1xf32>
      %broadcast_in_dim3A_83 = vector.shape_cast %reduce_sum3A_82 : vector<1xf32> to vector<1x1xf32>
      %get3A_84 = arith.constant 0 : index
      %get3A_85 = arith.constant 0 : index
      %get3A_86 = vector.load %arg7[%get3A_84, %get3A_85] : memref<1x1xf32, #tpu.memory_space<vmem>>, vector<1x1xf32>
      %add3A_87 = arith.addf %broadcast_in_dim3A_83, %get3A_86 : vector<1x1xf32>
      %logistic3A = arith.negf %add3A_87 : vector<1x1xf32>
      %logistic3A_88 = math.exp %logistic3A : vector<1x1xf32>
      %logistic3A_89 = arith.constant 1.000000e+00 : f32
      %logistic3A_90 = vector.broadcast %logistic3A_89 : f32 to vector<1x1xf32>
      %logistic3A_91 = arith.addf %logistic3A_90, %logistic3A_88 : vector<1x1xf32>
      %logistic3A_92 = arith.divf %logistic3A_90, %logistic3A_91 : vector<1x1xf32>
      %swap3A = arith.constant 0 : index
      %swap3A_93 = arith.constant 0 : index
      %swap3A_94 = vector.load %arg8[%swap3A, %swap3A_93] : memref<1x1xf32, #tpu.memory_space<vmem>>, vector<1x1xf32>
      tpu.vector_store %arg8[%swap3A, %swap3A_93], %logistic3A_92 {strides = array<i32>} : memref<1x1xf32, #tpu.memory_space<vmem>>, vector<1x1xf32>,
    } else {
    }
    return
  }
  func.func @transform_0(%arg0: i32) -> (i32, i32, i32) {
    %c0_i32 = arith.constant 0 : i32
    %c0_i32_0 = arith.constant 0 : i32
    %c0_i32_1 = arith.constant 0 : i32
    return %c0_i32, %arg0, %c0_i32_0 : i32, i32, i32
  }
  func.func @transform_1(%arg0: i32) -> (i32, i32, i32) {
    %c0_i32 = arith.constant 0 : i32
    %c0_i32_0 = arith.constant 0 : i32
    %c0_i32_1 = arith.constant 0 : i32
    return %c0_i32, %arg0, %c0_i32_0 : i32, i32, i32
  }
  func.func @transform_2(%arg0: i32) -> (i32, i32) {
    %c0_i32 = arith.constant 0 : i32
    %c0_i32_0 = arith.constant 0 : i32
    %c0_i32_1 = arith.constant 0 : i32
    return %c0_i32, %c0_i32_0 : i32, i32
  }
  func.func @transform_3(%arg0: i32) -> (i32, i32) {
    %c0_i32 = arith.constant 0 : i32
    %c0_i32_0 = arith.constant 0 : i32
    %c0_i32_1 = arith.constant 0 : i32
    return %c0_i32, %c0_i32_0 : i32, i32
  }
  func.func @transform_4(%arg0: i32) -> (i32, i32) {
    %c0_i32 = arith.constant 0 : i32
    %c0_i32_0 = arith.constant 0 : i32
    %c0_i32_1 = arith.constant 0 : i32
    return %c0_i32, %c0_i32_0 : i32, i32
  }
  func.func @transform_5(%arg0: i32) -> (i32, i32) {
    %c0_i32 = arith.constant 0 : i32
    %c0_i32_0 = arith.constant 0 : i32
    %c0_i32_1 = arith.constant 0 : i32
    return %c0_i32, %c0_i32_0 : i32, i32
  }
  func.func @transform_6(%arg0: i32) -> (i32, i32) {
    %c0_i32 = arith.constant 0 : i32
    %c0_i32_0 = arith.constant 0 : i32
    %c0_i32_1 = arith.constant 0 : i32
    return %c0_i32, %c0_i32_0 : i32, i32
  }
  func.func @transform_7(%arg0: i32) -> (i32, i32) {
    %c0_i32 = arith.constant 0 : i32
    %c0_i32_0 = arith.constant 0 : i32
    %c0_i32_1 = arith.constant 0 : i32
    return %c0_i32, %c0_i32_0 : i32, i32
  }
}

</mosaic_0001>

<sc_bundles>
// kernel: kernel.10.cloned.1.call-start
scs
__scs_entry_jumppad:
0x0: {  	(pc) =	sbr.rel $0x88, $3  }
0x1: {  	(tag) =	ssettag $0x0;
	lr =	simm.s32 $0x1  }
0x2: {  	[smem:$0x3F92] =	sst lr;
	_ =	strace $0xD0000000  }
0x3: {  	_ = 	snop  }
0x4: {  	_ = 	snop  }
0x5: {  	_ = 	snop  }
0x6: {  	_ = 	snop  }
0x7: {  	_ = 	snop  }
__scs_overlays_trampoline_lowered:
0x8: {  	[smem:$0x3FA1] =	sst s0  }
0x9: {  	[smem:$0x3FA2] =	sst s1  }
0xa: {  	[smem:$0x3FA3] =	sst s2  }
0xb: {  	[smem:$0x3FA4] =	sst s3  }
0xc: {  	[smem:$0x3FA5] =	sst s4  }
0xd: {  	[smem:$0x3FA6] =	sst s5  }
0xe: {  	[smem:$0x3FA7] =	sst s6  }
0xf: {  	[smem:$0x3FA8] =	sst s7  }
0x10: {  	[smem:$0x3FA9] =	sst s8  }
0x11: {  	[smem:$0x3FAA] =	sst s9;
	s0 =	simm.s32 @!p0 $0x0  }
0x12: {  	s1 =	sld [smem:$0x3F90];
	s0 =	simm.s32 @p0 $0x1  }
0x13: {  	[smem:$0x3FAB] =	sst s0;
	s0 =	simm.s32 @!p1 $0x0  }
0x14: {  	s2 =	sld [smem:$0x3F8F];
	s0 =	simm.s32 @p1 $0x1  }
0x15: {  	[smem:$0x3FAC] =	sst s0;
	s0 =	simm.s32 @!p2 $0x0  }
0x16: {  	s3 =	sld [smem:$0x3FDB];
	s0 =	simm.s32 @p2 $0x1  }
0x17: {  	s4 =	simm.s32 $0x1BF5;
	[smem:$0x3FAE] =	sst s0  }
0x18: {  	s0 =	sld [smem:$0x3F91];
	_ =	swait.ge [sflag:s4], $0x0  }
0x19: {  	s7 =	sld [smem:$0x3F92]  }
0x1a: {  	s8 =	sadd.s32 $0xFFFFE003, lr  }
0x1b: {  	s9 =	sadd.s32 $0xFFFFFEF7, lr;
	s5 =	simm.s32 $0xFFFFFFFF;
	p2 =	slt.u32 s8, $0xFFFFF086  }
0x1c: {  	p1 =	slt.u32 s9, $0xF7A;
	s5 =	simm.s32 @!p2 $0x0  }
0x1d: {  	s5 =	simm.s32 @p1 $0x1;
	p0 =	seq.s32 s7, s2  }
0x1e: {  	s7 =	smul.u32 @!p0 $0xF7A, s2;
	p2 =	seq.s32 @!p0 s5, $0x0  }
0x1f: {  	s9 =	smul.u32 $0xF7A, s1;
	s8 =	simm.s32 @!p0 $0x1BF5;
	p2 =	por !p2, p0  }
0x20: {  	[sflag:s8] =	ssyncset.s32 @!p0 $0xFFFFF086;
	s6 =	sadd.s32 @!p0 s3, s7;
	s7 =	simm.s32 @!p0 $0x108  }
0x21: {  	s3 =	sadd.s32 s3, s9;
	s6 =	sadd.s32 @!p0 $0x88, s6;
	s7 =	simm.s32 @p2 $0x1082  }
0x22: {  	[simem:s7], [sflag:s8] =	dma.local @!p0 [hbm:s6], $0xF7A  }
0x23: {  	s9 =	sor.u32 $0xD0000000, s2;
	s6 =	simm.s32 $0x108;
	_ =	swait.ge @!p0 [sflag:s8], $0x0  }
0x24: {  	s3 =	sadd.s32 $0x88, s3;
	s6 =	simm.s32 @!p1 $0x1082;
	[sflag:s4] =	ssyncset.s32 $0xFFFFF086  }
0x25: {  	[simem:s6], [sflag:s4] =	dma.local [hbm:s3], $0xF7A  }
0x26: {  	[smem:$0x3F92] =	sst s1;
	(tag) =	ssettag s2;
	_ =	strace s9  }
0x27: {  	s1 =	sld [smem:$0x3FA2]  }
0x28: {  	s2 =	sld [smem:$0x3FA3]  }
0x29: {  	s4 =	sld [smem:$0x3FA5]  }
0x2a: {  	p0 =	seq.s32 s5, $0x0;
	s5 =	sld [smem:$0x3FA6]  }
0x2b: {  	s6 =	sld [smem:$0x3FA7]  }
0x2c: {  	s7 =	sld [smem:$0x3FA8]  }
0x2d: {  	s3 =	simm.s32 $0x108;
	s8 =	sld [smem:$0x3FA9]  }
0x2e: {  	s3 =	simm.s32 @!p0 $0x1082;
	s9 =	sld [smem:$0x3FAA]  }
0x2f: {  	lr =	sadd.s32 s0, s3;
	s0 =	sld [smem:$0x3FA1]  }
0x30: {  	s3 =	sld [smem:$0x3FA4]  }
0x31: {  	[smem:$0x3FAD] =	sst s10  }
0x32: {  	s10 =	sld [smem:$0x3FAB];
	_ =	sdelay $0x3  }
0x33: {  	p0 =	seq.s32 s10, $0x1;
	s10 =	sld [smem:$0x3FAD];
	_ =	sdelay $0x3  }
0x34: {  	[smem:$0x3FAD] =	sst s10  }
0x35: {  	s10 =	sld [smem:$0x3FAC];
	_ =	sdelay $0x3  }
0x36: {  	p1 =	seq.s32 s10, $0x1;
	s10 =	sld [smem:$0x3FAD];
	_ =	sdelay $0x3  }
0x37: {  	[smem:$0x3FAD] =	sst s10  }
0x38: {  	s10 =	sld [smem:$0x3FAE]  }
0x39: {  	_ = 	snop;
	(pc) =	sbr.ind lr, $3  }
0x3a: {  	_ = 	snop  }
0x3b: {  	_ = 	snop  }
0x3c: {  	p2 =	seq.s32 s10, $0x1;
	s10 =	sld [smem:$0x3FAD]  }
0x3d: {  	_ =	shalt  }
0x3e: {  	_ =	shalt  }
0x3f: {  	_ =	shalt  }
0x40: {  	_ =	shalt  }
0x41: {  	_ =	shalt  }
0x42: {  	_ =	shalt  }
0x43: {  	_ =	shalt  }
0x44: {  	_ =	shalt  }
0x45: {  	_ =	shalt  }
0x46: {  	_ =	shalt  }
0x47: {  	_ =	shalt  }
0x48: {  	_ =	shalt  }
0x49: {  	_ =	shalt  }
0x4a: {  	_ =	shalt  }
0x4b: {  	_ =	shalt  }
0x4c: {  	_ =	shalt  }
0x4d: {  	_ =	shalt  }
0x4e: {  	_ =	shalt  }
0x4f: {  	_ =	shalt  }
0x50: {  	_ =	shalt  }
0x51: {  	_ =	shalt  }
0x52: {  	_ =	shalt  }
0x53: {  	_ =	shalt  }
0x54: {  	_ =	shalt  }
0x55: {  	_ =	shalt  }
0x56: {  	_ =	shalt  }
0x57: {  	_ =	shalt  }
0x58: {  	_ =	shalt  }
0x59: {  	_ =	shalt  }
0x5a: {  	_ =	shalt  }
0x5b: {  	_ =	shalt  }
0x5c: {  	_ =	shalt  }
0x5d: {  	_ =	shalt  }
0x5e: {  	_ =	shalt  }
0x5f: {  	_ =	shalt  }
0x60: {  	_ =	shalt  }
0x61: {  	_ =	shalt  }
0x62: {  	_ =	shalt  }
0x63: {  	_ =	shalt  }
0x64: {  	_ =	shalt  }
0x65: {  	_ =	shalt  }
0x66: {  	_ =	shalt  }
0x67: {  	_ =	shalt  }
0x68: {  	_ =	shalt  }
0x69: {  	_ =	shalt  }
0x6a: {  	_ =	shalt  }
0x6b: {  	_ =	shalt  }
0x6c: {  	_ =	shalt  }
0x6d: {  	_ =	shalt  }
0x6e: {  	_ =	shalt  }
0x6f: {  	_ =	shalt  }
0x70: {  	_ =	shalt  }
0x71: {  	_ =	shalt  }
0x72: {  	_ =	shalt  }
0x73: {  	_ =	shalt  }
0x74: {  	_ =	shalt  }
0x75: {  	_ =	shalt  }
0x76: {  	_ =	shalt  }
0x77: {  	_ =	shalt  }
0x78: {  	_ =	shalt  }
0x79: {  	_ =	shalt  }
0x7a: {  	_ =	shalt  }
0x7b: {  	_ =	shalt  }
0x7c: {  	_ =	shalt  }
0x7d: {  	_ =	shalt  }
0x7e: {  	_ =	shalt  }
0x7f: {  	_ =	shalt  }
0x80: {  	_ =	shalt  }
0x81: {  	_ =	shalt  }
0x82: {  	_ =	shalt  }
0x83: {  	_ =	shalt  }
0x84: {  	_ =	shalt  }
0x85: {  	_ =	shalt  }
0x86: {  	_ =	shalt  }
0x87: {  	_ =	shalt  }
.Lfunc_end0:
.L_simem_size_0:
called_computation_lowered:
.L_overlay_start_0:
0x88: {  	s2 =	sld [smem:$0x3FD9]  }
0x89: {  	s3 =	sld [smem:$0x3FFE];
	_ =	sdelay $0x1  }
0x8a: {  	s1 =	srdreg.scid  }
0x8b: {  	s0 =	sand.u32 $0x1, s1  }
0x8c: {  	s17 =	sshll.u32 s0, $0xA;
	s2 =	sadd.s32 s3, s2  }
0x8d: {  	s2 =	sadd.s32 s2, s17  }
0x8e: {  	[smem:$0x3FB9] =	sst s2  }
0x8f: {  	_ = 	snop  }
0x90: {  	s2 =	sld [smem:$0x3FC7];
	(tm) =	ssettm $0x1  }
0x91: {  	s18 =	sld [smem:$0x3FFB];
	_ =	sdelay $0x3  }
0x92: {  	_ =	strace s18  }
0x93: {  	s3 =	sld [smem:$0x3FFC];
	_ =	sdelay $0x3  }
0x94: {  	_ =	strace s3  }
0x95: {  	s3 =	sld [smem:$0x3FFD];
	_ =	sdelay $0x3  }
0x96: {  	_ =	strace s3  }
0x97: {  	_ =	strace $0x8FFFFFFF  }
0x98: {  	s19 =	sld [smem:$0x3FDB];
	_ =	sdelay $0x1  }
0x99: {  	s4 =	simm.s32 $_scs_section_size  }
0x9a: {  	s5 =	simm.s32 $_size__tile_overlayer_lowered;
	s6 =	simm.s32 $_tile_overlayer_lowered  }
0x9b: {  	s22 =	simm.s32 $0x1BFF;
	s21 =	sshll.u32 s6, $0x1;
	s3 =	sadd.s32 s4, s19  }
0x9c: {  	s7 =	simm.s32 $0x0;
	s20 =	sshll.u32 s5, $0x1;
	s5 =	sadd.s32 s21, s3  }
0x9d: {  	[timem:s7], [sflag:s22] =	dma.local [hbm:s5], s20  }
0x9e: {  	_ =	swait.ge [sflag:s22], s20  }
0x9f: {  	s4 =	ssub.s32 $0x0, s20;
	[sflag:s22] =	ssyncset.done $0x0  }
0xa0: {  	[sflag:s22] =	ssyncadd.s32 s4;
	_ =	sdelay $0x1  }
0xa1: {  	s23 =	simm.s32 $0x1B8B  }
0xa2: {  	_ =	swait.ge [sflag:s23], $0x1  }
0xa3: {  	[sflag:s23] =	ssyncset.done $0x0  }
0xa4: {  	s25 =	simm.s32 $0x1B8E;
	s24 =	sld [smem:$0x3FFE];
	[sflag:s23] =	ssyncadd.s32 $0xFFFFFFFF  }
0xa5: {  	s26 =	simm.s32 $execute0_lowered;
	[smem:$0x3FD2] =	sst s25  }
0xa6: {  	s5 =	sshll.u32 s26, $0x1;
	_ =	strace $0x80000046;
	[dreg:$0x1] =	wrdreg $0xFFFFFFFF  }
0xa7: {  	s28 =	simm.s32 $_size_execute0_lowered;
	s3 =	sadd.s32 s3, s5;
	[dreg:$0x0] =	wrdreg $0x0  }
0xa8: {  	s5 =	sshll.u32 s28, $0x1;
	[dreg:$0x2] =	wrdreg s3  }
0xa9: {  	[dreg:$0x3] =	wrdreg s5  }
0xaa: {  	[dreg:$0x4] =	wrdreg $0xC0  }
0xab: {  	_ =	task [dreg:s7], $0x5FFFF  }
0xac: {  	[dreg:$0x1] =	wrdreg $0xFFFFFFFF  }
0xad: {  	[dreg:$0x0] =	wrdreg $0x60  }
0xae: {  	[dreg:$0x2] =	wrdreg s24  }
0xaf: {  	[dreg:$0x3] =	wrdreg s2  }
0xb0: {  	[dreg:$0x4] =	wrdreg $0x4D000  }
0xb1: {  	[dreg:$0x5] =	wrdreg $0x18D000  }
0xb2: {  	[dreg:$0x6] =	wrdreg $0x9  }
0xb3: {  	_ =	task.clear_ibuf [dreg:s7], $0x7FFFF;
	_ =	strace $0x90000046  }
0xb4: {  	s29 =	simm.s32 $0x9;
	_ =	strace $0x80000048  }
0xb5: {  	_ =	swait.ge [sflag:s29], $0x1  }
0xb6: {  	[sflag:s29] =	ssyncadd.s32 $0xFFFFFFFF  }
0xb7: {  	_ =	strace $0x90000048  }
0xb8: {  	_ =	sfence  }
0xb9: {  	s30 =	sld [smem:$0x0];
	_ =	sdelay $0x2  }
0xba: {  	s31 =	sshll.u32 s1, $0xD;
	s1 =	sshrl.u32 s1, $0x2  }
0xbb: {  	s3 =	sand.u32 $0x4000, s31;
	s1 =	sadd.s32 s1, s30  }
0xbc: {  	s0 =	sor.u32 s3, s0;
	s1 =	sshll.u32 s1, $0x11  }
0xbd: {  	s0 =	sor.u32 s1, s0  }
0xbe: {  	s0 =	sadd.s32 $0x8F2B, s0  }
0xbf: {  	[sflag:s0] =	ssyncadd.remote.s32 $0x1  }
0xc0: {  	_ =	sfence.sel $0xFFFF  }
0xc1: {  	[dreg:$0x0] =	wrdreg $0xFFFFFFFF;
	(pc) =	sbr.abs _section_cstart, $3  }
0xc2: {  	[dreg:$0x1] =	wrdreg $0xFFFFFFFF  }
0xc3: {  	_ =	task.clear_ibuf [dreg:s7], $0x2FFFF;
	_ =	strace $0x9FFFFFFF  }
0xc4: {  	(tm) =	ssettm $0x7FFFFFFF  }
0xc5: {  	_ =	shalt  }
tec
execute0_lowered:
.L_overlay_start_1:
0x0: {  	(tag) =	ssettag $0x1  }
0x1: {  	s0 =	rddreg [dreg:$0x0]  }
0x2: {  	s1 =	rddreg [dreg:$0x1]  }
0x3: {  	s2 =	rddreg [dreg:$0x2]  }
0x4: {  	s3 =	rddreg [dreg:$0x3];
	s5 =	simm.s32 $0x0;
	s4 =	srdreg.scid  }
0x5: {  	s16 =	stileid.u32;
	s29 =	simm.s32 $0x200;
	s30 =	simm.s32 $0x400  }
0x6: {  	s31 =	simm.s32 $0x50;
	[smem:$0x7FF] =	sst s5;
	s11 =	smul.u32 $0x14000, s16  }
0x7: {  	s4 =	sand.u32 $0x1, s4;
	s6 =	sadd.s32 $0x151200, s0;
	s12 =	smul.u32 $0x280, s16  }
0x8: {  	s7 =	sadd.s32 $0x147400, s0;
	s15 =	sshll.u32 s16, $0x1;
	s16 =	smul.u32 $0x50000, s16  }
0x9: {  	s8 =	sadd.s32 $0x2400, s0;
	s9 =	sadd.s32 $0x142400, s0;
	s10 =	smul.u32 $0x140000, s4  }
0xa: {  	s23 =	sadd.s32 $0x15B000, s0;
	_ =	strace $0x80000047;
	s13 =	smul.u32 $0x2800, s4  }
0xb: {  	[dreg:$0x5] =	wrdreg s23;
	s25 =	ssub.s32 $0x2, s4;
	s4 =	sor.u32 s4, s15  }
0xc: {  	s14 =	sshrl.u32 s25, $0x1;
	s26 =	sshrl.u32 s16, $0x2;
	s10 =	sadd.s32 s11, s10  }
0xd: {  	s24 =	sadd.s32 s12, s13;
	s13 =	ssub.s32 s25, s14;
	s12 =	sadd.s32 s12, s3  }
0xe: {  	s14 =	sadd.s32 s26, s2;
	s25 =	simm.s32 $0x1;
	s10 =	sshrl.u32 s10, $0x3  }
0xf: {  	v0 =	vimm.f32 $0.0e+00;
	v1 =	vimm.s32 $0x0;
	s11 =	sshrl.u32 s24, $0x3;
	s28 =	smax.u32 s13, $0x1;
	s17 =	sadd.s32 $0x2800, s14  }
0x10: {  	v2 =	vimm.s32 $0x1;
	v3 =	vimm.s32 $0x2;
	v4 =	vimm.s32 $0x3;
	s18 =	sadd.s32 $0x5000, s14;
	s19 =	sadd.s32 $0x7800, s14;
	s20 =	sadd.s32 $0xA000, s14  }
0x11: {  	v5 =	vimm.s32 $0x4;
	v6 =	vimm.s32 $0x5;
	v7 =	vimm.s32 $0x6;
	s21 =	sadd.s32 $0xC800, s14;
	s22 =	sadd.s32 $0xF000, s14;
	s10 =	sadd.s32 s10, s0  }
0x12: {  	v8 =	vimm.s32 $0x7;
	v9 =	vimm.s32 $0x8;
	v10 =	vimm.s32 $0x9;
	s0 =	sadd.s32 s11, s0;
	[dreg:$0x8] =	wrdreg s28;
	s10 =	sadd.s32 $0x15BC00, s10  }
0x13: {  	v11 =	vimm.s32 $0xA;
	v12 =	vimm.s32 $0xB;
	v13 =	vimm.s32 $0xC;
	s23 =	sadd.s32 $0x11800, s14;
	s0 =	sadd.s32 $0x15B200, s0;
	[dreg:$0x6] =	wrdreg s10  }
0x14: {  	v14 =	vimm.s32 $0xD;
	v15 =	vimm.s32 $0xE;
	v16 =	vimm.s32 $0xF;
	s24 =	simm.s32 $0x2200;
	s11 =	smul.u32 $0x2710, s4;
	[dreg:$0x7] =	wrdreg s0  }
.LBB2_1:
0x15: {  	s0 =	simm.s32 $0x0;
	s4 =	simm.s32 $0x200  }
.LBB2_2:
0x16: {  	p0 =	sne.s32 s4, $0x9E00;
	[tilespmem:s0+$0x2270] =	vst v0  }
0x17: {  	[tilespmem:s0+$0x2200] =	vst v0  }
0x18: {  	[tilespmem:s0+$0x2210] =	vst v0  }
.Ltmp0:
0x19: {  	[tilespmem:s0+$0x2220] =	vst v0;
	(pc) =	sbr.rel @p0 .LBB2_2-.Ltmp0, $4  }
0x1a: {  	[tilespmem:s0+$0x2230] =	vst v0  }
0x1b: {  	[tilespmem:s0+$0x2240] =	vst v0  }
0x1c: {  	[tilespmem:s0+$0x2250] =	vst v0  }
0x1d: {  	[tilespmem:s0+$0x2260] =	vst v0;
	s0 =	sshra.s32 s4, $0x2;
	s4 =	sadd.s32 $0x200, s4  }
0x1e: {  	[tilespmem:s0+$0x2270] =	vst v0  }
0x1f: {  	[tilespmem:s0+$0x2200] =	vst v0  }
0x20: {  	[tilespmem:s0+$0x2210] =	vst v0  }
0x21: {  	[tilespmem:s0+$0x2220] =	vst v0  }
0x22: {  	[tilespmem:s0+$0x2230] =	vst v0  }
0x23: {  	[tilespmem:s0+$0x2240] =	vst v0  }
0x24: {  	[tilespmem:s0+$0x2250] =	vst v0  }
0x25: {  	[tilespmem:s0+$0x2260] =	vst v0  }
0x26: {  	[tilespmem:$0x4A00] =	vst v0  }
0x27: {  	[tilespmem:$0x4A10] =	vst v0  }
0x28: {  	[tilespmem:$0x4A20] =	vst v0  }
0x29: {  	[tilespmem:$0x4A30] =	vst v0  }
0x2a: {  	[tilespmem:$0x4A40] =	vst v0  }
0x2b: {  	[tilespmem:$0x4A50] =	vst v0  }
0x2c: {  	[tilespmem:$0x4A60] =	vst v0  }
0x2d: {  	[tilespmem:$0x4A70] =	vst v0  }
0x2e: {  	[tilespmem:$0x4A80] =	vst v0  }
0x2f: {  	[tilespmem:$0x4A90] =	vst v0  }
0x30: {  	[tilespmem:$0x4AA0] =	vst v0  }
0x31: {  	[tilespmem:$0x4AB0] =	vst v0  }
0x32: {  	[tilespmem:$0x4AC0] =	vst v0  }
0x33: {  	[tilespmem:$0x4AD0] =	vst v0  }
0x34: {  	[tilespmem:$0x4AE0] =	vst v0  }
0x35: {  	[tilespmem:$0x4AF0] =	vst v0  }
0x36: {  	[tilespmem:$0x4B00] =	vst v0  }
0x37: {  	[tilespmem:$0x4B10] =	vst v0  }
0x38: {  	[tilespmem:$0x4B20] =	vst v0  }
0x39: {  	[tilespmem:$0x4B30] =	vst v0  }
0x3a: {  	[tilespmem:$0x4B40] =	vst v0  }
0x3b: {  	[tilespmem:$0x4B50] =	vst v0  }
0x3c: {  	[tilespmem:$0x4B60] =	vst v0  }
0x3d: {  	[tilespmem:$0x4B70] =	vst v0  }
0x3e: {  	[tilespmem:$0x4B80] =	vst v0  }
0x3f: {  	[tilespmem:$0x4B90] =	vst v0  }
0x40: {  	[tilespmem:$0x4BA0] =	vst v0  }
0x41: {  	[tilespmem:$0x4BB0] =	vst v0  }
0x42: {  	[tilespmem:$0x4BC0] =	vst v0  }
0x43: {  	[tilespmem:$0x4BD0] =	vst v0  }
0x44: {  	[tilespmem:$0x4BE0] =	vst v0  }
0x45: {  	[tilespmem:$0x4BF0] =	vst v0  }
0x46: {  	[tilespmem:$0x4C00] =	vst v0  }
0x47: {  	[tilespmem:$0x4C10] =	vst v0  }
0x48: {  	[tilespmem:$0x4C20] =	vst v0  }
0x49: {  	[tilespmem:$0x4C30] =	vst v0  }
0x4a: {  	[tilespmem:$0x4C40] =	vst v0  }
0x4b: {  	[tilespmem:$0x4C50] =	vst v0  }
0x4c: {  	[tilespmem:$0x4C60] =	vst v0  }
0x4d: {  	[tilespmem:$0x4C70] =	vst v0  }
0x4e: {  	[spmem:s14] =	stream.linear.scatter [tilespmem:s24], [sflag:$0x1], $0x2800, $0x38;
	[tilespmem:$0x18F80] =	vst v63  }
0x4f: {  	_ =	swait.ge [sflag:s25], $0x2800  }
0x50: {  	[sflag:s25] =	ssyncset.done $0x0  }
0x51: {  	[sflag:s25] =	ssyncadd.s32 $0xFFFFD800  }
0x52: {  	[spmem:s17] =	stream.linear.scatter [tilespmem:s24], [sflag:$0x1], $0x2800, $0x38;
	[tilespmem:$0x18F80] =	vst v63  }
0x53: {  	_ =	swait.ge [sflag:s25], $0x2800  }
0x54: {  	[sflag:s25] =	ssyncset.done $0x0  }
0x55: {  	[sflag:s25] =	ssyncadd.s32 $0xFFFFD800  }
0x56: {  	[spmem:s18] =	stream.linear.scatter [tilespmem:s24], [sflag:$0x1], $0x2800, $0x38;
	[tilespmem:$0x18F80] =	vst v63  }
0x57: {  	_ =	swait.ge [sflag:s25], $0x2800  }
0x58: {  	[sflag:s25] =	ssyncset.done $0x0  }
0x59: {  	[sflag:s25] =	ssyncadd.s32 $0xFFFFD800  }
0x5a: {  	[spmem:s19] =	stream.linear.scatter [tilespmem:s24], [sflag:$0x1], $0x2800, $0x38;
	[tilespmem:$0x18F80] =	vst v63  }
0x5b: {  	_ =	swait.ge [sflag:s25], $0x2800  }
0x5c: {  	[sflag:s25] =	ssyncset.done $0x0  }
0x5d: {  	[sflag:s25] =	ssyncadd.s32 $0xFFFFD800  }
0x5e: {  	[spmem:s20] =	stream.linear.scatter [tilespmem:s24], [sflag:$0x1], $0x2800, $0x38;
	[tilespmem:$0x18F80] =	vst v63  }
0x5f: {  	_ =	swait.ge [sflag:s25], $0x2800  }
0x60: {  	[sflag:s25] =	ssyncset.done $0x0  }
0x61: {  	[sflag:s25] =	ssyncadd.s32 $0xFFFFD800  }
0x62: {  	[spmem:s21] =	stream.linear.scatter [tilespmem:s24], [sflag:$0x1], $0x2800, $0x38;
	[tilespmem:$0x18F80] =	vst v63  }
0x63: {  	_ =	swait.ge [sflag:s25], $0x2800  }
0x64: {  	[sflag:s25] =	ssyncset.done $0x0  }
0x65: {  	[sflag:s25] =	ssyncadd.s32 $0xFFFFD800  }
0x66: {  	[spmem:s22] =	stream.linear.scatter [tilespmem:s24], [sflag:$0x1], $0x2800, $0x38;
	[tilespmem:$0x18F80] =	vst v63  }
0x67: {  	_ =	swait.ge [sflag:s25], $0x2800  }
0x68: {  	[sflag:s25] =	ssyncset.done $0x0  }
0x69: {  	[sflag:s25] =	ssyncadd.s32 $0xFFFFD800  }
0x6a: {  	[spmem:s23] =	stream.linear.scatter [tilespmem:s24], [sflag:$0x1], $0x2800, $0x38;
	[tilespmem:$0x18F80] =	vst v63  }
0x6b: {  	_ =	swait.ge [sflag:s25], $0x2800  }
0x6c: {  	[sflag:s25] =	ssyncset.done $0x0  }
0x6d: {  	s28 =	simm.s32 $0x4A00;
	[sflag:s25] =	ssyncadd.s32 $0xFFFFD800  }
0x6e: {  	[spmem:s12] =	stream.linear.scatter [tilespmem:s28], [sflag:$0x1], $0x280, $0x38;
	[tilespmem:$0x18F80] =	vst v63  }
0x6f: {  	_ =	swait.ge [sflag:s25], $0x280  }
0x70: {  	[sflag:s25] =	ssyncset.done $0x0  }
0x71: {  	[sflag:s25] =	ssyncadd.s32 $0xFFFFFD80  }
0x72: {  	[bflag:$0x0] =	sbarrier.arrive $0xFFFF  }
0x73: {  	s0 =	simm.s32 $0x0;
	s10 =	simm.s32 $0x4C80;
	s4 =	rddreg [dreg:$0x5]  }
0x74: {  	[tilespmem:s10], [sflag:$0x1] =	stream.linear.gather [hbm4b:s4+s0], $0x80, $0x38;
	[tilespmem:$0x18F80] =	vst v63  }
0x75: {  	_ =	swait.ge [sflag:s25], $0x80  }
0x76: {  	[sflag:s25] =	ssyncset.done $0x0  }
0x77: {  	[sflag:s25] =	ssyncadd.s32 $0xFFFFFF80  }
0x78: {  	s26 =	simm.s32 $0x0;
	v17 =	vld [tilespmem:$0x4C80]  }
.LBB2_4:
0x79: {  	s4 =	smul.u32 $0x190, s26;
	_ =	sdelay $0x1  }
0x7a: {  	s4 =	sadd.s32 s11, s4  }
0x7b: {  	s4 =	sshrl.u32 s4, $0x3  }
0x7c: {  	s10 =	sadd.s32 s6, s4  }
0x7d: {  	[tilespmem:s0], [sflag:$0x1] =	stream.linear.gather [hbm4b:s10+s0], $0x190, $0x38;
	[tilespmem:$0x18F80] =	vst v63  }
0x7e: {  	_ =	swait.ge [sflag:s25], $0x190  }
0x7f: {  	[sflag:s25] =	ssyncset.done $0x0  }
0x80: {  	s16 =	sadd.s32 s7, s4;
	[sflag:s25] =	ssyncadd.s32 $0xFFFFFE70  }
0x81: {  	[tilespmem:s29], [sflag:$0x1] =	stream.linear.gather [hbm4b:s16+s0], $0x190, $0x38;
	[tilespmem:$0x18F80] =	vst v63  }
0x82: {  	_ =	swait.ge [sflag:s25], $0x190  }
0x83: {  	[sflag:s25] =	ssyncset.done $0x0  }
0x84: {  	s4 =	sadd.s32 s1, s4;
	[sflag:s25] =	ssyncadd.s32 $0xFFFFFE70  }
0x85: {  	[tilespmem:s30], [sflag:$0x1] =	stream.linear.gather [hbm4b:s4+s0], $0x190, $0x38;
	[tilespmem:$0x18F80] =	vst v63  }
0x86: {  	_ =	swait.ge [sflag:s25], $0x190  }
0x87: {  	[sflag:s25] =	ssyncset.done $0x0  }
0x88: {  	s28 =	simm.s32 $0x0;
	[sflag:s25] =	ssyncadd.s32 $0xFFFFFE70  }
.LBB2_5:
0x89: {  	s10 =	smul.u32 $0x50, s28;
	_ =	sdelay $0x1  }
0x8a: {  	v18 =	vld [tilespmem:s10+$0x0]  }
0x8b: {  	v19 =	vld [tilespmem:s10+$0x200]  }
0x8c: {  	v20 =	vld [tilespmem:s10+$0x400];
	_ =	sdelay $0x3  }
0x8d: {  	s4 =	sshll.u32 s28, $0x7;
	v21 =	vshll.u32 v19, $0x4;
	v22 =	vshll.u32 v18, $0x4  }
0x8e: {  	[tilespmem:s4+$0x1200] =	vst v19;
	v21 =	vadd.s32 v20, v21;
	v22 =	vadd.s32 v22, v20;
	v20 =	vmul.u32 $0x2800, v20  }
0x8f: {  	[tilespmem:s4+$0x600] =	vst v21;
	v51 =	vadd.s32 $0x8, v22  }
0x90: {  	[tilespmem:s4+$0xA00] =	vst v51;
	v18 =	vadd.s32 v18, v20  }
0x91: {  	[tilespmem:s4+$0xE00] =	vst v18  }
0x92: {  	v18 =	vld [tilespmem:s10+$0x10]  }
0x93: {  	v19 =	vld [tilespmem:s10+$0x210]  }
0x94: {  	v20 =	vld [tilespmem:s10+$0x410];
	_ =	sdelay $0x3  }
0x95: {  	v52 =	vshll.u32 v19, $0x4;
	v53 =	vshll.u32 v18, $0x4  }
0x96: {  	[tilespmem:s4+$0x1210] =	vst v19;
	v21 =	vadd.s32 v20, v52;
	v22 =	vadd.s32 v53, v20;
	v20 =	vmul.u32 $0x2800, v20  }
0x97: {  	[tilespmem:s4+$0x610] =	vst v21;
	v54 =	vadd.s32 $0x8, v22  }
0x98: {  	[tilespmem:s4+$0xA10] =	vst v54;
	v18 =	vadd.s32 v18, v20  }
0x99: {  	[tilespmem:s4+$0xE10] =	vst v18  }
0x9a: {  	v18 =	vld [tilespmem:s10+$0x20]  }
0x9b: {  	v19 =	vld [tilespmem:s10+$0x220]  }
0x9c: {  	v20 =	vld [tilespmem:s10+$0x420];
	_ =	sdelay $0x3  }
0x9d: {  	v55 =	vshll.u32 v19, $0x4;
	v56 =	vshll.u32 v18, $0x4  }
0x9e: {  	[tilespmem:s4+$0x1220] =	vst v19;
	v21 =	vadd.s32 v20, v55;
	v22 =	vadd.s32 v56, v20;
	v20 =	vmul.u32 $0x2800, v20  }
0x9f: {  	[tilespmem:s4+$0x620] =	vst v21;
	v57 =	vadd.s32 $0x8, v22  }
0xa0: {  	[tilespmem:s4+$0xA20] =	vst v57;
	v18 =	vadd.s32 v18, v20  }
0xa1: {  	[tilespmem:s4+$0xE20] =	vst v18  }
0xa2: {  	v18 =	vld [tilespmem:s10+$0x30]  }
0xa3: {  	v19 =	vld [tilespmem:s10+$0x230]  }
0xa4: {  	v20 =	vld [tilespmem:s10+$0x430];
	_ =	sdelay $0x3  }
0xa5: {  	v58 =	vshll.u32 v19, $0x4;
	v59 =	vshll.u32 v18, $0x4  }
0xa6: {  	[tilespmem:s4+$0x1230] =	vst v19;
	v21 =	vadd.s32 v20, v58;
	v22 =	vadd.s32 v59, v20;
	v20 =	vmul.u32 $0x2800, v20  }
0xa7: {  	[tilespmem:s4+$0x630] =	vst v21;
	v60 =	vadd.s32 $0x8, v22  }
0xa8: {  	[tilespmem:s4+$0xA30] =	vst v60;
	v18 =	vadd.s32 v18, v20  }
0xa9: {  	[tilespmem:s4+$0xE30] =	vst v18  }
0xaa: {  	v18 =	vld [tilespmem:s10+$0x40]  }
0xab: {  	v19 =	vld [tilespmem:s10+$0x240]  }
0xac: {  	v20 =	vld [tilespmem:s10+$0x440];
	_ =	sdelay $0x3  }
0xad: {  	v61 =	vshll.u32 v19, $0x4;
	v62 =	vshll.u32 v18, $0x4  }
0xae: {  	[tilespmem:s4+$0x1240] =	vst v19;
	v21 =	vadd.s32 v20, v61;
	v22 =	vadd.s32 v62, v20;
	v20 =	vmul.u32 $0x2800, v20  }
0xaf: {  	[tilespmem:s4+$0x640] =	vst v21;
	v63 =	vadd.s32 $0x8, v22  }
0xb0: {  	[tilespmem:s4+$0xA40] =	vst v63;
	v18 =	vadd.s32 v18, v20  }
0xb1: {  	s16 =	sadd.s32 $0x600, s4;
	s13 =	sadd.s32 $0x1600, s4;
	[tilespmem:s4+$0xE40] =	vst v18  }
0xb2: {  	[tilespmem:s13], [sflag:$0x1] =	stream.indirect.gather [hbm4b:s9+s31], $0x1, s16, s31, $0xb8;
	[tilespmem:$0x18F80] =	vst v63  }
0xb3: {  	_ =	swait.ge [sflag:s25], $0x50  }
0xb4: {  	[sflag:s25] =	ssyncset.done $0x0  }
0xb5: {  	s15 =	sadd.s32 $0x1A00, s4;
	s13 =	sadd.s32 $0xA00, s4;
	[sflag:s25] =	ssyncadd.s32 $0xFFFFFFB0  }
0xb6: {  	[tilespmem:s15], [sflag:$0x1] =	stream.indirect.gather [hbm4b:s9+s31], $0x1, s13, s31, $0xb8;
	[tilespmem:$0x18F80] =	vst v63  }
0xb7: {  	_ =	swait.ge [sflag:s25], $0x50  }
0xb8: {  	[sflag:s25] =	ssyncset.done $0x0  }
0xb9: {  	s16 =	sadd.s32 $0xE00, s4;
	[sflag:s25] =	ssyncadd.s32 $0xFFFFFFB0  }
0xba: {  	v18 =	vmov s4;
	[tilespmem:s24], [sflag:$0x1] =	stream.indirect.gather [hbm4b:s8+s31], $0x80, s16, s31, $0xb8;
	[tilespmem:$0x18F80] =	vst v63  }
0xbb: {  	_ =	swait.ge [sflag:s25], $0x2800  }
0xbc: {  	[sflag:s25] =	ssyncset.done $0x0  }
0xbd: {  	s10 =	sadd.s32 $0x1200, s4;
	s13 =	simm.s32 $0x0;
	[sflag:s25] =	ssyncadd.s32 $0xFFFFD800  }
.LBB2_6:
0xbe: {  	s15 =	sshll.u32 s13, $0x4  }
0xbf: {  	v19 =	vld.idx.msk [tilespmem:v18+s15+$0x1600 ss:$0x1], $0xffff  }
0xc0: {  	v20 =	vld.idx.msk [tilespmem:v18+s15+$0x1A00 ss:$0x1], $0xffff;
	_ =	sdelay $0x4  }
0xc1: {  	v19 =	vadd.f32 v20, v19;
	_ =	sdelay $0x1  }
0xc2: {  	v20 =	vmul.f32 $2.000000030e-01, v19  }
0xc3: {  	vm0 =	vgt.f32 v19, $0.0e+00  }
0xc4: {  	v19 =	vsel vm0, v19, v20  }
0xc5: {  	v19 =	vsub.f32 v19, v17;
	_ =	sdelay $0x1  }
0xc6: {  	v19 =	vmul.f32 $1.442695020e+00, v19;
	_ =	sdelay $0x1  }
0xc7: {  	(erf) = vpow2.f32 v19;
	_ =	sdelay $0x8  }
0xc8: {  	s16 =	sshll.u32 s13, $0xB;
	v19 =	vpop (erf)  }
0xc9: {  	s16 =	sand.u32 $0x3FFFF800, s16;
	[tilespmem:v18+s15+$0x1E00 ss:$0x1] =	vst.idx.msk $0xffff, v19  }
0xca: {  	v20 =	vld [tilespmem:s16+$0x2200]  }
0xcb: {  	v21 =	vld [tilespmem:s16+$0x2210]  }
0xcc: {  	v22 =	vld [tilespmem:s16+$0x2220]  }
0xcd: {  	v24 =	vld [tilespmem:s16+$0x2230]  }
0xce: {  	v23 =	vperm.xlane v19, v1;
	v25 =	vld [tilespmem:s16+$0x2240]  }
0xcf: {  	v26 =	vld [tilespmem:s16+$0x2250]  }
0xd0: {  	v27 =	vld [tilespmem:s16+$0x2260];
	v20 =	vmul.f32 v23, v20  }
0xd1: {  	v63 =	vld [tilespmem:s16+$0x2270];
	v21 =	vmul.f32 v23, v21  }
0xd2: {  	v33 =	vld [tilespmem:s16+$0x2280];
	[tilespmem:s16+$0x2200] =	vst v20;
	v20 =	vmul.f32 v23, v22  }
0xd3: {  	v34 =	vld [tilespmem:s16+$0x2290];
	v32 =	vmul.f32 v23, v24;
	[tilespmem:s16+$0x2210] =	vst v21  }
0xd4: {  	v36 =	vld [tilespmem:s16+$0x22A0];
	[tilespmem:s16+$0x2220] =	vst v20;
	v20 =	vmul.f32 v23, v25  }
0xd5: {  	v28 =	vld [tilespmem:s16+$0x22B0];
	v35 =	vmul.f32 v23, v26;
	[tilespmem:s16+$0x2230] =	vst v32  }
0xd6: {  	v37 =	vperm.xlane v19, v2;
	v39 =	vld [tilespmem:s16+$0x22C0];
	[tilespmem:s16+$0x2240] =	vst v20;
	v20 =	vmul.f32 v23, v27  }
0xd7: {  	v40 =	vld [tilespmem:s16+$0x22D0];
	v38 =	vmul.f32 v23, v63;
	[tilespmem:s16+$0x2250] =	vst v35  }
0xd8: {  	v42 =	vld [tilespmem:s16+$0x22E0];
	[tilespmem:s16+$0x2260] =	vst v20;
	v20 =	vmul.f32 v37, v33  }
0xd9: {  	v43 =	vld [tilespmem:s16+$0x22F0];
	v41 =	vmul.f32 v37, v34;
	[tilespmem:s16+$0x2270] =	vst v38  }
0xda: {  	v45 =	vld [tilespmem:s16+$0x2300];
	[tilespmem:s16+$0x2280] =	vst v20;
	v20 =	vmul.f32 v37, v36  }
0xdb: {  	v46 =	vld [tilespmem:s16+$0x2310];
	v44 =	vmul.f32 v37, v28;
	[tilespmem:s16+$0x2290] =	vst v41  }
0xdc: {  	v48 =	vld [tilespmem:s16+$0x2320];
	[tilespmem:s16+$0x22A0] =	vst v20;
	v20 =	vmul.f32 v37, v39  }
0xdd: {  	v50 =	vld [tilespmem:s16+$0x2330];
	v47 =	vmul.f32 v37, v40;
	[tilespmem:s16+$0x22B0] =	vst v44  }
0xde: {  	v49 =	vperm.xlane v19, v3;
	v52 =	vld [tilespmem:s16+$0x2340];
	[tilespmem:s16+$0x22C0] =	vst v20;
	v20 =	vmul.f32 v37, v42  }
0xdf: {  	v53 =	vld [tilespmem:s16+$0x2350];
	v51 =	vmul.f32 v37, v43;
	[tilespmem:s16+$0x22D0] =	vst v47  }
0xe0: {  	v55 =	vld [tilespmem:s16+$0x2360];
	[tilespmem:s16+$0x22E0] =	vst v20;
	v20 =	vmul.f32 v49, v45  }
0xe1: {  	v56 =	vld [tilespmem:s16+$0x2370];
	v54 =	vmul.f32 v49, v46;
	[tilespmem:s16+$0x22F0] =	vst v51  }
0xe2: {  	v58 =	vld [tilespmem:s16+$0x2380];
	[tilespmem:s16+$0x2300] =	vst v20;
	v20 =	vmul.f32 v49, v48  }
0xe3: {  	v59 =	vld [tilespmem:s16+$0x2390];
	v57 =	vmul.f32 v49, v50;
	[tilespmem:s16+$0x2310] =	vst v54  }
0xe4: {  	v61 =	vld [tilespmem:s16+$0x23A0];
	[tilespmem:s16+$0x2320] =	vst v20;
	v20 =	vmul.f32 v49, v52  }
0xe5: {  	v60 =	vmul.f32 v49, v53;
	v63 =	vld [tilespmem:s16+$0x23B0];
	[tilespmem:s16+$0x2330] =	vst v57  }
0xe6: {  	v62 =	vperm.xlane v19, v4;
	v34 =	vld [tilespmem:s16+$0x23D0];
	[tilespmem:s16+$0x2340] =	vst v20;
	v20 =	vmul.f32 v49, v55  }
0xe7: {  	[tilespmem:s16+$0x2350] =	vst v60;
	v32 =	vmul.f32 v49, v56;
	v33 =	vld [tilespmem:s16+$0x23C0]  }
0xe8: {  	v40 =	vld [tilespmem:s16+$0x2410];
	[tilespmem:s16+$0x2360] =	vst v20;
	v20 =	vmul.f32 v62, v58  }
0xe9: {  	v35 =	vmul.f32 v62, v59;
	[tilespmem:s16+$0x2370] =	vst v32;
	v36 =	vld [tilespmem:s16+$0x23E0]  }
0xea: {  	v44 =	vld [tilespmem:s16+$0x2430];
	[tilespmem:s16+$0x2380] =	vst v20;
	v20 =	vmul.f32 v62, v61  }
0xeb: {  	[tilespmem:s16+$0x2390] =	vst v35;
	v38 =	vmul.f32 v62, v63;
	v39 =	vld [tilespmem:s16+$0x2400]  }
0xec: {  	v47 =	vld [tilespmem:s16+$0x2450];
	[tilespmem:s16+$0x23A0] =	vst v20;
	v20 =	vmul.f32 v62, v33  }
0xed: {  	v43 =	vperm.xlane v19, v5;
	v41 =	vmul.f32 v62, v34;
	[tilespmem:s16+$0x23B0] =	vst v38;
	v42 =	vld [tilespmem:s16+$0x2420]  }
0xee: {  	v57 =	vld [tilespmem:s16+$0x24B0];
	[tilespmem:s16+$0x23C0] =	vst v20;
	v20 =	vmul.f32 v62, v36  }
0xef: {  	v46 =	vld [tilespmem:s16+$0x2440];
	[tilespmem:s16+$0x23D0] =	vst v41;
	v51 =	vmul.f32 v43, v44  }
0xf0: {  	v60 =	vld [tilespmem:s16+$0x24D0];
	[tilespmem:s16+$0x23E0] =	vst v20;
	v20 =	vmul.f32 v43, v39  }
0xf1: {  	v56 =	vperm.xlane v19, v6;
	v54 =	vmul.f32 v43, v47;
	[tilespmem:s16+$0x2430] =	vst v51;
	v49 =	vld [tilespmem:s16+$0x2460]  }
0xf2: {  	v63 =	vld [tilespmem:s16+$0x24F0];
	[tilespmem:s16+$0x2400] =	vst v20;
	v20 =	vmul.f32 v43, v42  }
0xf3: {  	v31 =	vmul.f32 v56, v57;
	[tilespmem:s16+$0x2450] =	vst v54;
	v52 =	vld [tilespmem:s16+$0x2480]  }
0xf4: {  	v37 =	vld [tilespmem:s16+$0x23F0];
	[tilespmem:s16+$0x2420] =	vst v20;
	v20 =	vmul.f32 v43, v46  }
0xf5: {  	v34 =	vmul.f32 v56, v60;
	[tilespmem:s16+$0x24B0] =	vst v31;
	v55 =	vld [tilespmem:s16+$0x24A0]  }
0xf6: {  	[tilespmem:s16+$0x2440] =	vst v20;
	v20 =	vmul.f32 v43, v49  }
0xf7: {  	v59 =	vld [tilespmem:s16+$0x24C0];
	[tilespmem:s16+$0x24D0] =	vst v34;
	v38 =	vmul.f32 v56, v63  }
0xf8: {  	v50 =	vld [tilespmem:s16+$0x2470];
	[tilespmem:s16+$0x2460] =	vst v20;
	v20 =	vmul.f32 v56, v52  }
0xf9: {  	[tilespmem:s16+$0x24F0] =	vst v38;
	v48 =	vmul.f32 v43, v40;
	v45 =	vmul.f32 v62, v37;
	v62 =	vld [tilespmem:s16+$0x24E0]  }
0xfa: {  	v53 =	vld [tilespmem:s16+$0x2490];
	[tilespmem:s16+$0x2480] =	vst v20;
	v20 =	vmul.f32 v56, v55  }
0xfb: {  	v32 =	vld [tilespmem:s16+$0x2500];
	[tilespmem:s16+$0x2410] =	vst v48  }
0xfc: {  	v37 =	vld [tilespmem:s16+$0x2530];
	[tilespmem:s16+$0x24A0] =	vst v20;
	v20 =	vmul.f32 v56, v59  }
0xfd: {  	v35 =	vld [tilespmem:s16+$0x2520];
	[tilespmem:s16+$0x23F0] =	vst v45;
	v58 =	vmul.f32 v43, v50  }
0xfe: {  	v40 =	vld [tilespmem:s16+$0x2550];
	v36 =	vperm.xlane v19, v7;
	[tilespmem:s16+$0x24C0] =	vst v20;
	v20 =	vmul.f32 v56, v62  }
0xff: {  	[tilespmem:s16+$0x2470] =	vst v58;
	v61 =	vmul.f32 v56, v53;
	v39 =	vld [tilespmem:s16+$0x2540]  }
0x100: {  	v33 =	vld [tilespmem:s16+$0x2510];
	[tilespmem:s16+$0x24E0] =	vst v20;
	v20 =	vmul.f32 v36, v32  }
0x101: {  	[tilespmem:s16+$0x2490] =	vst v61;
	v44 =	vmul.f32 v36, v37;
	v42 =	vld [tilespmem:s16+$0x2560]  }
0x102: {  	v50 =	vld [tilespmem:s16+$0x25B0];
	[tilespmem:s16+$0x2500] =	vst v20;
	v20 =	vmul.f32 v36, v35  }
0x103: {  	v45 =	vld [tilespmem:s16+$0x2580];
	v47 =	vmul.f32 v36, v40;
	[tilespmem:s16+$0x2530] =	vst v44  }
0x104: {  	v53 =	vld [tilespmem:s16+$0x25D0];
	[tilespmem:s16+$0x2520] =	vst v20;
	v20 =	vmul.f32 v36, v39  }
0x105: {  	v48 =	vld [tilespmem:s16+$0x25A0];
	v41 =	vmul.f32 v36, v33;
	[tilespmem:s16+$0x2550] =	vst v47;
	v49 =	vperm.xlane v19, v8  }
0x106: {  	v46 =	vld [tilespmem:s16+$0x2590];
	[tilespmem:s16+$0x2540] =	vst v20;
	v20 =	vmul.f32 v36, v42  }
0x107: {  	[tilespmem:s16+$0x2510] =	vst v41;
	v52 =	vld [tilespmem:s16+$0x25C0];
	v57 =	vmul.f32 v49, v50  }
0x108: {  	v43 =	vld [tilespmem:s16+$0x2570];
	[tilespmem:s16+$0x2560] =	vst v20;
	v20 =	vmul.f32 v49, v45  }
0x109: {  	v60 =	vmul.f32 v49, v53;
	v55 =	vld [tilespmem:s16+$0x25E0];
	[tilespmem:s16+$0x25B0] =	vst v57  }
0x10a: {  	v44 =	vld [tilespmem:s16+$0x26B0];
	[tilespmem:s16+$0x2580] =	vst v20;
	v20 =	vmul.f32 v49, v48  }
0x10b: {  	v58 =	vld [tilespmem:s16+$0x2600];
	v54 =	vmul.f32 v49, v46;
	[tilespmem:s16+$0x25D0] =	vst v60  }
0x10c: {  	v47 =	vld [tilespmem:s16+$0x26D0];
	[tilespmem:s16+$0x25A0] =	vst v20;
	v20 =	vmul.f32 v49, v52  }
0x10d: {  	v61 =	vld [tilespmem:s16+$0x2620];
	v51 =	vmul.f32 v36, v43;
	[tilespmem:s16+$0x2590] =	vst v54;
	v43 =	vperm.xlane v19, v10  }
0x10e: {  	v63 =	vld [tilespmem:s16+$0x2630];
	v62 =	vperm.xlane v19, v9;
	[tilespmem:s16+$0x25C0] =	vst v20;
	v20 =	vmul.f32 v49, v55  }
0x10f: {  	v33 =	vld [tilespmem:s16+$0x2640];
	[tilespmem:s16+$0x2570] =	vst v51;
	v51 =	vmul.f32 v43, v44  }
0x110: {  	v34 =	vld [tilespmem:s16+$0x2650];
	[tilespmem:s16+$0x25E0] =	vst v20;
	v20 =	vmul.f32 v62, v58  }
0x111: {  	v54 =	vmul.f32 v43, v47;
	[tilespmem:s16+$0x26B0] =	vst v51;
	v36 =	vld [tilespmem:s16+$0x2660]  }
0x112: {  	v59 =	vld [tilespmem:s16+$0x2610];
	[tilespmem:s16+$0x2600] =	vst v20;
	v20 =	vmul.f32 v62, v61  }
0x113: {  	[tilespmem:s16+$0x26D0] =	vst v54;
	v38 =	vmul.f32 v62, v63;
	v39 =	vld [tilespmem:s16+$0x2680]  }
0x114: {  	v56 =	vld [tilespmem:s16+$0x25F0];
	[tilespmem:s16+$0x2620] =	vst v20;
	v20 =	vmul.f32 v62, v33  }
0x115: {  	v41 =	vmul.f32 v62, v34;
	[tilespmem:s16+$0x2630] =	vst v38;
	v42 =	vld [tilespmem:s16+$0x26A0]  }
0x116: {  	v57 =	vld [tilespmem:s16+$0x2730];
	[tilespmem:s16+$0x2640] =	vst v20;
	v20 =	vmul.f32 v62, v36  }
0x117: {  	v46 =	vld [tilespmem:s16+$0x26C0];
	v35 =	vmul.f32 v62, v59;
	[tilespmem:s16+$0x2650] =	vst v41  }
0x118: {  	v60 =	vld [tilespmem:s16+$0x2750];
	[tilespmem:s16+$0x2660] =	vst v20;
	v20 =	vmul.f32 v43, v39  }
0x119: {  	v32 =	vmul.f32 v49, v56;
	v56 =	vperm.xlane v19, v11;
	[tilespmem:s16+$0x2610] =	vst v35;
	v49 =	vld [tilespmem:s16+$0x26E0]  }
0x11a: {  	v63 =	vld [tilespmem:s16+$0x2770];
	[tilespmem:s16+$0x2680] =	vst v20;
	v20 =	vmul.f32 v43, v42  }
0x11b: {  	[tilespmem:s16+$0x25F0] =	vst v32;
	v31 =	vmul.f32 v56, v57;
	v52 =	vld [tilespmem:s16+$0x2700]  }
0x11c: {  	v37 =	vld [tilespmem:s16+$0x2670];
	[tilespmem:s16+$0x26A0] =	vst v20;
	v20 =	vmul.f32 v43, v46  }
0x11d: {  	v34 =	vmul.f32 v56, v60;
	[tilespmem:s16+$0x2730] =	vst v31;
	v55 =	vld [tilespmem:s16+$0x2720]  }
0x11e: {  	v40 =	vld [tilespmem:s16+$0x2690];
	[tilespmem:s16+$0x26C0] =	vst v20;
	v20 =	vmul.f32 v43, v49  }
0x11f: {  	v59 =	vld [tilespmem:s16+$0x2740];
	v38 =	vmul.f32 v56, v63;
	[tilespmem:s16+$0x2750] =	vst v34  }
0x120: {  	v50 =	vld [tilespmem:s16+$0x26F0];
	[tilespmem:s16+$0x26E0] =	vst v20;
	v20 =	vmul.f32 v56, v52  }
0x121: {  	[tilespmem:s16+$0x2770] =	vst v38;
	v45 =	vmul.f32 v62, v37;
	v62 =	vld [tilespmem:s16+$0x2760]  }
0x122: {  	v53 =	vld [tilespmem:s16+$0x2710];
	[tilespmem:s16+$0x2700] =	vst v20;
	v20 =	vmul.f32 v56, v55  }
0x123: {  	v32 =	vld [tilespmem:s16+$0x2780];
	[tilespmem:s16+$0x2670] =	vst v45;
	v48 =	vmul.f32 v43, v40  }
0x124: {  	v37 =	vld [tilespmem:s16+$0x27B0];
	[tilespmem:s16+$0x2720] =	vst v20;
	v20 =	vmul.f32 v56, v59  }
0x125: {  	v35 =	vld [tilespmem:s16+$0x27A0];
	[tilespmem:s16+$0x2690] =	vst v48;
	v58 =	vmul.f32 v43, v50  }
0x126: {  	v40 =	vld [tilespmem:s16+$0x27D0];
	v36 =	vperm.xlane v19, v12;
	[tilespmem:s16+$0x2740] =	vst v20;
	v20 =	vmul.f32 v56, v62  }
0x127: {  	[tilespmem:s16+$0x26F0] =	vst v58;
	v61 =	vmul.f32 v56, v53;
	v39 =	vld [tilespmem:s16+$0x27C0]  }
0x128: {  	v33 =	vld [tilespmem:s16+$0x2790];
	[tilespmem:s16+$0x2760] =	vst v20;
	v20 =	vmul.f32 v36, v32  }
0x129: {  	[tilespmem:s16+$0x2710] =	vst v61;
	v44 =	vmul.f32 v36, v37;
	v42 =	vld [tilespmem:s16+$0x27E0]  }
0x12a: {  	v50 =	vld [tilespmem:s16+$0x2830];
	[tilespmem:s16+$0x2780] =	vst v20;
	v20 =	vmul.f32 v36, v35  }
0x12b: {  	v45 =	vld [tilespmem:s16+$0x2800];
	v47 =	vmul.f32 v36, v40;
	[tilespmem:s16+$0x27B0] =	vst v44  }
0x12c: {  	v53 =	vld [tilespmem:s16+$0x2850];
	[tilespmem:s16+$0x27A0] =	vst v20;
	v20 =	vmul.f32 v36, v39  }
0x12d: {  	v48 =	vld [tilespmem:s16+$0x2820];
	v41 =	vmul.f32 v36, v33;
	[tilespmem:s16+$0x27D0] =	vst v47;
	v49 =	vperm.xlane v19, v13  }
0x12e: {  	v46 =	vld [tilespmem:s16+$0x2810];
	[tilespmem:s16+$0x27C0] =	vst v20;
	v20 =	vmul.f32 v36, v42  }
0x12f: {  	[tilespmem:s16+$0x2790] =	vst v41;
	v52 =	vld [tilespmem:s16+$0x2840];
	v57 =	vmul.f32 v49, v50  }
0x130: {  	v43 =	vld [tilespmem:s16+$0x27F0];
	[tilespmem:s16+$0x27E0] =	vst v20;
	v20 =	vmul.f32 v49, v45  }
0x131: {  	v60 =	vmul.f32 v49, v53;
	v55 =	vld [tilespmem:s16+$0x2860];
	[tilespmem:s16+$0x2830] =	vst v57  }
0x132: {  	v63 =	vld [tilespmem:s16+$0x28B0];
	[tilespmem:s16+$0x2800] =	vst v20;
	v20 =	vmul.f32 v49, v48  }
0x133: {  	v58 =	vld [tilespmem:s16+$0x2880];
	v54 =	vmul.f32 v49, v46;
	[tilespmem:s16+$0x2850] =	vst v60  }
0x134: {  	v33 =	vld [tilespmem:s16+$0x28D0];
	[tilespmem:s16+$0x2820] =	vst v20;
	v20 =	vmul.f32 v49, v52  }
0x135: {  	v61 =	vld [tilespmem:s16+$0x28A0];
	v51 =	vmul.f32 v36, v43;
	[tilespmem:s16+$0x2810] =	vst v54;
	v62 =	vperm.xlane v19, v14  }
0x136: {  	v59 =	vld [tilespmem:s16+$0x2890];
	[tilespmem:s16+$0x2840] =	vst v20;
	v20 =	vmul.f32 v49, v55  }
0x137: {  	[tilespmem:s16+$0x27F0] =	vst v51;
	v32 =	vld [tilespmem:s16+$0x28C0];
	v37 =	vmul.f32 v62, v63  }
0x138: {  	v56 =	vld [tilespmem:s16+$0x2870];
	[tilespmem:s16+$0x2860] =	vst v20;
	v20 =	vmul.f32 v62, v58  }
0x139: {  	v40 =	vmul.f32 v62, v33;
	v35 =	vld [tilespmem:s16+$0x28E0];
	[tilespmem:s16+$0x28B0] =	vst v37  }
0x13a: {  	v43 =	vld [tilespmem:s16+$0x2930];
	[tilespmem:s16+$0x2880] =	vst v20;
	v20 =	vmul.f32 v62, v61  }
0x13b: {  	v38 =	vld [tilespmem:s16+$0x2900];
	v34 =	vmul.f32 v62, v59;
	[tilespmem:s16+$0x28D0] =	vst v40  }
0x13c: {  	v46 =	vld [tilespmem:s16+$0x2950];
	[tilespmem:s16+$0x28A0] =	vst v20;
	v20 =	vmul.f32 v62, v32  }
0x13d: {  	v41 =	vld [tilespmem:s16+$0x2920];
	v31 =	vmul.f32 v49, v56;
	[tilespmem:s16+$0x2890] =	vst v34;
	v42 =	vperm.xlane v19, v15  }
0x13e: {  	v39 =	vld [tilespmem:s16+$0x2910];
	[tilespmem:s16+$0x28C0] =	vst v20;
	v20 =	vmul.f32 v62, v35  }
0x13f: {  	[tilespmem:s16+$0x2870] =	vst v31;
	v45 =	vld [tilespmem:s16+$0x2940];
	v50 =	vmul.f32 v42, v43  }
0x140: {  	v36 =	vld [tilespmem:s16+$0x28F0];
	[tilespmem:s16+$0x28E0] =	vst v20;
	v20 =	vmul.f32 v42, v38  }
0x141: {  	v53 =	vmul.f32 v42, v46;
	v48 =	vld [tilespmem:s16+$0x2960];
	[tilespmem:s16+$0x2930] =	vst v50  }
0x142: {  	v52 =	vld [tilespmem:s16+$0x2990];
	[tilespmem:s16+$0x2900] =	vst v20;
	v20 =	vmul.f32 v42, v41  }
0x143: {  	v51 =	vld [tilespmem:s16+$0x2980];
	v47 =	vmul.f32 v42, v39;
	[tilespmem:s16+$0x2950] =	vst v53  }
0x144: {  	v49 =	vld [tilespmem:s16+$0x2970];
	[tilespmem:s16+$0x2920] =	vst v20;
	v20 =	vmul.f32 v42, v45  }
0x145: {  	v54 =	vld [tilespmem:s16+$0x29A0];
	v19 =	vperm.xlane v19, v16;
	v44 =	vmul.f32 v62, v36;
	[tilespmem:s16+$0x2910] =	vst v47  }
0x146: {  	v58 =	vld [tilespmem:s16+$0x29D0];
	[tilespmem:s16+$0x2940] =	vst v20;
	v20 =	vmul.f32 v42, v48  }
0x147: {  	v57 =	vld [tilespmem:s16+$0x29C0];
	[tilespmem:s16+$0x28F0] =	vst v44;
	v59 =	vmul.f32 v19, v52  }
0x148: {  	v55 =	vld [tilespmem:s16+$0x29B0];
	[tilespmem:s16+$0x2960] =	vst v20;
	v20 =	vmul.f32 v19, v51  }
0x149: {  	v60 =	vld [tilespmem:s16+$0x29E0];
	v56 =	vmul.f32 v42, v49;
	[tilespmem:s16+$0x2990] =	vst v59  }
0x14a: {  	v61 =	vld [tilespmem:s16+$0x29F0];
	[tilespmem:s16+$0x2980] =	vst v20;
	v20 =	vmul.f32 v19, v54  }
0x14b: {  	[tilespmem:s16+$0x2970] =	vst v56;
	v63 =	vmul.f32 v19, v58  }
0x14c: {  	p0 =	sne.s32 s13, $0x4;
	[tilespmem:s16+$0x29A0] =	vst v20;
	v20 =	vmul.f32 v19, v57  }
.Ltmp1:
0x14d: {  	v62 =	vmul.f32 v19, v55;
	[tilespmem:s16+$0x29D0] =	vst v63;
	(pc) =	sbr.rel @p0 .LBB2_6-.Ltmp1, $4  }
0x14e: {  	[tilespmem:s16+$0x29C0] =	vst v20;
	v20 =	vmul.f32 v19, v60  }
0x14f: {  	[tilespmem:s16+$0x29B0] =	vst v62;
	v19 =	vmul.f32 v19, v61  }
0x150: {  	[tilespmem:s16+$0x29E0] =	vst v20  }
0x151: {  	s13 =	sadd.s32 $0x1, s13;
	[tilespmem:s16+$0x29F0] =	vst v19  }
0x152: {  	[spmem:s2] =	stream.indirect.scatter.add.f32 [tilespmem:s24], [sflag:$0x1], $0x80, s10, s31, $0xb8;
	[tilespmem:$0x18F80] =	vst v63  }
0x153: {  	s28 =	sadd.s32 $0x1, s28;
	_ =	swait.ge [sflag:s25], $0x2800  }
0x154: {  	p0 =	sne.s32 s28, $0x5;
	[sflag:s25] =	ssyncset.done $0x0  }
.Ltmp2:
0x155: {  	s4 =	sadd.s32 $0x1E00, s4;
	[sflag:s25] =	ssyncadd.s32 $0xFFFFD800;
	(pc) =	sbr.rel @p0 .LBB2_5-.Ltmp2, $4  }
0x156: {  	[spmem:s3] =	stream.indirect.scatter.add.f32 [tilespmem:s4], [sflag:$0x1], $0x1, s10, s31, $0xb8;
	[tilespmem:$0x18F80] =	vst v63  }
0x157: {  	_ =	swait.ge [sflag:s25], $0x50  }
0x158: {  	[sflag:s25] =	ssyncset.done $0x0  }
0x159: {  	[sflag:s25] =	ssyncadd.s32 $0xFFFFFFB0  }
0x15a: {  	s26 =	sadd.s32 $0x1, s26  }
0x15b: {  	p0 =	sne.s32 s26, $0x19  }
.Ltmp3:
0x15c: {  	_ = 	snop;
	(pc) =	sbr.rel @p0 .LBB2_4-.Ltmp3, $1  }
0x15d: {  	_ =	sdelay $0x3  }
0x15e: {  	s0 =	stileid.u32  }
0x15f: {  	[bflag:$0x0] =	sbarrier.arrive $0xFFFF;
	s0 =	sshll.u32 s0, $0x6  }
0x160: {  	s4 =	sshrl.u32 s14, $0x3;
	s10 =	rddreg [dreg:$0x6];
	s0 =	sor.u32 $0x1C01, s0  }
0x161: {  	[hbm:s10], [sflag:s0] =	dma.local [spmem:s4], $0x2800  }
0x162: {  	_ =	swait.ge [sflag:s25], $0x2800  }
0x163: {  	[sflag:s25] =	ssyncset.done $0x0  }
0x164: {  	s16 =	sshrl.u32 s12, $0x3;
	s26 =	rddreg [dreg:$0x7];
	[sflag:s25] =	ssyncadd.s32 $0xFFFFD800  }
0x165: {  	[hbm:s26], [sflag:s0] =	dma.local [spmem:s16], $0x50  }
0x166: {  	_ =	swait.ge [sflag:s25], $0x50  }
0x167: {  	s5 =	sadd.s32 $0x1, s5;
	s28 =	rddreg [dreg:$0x8]  }
0x168: {  	p0 =	sne.s32 s5, s28  }
.Ltmp4:
0x169: {  	_ = 	snop;
	(pc) =	sbr.rel @p0 .LBB2_1-.Ltmp4, $3  }
0x16a: {  	_ =	sdelay $0x1  }
0x16b: {  	[sflag:s25] =	ssyncset.done $0x0  }
0x16c: {  	[sflag:s25] =	ssyncadd.s32 $0xFFFFFFB0  }
0x16d: {  	_ =	sfence.sel $0x180000  }
0x16e: {  	[bflag:$0x0] =	sbarrier.arrive $0xFFFF  }
0x16f: {  	_ =	strace $0x90000047  }
0x170: {  	s0 =	stileid.u32;
	[bflag:$0x2] =	sbarrier.arrive $0xFFFF  }
0x171: {  	p0 =	sne.s32 s0, $0x0;
	s0 =	rddreg [dreg:$0x4]  }
0x172: {  	s0 =	sadd.s32 @!p0 $0x100000, s0  }
0x173: {  	[sflag:s0] =	ssyncadd.tile.s32 @!p0 $0x1;
	_ =	shalt  }
.Lfunc_end2:
_tile_overlayer_lowered:
.L_overlay_start_2:
0x174: {  	(tag) =	ssettag $0x2  }
0x175: {  	s0 =	rddreg [dreg:$0x0];
	s2 =	stileid.u32  }
0x176: {  	s1 =	rddreg [dreg:$0x1];
	p0 =	sne.s32 s2, $0x0  }
0x177: {  	s3 =	rddreg [dreg:$0x2];
	[bflag:$0x3] =	sbarrier.arrive $0xFFFF;
	s2 =	simm.s32 @!p0 $0x1C01  }
0x178: {  	[timem:s3], [sflag:s2] =	dma.local @!p0 [hbm:s0], s1  }
0x179: {  	s0 =	simm.s32 @!p0 $0x1  }
0x17a: {  	_ =	swait.ge @!p0 [sflag:s0], s1  }
0x17b: {  	s1 =	ssub.s32 @!p0 $0x0, s1;
	[sflag:s0] =	ssyncset.done @!p0 $0x0  }
0x17c: {  	[sflag:s0] =	ssyncadd.s32 @!p0 s1  }
0x17d: {  	[bflag:$0x3] =	sbarrier.arrive $0xFFFF  }
0x17e: {  	_ =	shalt  }

// kernel: kernel.13.cloned.1.call-start
scs
__scs_entry_jumppad:
0x0: {  	(pc) =	sbr.rel $0x88, $3  }
0x1: {  	(tag) =	ssettag $0x0;
	lr =	simm.s32 $0x1  }
0x2: {  	[smem:$0x3F92] =	sst lr;
	_ =	strace $0xD0000000  }
0x3: {  	_ = 	snop  }
0x4: {  	_ = 	snop  }
0x5: {  	_ = 	snop  }
0x6: {  	_ = 	snop  }
0x7: {  	_ = 	snop  }
__scs_overlays_trampoline_lowered:
0x8: {  	[smem:$0x3FA1] =	sst s0  }
0x9: {  	[smem:$0x3FA2] =	sst s1  }
0xa: {  	[smem:$0x3FA3] =	sst s2  }
0xb: {  	[smem:$0x3FA4] =	sst s3  }
0xc: {  	[smem:$0x3FA5] =	sst s4  }
0xd: {  	[smem:$0x3FA6] =	sst s5  }
0xe: {  	[smem:$0x3FA7] =	sst s6  }
0xf: {  	[smem:$0x3FA8] =	sst s7  }
0x10: {  	[smem:$0x3FA9] =	sst s8  }
0x11: {  	[smem:$0x3FAA] =	sst s9;
	s0 =	simm.s32 @!p0 $0x0  }
0x12: {  	s1 =	sld [smem:$0x3F90];
	s0 =	simm.s32 @p0 $0x1  }
0x13: {  	[smem:$0x3FAB] =	sst s0;
	s0 =	simm.s32 @!p1 $0x0  }
0x14: {  	s2 =	sld [smem:$0x3F8F];
	s0 =	simm.s32 @p1 $0x1  }
0x15: {  	[smem:$0x3FAC] =	sst s0;
	s0 =	simm.s32 @!p2 $0x0  }
0x16: {  	s3 =	sld [smem:$0x3FDB];
	s0 =	simm.s32 @p2 $0x1  }
0x17: {  	s4 =	simm.s32 $0x1BF5;
	[smem:$0x3FAE] =	sst s0  }
0x18: {  	s0 =	sld [smem:$0x3F91];
	_ =	swait.ge [sflag:s4], $0x0  }
0x19: {  	s7 =	sld [smem:$0x3F92]  }
0x1a: {  	s8 =	sadd.s32 $0xFFFFE003, lr  }
0x1b: {  	s9 =	sadd.s32 $0xFFFFFEF7, lr;
	s5 =	simm.s32 $0xFFFFFFFF;
	p2 =	slt.u32 s8, $0xFFFFF086  }
0x1c: {  	p1 =	slt.u32 s9, $0xF7A;
	s5 =	simm.s32 @!p2 $0x0  }
0x1d: {  	s5 =	simm.s32 @p1 $0x1;
	p0 =	seq.s32 s7, s2  }
0x1e: {  	s7 =	smul.u32 @!p0 $0xF7A, s2;
	p2 =	seq.s32 @!p0 s5, $0x0  }
0x1f: {  	s9 =	smul.u32 $0xF7A, s1;
	s8 =	simm.s32 @!p0 $0x1BF5;
	p2 =	por !p2, p0  }
0x20: {  	[sflag:s8] =	ssyncset.s32 @!p0 $0xFFFFF086;
	s6 =	sadd.s32 @!p0 s3, s7;
	s7 =	simm.s32 @!p0 $0x108  }
0x21: {  	s3 =	sadd.s32 s3, s9;
	s6 =	sadd.s32 @!p0 $0x88, s6;
	s7 =	simm.s32 @p2 $0x1082  }
0x22: {  	[simem:s7], [sflag:s8] =	dma.local @!p0 [hbm:s6], $0xF7A  }
0x23: {  	s9 =	sor.u32 $0xD0000000, s2;
	s6 =	simm.s32 $0x108;
	_ =	swait.ge @!p0 [sflag:s8], $0x0  }
0x24: {  	s3 =	sadd.s32 $0x88, s3;
	s6 =	simm.s32 @!p1 $0x1082;
	[sflag:s4] =	ssyncset.s32 $0xFFFFF086  }
0x25: {  	[simem:s6], [sflag:s4] =	dma.local [hbm:s3], $0xF7A  }
0x26: {  	[smem:$0x3F92] =	sst s1;
	(tag) =	ssettag s2;
	_ =	strace s9  }
0x27: {  	s1 =	sld [smem:$0x3FA2]  }
0x28: {  	s2 =	sld [smem:$0x3FA3]  }
0x29: {  	s4 =	sld [smem:$0x3FA5]  }
0x2a: {  	p0 =	seq.s32 s5, $0x0;
	s5 =	sld [smem:$0x3FA6]  }
0x2b: {  	s6 =	sld [smem:$0x3FA7]  }
0x2c: {  	s7 =	sld [smem:$0x3FA8]  }
0x2d: {  	s3 =	simm.s32 $0x108;
	s8 =	sld [smem:$0x3FA9]  }
0x2e: {  	s3 =	simm.s32 @!p0 $0x1082;
	s9 =	sld [smem:$0x3FAA]  }
0x2f: {  	lr =	sadd.s32 s0, s3;
	s0 =	sld [smem:$0x3FA1]  }
0x30: {  	s3 =	sld [smem:$0x3FA4]  }
0x31: {  	[smem:$0x3FAD] =	sst s10  }
0x32: {  	s10 =	sld [smem:$0x3FAB];
	_ =	sdelay $0x3  }
0x33: {  	p0 =	seq.s32 s10, $0x1;
	s10 =	sld [smem:$0x3FAD];
	_ =	sdelay $0x3  }
0x34: {  	[smem:$0x3FAD] =	sst s10  }
0x35: {  	s10 =	sld [smem:$0x3FAC];
	_ =	sdelay $0x3  }
0x36: {  	p1 =	seq.s32 s10, $0x1;
	s10 =	sld [smem:$0x3FAD];
	_ =	sdelay $0x3  }
0x37: {  	[smem:$0x3FAD] =	sst s10  }
0x38: {  	s10 =	sld [smem:$0x3FAE]  }
0x39: {  	_ = 	snop;
	(pc) =	sbr.ind lr, $3  }
0x3a: {  	_ = 	snop  }
0x3b: {  	_ = 	snop  }
0x3c: {  	p2 =	seq.s32 s10, $0x1;
	s10 =	sld [smem:$0x3FAD]  }
0x3d: {  	_ =	shalt  }
0x3e: {  	_ =	shalt  }
0x3f: {  	_ =	shalt  }
0x40: {  	_ =	shalt  }
0x41: {  	_ =	shalt  }
0x42: {  	_ =	shalt  }
0x43: {  	_ =	shalt  }
0x44: {  	_ =	shalt  }
0x45: {  	_ =	shalt  }
0x46: {  	_ =	shalt  }
0x47: {  	_ =	shalt  }
0x48: {  	_ =	shalt  }
0x49: {  	_ =	shalt  }
0x4a: {  	_ =	shalt  }
0x4b: {  	_ =	shalt  }
0x4c: {  	_ =	shalt  }
0x4d: {  	_ =	shalt  }
0x4e: {  	_ =	shalt  }
0x4f: {  	_ =	shalt  }
0x50: {  	_ =	shalt  }
0x51: {  	_ =	shalt  }
0x52: {  	_ =	shalt  }
0x53: {  	_ =	shalt  }
0x54: {  	_ =	shalt  }
0x55: {  	_ =	shalt  }
0x56: {  	_ =	shalt  }
0x57: {  	_ =	shalt  }
0x58: {  	_ =	shalt  }
0x59: {  	_ =	shalt  }
0x5a: {  	_ =	shalt  }
0x5b: {  	_ =	shalt  }
0x5c: {  	_ =	shalt  }
0x5d: {  	_ =	shalt  }
0x5e: {  	_ =	shalt  }
0x5f: {  	_ =	shalt  }
0x60: {  	_ =	shalt  }
0x61: {  	_ =	shalt  }
0x62: {  	_ =	shalt  }
0x63: {  	_ =	shalt  }
0x64: {  	_ =	shalt  }
0x65: {  	_ =	shalt  }
0x66: {  	_ =	shalt  }
0x67: {  	_ =	shalt  }
0x68: {  	_ =	shalt  }
0x69: {  	_ =	shalt  }
0x6a: {  	_ =	shalt  }
0x6b: {  	_ =	shalt  }
0x6c: {  	_ =	shalt  }
0x6d: {  	_ =	shalt  }
0x6e: {  	_ =	shalt  }
0x6f: {  	_ =	shalt  }
0x70: {  	_ =	shalt  }
0x71: {  	_ =	shalt  }
0x72: {  	_ =	shalt  }
0x73: {  	_ =	shalt  }
0x74: {  	_ =	shalt  }
0x75: {  	_ =	shalt  }
0x76: {  	_ =	shalt  }
0x77: {  	_ =	shalt  }
0x78: {  	_ =	shalt  }
0x79: {  	_ =	shalt  }
0x7a: {  	_ =	shalt  }
0x7b: {  	_ =	shalt  }
0x7c: {  	_ =	shalt  }
0x7d: {  	_ =	shalt  }
0x7e: {  	_ =	shalt  }
0x7f: {  	_ =	shalt  }
0x80: {  	_ =	shalt  }
0x81: {  	_ =	shalt  }
0x82: {  	_ =	shalt  }
0x83: {  	_ =	shalt  }
0x84: {  	_ =	shalt  }
0x85: {  	_ =	shalt  }
0x86: {  	_ =	shalt  }
0x87: {  	_ =	shalt  }
.Lfunc_end0:
.L_simem_size_0:
called_computation.1_lowered:
.L_overlay_start_0:
0x88: {  	s2 =	sld [smem:$0x3FD9]  }
0x89: {  	s3 =	sld [smem:$0x3FFE];
	_ =	sdelay $0x1  }
0x8a: {  	s1 =	srdreg.scid  }
0x8b: {  	s0 =	sand.u32 $0x1, s1  }
0x8c: {  	s17 =	sshll.u32 s0, $0xA;
	s2 =	sadd.s32 s3, s2  }
0x8d: {  	s2 =	sadd.s32 s2, s17  }
0x8e: {  	[smem:$0x3FB9] =	sst s2  }
0x8f: {  	_ = 	snop  }
0x90: {  	s2 =	sld [smem:$0x3FC7];
	(tm) =	ssettm $0x1  }
0x91: {  	s18 =	sld [smem:$0x3FFB];
	_ =	sdelay $0x3  }
0x92: {  	_ =	strace s18  }
0x93: {  	s3 =	sld [smem:$0x3FFC];
	_ =	sdelay $0x3  }
0x94: {  	_ =	strace s3  }
0x95: {  	s3 =	sld [smem:$0x3FFD];
	_ =	sdelay $0x3  }
0x96: {  	_ =	strace s3  }
0x97: {  	_ =	strace $0x8FFFFFFF  }
0x98: {  	s19 =	sld [smem:$0x3FDB];
	_ =	sdelay $0x1  }
0x99: {  	s4 =	simm.s32 $_scs_section_size  }
0x9a: {  	s5 =	simm.s32 $_size__tile_overlayer_lowered;
	s6 =	simm.s32 $_tile_overlayer_lowered  }
0x9b: {  	s22 =	simm.s32 $0x1BFF;
	s21 =	sshll.u32 s6, $0x1;
	s3 =	sadd.s32 s4, s19  }
0x9c: {  	s7 =	simm.s32 $0x0;
	s20 =	sshll.u32 s5, $0x1;
	s5 =	sadd.s32 s21, s3  }
0x9d: {  	[timem:s7], [sflag:s22] =	dma.local [hbm:s5], s20  }
0x9e: {  	_ =	swait.ge [sflag:s22], s20  }
0x9f: {  	s4 =	ssub.s32 $0x0, s20;
	[sflag:s22] =	ssyncset.done $0x0  }
0xa0: {  	[sflag:s22] =	ssyncadd.s32 s4;
	_ =	sdelay $0x1  }
0xa1: {  	s23 =	simm.s32 $0x1B8B  }
0xa2: {  	_ =	swait.ge [sflag:s23], $0x1  }
0xa3: {  	[sflag:s23] =	ssyncset.done $0x0  }
0xa4: {  	s25 =	simm.s32 $0x1B8E;
	s24 =	sld [smem:$0x3FFE];
	[sflag:s23] =	ssyncadd.s32 $0xFFFFFFFF  }
0xa5: {  	s26 =	simm.s32 $execute0_lowered;
	[smem:$0x3FD2] =	sst s25  }
0xa6: {  	s5 =	sshll.u32 s26, $0x1;
	_ =	strace $0x80000049;
	[dreg:$0x1] =	wrdreg $0xFFFFFFFF  }
0xa7: {  	s28 =	simm.s32 $_size_execute0_lowered;
	s3 =	sadd.s32 s3, s5;
	[dreg:$0x0] =	wrdreg $0x0  }
0xa8: {  	s5 =	sshll.u32 s28, $0x1;
	[dreg:$0x2] =	wrdreg s3  }
0xa9: {  	[dreg:$0x3] =	wrdreg s5  }
0xaa: {  	[dreg:$0x4] =	wrdreg $0xC0  }
0xab: {  	_ =	task [dreg:s7], $0x5FFFF  }
0xac: {  	[dreg:$0x1] =	wrdreg $0xFFFFFFFF  }
0xad: {  	[dreg:$0x0] =	wrdreg $0x60  }
0xae: {  	[dreg:$0x2] =	wrdreg s24  }
0xaf: {  	[dreg:$0x3] =	wrdreg s2  }
0xb0: {  	[dreg:$0x4] =	wrdreg $0x4D000  }
0xb1: {  	[dreg:$0x5] =	wrdreg $0x18D000  }
0xb2: {  	[dreg:$0x6] =	wrdreg $0x9  }
0xb3: {  	_ =	task.clear_ibuf [dreg:s7], $0x7FFFF;
	_ =	strace $0x90000049  }
0xb4: {  	s29 =	simm.s32 $0x9;
	_ =	strace $0x8000004B  }
0xb5: {  	_ =	swait.ge [sflag:s29], $0x1  }
0xb6: {  	[sflag:s29] =	ssyncadd.s32 $0xFFFFFFFF  }
0xb7: {  	_ =	strace $0x9000004B  }
0xb8: {  	_ =	sfence  }
0xb9: {  	s30 =	sld [smem:$0x0];
	_ =	sdelay $0x2  }
0xba: {  	s31 =	sshll.u32 s1, $0xD;
	s1 =	sshrl.u32 s1, $0x2  }
0xbb: {  	s3 =	sand.u32 $0x4000, s31;
	s1 =	sadd.s32 s1, s30  }
0xbc: {  	s0 =	sor.u32 s3, s0;
	s1 =	sshll.u32 s1, $0x11  }
0xbd: {  	s0 =	sor.u32 s1, s0  }
0xbe: {  	s0 =	sadd.s32 $0x8F2B, s0  }
0xbf: {  	[sflag:s0] =	ssyncadd.remote.s32 $0x1  }
0xc0: {  	_ =	sfence.sel $0xFFFF  }
0xc1: {  	[dreg:$0x0] =	wrdreg $0xFFFFFFFF;
	(pc) =	sbr.abs _section_cstart, $3  }
0xc2: {  	[dreg:$0x1] =	wrdreg $0xFFFFFFFF  }
0xc3: {  	_ =	task.clear_ibuf [dreg:s7], $0x2FFFF;
	_ =	strace $0x9FFFFFFF  }
0xc4: {  	(tm) =	ssettm $0x7FFFFFFF  }
0xc5: {  	_ =	shalt  }
tec
execute0_lowered:
.L_overlay_start_1:
0x0: {  	(tag) =	ssettag $0x1  }
0x1: {  	s0 =	rddreg [dreg:$0x0]  }
0x2: {  	s1 =	rddreg [dreg:$0x1]  }
0x3: {  	s2 =	rddreg [dreg:$0x2]  }
0x4: {  	s3 =	rddreg [dreg:$0x3];
	s5 =	simm.s32 $0x0;
	s4 =	srdreg.scid  }
0x5: {  	s16 =	stileid.u32;
	s29 =	simm.s32 $0x200;
	s30 =	simm.s32 $0x400  }
0x6: {  	s31 =	simm.s32 $0x50;
	[smem:$0x7FF] =	sst s5;
	s11 =	smul.u32 $0x14000, s16  }
0x7: {  	s4 =	sand.u32 $0x1, s4;
	s6 =	sadd.s32 $0x151200, s0;
	s12 =	smul.u32 $0x280, s16  }
0x8: {  	s7 =	sadd.s32 $0x147400, s0;
	s15 =	sshll.u32 s16, $0x1;
	s16 =	smul.u32 $0x50000, s16  }
0x9: {  	s8 =	sadd.s32 $0x2400, s0;
	s9 =	sadd.s32 $0x142400, s0;
	s10 =	smul.u32 $0x140000, s4  }
0xa: {  	s23 =	sadd.s32 $0x15B000, s0;
	_ =	strace $0x8000004A;
	s13 =	smul.u32 $0x2800, s4  }
0xb: {  	[dreg:$0x5] =	wrdreg s23;
	s25 =	ssub.s32 $0x2, s4;
	s4 =	sor.u32 s4, s15  }
0xc: {  	s14 =	sshrl.u32 s25, $0x1;
	s26 =	sshrl.u32 s16, $0x2;
	s10 =	sadd.s32 s11, s10  }
0xd: {  	s24 =	sadd.s32 s12, s13;
	s13 =	ssub.s32 s25, s14;
	s12 =	sadd.s32 s12, s3  }
0xe: {  	s14 =	sadd.s32 s26, s2;
	s25 =	simm.s32 $0x1;
	s10 =	sshrl.u32 s10, $0x3  }
0xf: {  	v0 =	vimm.f32 $0.0e+00;
	v1 =	vimm.s32 $0x0;
	s11 =	sshrl.u32 s24, $0x3;
	s28 =	smax.u32 s13, $0x1;
	s17 =	sadd.s32 $0x2800, s14  }
0x10: {  	v2 =	vimm.s32 $0x1;
	v3 =	vimm.s32 $0x2;
	v4 =	vimm.s32 $0x3;
	s18 =	sadd.s32 $0x5000, s14;
	s19 =	sadd.s32 $0x7800, s14;
	s20 =	sadd.s32 $0xA000, s14  }
0x11: {  	v5 =	vimm.s32 $0x4;
	v6 =	vimm.s32 $0x5;
	v7 =	vimm.s32 $0x6;
	s21 =	sadd.s32 $0xC800, s14;
	s22 =	sadd.s32 $0xF000, s14;
	s10 =	sadd.s32 s10, s0  }
0x12: {  	v8 =	vimm.s32 $0x7;
	v9 =	vimm.s32 $0x8;
	v10 =	vimm.s32 $0x9;
	s0 =	sadd.s32 s11, s0;
	[dreg:$0x8] =	wrdreg s28;
	s10 =	sadd.s32 $0x15BC00, s10  }
0x13: {  	v11 =	vimm.s32 $0xA;
	v12 =	vimm.s32 $0xB;
	v13 =	vimm.s32 $0xC;
	s23 =	sadd.s32 $0x11800, s14;
	s0 =	sadd.s32 $0x15B200, s0;
	[dreg:$0x6] =	wrdreg s10  }
0x14: {  	v14 =	vimm.s32 $0xD;
	v15 =	vimm.s32 $0xE;
	v16 =	vimm.s32 $0xF;
	s24 =	simm.s32 $0x2200;
	s11 =	smul.u32 $0x2710, s4;
	[dreg:$0x7] =	wrdreg s0  }
.LBB2_1:
0x15: {  	s0 =	simm.s32 $0x0;
	s4 =	simm.s32 $0x200  }
.LBB2_2:
0x16: {  	p0 =	sne.s32 s4, $0x9E00;
	[tilespmem:s0+$0x2270] =	vst v0  }
0x17: {  	[tilespmem:s0+$0x2200] =	vst v0  }
0x18: {  	[tilespmem:s0+$0x2210] =	vst v0  }
.Ltmp0:
0x19: {  	[tilespmem:s0+$0x2220] =	vst v0;
	(pc) =	sbr.rel @p0 .LBB2_2-.Ltmp0, $4  }
0x1a: {  	[tilespmem:s0+$0x2230] =	vst v0  }
0x1b: {  	[tilespmem:s0+$0x2240] =	vst v0  }
0x1c: {  	[tilespmem:s0+$0x2250] =	vst v0  }
0x1d: {  	[tilespmem:s0+$0x2260] =	vst v0;
	s0 =	sshra.s32 s4, $0x2;
	s4 =	sadd.s32 $0x200, s4  }
0x1e: {  	[tilespmem:s0+$0x2270] =	vst v0  }
0x1f: {  	[tilespmem:s0+$0x2200] =	vst v0  }
0x20: {  	[tilespmem:s0+$0x2210] =	vst v0  }
0x21: {  	[tilespmem:s0+$0x2220] =	vst v0  }
0x22: {  	[tilespmem:s0+$0x2230] =	vst v0  }
0x23: {  	[tilespmem:s0+$0x2240] =	vst v0  }
0x24: {  	[tilespmem:s0+$0x2250] =	vst v0  }
0x25: {  	[tilespmem:s0+$0x2260] =	vst v0  }
0x26: {  	[tilespmem:$0x4A00] =	vst v0  }
0x27: {  	[tilespmem:$0x4A10] =	vst v0  }
0x28: {  	[tilespmem:$0x4A20] =	vst v0  }
0x29: {  	[tilespmem:$0x4A30] =	vst v0  }
0x2a: {  	[tilespmem:$0x4A40] =	vst v0  }
0x2b: {  	[tilespmem:$0x4A50] =	vst v0  }
0x2c: {  	[tilespmem:$0x4A60] =	vst v0  }
0x2d: {  	[tilespmem:$0x4A70] =	vst v0  }
0x2e: {  	[tilespmem:$0x4A80] =	vst v0  }
0x2f: {  	[tilespmem:$0x4A90] =	vst v0  }
0x30: {  	[tilespmem:$0x4AA0] =	vst v0  }
0x31: {  	[tilespmem:$0x4AB0] =	vst v0  }
0x32: {  	[tilespmem:$0x4AC0] =	vst v0  }
0x33: {  	[tilespmem:$0x4AD0] =	vst v0  }
0x34: {  	[tilespmem:$0x4AE0] =	vst v0  }
0x35: {  	[tilespmem:$0x4AF0] =	vst v0  }
0x36: {  	[tilespmem:$0x4B00] =	vst v0  }
0x37: {  	[tilespmem:$0x4B10] =	vst v0  }
0x38: {  	[tilespmem:$0x4B20] =	vst v0  }
0x39: {  	[tilespmem:$0x4B30] =	vst v0  }
0x3a: {  	[tilespmem:$0x4B40] =	vst v0  }
0x3b: {  	[tilespmem:$0x4B50] =	vst v0  }
0x3c: {  	[tilespmem:$0x4B60] =	vst v0  }
0x3d: {  	[tilespmem:$0x4B70] =	vst v0  }
0x3e: {  	[tilespmem:$0x4B80] =	vst v0  }
0x3f: {  	[tilespmem:$0x4B90] =	vst v0  }
0x40: {  	[tilespmem:$0x4BA0] =	vst v0  }
0x41: {  	[tilespmem:$0x4BB0] =	vst v0  }
0x42: {  	[tilespmem:$0x4BC0] =	vst v0  }
0x43: {  	[tilespmem:$0x4BD0] =	vst v0  }
0x44: {  	[tilespmem:$0x4BE0] =	vst v0  }
0x45: {  	[tilespmem:$0x4BF0] =	vst v0  }
0x46: {  	[tilespmem:$0x4C00] =	vst v0  }
0x47: {  	[tilespmem:$0x4C10] =	vst v0  }
0x48: {  	[tilespmem:$0x4C20] =	vst v0  }
0x49: {  	[tilespmem:$0x4C30] =	vst v0  }
0x4a: {  	[tilespmem:$0x4C40] =	vst v0  }
0x4b: {  	[tilespmem:$0x4C50] =	vst v0  }
0x4c: {  	[tilespmem:$0x4C60] =	vst v0  }
0x4d: {  	[tilespmem:$0x4C70] =	vst v0  }
0x4e: {  	[spmem:s14] =	stream.linear.scatter [tilespmem:s24], [sflag:$0x1], $0x2800, $0x38;
	[tilespmem:$0x18F80] =	vst v63  }
0x4f: {  	_ =	swait.ge [sflag:s25], $0x2800  }
0x50: {  	[sflag:s25] =	ssyncset.done $0x0  }
0x51: {  	[sflag:s25] =	ssyncadd.s32 $0xFFFFD800  }
0x52: {  	[spmem:s17] =	stream.linear.scatter [tilespmem:s24], [sflag:$0x1], $0x2800, $0x38;
	[tilespmem:$0x18F80] =	vst v63  }
0x53: {  	_ =	swait.ge [sflag:s25], $0x2800  }
0x54: {  	[sflag:s25] =	ssyncset.done $0x0  }
0x55: {  	[sflag:s25] =	ssyncadd.s32 $0xFFFFD800  }
0x56: {  	[spmem:s18] =	stream.linear.scatter [tilespmem:s24], [sflag:$0x1], $0x2800, $0x38;
	[tilespmem:$0x18F80] =	vst v63  }
0x57: {  	_ =	swait.ge [sflag:s25], $0x2800  }
0x58: {  	[sflag:s25] =	ssyncset.done $0x0  }
0x59: {  	[sflag:s25] =	ssyncadd.s32 $0xFFFFD800  }
0x5a: {  	[spmem:s19] =	stream.linear.scatter [tilespmem:s24], [sflag:$0x1], $0x2800, $0x38;
	[tilespmem:$0x18F80] =	vst v63  }
0x5b: {  	_ =	swait.ge [sflag:s25], $0x2800  }
0x5c: {  	[sflag:s25] =	ssyncset.done $0x0  }
0x5d: {  	[sflag:s25] =	ssyncadd.s32 $0xFFFFD800  }
0x5e: {  	[spmem:s20] =	stream.linear.scatter [tilespmem:s24], [sflag:$0x1], $0x2800, $0x38;
	[tilespmem:$0x18F80] =	vst v63  }
0x5f: {  	_ =	swait.ge [sflag:s25], $0x2800  }
0x60: {  	[sflag:s25] =	ssyncset.done $0x0  }
0x61: {  	[sflag:s25] =	ssyncadd.s32 $0xFFFFD800  }
0x62: {  	[spmem:s21] =	stream.linear.scatter [tilespmem:s24], [sflag:$0x1], $0x2800, $0x38;
	[tilespmem:$0x18F80] =	vst v63  }
0x63: {  	_ =	swait.ge [sflag:s25], $0x2800  }
0x64: {  	[sflag:s25] =	ssyncset.done $0x0  }
0x65: {  	[sflag:s25] =	ssyncadd.s32 $0xFFFFD800  }
0x66: {  	[spmem:s22] =	stream.linear.scatter [tilespmem:s24], [sflag:$0x1], $0x2800, $0x38;
	[tilespmem:$0x18F80] =	vst v63  }
0x67: {  	_ =	swait.ge [sflag:s25], $0x2800  }
0x68: {  	[sflag:s25] =	ssyncset.done $0x0  }
0x69: {  	[sflag:s25] =	ssyncadd.s32 $0xFFFFD800  }
0x6a: {  	[spmem:s23] =	stream.linear.scatter [tilespmem:s24], [sflag:$0x1], $0x2800, $0x38;
	[tilespmem:$0x18F80] =	vst v63  }
0x6b: {  	_ =	swait.ge [sflag:s25], $0x2800  }
0x6c: {  	[sflag:s25] =	ssyncset.done $0x0  }
0x6d: {  	s28 =	simm.s32 $0x4A00;
	[sflag:s25] =	ssyncadd.s32 $0xFFFFD800  }
0x6e: {  	[spmem:s12] =	stream.linear.scatter [tilespmem:s28], [sflag:$0x1], $0x280, $0x38;
	[tilespmem:$0x18F80] =	vst v63  }
0x6f: {  	_ =	swait.ge [sflag:s25], $0x280  }
0x70: {  	[sflag:s25] =	ssyncset.done $0x0  }
0x71: {  	[sflag:s25] =	ssyncadd.s32 $0xFFFFFD80  }
0x72: {  	[bflag:$0x0] =	sbarrier.arrive $0xFFFF  }
0x73: {  	s0 =	simm.s32 $0x0;
	s10 =	simm.s32 $0x4C80;
	s4 =	rddreg [dreg:$0x5]  }
0x74: {  	[tilespmem:s10], [sflag:$0x1] =	stream.linear.gather [hbm4b:s4+s0], $0x80, $0x38;
	[tilespmem:$0x18F80] =	vst v63  }
0x75: {  	_ =	swait.ge [sflag:s25], $0x80  }
0x76: {  	[sflag:s25] =	ssyncset.done $0x0  }
0x77: {  	[sflag:s25] =	ssyncadd.s32 $0xFFFFFF80  }
0x78: {  	s26 =	simm.s32 $0x0;
	v17 =	vld [tilespmem:$0x4C80]  }
.LBB2_4:
0x79: {  	s4 =	smul.u32 $0x190, s26;
	_ =	sdelay $0x1  }
0x7a: {  	s4 =	sadd.s32 s11, s4  }
0x7b: {  	s4 =	sshrl.u32 s4, $0x3  }
0x7c: {  	s10 =	sadd.s32 s6, s4  }
0x7d: {  	[tilespmem:s0], [sflag:$0x1] =	stream.linear.gather [hbm4b:s10+s0], $0x190, $0x38;
	[tilespmem:$0x18F80] =	vst v63  }
0x7e: {  	_ =	swait.ge [sflag:s25], $0x190  }
0x7f: {  	[sflag:s25] =	ssyncset.done $0x0  }
0x80: {  	s16 =	sadd.s32 s7, s4;
	[sflag:s25] =	ssyncadd.s32 $0xFFFFFE70  }
0x81: {  	[tilespmem:s29], [sflag:$0x1] =	stream.linear.gather [hbm4b:s16+s0], $0x190, $0x38;
	[tilespmem:$0x18F80] =	vst v63  }
0x82: {  	_ =	swait.ge [sflag:s25], $0x190  }
0x83: {  	[sflag:s25] =	ssyncset.done $0x0  }
0x84: {  	s4 =	sadd.s32 s1, s4;
	[sflag:s25] =	ssyncadd.s32 $0xFFFFFE70  }
0x85: {  	[tilespmem:s30], [sflag:$0x1] =	stream.linear.gather [hbm4b:s4+s0], $0x190, $0x38;
	[tilespmem:$0x18F80] =	vst v63  }
0x86: {  	_ =	swait.ge [sflag:s25], $0x190  }
0x87: {  	[sflag:s25] =	ssyncset.done $0x0  }
0x88: {  	s28 =	simm.s32 $0x0;
	[sflag:s25] =	ssyncadd.s32 $0xFFFFFE70  }
.LBB2_5:
0x89: {  	s10 =	smul.u32 $0x50, s28;
	_ =	sdelay $0x1  }
0x8a: {  	v18 =	vld [tilespmem:s10+$0x0]  }
0x8b: {  	v19 =	vld [tilespmem:s10+$0x200]  }
0x8c: {  	v20 =	vld [tilespmem:s10+$0x400];
	_ =	sdelay $0x3  }
0x8d: {  	s4 =	sshll.u32 s28, $0x7;
	v21 =	vshll.u32 v19, $0x4;
	v22 =	vshll.u32 v18, $0x4  }
0x8e: {  	[tilespmem:s4+$0x1200] =	vst v19;
	v21 =	vadd.s32 v20, v21;
	v22 =	vadd.s32 v22, v20;
	v20 =	vmul.u32 $0x2800, v20  }
0x8f: {  	[tilespmem:s4+$0x600] =	vst v21;
	v51 =	vadd.s32 $0x8, v22  }
0x90: {  	[tilespmem:s4+$0xA00] =	vst v51;
	v18 =	vadd.s32 v18, v20  }
0x91: {  	[tilespmem:s4+$0xE00] =	vst v18  }
0x92: {  	v18 =	vld [tilespmem:s10+$0x10]  }
0x93: {  	v19 =	vld [tilespmem:s10+$0x210]  }
0x94: {  	v20 =	vld [tilespmem:s10+$0x410];
	_ =	sdelay $0x3  }
0x95: {  	v52 =	vshll.u32 v19, $0x4;
	v53 =	vshll.u32 v18, $0x4  }
0x96: {  	[tilespmem:s4+$0x1210] =	vst v19;
	v21 =	vadd.s32 v20, v52;
	v22 =	vadd.s32 v53, v20;
	v20 =	vmul.u32 $0x2800, v20  }
0x97: {  	[tilespmem:s4+$0x610] =	vst v21;
	v54 =	vadd.s32 $0x8, v22  }
0x98: {  	[tilespmem:s4+$0xA10] =	vst v54;
	v18 =	vadd.s32 v18, v20  }
0x99: {  	[tilespmem:s4+$0xE10] =	vst v18  }
0x9a: {  	v18 =	vld [tilespmem:s10+$0x20]  }
0x9b: {  	v19 =	vld [tilespmem:s10+$0x220]  }
0x9c: {  	v20 =	vld [tilespmem:s10+$0x420];
	_ =	sdelay $0x3  }
0x9d: {  	v55 =	vshll.u32 v19, $0x4;
	v56 =	vshll.u32 v18, $0x4  }
0x9e: {  	[tilespmem:s4+$0x1220] =	vst v19;
	v21 =	vadd.s32 v20, v55;
	v22 =	vadd.s32 v56, v20;
	v20 =	vmul.u32 $0x2800, v20  }
0x9f: {  	[tilespmem:s4+$0x620] =	vst v21;
	v57 =	vadd.s32 $0x8, v22  }
0xa0: {  	[tilespmem:s4+$0xA20] =	vst v57;
	v18 =	vadd.s32 v18, v20  }
0xa1: {  	[tilespmem:s4+$0xE20] =	vst v18  }
0xa2: {  	v18 =	vld [tilespmem:s10+$0x30]  }
0xa3: {  	v19 =	vld [tilespmem:s10+$0x230]  }
0xa4: {  	v20 =	vld [tilespmem:s10+$0x430];
	_ =	sdelay $0x3  }
0xa5: {  	v58 =	vshll.u32 v19, $0x4;
	v59 =	vshll.u32 v18, $0x4  }
0xa6: {  	[tilespmem:s4+$0x1230] =	vst v19;
	v21 =	vadd.s32 v20, v58;
	v22 =	vadd.s32 v59, v20;
	v20 =	vmul.u32 $0x2800, v20  }
0xa7: {  	[tilespmem:s4+$0x630] =	vst v21;
	v60 =	vadd.s32 $0x8, v22  }
0xa8: {  	[tilespmem:s4+$0xA30] =	vst v60;
	v18 =	vadd.s32 v18, v20  }
0xa9: {  	[tilespmem:s4+$0xE30] =	vst v18  }
0xaa: {  	v18 =	vld [tilespmem:s10+$0x40]  }
0xab: {  	v19 =	vld [tilespmem:s10+$0x240]  }
0xac: {  	v20 =	vld [tilespmem:s10+$0x440];
	_ =	sdelay $0x3  }
0xad: {  	v61 =	vshll.u32 v19, $0x4;
	v62 =	vshll.u32 v18, $0x4  }
0xae: {  	[tilespmem:s4+$0x1240] =	vst v19;
	v21 =	vadd.s32 v20, v61;
	v22 =	vadd.s32 v62, v20;
	v20 =	vmul.u32 $0x2800, v20  }
0xaf: {  	[tilespmem:s4+$0x640] =	vst v21;
	v63 =	vadd.s32 $0x8, v22  }
0xb0: {  	[tilespmem:s4+$0xA40] =	vst v63;
	v18 =	vadd.s32 v18, v20  }
0xb1: {  	s16 =	sadd.s32 $0x600, s4;
	s13 =	sadd.s32 $0x1600, s4;
	[tilespmem:s4+$0xE40] =	vst v18  }
0xb2: {  	[tilespmem:s13], [sflag:$0x1] =	stream.indirect.gather [hbm4b:s9+s31], $0x1, s16, s31, $0xb8;
	[tilespmem:$0x18F80] =	vst v63  }
0xb3: {  	_ =	swait.ge [sflag:s25], $0x50  }
0xb4: {  	[sflag:s25] =	ssyncset.done $0x0  }
0xb5: {  	s15 =	sadd.s32 $0x1A00, s4;
	s13 =	sadd.s32 $0xA00, s4;
	[sflag:s25] =	ssyncadd.s32 $0xFFFFFFB0  }
0xb6: {  	[tilespmem:s15], [sflag:$0x1] =	stream.indirect.gather [hbm4b:s9+s31], $0x1, s13, s31, $0xb8;
	[tilespmem:$0x18F80] =	vst v63  }
0xb7: {  	_ =	swait.ge [sflag:s25], $0x50  }
0xb8: {  	[sflag:s25] =	ssyncset.done $0x0  }
0xb9: {  	s16 =	sadd.s32 $0xE00, s4;
	[sflag:s25] =	ssyncadd.s32 $0xFFFFFFB0  }
0xba: {  	v18 =	vmov s4;
	[tilespmem:s24], [sflag:$0x1] =	stream.indirect.gather [hbm4b:s8+s31], $0x80, s16, s31, $0xb8;
	[tilespmem:$0x18F80] =	vst v63  }
0xbb: {  	_ =	swait.ge [sflag:s25], $0x2800  }
0xbc: {  	[sflag:s25] =	ssyncset.done $0x0  }
0xbd: {  	s10 =	sadd.s32 $0x1200, s4;
	s13 =	simm.s32 $0x0;
	[sflag:s25] =	ssyncadd.s32 $0xFFFFD800  }
.LBB2_6:
0xbe: {  	s15 =	sshll.u32 s13, $0x4  }
0xbf: {  	v19 =	vld.idx.msk [tilespmem:v18+s15+$0x1600 ss:$0x1], $0xffff  }
0xc0: {  	v20 =	vld.idx.msk [tilespmem:v18+s15+$0x1A00 ss:$0x1], $0xffff;
	_ =	sdelay $0x4  }
0xc1: {  	v19 =	vadd.f32 v20, v19;
	_ =	sdelay $0x1  }
0xc2: {  	v20 =	vmul.f32 $2.000000030e-01, v19  }
0xc3: {  	vm0 =	vgt.f32 v19, $0.0e+00  }
0xc4: {  	v19 =	vsel vm0, v19, v20  }
0xc5: {  	v19 =	vsub.f32 v19, v17;
	_ =	sdelay $0x1  }
0xc6: {  	v19 =	vmul.f32 $1.442695020e+00, v19;
	_ =	sdelay $0x1  }
0xc7: {  	(erf) = vpow2.f32 v19;
	_ =	sdelay $0x8  }
0xc8: {  	s16 =	sshll.u32 s13, $0xB;
	v19 =	vpop (erf)  }
0xc9: {  	s16 =	sand.u32 $0x3FFFF800, s16;
	[tilespmem:v18+s15+$0x1E00 ss:$0x1] =	vst.idx.msk $0xffff, v19  }
0xca: {  	v20 =	vld [tilespmem:s16+$0x2200]  }
0xcb: {  	v21 =	vld [tilespmem:s16+$0x2210]  }
0xcc: {  	v22 =	vld [tilespmem:s16+$0x2220]  }
0xcd: {  	v24 =	vld [tilespmem:s16+$0x2230]  }
0xce: {  	v23 =	vperm.xlane v19, v1;
	v25 =	vld [tilespmem:s16+$0x2240]  }
0xcf: {  	v26 =	vld [tilespmem:s16+$0x2250]  }
0xd0: {  	v27 =	vld [tilespmem:s16+$0x2260];
	v20 =	vmul.f32 v23, v20  }
0xd1: {  	v63 =	vld [tilespmem:s16+$0x2270];
	v21 =	vmul.f32 v23, v21  }
0xd2: {  	v33 =	vld [tilespmem:s16+$0x2280];
	[tilespmem:s16+$0x2200] =	vst v20;
	v20 =	vmul.f32 v23, v22  }
0xd3: {  	v34 =	vld [tilespmem:s16+$0x2290];
	v32 =	vmul.f32 v23, v24;
	[tilespmem:s16+$0x2210] =	vst v21  }
0xd4: {  	v36 =	vld [tilespmem:s16+$0x22A0];
	[tilespmem:s16+$0x2220] =	vst v20;
	v20 =	vmul.f32 v23, v25  }
0xd5: {  	v28 =	vld [tilespmem:s16+$0x22B0];
	v35 =	vmul.f32 v23, v26;
	[tilespmem:s16+$0x2230] =	vst v32  }
0xd6: {  	v37 =	vperm.xlane v19, v2;
	v39 =	vld [tilespmem:s16+$0x22C0];
	[tilespmem:s16+$0x2240] =	vst v20;
	v20 =	vmul.f32 v23, v27  }
0xd7: {  	v40 =	vld [tilespmem:s16+$0x22D0];
	v38 =	vmul.f32 v23, v63;
	[tilespmem:s16+$0x2250] =	vst v35  }
0xd8: {  	v42 =	vld [tilespmem:s16+$0x22E0];
	[tilespmem:s16+$0x2260] =	vst v20;
	v20 =	vmul.f32 v37, v33  }
0xd9: {  	v43 =	vld [tilespmem:s16+$0x22F0];
	v41 =	vmul.f32 v37, v34;
	[tilespmem:s16+$0x2270] =	vst v38  }
0xda: {  	v45 =	vld [tilespmem:s16+$0x2300];
	[tilespmem:s16+$0x2280] =	vst v20;
	v20 =	vmul.f32 v37, v36  }
0xdb: {  	v46 =	vld [tilespmem:s16+$0x2310];
	v44 =	vmul.f32 v37, v28;
	[tilespmem:s16+$0x2290] =	vst v41  }
0xdc: {  	v48 =	vld [tilespmem:s16+$0x2320];
	[tilespmem:s16+$0x22A0] =	vst v20;
	v20 =	vmul.f32 v37, v39  }
0xdd: {  	v50 =	vld [tilespmem:s16+$0x2330];
	v47 =	vmul.f32 v37, v40;
	[tilespmem:s16+$0x22B0] =	vst v44  }
0xde: {  	v49 =	vperm.xlane v19, v3;
	v52 =	vld [tilespmem:s16+$0x2340];
	[tilespmem:s16+$0x22C0] =	vst v20;
	v20 =	vmul.f32 v37, v42  }
0xdf: {  	v53 =	vld [tilespmem:s16+$0x2350];
	v51 =	vmul.f32 v37, v43;
	[tilespmem:s16+$0x22D0] =	vst v47  }
0xe0: {  	v55 =	vld [tilespmem:s16+$0x2360];
	[tilespmem:s16+$0x22E0] =	vst v20;
	v20 =	vmul.f32 v49, v45  }
0xe1: {  	v56 =	vld [tilespmem:s16+$0x2370];
	v54 =	vmul.f32 v49, v46;
	[tilespmem:s16+$0x22F0] =	vst v51  }
0xe2: {  	v58 =	vld [tilespmem:s16+$0x2380];
	[tilespmem:s16+$0x2300] =	vst v20;
	v20 =	vmul.f32 v49, v48  }
0xe3: {  	v59 =	vld [tilespmem:s16+$0x2390];
	v57 =	vmul.f32 v49, v50;
	[tilespmem:s16+$0x2310] =	vst v54  }
0xe4: {  	v61 =	vld [tilespmem:s16+$0x23A0];
	[tilespmem:s16+$0x2320] =	vst v20;
	v20 =	vmul.f32 v49, v52  }
0xe5: {  	v60 =	vmul.f32 v49, v53;
	v63 =	vld [tilespmem:s16+$0x23B0];
	[tilespmem:s16+$0x2330] =	vst v57  }
0xe6: {  	v62 =	vperm.xlane v19, v4;
	v34 =	vld [tilespmem:s16+$0x23D0];
	[tilespmem:s16+$0x2340] =	vst v20;
	v20 =	vmul.f32 v49, v55  }
0xe7: {  	[tilespmem:s16+$0x2350] =	vst v60;
	v32 =	vmul.f32 v49, v56;
	v33 =	vld [tilespmem:s16+$0x23C0]  }
0xe8: {  	v40 =	vld [tilespmem:s16+$0x2410];
	[tilespmem:s16+$0x2360] =	vst v20;
	v20 =	vmul.f32 v62, v58  }
0xe9: {  	v35 =	vmul.f32 v62, v59;
	[tilespmem:s16+$0x2370] =	vst v32;
	v36 =	vld [tilespmem:s16+$0x23E0]  }
0xea: {  	v44 =	vld [tilespmem:s16+$0x2430];
	[tilespmem:s16+$0x2380] =	vst v20;
	v20 =	vmul.f32 v62, v61  }
0xeb: {  	[tilespmem:s16+$0x2390] =	vst v35;
	v38 =	vmul.f32 v62, v63;
	v39 =	vld [tilespmem:s16+$0x2400]  }
0xec: {  	v47 =	vld [tilespmem:s16+$0x2450];
	[tilespmem:s16+$0x23A0] =	vst v20;
	v20 =	vmul.f32 v62, v33  }
0xed: {  	v43 =	vperm.xlane v19, v5;
	v41 =	vmul.f32 v62, v34;
	[tilespmem:s16+$0x23B0] =	vst v38;
	v42 =	vld [tilespmem:s16+$0x2420]  }
0xee: {  	v57 =	vld [tilespmem:s16+$0x24B0];
	[tilespmem:s16+$0x23C0] =	vst v20;
	v20 =	vmul.f32 v62, v36  }
0xef: {  	v46 =	vld [tilespmem:s16+$0x2440];
	[tilespmem:s16+$0x23D0] =	vst v41;
	v51 =	vmul.f32 v43, v44  }
0xf0: {  	v60 =	vld [tilespmem:s16+$0x24D0];
	[tilespmem:s16+$0x23E0] =	vst v20;
	v20 =	vmul.f32 v43, v39  }
0xf1: {  	v56 =	vperm.xlane v19, v6;
	v54 =	vmul.f32 v43, v47;
	[tilespmem:s16+$0x2430] =	vst v51;
	v49 =	vld [tilespmem:s16+$0x2460]  }
0xf2: {  	v63 =	vld [tilespmem:s16+$0x24F0];
	[tilespmem:s16+$0x2400] =	vst v20;
	v20 =	vmul.f32 v43, v42  }
0xf3: {  	v31 =	vmul.f32 v56, v57;
	[tilespmem:s16+$0x2450] =	vst v54;
	v52 =	vld [tilespmem:s16+$0x2480]  }
0xf4: {  	v37 =	vld [tilespmem:s16+$0x23F0];
	[tilespmem:s16+$0x2420] =	vst v20;
	v20 =	vmul.f32 v43, v46  }
0xf5: {  	v34 =	vmul.f32 v56, v60;
	[tilespmem:s16+$0x24B0] =	vst v31;
	v55 =	vld [tilespmem:s16+$0x24A0]  }
0xf6: {  	[tilespmem:s16+$0x2440] =	vst v20;
	v20 =	vmul.f32 v43, v49  }
0xf7: {  	v59 =	vld [tilespmem:s16+$0x24C0];
	[tilespmem:s16+$0x24D0] =	vst v34;
	v38 =	vmul.f32 v56, v63  }
0xf8: {  	v50 =	vld [tilespmem:s16+$0x2470];
	[tilespmem:s16+$0x2460] =	vst v20;
	v20 =	vmul.f32 v56, v52  }
0xf9: {  	[tilespmem:s16+$0x24F0] =	vst v38;
	v48 =	vmul.f32 v43, v40;
	v45 =	vmul.f32 v62, v37;
	v62 =	vld [tilespmem:s16+$0x24E0]  }
0xfa: {  	v53 =	vld [tilespmem:s16+$0x2490];
	[tilespmem:s16+$0x2480] =	vst v20;
	v20 =	vmul.f32 v56, v55  }
0xfb: {  	v32 =	vld [tilespmem:s16+$0x2500];
	[tilespmem:s16+$0x2410] =	vst v48  }
0xfc: {  	v37 =	vld [tilespmem:s16+$0x2530];
	[tilespmem:s16+$0x24A0] =	vst v20;
	v20 =	vmul.f32 v56, v59  }
0xfd: {  	v35 =	vld [tilespmem:s16+$0x2520];
	[tilespmem:s16+$0x23F0] =	vst v45;
	v58 =	vmul.f32 v43, v50  }
0xfe: {  	v40 =	vld [tilespmem:s16+$0x2550];
	v36 =	vperm.xlane v19, v7;
	[tilespmem:s16+$0x24C0] =	vst v20;
	v20 =	vmul.f32 v56, v62  }
0xff: {  	[tilespmem:s16+$0x2470] =	vst v58;
	v61 =	vmul.f32 v56, v53;
	v39 =	vld [tilespmem:s16+$0x2540]  }
0x100: {  	v33 =	vld [tilespmem:s16+$0x2510];
	[tilespmem:s16+$0x24E0] =	vst v20;
	v20 =	vmul.f32 v36, v32  }
0x101: {  	[tilespmem:s16+$0x2490] =	vst v61;
	v44 =	vmul.f32 v36, v37;
	v42 =	vld [tilespmem:s16+$0x2560]  }
0x102: {  	v50 =	vld [tilespmem:s16+$0x25B0];
	[tilespmem:s16+$0x2500] =	vst v20;
	v20 =	vmul.f32 v36, v35  }
0x103: {  	v45 =	vld [tilespmem:s16+$0x2580];
	v47 =	vmul.f32 v36, v40;
	[tilespmem:s16+$0x2530] =	vst v44  }
0x104: {  	v53 =	vld [tilespmem:s16+$0x25D0];
	[tilespmem:s16+$0x2520] =	vst v20;
	v20 =	vmul.f32 v36, v39  }
0x105: {  	v48 =	vld [tilespmem:s16+$0x25A0];
	v41 =	vmul.f32 v36, v33;
	[tilespmem:s16+$0x2550] =	vst v47;
	v49 =	vperm.xlane v19, v8  }
0x106: {  	v46 =	vld [tilespmem:s16+$0x2590];
	[tilespmem:s16+$0x2540] =	vst v20;
	v20 =	vmul.f32 v36, v42  }
0x107: {  	[tilespmem:s16+$0x2510] =	vst v41;
	v52 =	vld [tilespmem:s16+$0x25C0];
	v57 =	vmul.f32 v49, v50  }
0x108: {  	v43 =	vld [tilespmem:s16+$0x2570];
	[tilespmem:s16+$0x2560] =	vst v20;
	v20 =	vmul.f32 v49, v45  }
0x109: {  	v60 =	vmul.f32 v49, v53;
	v55 =	vld [tilespmem:s16+$0x25E0];
	[tilespmem:s16+$0x25B0] =	vst v57  }
0x10a: {  	v44 =	vld [tilespmem:s16+$0x26B0];
	[tilespmem:s16+$0x2580] =	vst v20;
	v20 =	vmul.f32 v49, v48  }
0x10b: {  	v58 =	vld [tilespmem:s16+$0x2600];
	v54 =	vmul.f32 v49, v46;
	[tilespmem:s16+$0x25D0] =	vst v60  }
0x10c: {  	v47 =	vld [tilespmem:s16+$0x26D0];
	[tilespmem:s16+$0x25A0] =	vst v20;
	v20 =	vmul.f32 v49, v52  }
0x10d: {  	v61 =	vld [tilespmem:s16+$0x2620];
	v51 =	vmul.f32 v36, v43;
	[tilespmem:s16+$0x2590] =	vst v54;
	v43 =	vperm.xlane v19, v10  }
0x10e: {  	v63 =	vld [tilespmem:s16+$0x2630];
	v62 =	vperm.xlane v19, v9;
	[tilespmem:s16+$0x25C0] =	vst v20;
	v20 =	vmul.f32 v49, v55  }
0x10f: {  	v33 =	vld [tilespmem:s16+$0x2640];
	[tilespmem:s16+$0x2570] =	vst v51;
	v51 =	vmul.f32 v43, v44  }
0x110: {  	v34 =	vld [tilespmem:s16+$0x2650];
	[tilespmem:s16+$0x25E0] =	vst v20;
	v20 =	vmul.f32 v62, v58  }
0x111: {  	v54 =	vmul.f32 v43, v47;
	[tilespmem:s16+$0x26B0] =	vst v51;
	v36 =	vld [tilespmem:s16+$0x2660]  }
0x112: {  	v59 =	vld [tilespmem:s16+$0x2610];
	[tilespmem:s16+$0x2600] =	vst v20;
	v20 =	vmul.f32 v62, v61  }
0x113: {  	[tilespmem:s16+$0x26D0] =	vst v54;
	v38 =	vmul.f32 v62, v63;
	v39 =	vld [tilespmem:s16+$0x2680]  }
0x114: {  	v56 =	vld [tilespmem:s16+$0x25F0];
	[tilespmem:s16+$0x2620] =	vst v20;
	v20 =	vmul.f32 v62, v33  }
0x115: {  	v41 =	vmul.f32 v62, v34;
	[tilespmem:s16+$0x2630] =	vst v38;
	v42 =	vld [tilespmem:s16+$0x26A0]  }
0x116: {  	v57 =	vld [tilespmem:s16+$0x2730];
	[tilespmem:s16+$0x2640] =	vst v20;
	v20 =	vmul.f32 v62, v36  }
0x117: {  	v46 =	vld [tilespmem:s16+$0x26C0];
	v35 =	vmul.f32 v62, v59;
	[tilespmem:s16+$0x2650] =	vst v41  }
0x118: {  	v60 =	vld [tilespmem:s16+$0x2750];
	[tilespmem:s16+$0x2660] =	vst v20;
	v20 =	vmul.f32 v43, v39  }
0x119: {  	v32 =	vmul.f32 v49, v56;
	v56 =	vperm.xlane v19, v11;
	[tilespmem:s16+$0x2610] =	vst v35;
	v49 =	vld [tilespmem:s16+$0x26E0]  }
0x11a: {  	v63 =	vld [tilespmem:s16+$0x2770];
	[tilespmem:s16+$0x2680] =	vst v20;
	v20 =	vmul.f32 v43, v42  }
0x11b: {  	[tilespmem:s16+$0x25F0] =	vst v32;
	v31 =	vmul.f32 v56, v57;
	v52 =	vld [tilespmem:s16+$0x2700]  }
0x11c: {  	v37 =	vld [tilespmem:s16+$0x2670];
	[tilespmem:s16+$0x26A0] =	vst v20;
	v20 =	vmul.f32 v43, v46  }
0x11d: {  	v34 =	vmul.f32 v56, v60;
	[tilespmem:s16+$0x2730] =	vst v31;
	v55 =	vld [tilespmem:s16+$0x2720]  }
0x11e: {  	v40 =	vld [tilespmem:s16+$0x2690];
	[tilespmem:s16+$0x26C0] =	vst v20;
	v20 =	vmul.f32 v43, v49  }
0x11f: {  	v59 =	vld [tilespmem:s16+$0x2740];
	v38 =	vmul.f32 v56, v63;
	[tilespmem:s16+$0x2750] =	vst v34  }
0x120: {  	v50 =	vld [tilespmem:s16+$0x26F0];
	[tilespmem:s16+$0x26E0] =	vst v20;
	v20 =	vmul.f32 v56, v52  }
0x121: {  	[tilespmem:s16+$0x2770] =	vst v38;
	v45 =	vmul.f32 v62, v37;
	v62 =	vld [tilespmem:s16+$0x2760]  }
0x122: {  	v53 =	vld [tilespmem:s16+$0x2710];
	[tilespmem:s16+$0x2700] =	vst v20;
	v20 =	vmul.f32 v56, v55  }
0x123: {  	v32 =	vld [tilespmem:s16+$0x2780];
	[tilespmem:s16+$0x2670] =	vst v45;
	v48 =	vmul.f32 v43, v40  }
0x124: {  	v37 =	vld [tilespmem:s16+$0x27B0];
	[tilespmem:s16+$0x2720] =	vst v20;
	v20 =	vmul.f32 v56, v59  }
0x125: {  	v35 =	vld [tilespmem:s16+$0x27A0];
	[tilespmem:s16+$0x2690] =	vst v48;
	v58 =	vmul.f32 v43, v50  }
0x126: {  	v40 =	vld [tilespmem:s16+$0x27D0];
	v36 =	vperm.xlane v19, v12;
	[tilespmem:s16+$0x2740] =	vst v20;
	v20 =	vmul.f32 v56, v62  }
0x127: {  	[tilespmem:s16+$0x26F0] =	vst v58;
	v61 =	vmul.f32 v56, v53;
	v39 =	vld [tilespmem:s16+$0x27C0]  }
0x128: {  	v33 =	vld [tilespmem:s16+$0x2790];
	[tilespmem:s16+$0x2760] =	vst v20;
	v20 =	vmul.f32 v36, v32  }
0x129: {  	[tilespmem:s16+$0x2710] =	vst v61;
	v44 =	vmul.f32 v36, v37;
	v42 =	vld [tilespmem:s16+$0x27E0]  }
0x12a: {  	v50 =	vld [tilespmem:s16+$0x2830];
	[tilespmem:s16+$0x2780] =	vst v20;
	v20 =	vmul.f32 v36, v35  }
0x12b: {  	v45 =	vld [tilespmem:s16+$0x2800];
	v47 =	vmul.f32 v36, v40;
	[tilespmem:s16+$0x27B0] =	vst v44  }
0x12c: {  	v53 =	vld [tilespmem:s16+$0x2850];
	[tilespmem:s16+$0x27A0] =	vst v20;
	v20 =	vmul.f32 v36, v39  }
0x12d: {  	v48 =	vld [tilespmem:s16+$0x2820];
	v41 =	vmul.f32 v36, v33;
	[tilespmem:s16+$0x27D0] =	vst v47;
	v49 =	vperm.xlane v19, v13  }
0x12e: {  	v46 =	vld [tilespmem:s16+$0x2810];
	[tilespmem:s16+$0x27C0] =	vst v20;
	v20 =	vmul.f32 v36, v42  }
0x12f: {  	[tilespmem:s16+$0x2790] =	vst v41;
	v52 =	vld [tilespmem:s16+$0x2840];
	v57 =	vmul.f32 v49, v50  }
0x130: {  	v43 =	vld [tilespmem:s16+$0x27F0];
	[tilespmem:s16+$0x27E0] =	vst v20;
	v20 =	vmul.f32 v49, v45  }
0x131: {  	v60 =	vmul.f32 v49, v53;
	v55 =	vld [tilespmem:s16+$0x2860];
	[tilespmem:s16+$0x2830] =	vst v57  }
0x132: {  	v63 =	vld [tilespmem:s16+$0x28B0];
	[tilespmem:s16+$0x2800] =	vst v20;
	v20 =	vmul.f32 v49, v48  }
0x133: {  	v58 =	vld [tilespmem:s16+$0x2880];
	v54 =	vmul.f32 v49, v46;
	[tilespmem:s16+$0x2850] =	vst v60  }
0x134: {  	v33 =	vld [tilespmem:s16+$0x28D0];
	[tilespmem:s16+$0x2820] =	vst v20;
	v20 =	vmul.f32 v49, v52  }
0x135: {  	v61 =	vld [tilespmem:s16+$0x28A0];
	v51 =	vmul.f32 v36, v43;
	[tilespmem:s16+$0x2810] =	vst v54;
	v62 =	vperm.xlane v19, v14  }
0x136: {  	v59 =	vld [tilespmem:s16+$0x2890];
	[tilespmem:s16+$0x2840] =	vst v20;
	v20 =	vmul.f32 v49, v55  }
0x137: {  	[tilespmem:s16+$0x27F0] =	vst v51;
	v32 =	vld [tilespmem:s16+$0x28C0];
	v37 =	vmul.f32 v62, v63  }
0x138: {  	v56 =	vld [tilespmem:s16+$0x2870];
	[tilespmem:s16+$0x2860] =	vst v20;
	v20 =	vmul.f32 v62, v58  }
0x139: {  	v40 =	vmul.f32 v62, v33;
	v35 =	vld [tilespmem:s16+$0x28E0];
	[tilespmem:s16+$0x28B0] =	vst v37  }
0x13a: {  	v43 =	vld [tilespmem:s16+$0x2930];
	[tilespmem:s16+$0x2880] =	vst v20;
	v20 =	vmul.f32 v62, v61  }
0x13b: {  	v38 =	vld [tilespmem:s16+$0x2900];
	v34 =	vmul.f32 v62, v59;
	[tilespmem:s16+$0x28D0] =	vst v40  }
0x13c: {  	v46 =	vld [tilespmem:s16+$0x2950];
	[tilespmem:s16+$0x28A0] =	vst v20;
	v20 =	vmul.f32 v62, v32  }
0x13d: {  	v41 =	vld [tilespmem:s16+$0x2920];
	v31 =	vmul.f32 v49, v56;
	[tilespmem:s16+$0x2890] =	vst v34;
	v42 =	vperm.xlane v19, v15  }
0x13e: {  	v39 =	vld [tilespmem:s16+$0x2910];
	[tilespmem:s16+$0x28C0] =	vst v20;
	v20 =	vmul.f32 v62, v35  }
0x13f: {  	[tilespmem:s16+$0x2870] =	vst v31;
	v45 =	vld [tilespmem:s16+$0x2940];
	v50 =	vmul.f32 v42, v43  }
0x140: {  	v36 =	vld [tilespmem:s16+$0x28F0];
	[tilespmem:s16+$0x28E0] =	vst v20;
	v20 =	vmul.f32 v42, v38  }
0x141: {  	v53 =	vmul.f32 v42, v46;
	v48 =	vld [tilespmem:s16+$0x2960];
	[tilespmem:s16+$0x2930] =	vst v50  }
0x142: {  	v52 =	vld [tilespmem:s16+$0x2990];
	[tilespmem:s16+$0x2900] =	vst v20;
	v20 =	vmul.f32 v42, v41  }
0x143: {  	v51 =	vld [tilespmem:s16+$0x2980];
	v47 =	vmul.f32 v42, v39;
	[tilespmem:s16+$0x2950] =	vst v53  }
0x144: {  	v49 =	vld [tilespmem:s16+$0x2970];
	[tilespmem:s16+$0x2920] =	vst v20;
	v20 =	vmul.f32 v42, v45  }
0x145: {  	v54 =	vld [tilespmem:s16+$0x29A0];
	v19 =	vperm.xlane v19, v16;
	v44 =	vmul.f32 v62, v36;
	[tilespmem:s16+$0x2910] =	vst v47  }
0x146: {  	v58 =	vld [tilespmem:s16+$0x29D0];
	[tilespmem:s16+$0x2940] =	vst v20;
	v20 =	vmul.f32 v42, v48  }
0x147: {  	v57 =	vld [tilespmem:s16+$0x29C0];
	[tilespmem:s16+$0x28F0] =	vst v44;
	v59 =	vmul.f32 v19, v52  }
0x148: {  	v55 =	vld [tilespmem:s16+$0x29B0];
	[tilespmem:s16+$0x2960] =	vst v20;
	v20 =	vmul.f32 v19, v51  }
0x149: {  	v60 =	vld [tilespmem:s16+$0x29E0];
	v56 =	vmul.f32 v42, v49;
	[tilespmem:s16+$0x2990] =	vst v59  }
0x14a: {  	v61 =	vld [tilespmem:s16+$0x29F0];
	[tilespmem:s16+$0x2980] =	vst v20;
	v20 =	vmul.f32 v19, v54  }
0x14b: {  	[tilespmem:s16+$0x2970] =	vst v56;
	v63 =	vmul.f32 v19, v58  }
0x14c: {  	p0 =	sne.s32 s13, $0x4;
	[tilespmem:s16+$0x29A0] =	vst v20;
	v20 =	vmul.f32 v19, v57  }
.Ltmp1:
0x14d: {  	v62 =	vmul.f32 v19, v55;
	[tilespmem:s16+$0x29D0] =	vst v63;
	(pc) =	sbr.rel @p0 .LBB2_6-.Ltmp1, $4  }
0x14e: {  	[tilespmem:s16+$0x29C0] =	vst v20;
	v20 =	vmul.f32 v19, v60  }
0x14f: {  	[tilespmem:s16+$0x29B0] =	vst v62;
	v19 =	vmul.f32 v19, v61  }
0x150: {  	[tilespmem:s16+$0x29E0] =	vst v20  }
0x151: {  	s13 =	sadd.s32 $0x1, s13;
	[tilespmem:s16+$0x29F0] =	vst v19  }
0x152: {  	[spmem:s2] =	stream.indirect.scatter.add.f32 [tilespmem:s24], [sflag:$0x1], $0x80, s10, s31, $0xb8;
	[tilespmem:$0x18F80] =	vst v63  }
0x153: {  	s28 =	sadd.s32 $0x1, s28;
	_ =	swait.ge [sflag:s25], $0x2800  }
0x154: {  	p0 =	sne.s32 s28, $0x5;
	[sflag:s25] =	ssyncset.done $0x0  }
.Ltmp2:
0x155: {  	s4 =	sadd.s32 $0x1E00, s4;
	[sflag:s25] =	ssyncadd.s32 $0xFFFFD800;
	(pc) =	sbr.rel @p0 .LBB2_5-.Ltmp2, $4  }
0x156: {  	[spmem:s3] =	stream.indirect.scatter.add.f32 [tilespmem:s4], [sflag:$0x1], $0x1, s10, s31, $0xb8;
	[tilespmem:$0x18F80] =	vst v63  }
0x157: {  	_ =	swait.ge [sflag:s25], $0x50  }
0x158: {  	[sflag:s25] =	ssyncset.done $0x0  }
0x159: {  	[sflag:s25] =	ssyncadd.s32 $0xFFFFFFB0  }
0x15a: {  	s26 =	sadd.s32 $0x1, s26  }
0x15b: {  	p0 =	sne.s32 s26, $0x19  }
.Ltmp3:
0x15c: {  	_ = 	snop;
	(pc) =	sbr.rel @p0 .LBB2_4-.Ltmp3, $1  }
0x15d: {  	_ =	sdelay $0x3  }
0x15e: {  	s0 =	stileid.u32  }
0x15f: {  	[bflag:$0x0] =	sbarrier.arrive $0xFFFF;
	s0 =	sshll.u32 s0, $0x6  }
0x160: {  	s4 =	sshrl.u32 s14, $0x3;
	s10 =	rddreg [dreg:$0x6];
	s0 =	sor.u32 $0x1C01, s0  }
0x161: {  	[hbm:s10], [sflag:s0] =	dma.local [spmem:s4], $0x2800  }
0x162: {  	_ =	swait.ge [sflag:s25], $0x2800  }
0x163: {  	[sflag:s25] =	ssyncset.done $0x0  }
0x164: {  	s16 =	sshrl.u32 s12, $0x3;
	s26 =	rddreg [dreg:$0x7];
	[sflag:s25] =	ssyncadd.s32 $0xFFFFD800  }
0x165: {  	[hbm:s26], [sflag:s0] =	dma.local [spmem:s16], $0x50  }
0x166: {  	_ =	swait.ge [sflag:s25], $0x50  }
0x167: {  	s5 =	sadd.s32 $0x1, s5;
	s28 =	rddreg [dreg:$0x8]  }
0x168: {  	p0 =	sne.s32 s5, s28  }
.Ltmp4:
0x169: {  	_ = 	snop;
	(pc) =	sbr.rel @p0 .LBB2_1-.Ltmp4, $3  }
0x16a: {  	_ =	sdelay $0x1  }
0x16b: {  	[sflag:s25] =	ssyncset.done $0x0  }
0x16c: {  	[sflag:s25] =	ssyncadd.s32 $0xFFFFFFB0  }
0x16d: {  	_ =	sfence.sel $0x180000  }
0x16e: {  	[bflag:$0x0] =	sbarrier.arrive $0xFFFF  }
0x16f: {  	_ =	strace $0x9000004A  }
0x170: {  	s0 =	stileid.u32;
	[bflag:$0x2] =	sbarrier.arrive $0xFFFF  }
0x171: {  	p0 =	sne.s32 s0, $0x0;
	s0 =	rddreg [dreg:$0x4]  }
0x172: {  	s0 =	sadd.s32 @!p0 $0x100000, s0  }
0x173: {  	[sflag:s0] =	ssyncadd.tile.s32 @!p0 $0x1;
	_ =	shalt  }
.Lfunc_end2:
_tile_overlayer_lowered:
.L_overlay_start_2:
0x174: {  	(tag) =	ssettag $0x2  }
0x175: {  	s0 =	rddreg [dreg:$0x0];
	s2 =	stileid.u32  }
0x176: {  	s1 =	rddreg [dreg:$0x1];
	p0 =	sne.s32 s2, $0x0  }
0x177: {  	s3 =	rddreg [dreg:$0x2];
	[bflag:$0x3] =	sbarrier.arrive $0xFFFF;
	s2 =	simm.s32 @!p0 $0x1C01  }
0x178: {  	[timem:s3], [sflag:s2] =	dma.local @!p0 [hbm:s0], s1  }
0x179: {  	s0 =	simm.s32 @!p0 $0x1  }
0x17a: {  	_ =	swait.ge @!p0 [sflag:s0], s1  }
0x17b: {  	s1 =	ssub.s32 @!p0 $0x0, s1;
	[sflag:s0] =	ssyncset.done @!p0 $0x0  }
0x17c: {  	[sflag:s0] =	ssyncadd.s32 @!p0 s1  }
0x17d: {  	[bflag:$0x3] =	sbarrier.arrive $0xFFFF  }
0x17e: {  	_ =	shalt  }

</sc_bundles>
